<compile_context>
chip_gen: v7x
topology: tpu7x:2x2x1
jax: 0.10.2.dev20260603
libtpu: 0.0.44.dev20260713+nightly
codegen_flags: <defaults>
</compile_context>

<pallas_src>
import functools

import jax
import jax.numpy as jnp
from jax import lax
from jax.experimental import pallas as pl
from jax.experimental.pallas import tpu as pltpu
from jax.experimental.pallas import tpu_sc as plsc

TILE = 128
TOPK = 2
TPW = 64

_MESH = dict(core_axis_name="c", subcore_axis_name="s")


def _wid():
    return lax.axis_index("s") * 2 + lax.axis_index("c")


def _gating_body(xf_ref, wg_ref, bg_ref, w_ref, pos_ref, te_ref, na_ref,
                 first_ref, rank_ref, act_ref, nae_ref):
    xf = xf_ref[...]
    logits = jax.lax.dot_general(
        xf, wg_ref[...], (((1,), (1,)), ((), ())),
        preferred_element_type=jnp.float32) + bg_ref[...]
    n, e = logits.shape
    nt = n * TOPK // TILE + e
    ids = jax.lax.broadcasted_iota(jnp.int32, (n, e), 1)
    m1 = jnp.max(logits, axis=1, keepdims=True)
    top1 = jnp.min(jnp.where(logits == m1, ids, e), axis=1)
    masked = jnp.where(ids == top1[:, None], -jnp.inf, logits)
    m2 = jnp.max(masked, axis=1, keepdims=True)
    top2 = jnp.min(jnp.where(masked == m2, ids, e), axis=1)
    w2 = jax.nn.sigmoid(m2[:, 0] - m1[:, 0])
    w_ref[...] = jnp.stack([1.0 - w2, w2], axis=1)
    h1 = (ids == top1[:, None]).astype(jnp.float32)
    h2 = (ids == top2[:, None]).astype(jnp.float32)
    hsum = h1 + h2
    counts = jnp.sum(hsum, axis=0, keepdims=True)
    padded = jnp.floor(counts / TILE - 1.0 / (2 * TILE)) * TILE + TILE
    ii = jax.lax.broadcasted_iota(jnp.int32, (e, e), 0)
    jj = jax.lax.broadcasted_iota(jnp.int32, (e, e), 1)
    tri = (ii <= jj).astype(jnp.float32)
    pcs = jax.lax.dot_general(padded, tri, (((1,), (0,)), ((), ())),
                              preferred_element_type=jnp.float32)
    po = pcs - padded
    ti = jax.lax.broadcasted_iota(jnp.int32, (n, n), 0)
    tj = jax.lax.broadcasted_iota(jnp.int32, (n, n), 1)
    ltri = (tj < ti).astype(jnp.float32)
    s = jax.lax.dot_general(ltri, hsum, (((1,), (0,)), ((), ())),
                            preferred_element_type=jnp.float32)
    slot1 = jnp.sum((s + po) * h1, axis=1)
    slot2 = jnp.sum((s + po) * h2, axis=1)
    pos_ref[...] = jnp.stack([slot1, slot2], axis=1).astype(jnp.int32)
    na = jnp.sum(padded, axis=1, keepdims=True) / TILE
    na_ref[...] = na.astype(jnp.int32)
    ci = jax.lax.broadcasted_iota(jnp.int32, (e, nt), 1)
    cmp = (pcs.reshape(e, 1) <= ci.astype(jnp.float32) * TILE).astype(
        jnp.float32)
    te_raw = jnp.sum(cmp, axis=0, keepdims=True)
    li = jax.lax.broadcasted_iota(jnp.int32, (1, nt), 1)
    el = jnp.sum(jnp.where(li == (na.astype(jnp.int32) - 1), te_raw, 0.0),
                 axis=1, keepdims=True)
    te_ref[...] = jnp.minimum(te_raw, el).astype(jnp.int32)
    actm = (counts >= 0.5).astype(jnp.float32)
    tilev = ci.astype(jnp.float32) * TILE
    pov = (pcs - padded).reshape(e, 1)
    first_ref[...] = jnp.sum(
        actm.reshape(e, 1) * (pov == tilev).astype(jnp.float32),
        axis=0, keepdims=True).astype(jnp.int32)
    rank_ref[...] = jnp.sum(actm.reshape(e, 1) * cmp, axis=0,
                            keepdims=True).astype(jnp.int32)
    tris = (ii < jj).astype(jnp.float32)
    ranke = jax.lax.dot_general(actm, tris, (((1,), (0,)), ((), ())),
                                preferred_element_type=jnp.float32)
    ep = act_ref.shape[1]
    qi = jax.lax.broadcasted_iota(jnp.int32, (e, ep), 1).astype(jnp.float32)
    sel = (ranke.reshape(e, 1) == qi) * actm.reshape(e, 1)
    eidv = jax.lax.broadcasted_iota(jnp.int32, (e, ep), 0).astype(jnp.float32)
    act_ref[...] = jnp.sum(sel * eidv, axis=0, keepdims=True).astype(jnp.int32)
    nae_ref[...] = jnp.sum(actm, axis=1, keepdims=True).astype(jnp.int32)


def _gating(xf, Wg, bg):
    n, d = xf.shape
    e = Wg.shape[0]
    nt = n * TOPK // TILE + e
    return pl.pallas_call(
        _gating_body,
        out_shape=(jax.ShapeDtypeStruct((n, TOPK), jnp.float32),
                   jax.ShapeDtypeStruct((n, TOPK), jnp.int32),
                   jax.ShapeDtypeStruct((1, nt), jnp.int32),
                   jax.ShapeDtypeStruct((1, 1), jnp.int32),
                   jax.ShapeDtypeStruct((1, nt), jnp.int32),
                   jax.ShapeDtypeStruct((1, nt), jnp.int32),
                   jax.ShapeDtypeStruct((1, e + 4), jnp.int32),
                   jax.ShapeDtypeStruct((1, 1), jnp.int32)),
    )(xf, Wg, bg.reshape(1, e))


def _dispatch_body(xf_hbm, p0_hbm, p1_hbm, xs_hbm, rows_v, p0_v, p1_v, sem):
    wid = _wid()
    tb = pl.multiple_of(wid * TPW, TPW)
    pltpu.sync_copy(xf_hbm.at[pl.ds(tb, TPW)], rows_v)
    pltpu.sync_copy(p0_hbm.at[pl.ds(tb, TPW)], p0_v)
    pltpu.sync_copy(p1_hbm.at[pl.ds(tb, TPW)], p1_v)
    c1 = pltpu.async_copy(rows_v, xs_hbm.at[p0_v], sem)
    c2 = pltpu.async_copy(rows_v, xs_hbm.at[p1_v], sem)
    c1.wait()
    c2.wait()


def _sc_dispatch(xf, p0, p1, np_):
    n, d = xf.shape
    f = pl.kernel(
        _dispatch_body,
        mesh=plsc.VectorSubcoreMesh(**_MESH),
        out_type=jax.ShapeDtypeStruct((np_, d), jnp.float32),
        scratch_types=[pltpu.VMEM((TPW, d), jnp.float32),
                       pltpu.VMEM((TPW,), jnp.int32),
                       pltpu.VMEM((TPW,), jnp.int32),
                       pltpu.SemaphoreType.DMA],
    )
    return f(xf, p0, p1)


RING = 4


def _ffn_body(te_ref, na_ref, first_ref, rank_ref, act_ref, nae_ref,
              xs_ref, w1_ref, b1_ref, w2_ref, b2_ref, w3_ref, b3_ref,
              ys_ref, w1b, w2b, w3b, w1c, w2c, w3c, sems):
    i = pl.program_id(0)
    nae = nae_ref[0]

    def fetch(q, s):
        ex = act_ref[q]
        pltpu.make_async_copy(w1_ref.at[ex], w1b.at[s], sems.at[s]).start()
        pltpu.make_async_copy(w2_ref.at[ex], w2b.at[s], sems.at[s]).start()
        pltpu.make_async_copy(w3_ref.at[ex], w3b.at[s], sems.at[s]).start()

    def drain(q, s):
        ex = act_ref[q]
        pltpu.make_async_copy(w1_ref.at[ex], w1b.at[s], sems.at[s]).wait()
        pltpu.make_async_copy(w2_ref.at[ex], w2b.at[s], sems.at[s]).wait()
        pltpu.make_async_copy(w3_ref.at[ex], w3b.at[s], sems.at[s]).wait()

    for r in range(RING - 1):
        @pl.when((i == 0) & (nae > r))
        def _(r=r):
            fetch(r, r)

    q = rank_ref[i]
    is_first = (i < na_ref[0]) & (first_ref[i] == 1)

    @pl.when(is_first & (q + RING - 1 < nae))
    def _():
        fetch(q + RING - 1, lax.rem(q + RING - 1, RING))

    @pl.when(is_first)
    def _():
        s = lax.rem(q, RING)
        drain(q, s)
        w1c[s] = w1b[s].astype(jnp.bfloat16)
        w2c[s] = w2b[s].astype(jnp.bfloat16)
        w3c[s] = w3b[s].astype(jnp.bfloat16)

    @pl.when(i < na_ref[0])
    def _():
        s = lax.rem(q, RING)
        x = xs_ref[...].astype(jnp.bfloat16)
        dn = (((1,), (1,)), ((), ()))
        h1 = jax.lax.dot_general(
            x, w1c[s], dn, preferred_element_type=jnp.float32) + b1_ref[0]
        h3 = jax.lax.dot_general(
            x, w3c[s], dn, preferred_element_type=jnp.float32) + b3_ref[0]
        h = ((h1 * jax.nn.sigmoid(h1)) * h3).astype(jnp.bfloat16)
        ys_ref[...] = jax.lax.dot_general(
            h, w2c[s], dn, preferred_element_type=jnp.float32) + b2_ref[0]


def _ffn(te, na, first, rank, act, nae, xs, W1, B1, W2, B2, W3, B3):
    np_, d = xs.shape
    e, inter, _ = W1.shape
    nt = np_ // TILE
    grid_spec = pltpu.PrefetchScalarGridSpec(
        num_scalar_prefetch=6,
        grid=(nt,),
        in_specs=[
            pl.BlockSpec((TILE, d), lambda i, *_: (i, 0)),
            pl.BlockSpec(memory_space=pl.ANY),
            pl.BlockSpec((1, 1, inter), lambda i, te, *_: (te[i], 0, 0)),
            pl.BlockSpec(memory_space=pl.ANY),
            pl.BlockSpec((1, 1, d), lambda i, te, *_: (te[i], 0, 0)),
            pl.BlockSpec(memory_space=pl.ANY),
            pl.BlockSpec((1, 1, inter), lambda i, te, *_: (te[i], 0, 0)),
        ],
        out_specs=pl.BlockSpec((TILE, d), lambda i, *_: (i, 0)),
        scratch_shapes=[
            pltpu.VMEM((RING, inter, d), jnp.float32),
            pltpu.VMEM((RING, d, inter), jnp.float32),
            pltpu.VMEM((RING, inter, d), jnp.float32),
            pltpu.VMEM((RING, inter, d), jnp.bfloat16),
            pltpu.VMEM((RING, d, inter), jnp.bfloat16),
            pltpu.VMEM((RING, inter, d), jnp.bfloat16),
            pltpu.SemaphoreType.DMA((RING,)),
        ],
    )
    return pl.pallas_call(
        _ffn_body,
        grid_spec=grid_spec,
        out_shape=jax.ShapeDtypeStruct((np_, d), jnp.float32),
    )(te, na, first, rank, act, nae, xs, W1, B1.reshape(e, 1, inter), W2,
      B2.reshape(e, 1, d), W3, B3.reshape(e, 1, inter))


def _combine_body(ys_hbm, p0_hbm, p1_hbm, w0_hbm, w1_hbm, y_hbm, p0_v, p1_v,
                  w0_v, w1_v, r0a_v, r1a_v, r0b_v, r1b_v, sema, semb):
    d = ys_hbm.shape[1]
    wid = _wid()
    tb = pl.multiple_of(wid * TPW, TPW)
    pltpu.sync_copy(p0_hbm.at[pl.ds(tb, TPW)], p0_v)
    pltpu.sync_copy(p1_hbm.at[pl.ds(tb, TPW)], p1_v)
    pltpu.sync_copy(w0_hbm.at[pl.ds(tb, TPW)], w0_v.at[pl.ds(0, TPW)])
    pltpu.sync_copy(w1_hbm.at[pl.ds(tb, TPW)], w1_v.at[pl.ds(0, TPW)])
    hh = TPW // 2
    ca0 = pltpu.async_copy(ys_hbm.at[p0_v.at[pl.ds(0, hh)]], r0a_v, sema)
    ca1 = pltpu.async_copy(ys_hbm.at[p1_v.at[pl.ds(0, hh)]], r1a_v, sema)
    cb0 = pltpu.async_copy(ys_hbm.at[p0_v.at[pl.ds(hh, hh)]], r0b_v, semb)
    cb1 = pltpu.async_copy(ys_hbm.at[p1_v.at[pl.ds(hh, hh)]], r1b_v, semb)
    for half, r0_v, r1_v, c0, c1 in ((0, r0a_v, r1a_v, ca0, ca1),
                                     (1, r0b_v, r1b_v, cb0, cb1)):
        hb = half * hh
        c0.wait()
        c1.wait()

        def tok_body(t, _):
            w0s = w0_v[pl.ds(hb + t, 16)][0]
            w1s = w1_v[pl.ds(hb + t, 16)][0]
            for cc in range(d // 16):
                sl = pl.ds(cc * 16, 16)
                r0_v[t, sl] = w0s * r0_v[t, sl] + w1s * r1_v[t, sl]
            return 0

        lax.fori_loop(0, hh, tok_body, 0)
        pltpu.sync_copy(
            r0_v, y_hbm.at[pl.ds(pl.multiple_of(tb + hb, hh), hh)])


def _sc_combine(ys, p0, p1, w0, w1):
    np_, d = ys.shape
    n = p0.shape[0]
    f = pl.kernel(
        _combine_body,
        mesh=plsc.VectorSubcoreMesh(**_MESH),
        out_type=jax.ShapeDtypeStruct((n, d), jnp.float32),
        scratch_types=[pltpu.VMEM((TPW,), jnp.int32),
                       pltpu.VMEM((TPW,), jnp.int32),
                       pltpu.VMEM((TPW + 16,), jnp.float32),
                       pltpu.VMEM((TPW + 16,), jnp.float32),
                       pltpu.VMEM((TPW // 2, d), jnp.float32),
                       pltpu.VMEM((TPW // 2, d), jnp.float32),
                       pltpu.VMEM((TPW // 2, d), jnp.float32),
                       pltpu.VMEM((TPW // 2, d), jnp.float32),
                       pltpu.SemaphoreType.DMA,
                       pltpu.SemaphoreType.DMA],
    )
    return f(ys, p0, p1, w0, w1)


def kernel(x, Wg, bg, W1, B1, W2, B2, W3, B3):
    d = x.shape[-1]
    e = Wg.shape[0]
    xf = x.reshape(-1, d)
    n = xf.shape[0]
    np_ = n * TOPK + e * TILE
    w, pos, te, na, first, rank, act, nae = _gating(xf, Wg, bg)
    p0 = pos[:, 0]
    p1 = pos[:, 1]
    xs = _sc_dispatch(xf, p0, p1, np_)
    ys = _ffn(te.reshape(-1), na.reshape(-1), first.reshape(-1),
              rank.reshape(-1), act.reshape(-1), nae.reshape(-1), xs,
              W1, B1, W2, B2, W3, B3)
    return _sc_combine(ys, p0, p1, w[:, 0], w[:, 1])

# --- scband reference (transcript-rebuilt; emitter-appended) ---
"""Pipeline reference for scband-mo-e-37263136260195 (READ-ONLY COPY).

The authoritative reference and input builder live on the scoring server;
editing this copy changes nothing except your own understanding.
"""

import jax
import jax.numpy as jnp
import numpy as np

DIM = 768
INTER = 512
E = 64
TOPK = 2
N_TOK = 2048


def setup_inputs(seed: int = 0) -> dict:
    key = jax.random.key(seed)
    ks = jax.random.split(key, 12)
    x = jax.random.normal(ks[0], (1, N_TOK, DIM), dtype=jnp.float32)
    # Gate: nn.init.normal_(weight, std=1.0), zero bias
    Wg = jax.random.normal(ks[1], (E, DIM), dtype=jnp.float32)
    bg = jnp.zeros((E,), dtype=jnp.float32)
    # Expert linears: PyTorch default init U(-1/sqrt(fan_in), 1/sqrt(fan_in))
    b_in = 1.0 / np.sqrt(DIM)
    b_hid = 1.0 / np.sqrt(INTER)
    W1 = jax.random.uniform(ks[2], (E, INTER, DIM), minval=-b_in, maxval=b_in, dtype=jnp.float32)
    B1 = jax.random.uniform(ks[3], (E, INTER), minval=-b_in, maxval=b_in, dtype=jnp.float32)
    W2 = jax.random.uniform(ks[4], (E, DIM, INTER), minval=-b_hid, maxval=b_hid, dtype=jnp.float32)
    B2 = jax.random.uniform(ks[5], (E, DIM), minval=-b_hid, maxval=b_hid, dtype=jnp.float32)
    W3 = jax.random.uniform(ks[6], (E, INTER, DIM), minval=-b_in, maxval=b_in, dtype=jnp.float32)
    B3 = jax.random.uniform(ks[7], (E, INTER), minval=-b_in, maxval=b_in, dtype=jnp.float32)
    return {"x": x, "Wg": Wg, "bg": bg, "W1": W1, "B1": B1, "W2": W2, "B2": B2, "W3": W3, "B3": B3}


def reference(x, Wg, bg, W1, B1, W2, B2, W3, B3):
    # Dropout is identity in eval mode.
    xf = x.reshape(-1, DIM)
    # Gate: softmax over expert logits, then top-k, then renormalize gathered weights
    scores = jax.nn.softmax(xf @ Wg.T + bg, axis=-1)
    _, indices = jax.lax.top_k(scores, TOPK)
    weights = jnp.take_along_axis(scores, indices, axis=1)
    weights = weights / weights.sum(axis=-1, keepdims=True)
    y = jnp.zeros_like(xf)

    def expert_step(y_acc, params):
        i, W1i, B1i, W2i, B2i, W3i, B3i = params
        w = jnp.sum(jnp.where(indices == i, weights, 0.0), axis=-1)
        h = jax.nn.silu(xf @ W1i.T + B1i) * (xf @ W3i.T + B3i)
        out = h @ W2i.T + B2i
        return y_acc + out * w[:, None], None

    y, _ = jax.lax.scan(
        expert_step, y, (jnp.arange(E, dtype=indices.dtype), W1, B1, W2, B2, W3, B3)
    )
    return y

if __name__ == "__main__":
    import jax
    _d = setup_inputs()
    print(jax.jit(kernel)(*tuple(_d.values())))

</pallas_src>

<mosaic_0001>
#map = affine_map<(d0, d1) -> (0, 0)>
#map1 = affine_map<(d0, d1) -> (0)>
module attributes {stable_mosaic.version = 14 : i64} {
  func.func @_dispatch_body(%arg0: i32, %arg1: i32, %arg2: memref<2048x768xf32, #tpu.memory_space<hbm>>, %arg3: memref<2048xi32, #tpu.memory_space<hbm>>, %arg4: memref<2048xi32, #tpu.memory_space<hbm>>, %arg5: memref<12288x768xf32, #tpu.memory_space<hbm>>, %arg6: memref<64x768xf32, #tpu.memory_space<vmem>>, %arg7: memref<64xi32, #tpu.memory_space<vmem>>, %arg8: memref<64xi32, #tpu.memory_space<vmem>>, %arg9: memref<!tpu.dma_semaphore, #tpu.memory_space<semaphore_mem>>) attributes {dimension_semantics = [#tpu.dimension_semantics<core_parallel>, #tpu.dimension_semantics<subcore_parallel>], iteration_bounds = array<i64: 2, 16>, scalar_prefetch = 0 : i64, scratch_operands = 4 : i64, tpu.core_type = #tpu.core_type<sc_vector_subcore>, window_params = [{transform_indices = #map}, {transform_indices = #map1}, {transform_indices = #map1}, {transform_indices = #map}]} {
    %mul3A = arith.constant 2 : i32
    %mul3A_0 = arith.muli %arg1, %mul3A : i32
    %add3A = arith.addi %mul3A_0, %arg0 : i32
    %mul3A_1 = arith.constant 64 : i32
    %mul3A_2 = arith.muli %add3A, %mul3A_1 : i32
    %multiple_of3A = tpu.assume_multiple %mul3A_2, 64 : i32
    "tpu.region"() ({
      %run_scoped3A = tpu.sem_alloc : memref<!tpu.dma_semaphore, #tpu.memory_space<semaphore_mem>>
      %dma_start3A_13 = arith.constant 0 : i32
      %dma_start3A_14 = tpu.memref_slice %arg2[%multiple_of3A, %dma_start3A_13] : memref<2048x768xf32, #tpu.memory_space<hbm>> -> memref<64x768xf32, #tpu.memory_space<hbm>>
      %dma_start3A_15 = arith.constant 0 : i32
      %dma_start3A_16 = tpu.memref_slice %arg2[%multiple_of3A, %dma_start3A_15] : memref<2048x768xf32, #tpu.memory_space<hbm>> -> memref<64x768xf32, #tpu.memory_space<hbm>>
      tpu.enqueue_dma source(%dma_start3A_16 : memref<64x768xf32, #tpu.memory_space<hbm>>) target(%arg6 : memref<64x768xf32, #tpu.memory_space<vmem>>) target_semaphore(%run_scoped3A : memref<!tpu.dma_semaphore, #tpu.memory_space<semaphore_mem>>)
      %dma_wait3A_17 = arith.constant 0 : i32
      %dma_wait3A_18 = tpu.memref_slice %arg2[%multiple_of3A, %dma_wait3A_17] : memref<2048x768xf32, #tpu.memory_space<hbm>> -> memref<64x768xf32, #tpu.memory_space<hbm>>
      %dma_wait3A_19 = arith.constant 0 : i32
      %dma_wait3A_20 = tpu.memref_slice %arg2[%multiple_of3A, %dma_wait3A_19] : memref<2048x768xf32, #tpu.memory_space<hbm>> -> memref<64x768xf32, #tpu.memory_space<hbm>>
      tpu.wait_dma2 semaphore(%run_scoped3A : memref<!tpu.dma_semaphore, #tpu.memory_space<semaphore_mem>>) src(%dma_wait3A_20 : memref<64x768xf32, #tpu.memory_space<hbm>>) dst(%arg6 : memref<64x768xf32, #tpu.memory_space<vmem>>)
      tpu.yield
    }) : () -> ()
    "tpu.region"() ({
      %run_scoped3A = tpu.sem_alloc : memref<!tpu.dma_semaphore, #tpu.memory_space<semaphore_mem>>
      %dma_start3A_13 = tpu.memref_slice %arg3[%multiple_of3A] : memref<2048xi32, #tpu.memory_space<hbm>> -> memref<64xi32, #tpu.memory_space<hbm>>
      %dma_start3A_14 = tpu.memref_slice %arg3[%multiple_of3A] : memref<2048xi32, #tpu.memory_space<hbm>> -> memref<64xi32, #tpu.memory_space<hbm>>
      tpu.enqueue_dma source(%dma_start3A_14 : memref<64xi32, #tpu.memory_space<hbm>>) target(%arg7 : memref<64xi32, #tpu.memory_space<vmem>>) target_semaphore(%run_scoped3A : memref<!tpu.dma_semaphore, #tpu.memory_space<semaphore_mem>>)
      %dma_wait3A_15 = tpu.memref_slice %arg3[%multiple_of3A] : memref<2048xi32, #tpu.memory_space<hbm>> -> memref<64xi32, #tpu.memory_space<hbm>>
      %dma_wait3A_16 = tpu.memref_slice %arg3[%multiple_of3A] : memref<2048xi32, #tpu.memory_space<hbm>> -> memref<64xi32, #tpu.memory_space<hbm>>
      tpu.wait_dma2 semaphore(%run_scoped3A : memref<!tpu.dma_semaphore, #tpu.memory_space<semaphore_mem>>) src(%dma_wait3A_16 : memref<64xi32, #tpu.memory_space<hbm>>) dst(%arg7 : memref<64xi32, #tpu.memory_space<vmem>>)
      tpu.yield
    }) : () -> ()
    "tpu.region"() ({
      %run_scoped3A = tpu.sem_alloc : memref<!tpu.dma_semaphore, #tpu.memory_space<semaphore_mem>>
      %dma_start3A_13 = tpu.memref_slice %arg4[%multiple_of3A] : memref<2048xi32, #tpu.memory_space<hbm>> -> memref<64xi32, #tpu.memory_space<hbm>>
      %dma_start3A_14 = tpu.memref_slice %arg4[%multiple_of3A] : memref<2048xi32, #tpu.memory_space<hbm>> -> memref<64xi32, #tpu.memory_space<hbm>>
      tpu.enqueue_dma source(%dma_start3A_14 : memref<64xi32, #tpu.memory_space<hbm>>) target(%arg8 : memref<64xi32, #tpu.memory_space<vmem>>) target_semaphore(%run_scoped3A : memref<!tpu.dma_semaphore, #tpu.memory_space<semaphore_mem>>)
      %dma_wait3A_15 = tpu.memref_slice %arg4[%multiple_of3A] : memref<2048xi32, #tpu.memory_space<hbm>> -> memref<64xi32, #tpu.memory_space<hbm>>
      %dma_wait3A_16 = tpu.memref_slice %arg4[%multiple_of3A] : memref<2048xi32, #tpu.memory_space<hbm>> -> memref<64xi32, #tpu.memory_space<hbm>>
      tpu.wait_dma2 semaphore(%run_scoped3A : memref<!tpu.dma_semaphore, #tpu.memory_space<semaphore_mem>>) src(%dma_wait3A_16 : memref<64xi32, #tpu.memory_space<hbm>>) dst(%arg8 : memref<64xi32, #tpu.memory_space<vmem>>)
      tpu.yield
    }) : () -> ()
    %dma_start3A = arith.constant 0 : i32
    %dma_start3A_3 = arith.constant 0 : i32
    %dma_start3A_4 = tpu.memref_slice %arg5[%dma_start3A, %dma_start3A_3] : memref<12288x768xf32, #tpu.memory_space<hbm>> -> memref<12288x768xf32, #tpu.memory_space<hbm>>
    tpu.enqueue_indirect_dma source(%arg6 : memref<64x768xf32, #tpu.memory_space<vmem>>) target(%dma_start3A_4 : memref<12288x768xf32, #tpu.memory_space<hbm>>) offsets(%arg7 : memref<64xi32, #tpu.memory_space<vmem>>) semaphore(%arg9 : memref<!tpu.dma_semaphore, #tpu.memory_space<semaphore_mem>>)
    %dma_start3A_5 = arith.constant 0 : i32
    %dma_start3A_6 = arith.constant 0 : i32
    %dma_start3A_7 = tpu.memref_slice %arg5[%dma_start3A_5, %dma_start3A_6] : memref<12288x768xf32, #tpu.memory_space<hbm>> -> memref<12288x768xf32, #tpu.memory_space<hbm>>
    tpu.enqueue_indirect_dma source(%arg6 : memref<64x768xf32, #tpu.memory_space<vmem>>) target(%dma_start3A_7 : memref<12288x768xf32, #tpu.memory_space<hbm>>) offsets(%arg8 : memref<64xi32, #tpu.memory_space<vmem>>) semaphore(%arg9 : memref<!tpu.dma_semaphore, #tpu.memory_space<semaphore_mem>>)
    %dma_wait3A = arith.constant 0 : i32
    %dma_wait3A_8 = arith.constant 0 : i32
    %dma_wait3A_9 = tpu.memref_slice %arg5[%dma_wait3A, %dma_wait3A_8] : memref<12288x768xf32, #tpu.memory_space<hbm>> -> memref<12288x768xf32, #tpu.memory_space<hbm>>
    tpu.wait_indirect_dma semaphore(%arg9 : memref<!tpu.dma_semaphore, #tpu.memory_space<semaphore_mem>>) src(%arg6 : memref<64x768xf32, #tpu.memory_space<vmem>>) dst(%dma_wait3A_9 : memref<12288x768xf32, #tpu.memory_space<hbm>>)
    %dma_wait3A_10 = arith.constant 0 : i32
    %dma_wait3A_11 = arith.constant 0 : i32
    %dma_wait3A_12 = tpu.memref_slice %arg5[%dma_wait3A_10, %dma_wait3A_11] : memref<12288x768xf32, #tpu.memory_space<hbm>> -> memref<12288x768xf32, #tpu.memory_space<hbm>>
    tpu.wait_indirect_dma semaphore(%arg9 : memref<!tpu.dma_semaphore, #tpu.memory_space<semaphore_mem>>) src(%arg6 : memref<64x768xf32, #tpu.memory_space<vmem>>) dst(%dma_wait3A_12 : memref<12288x768xf32, #tpu.memory_space<hbm>>)
    return
  }
}

#map = affine_map<(d0, d1) -> (0, 0)>
#map1 = affine_map<(d0, d1) -> (0)>
module attributes {stable_mosaic.version = 14 : i64} {
  func.func @_combine_body(%arg0: i32, %arg1: i32, %arg2: memref<12288x768xf32, #tpu.memory_space<hbm>>, %arg3: memref<2048xi32, #tpu.memory_space<hbm>>, %arg4: memref<2048xi32, #tpu.memory_space<hbm>>, %arg5: memref<2048xf32, #tpu.memory_space<hbm>>, %arg6: memref<2048xf32, #tpu.memory_space<hbm>>, %arg7: memref<2048x768xf32, #tpu.memory_space<hbm>>, %arg8: memref<64xi32, #tpu.memory_space<vmem>>, %arg9: memref<64xi32, #tpu.memory_space<vmem>>, %arg10: memref<80xf32, #tpu.memory_space<vmem>>, %arg11: memref<80xf32, #tpu.memory_space<vmem>>, %arg12: memref<32x768xf32, #tpu.memory_space<vmem>>, %arg13: memref<32x768xf32, #tpu.memory_space<vmem>>, %arg14: memref<32x768xf32, #tpu.memory_space<vmem>>, %arg15: memref<32x768xf32, #tpu.memory_space<vmem>>, %arg16: memref<!tpu.dma_semaphore, #tpu.memory_space<semaphore_mem>>, %arg17: memref<!tpu.dma_semaphore, #tpu.memory_space<semaphore_mem>>) attributes {dimension_semantics = [#tpu.dimension_semantics<core_parallel>, #tpu.dimension_semantics<subcore_parallel>], iteration_bounds = array<i64: 2, 16>, scalar_prefetch = 0 : i64, scratch_operands = 10 : i64, tpu.core_type = #tpu.core_type<sc_vector_subcore>, window_params = [{transform_indices = #map}, {transform_indices = #map1}, {transform_indices = #map1}, {transform_indices = #map1}, {transform_indices = #map1}, {transform_indices = #map}]} {
    %mul3A = arith.constant 2 : i32
    %mul3A_0 = arith.muli %arg1, %mul3A : i32
    %add3A = arith.addi %mul3A_0, %arg0 : i32
    %mul3A_1 = arith.constant 64 : i32
    %mul3A_2 = arith.muli %add3A, %mul3A_1 : i32
    %multiple_of3A = tpu.assume_multiple %mul3A_2, 64 : i32
    "tpu.region"() ({
      %run_scoped3A = tpu.sem_alloc : memref<!tpu.dma_semaphore, #tpu.memory_space<semaphore_mem>>
      %dma_start3A_60 = tpu.memref_slice %arg3[%multiple_of3A] : memref<2048xi32, #tpu.memory_space<hbm>> -> memref<64xi32, #tpu.memory_space<hbm>>
      %dma_start3A_61 = tpu.memref_slice %arg3[%multiple_of3A] : memref<2048xi32, #tpu.memory_space<hbm>> -> memref<64xi32, #tpu.memory_space<hbm>>
      tpu.enqueue_dma source(%dma_start3A_61 : memref<64xi32, #tpu.memory_space<hbm>>) target(%arg8 : memref<64xi32, #tpu.memory_space<vmem>>) target_semaphore(%run_scoped3A : memref<!tpu.dma_semaphore, #tpu.memory_space<semaphore_mem>>)
      %dma_wait3A_62 = tpu.memref_slice %arg3[%multiple_of3A] : memref<2048xi32, #tpu.memory_space<hbm>> -> memref<64xi32, #tpu.memory_space<hbm>>
      %dma_wait3A_63 = tpu.memref_slice %arg3[%multiple_of3A] : memref<2048xi32, #tpu.memory_space<hbm>> -> memref<64xi32, #tpu.memory_space<hbm>>
      tpu.wait_dma2 semaphore(%run_scoped3A : memref<!tpu.dma_semaphore, #tpu.memory_space<semaphore_mem>>) src(%dma_wait3A_63 : memref<64xi32, #tpu.memory_space<hbm>>) dst(%arg8 : memref<64xi32, #tpu.memory_space<vmem>>)
      tpu.yield
    }) : () -> ()
    "tpu.region"() ({
      %run_scoped3A = tpu.sem_alloc : memref<!tpu.dma_semaphore, #tpu.memory_space<semaphore_mem>>
      %dma_start3A_60 = tpu.memref_slice %arg4[%multiple_of3A] : memref<2048xi32, #tpu.memory_space<hbm>> -> memref<64xi32, #tpu.memory_space<hbm>>
      %dma_start3A_61 = tpu.memref_slice %arg4[%multiple_of3A] : memref<2048xi32, #tpu.memory_space<hbm>> -> memref<64xi32, #tpu.memory_space<hbm>>
      tpu.enqueue_dma source(%dma_start3A_61 : memref<64xi32, #tpu.memory_space<hbm>>) target(%arg9 : memref<64xi32, #tpu.memory_space<vmem>>) target_semaphore(%run_scoped3A : memref<!tpu.dma_semaphore, #tpu.memory_space<semaphore_mem>>)
      %dma_wait3A_62 = tpu.memref_slice %arg4[%multiple_of3A] : memref<2048xi32, #tpu.memory_space<hbm>> -> memref<64xi32, #tpu.memory_space<hbm>>
      %dma_wait3A_63 = tpu.memref_slice %arg4[%multiple_of3A] : memref<2048xi32, #tpu.memory_space<hbm>> -> memref<64xi32, #tpu.memory_space<hbm>>
      tpu.wait_dma2 semaphore(%run_scoped3A : memref<!tpu.dma_semaphore, #tpu.memory_space<semaphore_mem>>) src(%dma_wait3A_63 : memref<64xi32, #tpu.memory_space<hbm>>) dst(%arg9 : memref<64xi32, #tpu.memory_space<vmem>>)
      tpu.yield
    }) : () -> ()
    "tpu.region"() ({
      %run_scoped3A = tpu.sem_alloc : memref<!tpu.dma_semaphore, #tpu.memory_space<semaphore_mem>>
      %dma_start3A_60 = arith.constant 0 : i32
      %dma_start3A_61 = tpu.memref_slice %arg10[%dma_start3A_60] : memref<80xf32, #tpu.memory_space<vmem>> -> memref<64xf32, #tpu.memory_space<vmem>>
      %dma_start3A_62 = tpu.memref_slice %arg5[%multiple_of3A] : memref<2048xf32, #tpu.memory_space<hbm>> -> memref<64xf32, #tpu.memory_space<hbm>>
      %dma_start3A_63 = arith.constant 0 : i32
      %dma_start3A_64 = tpu.memref_slice %arg10[%dma_start3A_63] : memref<80xf32, #tpu.memory_space<vmem>> -> memref<64xf32, #tpu.memory_space<vmem>>
      %dma_start3A_65 = tpu.memref_slice %arg5[%multiple_of3A] : memref<2048xf32, #tpu.memory_space<hbm>> -> memref<64xf32, #tpu.memory_space<hbm>>
      tpu.enqueue_dma source(%dma_start3A_65 : memref<64xf32, #tpu.memory_space<hbm>>) target(%dma_start3A_64 : memref<64xf32, #tpu.memory_space<vmem>>) target_semaphore(%run_scoped3A : memref<!tpu.dma_semaphore, #tpu.memory_space<semaphore_mem>>)
      %dma_wait3A_66 = arith.constant 0 : i32
      %dma_wait3A_67 = tpu.memref_slice %arg10[%dma_wait3A_66] : memref<80xf32, #tpu.memory_space<vmem>> -> memref<64xf32, #tpu.memory_space<vmem>>
      %dma_wait3A_68 = tpu.memref_slice %arg5[%multiple_of3A] : memref<2048xf32, #tpu.memory_space<hbm>> -> memref<64xf32, #tpu.memory_space<hbm>>
      %dma_wait3A_69 = arith.constant 0 : i32
      %dma_wait3A_70 = tpu.memref_slice %arg10[%dma_wait3A_69] : memref<80xf32, #tpu.memory_space<vmem>> -> memref<64xf32, #tpu.memory_space<vmem>>
      %dma_wait3A_71 = tpu.memref_slice %arg5[%multiple_of3A] : memref<2048xf32, #tpu.memory_space<hbm>> -> memref<64xf32, #tpu.memory_space<hbm>>
      tpu.wait_dma2 semaphore(%run_scoped3A : memref<!tpu.dma_semaphore, #tpu.memory_space<semaphore_mem>>) src(%dma_wait3A_71 : memref<64xf32, #tpu.memory_space<hbm>>) dst(%dma_wait3A_70 : memref<64xf32, #tpu.memory_space<vmem>>)
      tpu.yield
    }) : () -> ()
    "tpu.region"() ({
      %run_scoped3A = tpu.sem_alloc : memref<!tpu.dma_semaphore, #tpu.memory_space<semaphore_mem>>
      %dma_start3A_60 = arith.constant 0 : i32
      %dma_start3A_61 = tpu.memref_slice %arg11[%dma_start3A_60] : memref<80xf32, #tpu.memory_space<vmem>> -> memref<64xf32, #tpu.memory_space<vmem>>
      %dma_start3A_62 = tpu.memref_slice %arg6[%multiple_of3A] : memref<2048xf32, #tpu.memory_space<hbm>> -> memref<64xf32, #tpu.memory_space<hbm>>
      %dma_start3A_63 = arith.constant 0 : i32
      %dma_start3A_64 = tpu.memref_slice %arg11[%dma_start3A_63] : memref<80xf32, #tpu.memory_space<vmem>> -> memref<64xf32, #tpu.memory_space<vmem>>
      %dma_start3A_65 = tpu.memref_slice %arg6[%multiple_of3A] : memref<2048xf32, #tpu.memory_space<hbm>> -> memref<64xf32, #tpu.memory_space<hbm>>
      tpu.enqueue_dma source(%dma_start3A_65 : memref<64xf32, #tpu.memory_space<hbm>>) target(%dma_start3A_64 : memref<64xf32, #tpu.memory_space<vmem>>) target_semaphore(%run_scoped3A : memref<!tpu.dma_semaphore, #tpu.memory_space<semaphore_mem>>)
      %dma_wait3A_66 = arith.constant 0 : i32
      %dma_wait3A_67 = tpu.memref_slice %arg11[%dma_wait3A_66] : memref<80xf32, #tpu.memory_space<vmem>> -> memref<64xf32, #tpu.memory_space<vmem>>
      %dma_wait3A_68 = tpu.memref_slice %arg6[%multiple_of3A] : memref<2048xf32, #tpu.memory_space<hbm>> -> memref<64xf32, #tpu.memory_space<hbm>>
      %dma_wait3A_69 = arith.constant 0 : i32
      %dma_wait3A_70 = tpu.memref_slice %arg11[%dma_wait3A_69] : memref<80xf32, #tpu.memory_space<vmem>> -> memref<64xf32, #tpu.memory_space<vmem>>
      %dma_wait3A_71 = tpu.memref_slice %arg6[%multiple_of3A] : memref<2048xf32, #tpu.memory_space<hbm>> -> memref<64xf32, #tpu.memory_space<hbm>>
      tpu.wait_dma2 semaphore(%run_scoped3A : memref<!tpu.dma_semaphore, #tpu.memory_space<semaphore_mem>>) src(%dma_wait3A_71 : memref<64xf32, #tpu.memory_space<hbm>>) dst(%dma_wait3A_70 : memref<64xf32, #tpu.memory_space<vmem>>)
      tpu.yield
    }) : () -> ()
    %dma_start3A = arith.constant 0 : i32
    %dma_start3A_3 = tpu.memref_slice %arg8[%dma_start3A] : memref<64xi32, #tpu.memory_space<vmem>> -> memref<32xi32, #tpu.memory_space<vmem>>
    %dma_start3A_4 = arith.constant 0 : i32
    %dma_start3A_5 = arith.constant 0 : i32
    %dma_start3A_6 = tpu.memref_slice %arg2[%dma_start3A_4, %dma_start3A_5] : memref<12288x768xf32, #tpu.memory_space<hbm>> -> memref<12288x768xf32, #tpu.memory_space<hbm>>
    tpu.enqueue_indirect_dma source(%dma_start3A_6 : memref<12288x768xf32, #tpu.memory_space<hbm>>) target(%arg12 : memref<32x768xf32, #tpu.memory_space<vmem>>) offsets(%dma_start3A_3 : memref<32xi32, #tpu.memory_space<vmem>>) semaphore(%arg16 : memref<!tpu.dma_semaphore, #tpu.memory_space<semaphore_mem>>)
    %dma_start3A_7 = arith.constant 0 : i32
    %dma_start3A_8 = tpu.memref_slice %arg9[%dma_start3A_7] : memref<64xi32, #tpu.memory_space<vmem>> -> memref<32xi32, #tpu.memory_space<vmem>>
    %dma_start3A_9 = arith.constant 0 : i32
    %dma_start3A_10 = arith.constant 0 : i32
    %dma_start3A_11 = tpu.memref_slice %arg2[%dma_start3A_9, %dma_start3A_10] : memref<12288x768xf32, #tpu.memory_space<hbm>> -> memref<12288x768xf32, #tpu.memory_space<hbm>>
    tpu.enqueue_indirect_dma source(%dma_start3A_11 : memref<12288x768xf32, #tpu.memory_space<hbm>>) target(%arg13 : memref<32x768xf32, #tpu.memory_space<vmem>>) offsets(%dma_start3A_8 : memref<32xi32, #tpu.memory_space<vmem>>) semaphore(%arg16 : memref<!tpu.dma_semaphore, #tpu.memory_space<semaphore_mem>>)
    %dma_start3A_12 = arith.constant 32 : i32
    %dma_start3A_13 = tpu.memref_slice %arg8[%dma_start3A_12] : memref<64xi32, #tpu.memory_space<vmem>> -> memref<32xi32, #tpu.memory_space<vmem>>
    %dma_start3A_14 = arith.constant 0 : i32
    %dma_start3A_15 = arith.constant 0 : i32
    %dma_start3A_16 = tpu.memref_slice %arg2[%dma_start3A_14, %dma_start3A_15] : memref<12288x768xf32, #tpu.memory_space<hbm>> -> memref<12288x768xf32, #tpu.memory_space<hbm>>
    tpu.enqueue_indirect_dma source(%dma_start3A_16 : memref<12288x768xf32, #tpu.memory_space<hbm>>) target(%arg14 : memref<32x768xf32, #tpu.memory_space<vmem>>) offsets(%dma_start3A_13 : memref<32xi32, #tpu.memory_space<vmem>>) semaphore(%arg17 : memref<!tpu.dma_semaphore, #tpu.memory_space<semaphore_mem>>)
    %dma_start3A_17 = arith.constant 32 : i32
    %dma_start3A_18 = tpu.memref_slice %arg9[%dma_start3A_17] : memref<64xi32, #tpu.memory_space<vmem>> -> memref<32xi32, #tpu.memory_space<vmem>>
    %dma_start3A_19 = arith.constant 0 : i32
    %dma_start3A_20 = arith.constant 0 : i32
    %dma_start3A_21 = tpu.memref_slice %arg2[%dma_start3A_19, %dma_start3A_20] : memref<12288x768xf32, #tpu.memory_space<hbm>> -> memref<12288x768xf32, #tpu.memory_space<hbm>>
    tpu.enqueue_indirect_dma source(%dma_start3A_21 : memref<12288x768xf32, #tpu.memory_space<hbm>>) target(%arg15 : memref<32x768xf32, #tpu.memory_space<vmem>>) offsets(%dma_start3A_18 : memref<32xi32, #tpu.memory_space<vmem>>) semaphore(%arg17 : memref<!tpu.dma_semaphore, #tpu.memory_space<semaphore_mem>>)
    %dma_wait3A = arith.constant 0 : i32
    %dma_wait3A_22 = tpu.memref_slice %arg8[%dma_wait3A] : memref<64xi32, #tpu.memory_space<vmem>> -> memref<32xi32, #tpu.memory_space<vmem>>
    %dma_wait3A_23 = arith.constant 0 : i32
    %dma_wait3A_24 = arith.constant 0 : i32
    %dma_wait3A_25 = tpu.memref_slice %arg2[%dma_wait3A_23, %dma_wait3A_24] : memref<12288x768xf32, #tpu.memory_space<hbm>> -> memref<12288x768xf32, #tpu.memory_space<hbm>>
    tpu.wait_indirect_dma semaphore(%arg16 : memref<!tpu.dma_semaphore, #tpu.memory_space<semaphore_mem>>) src(%dma_wait3A_25 : memref<12288x768xf32, #tpu.memory_space<hbm>>) dst(%arg12 : memref<32x768xf32, #tpu.memory_space<vmem>>)
    %dma_wait3A_26 = arith.constant 0 : i32
    %dma_wait3A_27 = tpu.memref_slice %arg9[%dma_wait3A_26] : memref<64xi32, #tpu.memory_space<vmem>> -> memref<32xi32, #tpu.memory_space<vmem>>
    %dma_wait3A_28 = arith.constant 0 : i32
    %dma_wait3A_29 = arith.constant 0 : i32
    %dma_wait3A_30 = tpu.memref_slice %arg2[%dma_wait3A_28, %dma_wait3A_29] : memref<12288x768xf32, #tpu.memory_space<hbm>> -> memref<12288x768xf32, #tpu.memory_space<hbm>>
    tpu.wait_indirect_dma semaphore(%arg16 : memref<!tpu.dma_semaphore, #tpu.memory_space<semaphore_mem>>) src(%dma_wait3A_30 : memref<12288x768xf32, #tpu.memory_space<hbm>>) dst(%arg13 : memref<32x768xf32, #tpu.memory_space<vmem>>)
    %scan3A = arith.constant 0 : i32
    %scan3A_31 = arith.constant 0 : i32
    %scan3A_32 = arith.constant 32 : i32
    %scan3A_33 = arith.addi %scan3A_31, %scan3A_32 : i32
    %scan3A_34 = arith.constant 1 : i32
    %scan3A_35 = scf.for %scan3A_60 = %scan3A_31 to %scan3A_33 step %scan3A_34 iter_args(%scan3A_61 = %scan3A) -> (i32)  : i32 {
      %add3A_62 = arith.constant 0 : i32
      %add3A_63 = arith.addi %add3A_62, %scan3A_60 : i32
      %get3A = arith.index_cast %add3A_63 : i32 to index
      %get3A_64 = tpu.vector_load %arg10[%get3A] {strides = array<i32>} : memref<80xf32, #tpu.memory_space<vmem>>, vector<16xf32>,
      %get3A_65 = vector.shape_cast %get3A_64 : vector<16xf32> to vector<16xf32>
      %slice3A = vector.extract_strided_slice %get3A_65 {offsets = [0], sizes = [1], strides = [1]} : vector<16xf32> to vector<1xf32>
      %squeeze3A = vector.extract %slice3A[0] : f32 from vector<1xf32>
      %add3A_66 = arith.constant 0 : i32
      %add3A_67 = arith.addi %add3A_66, %scan3A_60 : i32
      %get3A_68 = arith.index_cast %add3A_67 : i32 to index
      %get3A_69 = tpu.vector_load %arg11[%get3A_68] {strides = array<i32>} : memref<80xf32, #tpu.memory_space<vmem>>, vector<16xf32>,
      %get3A_70 = vector.shape_cast %get3A_69 : vector<16xf32> to vector<16xf32>
      %slice3A_71 = vector.extract_strided_slice %get3A_70 {offsets = [0], sizes = [1], strides = [1]} : vector<16xf32> to vector<1xf32>
      %squeeze3A_72 = vector.extract %slice3A_71[0] : f32 from vector<1xf32>
      %get3A_73 = arith.index_cast %scan3A_60 : i32 to index
      %get3A_74 = arith.constant 0 : index
      %get3A_75 = tpu.vector_load %arg12[%get3A_73, %get3A_74] {strides = array<i32>} : memref<32x768xf32, #tpu.memory_space<vmem>>, vector<1x16xf32>,
      %get3A_76 = vector.shape_cast %get3A_75 : vector<1x16xf32> to vector<16xf32>
      %mul3A_77 = vector.broadcast %squeeze3A : f32 to vector<16xf32>
      %mul3A_78 = arith.mulf %mul3A_77, %get3A_76 : vector<16xf32>
      %get3A_79 = arith.index_cast %scan3A_60 : i32 to index
      %get3A_80 = arith.constant 0 : index
      %get3A_81 = tpu.vector_load %arg13[%get3A_79, %get3A_80] {strides = array<i32>} : memref<32x768xf32, #tpu.memory_space<vmem>>, vector<1x16xf32>,
      %get3A_82 = vector.shape_cast %get3A_81 : vector<1x16xf32> to vector<16xf32>
      %mul3A_83 = vector.broadcast %squeeze3A_72 : f32 to vector<16xf32>
      %mul3A_84 = arith.mulf %mul3A_83, %get3A_82 : vector<16xf32>
      %add3A_85 = arith.addf %mul3A_78, %mul3A_84 : vector<16xf32>
      %swap3A = arith.index_cast %scan3A_60 : i32 to index
      %swap3A_86 = arith.constant 0 : index
      %swap3A_87 = tpu.vector_load %arg12[%swap3A, %swap3A_86] {strides = array<i32>} : memref<32x768xf32, #tpu.memory_space<vmem>>, vector<1x16xf32>,
      %swap3A_88 = vector.shape_cast %swap3A_87 : vector<1x16xf32> to vector<16xf32>
      %swap3A_89 = vector.shape_cast %add3A_85 : vector<16xf32> to vector<1x16xf32>
      tpu.vector_store %arg12[%swap3A, %swap3A_86], %swap3A_89 {strides = array<i32>} : memref<32x768xf32, #tpu.memory_space<vmem>>, vector<1x16xf32>,
      %get3A_90 = arith.index_cast %scan3A_60 : i32 to index
      %get3A_91 = arith.constant 16 : index
      %get3A_92 = tpu.vector_load %arg12[%get3A_90, %get3A_91] {strides = array<i32>} : memref<32x768xf32, #tpu.memory_space<vmem>>, vector<1x16xf32>,
      %get3A_93 = vector.shape_cast %get3A_92 : vector<1x16xf32> to vector<16xf32>
      %mul3A_94 = vector.broadcast %squeeze3A : f32 to vector<16xf32>
      %mul3A_95 = arith.mulf %mul3A_94, %get3A_93 : vector<16xf32>
      %get3A_96 = arith.index_cast %scan3A_60 : i32 to index
      %get3A_97 = arith.constant 16 : index
      %get3A_98 = tpu.vector_load %arg13[%get3A_96, %get3A_97] {strides = array<i32>} : memref<32x768xf32, #tpu.memory_space<vmem>>, vector<1x16xf32>,
      %get3A_99 = vector.shape_cast %get3A_98 : vector<1x16xf32> to vector<16xf32>
      %mul3A_100 = vector.broadcast %squeeze3A_72 : f32 to vector<16xf32>
      %mul3A_101 = arith.mulf %mul3A_100, %get3A_99 : vector<16xf32>
      %add3A_102 = arith.addf %mul3A_95, %mul3A_101 : vector<16xf32>
      %swap3A_103 = arith.index_cast %scan3A_60 : i32 to index
      %swap3A_104 = arith.constant 16 : index
      %swap3A_105 = tpu.vector_load %arg12[%swap3A_103, %swap3A_104] {strides = array<i32>} : memref<32x768xf32, #tpu.memory_space<vmem>>, vector<1x16xf32>,
      %swap3A_106 = vector.shape_cast %swap3A_105 : vector<1x16xf32> to vector<16xf32>
      %swap3A_107 = vector.shape_cast %add3A_102 : vector<16xf32> to vector<1x16xf32>
      tpu.vector_store %arg12[%swap3A_103, %swap3A_104], %swap3A_107 {strides = array<i32>} : memref<32x768xf32, #tpu.memory_space<vmem>>, vector<1x16xf32>,
      %get3A_108 = arith.index_cast %scan3A_60 : i32 to index
      %get3A_109 = arith.constant 32 : index
      %get3A_110 = tpu.vector_load %arg12[%get3A_108, %get3A_109] {strides = array<i32>} : memref<32x768xf32, #tpu.memory_space<vmem>>, vector<1x16xf32>,
      %get3A_111 = vector.shape_cast %get3A_110 : vector<1x16xf32> to vector<16xf32>
      %mul3A_112 = vector.broadcast %squeeze3A : f32 to vector<16xf32>
      %mul3A_113 = arith.mulf %mul3A_112, %get3A_111 : vector<16xf32>
      %get3A_114 = arith.index_cast %scan3A_60 : i32 to index
      %get3A_115 = arith.constant 32 : index
      %get3A_116 = tpu.vector_load %arg13[%get3A_114, %get3A_115] {strides = array<i32>} : memref<32x768xf32, #tpu.memory_space<vmem>>, vector<1x16xf32>,
      %get3A_117 = vector.shape_cast %get3A_116 : vector<1x16xf32> to vector<16xf32>
      %mul3A_118 = vector.broadcast %squeeze3A_72 : f32 to vector<16xf32>
      %mul3A_119 = arith.mulf %mul3A_118, %get3A_117 : vector<16xf32>
      %add3A_120 = arith.addf %mul3A_113, %mul3A_119 : vector<16xf32>
      %swap3A_121 = arith.index_cast %scan3A_60 : i32 to index
      %swap3A_122 = arith.constant 32 : index
      %swap3A_123 = tpu.vector_load %arg12[%swap3A_121, %swap3A_122] {strides = array<i32>} : memref<32x768xf32, #tpu.memory_space<vmem>>, vector<1x16xf32>,
      %swap3A_124 = vector.shape_cast %swap3A_123 : vector<1x16xf32> to vector<16xf32>
      %swap3A_125 = vector.shape_cast %add3A_120 : vector<16xf32> to vector<1x16xf32>
      tpu.vector_store %arg12[%swap3A_121, %swap3A_122], %swap3A_125 {strides = array<i32>} : memref<32x768xf32, #tpu.memory_space<vmem>>, vector<1x16xf32>,
      %get3A_126 = arith.index_cast %scan3A_60 : i32 to index
      %get3A_127 = arith.constant 48 : index
      %get3A_128 = tpu.vector_load %arg12[%get3A_126, %get3A_127] {strides = array<i32>} : memref<32x768xf32, #tpu.memory_space<vmem>>, vector<1x16xf32>,
      %get3A_129 = vector.shape_cast %get3A_128 : vector<1x16xf32> to vector<16xf32>
      %mul3A_130 = vector.broadcast %squeeze3A : f32 to vector<16xf32>
      %mul3A_131 = arith.mulf %mul3A_130, %get3A_129 : vector<16xf32>
      %get3A_132 = arith.index_cast %scan3A_60 : i32 to index
      %get3A_133 = arith.constant 48 : index
      %get3A_134 = tpu.vector_load %arg13[%get3A_132, %get3A_133] {strides = array<i32>} : memref<32x768xf32, #tpu.memory_space<vmem>>, vector<1x16xf32>,
      %get3A_135 = vector.shape_cast %get3A_134 : vector<1x16xf32> to vector<16xf32>
      %mul3A_136 = vector.broadcast %squeeze3A_72 : f32 to vector<16xf32>
      %mul3A_137 = arith.mulf %mul3A_136, %get3A_135 : vector<16xf32>
      %add3A_138 = arith.addf %mul3A_131, %mul3A_137 : vector<16xf32>
      %swap3A_139 = arith.index_cast %scan3A_60 : i32 to index
      %swap3A_140 = arith.constant 48 : index
      %swap3A_141 = tpu.vector_load %arg12[%swap3A_139, %swap3A_140] {strides = array<i32>} : memref<32x768xf32, #tpu.memory_space<vmem>>, vector<1x16xf32>,
      %swap3A_142 = vector.shape_cast %swap3A_141 : vector<1x16xf32> to vector<16xf32>
      %swap3A_143 = vector.shape_cast %add3A_138 : vector<16xf32> to vector<1x16xf32>
      tpu.vector_store %arg12[%swap3A_139, %swap3A_140], %swap3A_143 {strides = array<i32>} : memref<32x768xf32, #tpu.memory_space<vmem>>, vector<1x16xf32>,
      %get3A_144 = arith.index_cast %scan3A_60 : i32 to index
      %get3A_145 = arith.constant 64 : index
      %get3A_146 = tpu.vector_load %arg12[%get3A_144, %get3A_145] {strides = array<i32>} : memref<32x768xf32, #tpu.memory_space<vmem>>, vector<1x16xf32>,
      %get3A_147 = vector.shape_cast %get3A_146 : vector<1x16xf32> to vector<16xf32>
      %mul3A_148 = vector.broadcast %squeeze3A : f32 to vector<16xf32>
      %mul3A_149 = arith.mulf %mul3A_148, %get3A_147 : vector<16xf32>
      %get3A_150 = arith.index_cast %scan3A_60 : i32 to index
      %get3A_151 = arith.constant 64 : index
      %get3A_152 = tpu.vector_load %arg13[%get3A_150, %get3A_151] {strides = array<i32>} : memref<32x768xf32, #tpu.memory_space<vmem>>, vector<1x16xf32>,
      %get3A_153 = vector.shape_cast %get3A_152 : vector<1x16xf32> to vector<16xf32>
      %mul3A_154 = vector.broadcast %squeeze3A_72 : f32 to vector<16xf32>
      %mul3A_155 = arith.mulf %mul3A_154, %get3A_153 : vector<16xf32>
      %add3A_156 = arith.addf %mul3A_149, %mul3A_155 : vector<16xf32>
      %swap3A_157 = arith.index_cast %scan3A_60 : i32 to index
      %swap3A_158 = arith.constant 64 : index
      %swap3A_159 = tpu.vector_load %arg12[%swap3A_157, %swap3A_158] {strides = array<i32>} : memref<32x768xf32, #tpu.memory_space<vmem>>, vector<1x16xf32>,
      %swap3A_160 = vector.shape_cast %swap3A_159 : vector<1x16xf32> to vector<16xf32>
      %swap3A_161 = vector.shape_cast %add3A_156 : vector<16xf32> to vector<1x16xf32>
      tpu.vector_store %arg12[%swap3A_157, %swap3A_158], %swap3A_161 {strides = array<i32>} : memref<32x768xf32, #tpu.memory_space<vmem>>, vector<1x16xf32>,
      %get3A_162 = arith.index_cast %scan3A_60 : i32 to index
      %get3A_163 = arith.constant 80 : index
      %get3A_164 = tpu.vector_load %arg12[%get3A_162, %get3A_163] {strides = array<i32>} : memref<32x768xf32, #tpu.memory_space<vmem>>, vector<1x16xf32>,
      %get3A_165 = vector.shape_cast %get3A_164 : vector<1x16xf32> to vector<16xf32>
      %mul3A_166 = vector.broadcast %squeeze3A : f32 to vector<16xf32>
      %mul3A_167 = arith.mulf %mul3A_166, %get3A_165 : vector<16xf32>
      %get3A_168 = arith.index_cast %scan3A_60 : i32 to index
      %get3A_169 = arith.constant 80 : index
      %get3A_170 = tpu.vector_load %arg13[%get3A_168, %get3A_169] {strides = array<i32>} : memref<32x768xf32, #tpu.memory_space<vmem>>, vector<1x16xf32>,
      %get3A_171 = vector.shape_cast %get3A_170 : vector<1x16xf32> to vector<16xf32>
      %mul3A_172 = vector.broadcast %squeeze3A_72 : f32 to vector<16xf32>
      %mul3A_173 = arith.mulf %mul3A_172, %get3A_171 : vector<16xf32>
      %add3A_174 = arith.addf %mul3A_167, %mul3A_173 : vector<16xf32>
      %swap3A_175 = arith.index_cast %scan3A_60 : i32 to index
      %swap3A_176 = arith.constant 80 : index
      %swap3A_177 = tpu.vector_load %arg12[%swap3A_175, %swap3A_176] {strides = array<i32>} : memref<32x768xf32, #tpu.memory_space<vmem>>, vector<1x16xf32>,
      %swap3A_178 = vector.shape_cast %swap3A_177 : vector<1x16xf32> to vector<16xf32>
      %swap3A_179 = vector.shape_cast %add3A_174 : vector<16xf32> to vector<1x16xf32>
      tpu.vector_store %arg12[%swap3A_175, %swap3A_176], %swap3A_179 {strides = array<i32>} : memref<32x768xf32, #tpu.memory_space<vmem>>, vector<1x16xf32>,
      %get3A_180 = arith.index_cast %scan3A_60 : i32 to index
      %get3A_181 = arith.constant 96 : index
      %get3A_182 = tpu.vector_load %arg12[%get3A_180, %get3A_181] {strides = array<i32>} : memref<32x768xf32, #tpu.memory_space<vmem>>, vector<1x16xf32>,
      %get3A_183 = vector.shape_cast %get3A_182 : vector<1x16xf32> to vector<16xf32>
      %mul3A_184 = vector.broadcast %squeeze3A : f32 to vector<16xf32>
      %mul3A_185 = arith.mulf %mul3A_184, %get3A_183 : vector<16xf32>
      %get3A_186 = arith.index_cast %scan3A_60 : i32 to index
      %get3A_187 = arith.constant 96 : index
      %get3A_188 = tpu.vector_load %arg13[%get3A_186, %get3A_187] {strides = array<i32>} : memref<32x768xf32, #tpu.memory_space<vmem>>, vector<1x16xf32>,
      %get3A_189 = vector.shape_cast %get3A_188 : vector<1x16xf32> to vector<16xf32>
      %mul3A_190 = vector.broadcast %squeeze3A_72 : f32 to vector<16xf32>
      %mul3A_191 = arith.mulf %mul3A_190, %get3A_189 : vector<16xf32>
      %add3A_192 = arith.addf %mul3A_185, %mul3A_191 : vector<16xf32>
      %swap3A_193 = arith.index_cast %scan3A_60 : i32 to index
      %swap3A_194 = arith.constant 96 : index
      %swap3A_195 = tpu.vector_load %arg12[%swap3A_193, %swap3A_194] {strides = array<i32>} : memref<32x768xf32, #tpu.memory_space<vmem>>, vector<1x16xf32>,
      %swap3A_196 = vector.shape_cast %swap3A_195 : vector<1x16xf32> to vector<16xf32>
      %swap3A_197 = vector.shape_cast %add3A_192 : vector<16xf32> to vector<1x16xf32>
      tpu.vector_store %arg12[%swap3A_193, %swap3A_194], %swap3A_197 {strides = array<i32>} : memref<32x768xf32, #tpu.memory_space<vmem>>, vector<1x16xf32>,
      %get3A_198 = arith.index_cast %scan3A_60 : i32 to index
      %get3A_199 = arith.constant 112 : index
      %get3A_200 = tpu.vector_load %arg12[%get3A_198, %get3A_199] {strides = array<i32>} : memref<32x768xf32, #tpu.memory_space<vmem>>, vector<1x16xf32>,
      %get3A_201 = vector.shape_cast %get3A_200 : vector<1x16xf32> to vector<16xf32>
      %mul3A_202 = vector.broadcast %squeeze3A : f32 to vector<16xf32>
      %mul3A_203 = arith.mulf %mul3A_202, %get3A_201 : vector<16xf32>
      %get3A_204 = arith.index_cast %scan3A_60 : i32 to index
      %get3A_205 = arith.constant 112 : index
      %get3A_206 = tpu.vector_load %arg13[%get3A_204, %get3A_205] {strides = array<i32>} : memref<32x768xf32, #tpu.memory_space<vmem>>, vector<1x16xf32>,
      %get3A_207 = vector.shape_cast %get3A_206 : vector<1x16xf32> to vector<16xf32>
      %mul3A_208 = vector.broadcast %squeeze3A_72 : f32 to vector<16xf32>
      %mul3A_209 = arith.mulf %mul3A_208, %get3A_207 : vector<16xf32>
      %add3A_210 = arith.addf %mul3A_203, %mul3A_209 : vector<16xf32>
      %swap3A_211 = arith.index_cast %scan3A_60 : i32 to index
      %swap3A_212 = arith.constant 112 : index
      %swap3A_213 = tpu.vector_load %arg12[%swap3A_211, %swap3A_212] {strides = array<i32>} : memref<32x768xf32, #tpu.memory_space<vmem>>, vector<1x16xf32>,
      %swap3A_214 = vector.shape_cast %swap3A_213 : vector<1x16xf32> to vector<16xf32>
      %swap3A_215 = vector.shape_cast %add3A_210 : vector<16xf32> to vector<1x16xf32>
      tpu.vector_store %arg12[%swap3A_211, %swap3A_212], %swap3A_215 {strides = array<i32>} : memref<32x768xf32, #tpu.memory_space<vmem>>, vector<1x16xf32>,
      %get3A_216 = arith.index_cast %scan3A_60 : i32 to index
      %get3A_217 = arith.constant 128 : index
      %get3A_218 = tpu.vector_load %arg12[%get3A_216, %get3A_217] {strides = array<i32>} : memref<32x768xf32, #tpu.memory_space<vmem>>, vector<1x16xf32>,
      %get3A_219 = vector.shape_cast %get3A_218 : vector<1x16xf32> to vector<16xf32>
      %mul3A_220 = vector.broadcast %squeeze3A : f32 to vector<16xf32>
      %mul3A_221 = arith.mulf %mul3A_220, %get3A_219 : vector<16xf32>
      %get3A_222 = arith.index_cast %scan3A_60 : i32 to index
      %get3A_223 = arith.constant 128 : index
      %get3A_224 = tpu.vector_load %arg13[%get3A_222, %get3A_223] {strides = array<i32>} : memref<32x768xf32, #tpu.memory_space<vmem>>, vector<1x16xf32>,
      %get3A_225 = vector.shape_cast %get3A_224 : vector<1x16xf32> to vector<16xf32>
      %mul3A_226 = vector.broadcast %squeeze3A_72 : f32 to vector<16xf32>
      %mul3A_227 = arith.mulf %mul3A_226, %get3A_225 : vector<16xf32>
      %add3A_228 = arith.addf %mul3A_221, %mul3A_227 : vector<16xf32>
      %swap3A_229 = arith.index_cast %scan3A_60 : i32 to index
      %swap3A_230 = arith.constant 128 : index
      %swap3A_231 = tpu.vector_load %arg12[%swap3A_229, %swap3A_230] {strides = array<i32>} : memref<32x768xf32, #tpu.memory_space<vmem>>, vector<1x16xf32>,
      %swap3A_232 = vector.shape_cast %swap3A_231 : vector<1x16xf32> to vector<16xf32>
      %swap3A_233 = vector.shape_cast %add3A_228 : vector<16xf32> to vector<1x16xf32>
      tpu.vector_store %arg12[%swap3A_229, %swap3A_230], %swap3A_233 {strides = array<i32>} : memref<32x768xf32, #tpu.memory_space<vmem>>, vector<1x16xf32>,
      %get3A_234 = arith.index_cast %scan3A_60 : i32 to index
      %get3A_235 = arith.constant 144 : index
      %get3A_236 = tpu.vector_load %arg12[%get3A_234, %get3A_235] {strides = array<i32>} : memref<32x768xf32, #tpu.memory_space<vmem>>, vector<1x16xf32>,
      %get3A_237 = vector.shape_cast %get3A_236 : vector<1x16xf32> to vector<16xf32>
      %mul3A_238 = vector.broadcast %squeeze3A : f32 to vector<16xf32>
      %mul3A_239 = arith.mulf %mul3A_238, %get3A_237 : vector<16xf32>
      %get3A_240 = arith.index_cast %scan3A_60 : i32 to index
      %get3A_241 = arith.constant 144 : index
      %get3A_242 = tpu.vector_load %arg13[%get3A_240, %get3A_241] {strides = array<i32>} : memref<32x768xf32, #tpu.memory_space<vmem>>, vector<1x16xf32>,
      %get3A_243 = vector.shape_cast %get3A_242 : vector<1x16xf32> to vector<16xf32>
      %mul3A_244 = vector.broadcast %squeeze3A_72 : f32 to vector<16xf32>
      %mul3A_245 = arith.mulf %mul3A_244, %get3A_243 : vector<16xf32>
      %add3A_246 = arith.addf %mul3A_239, %mul3A_245 : vector<16xf32>
      %swap3A_247 = arith.index_cast %scan3A_60 : i32 to index
      %swap3A_248 = arith.constant 144 : index
      %swap3A_249 = tpu.vector_load %arg12[%swap3A_247, %swap3A_248] {strides = array<i32>} : memref<32x768xf32, #tpu.memory_space<vmem>>, vector<1x16xf32>,
      %swap3A_250 = vector.shape_cast %swap3A_249 : vector<1x16xf32> to vector<16xf32>
      %swap3A_251 = vector.shape_cast %add3A_246 : vector<16xf32> to vector<1x16xf32>
      tpu.vector_store %arg12[%swap3A_247, %swap3A_248], %swap3A_251 {strides = array<i32>} : memref<32x768xf32, #tpu.memory_space<vmem>>, vector<1x16xf32>,
      %get3A_252 = arith.index_cast %scan3A_60 : i32 to index
      %get3A_253 = arith.constant 160 : index
      %get3A_254 = tpu.vector_load %arg12[%get3A_252, %get3A_253] {strides = array<i32>} : memref<32x768xf32, #tpu.memory_space<vmem>>, vector<1x16xf32>,
      %get3A_255 = vector.shape_cast %get3A_254 : vector<1x16xf32> to vector<16xf32>
      %mul3A_256 = vector.broadcast %squeeze3A : f32 to vector<16xf32>
      %mul3A_257 = arith.mulf %mul3A_256, %get3A_255 : vector<16xf32>
      %get3A_258 = arith.index_cast %scan3A_60 : i32 to index
      %get3A_259 = arith.constant 160 : index
      %get3A_260 = tpu.vector_load %arg13[%get3A_258, %get3A_259] {strides = array<i32>} : memref<32x768xf32, #tpu.memory_space<vmem>>, vector<1x16xf32>,
      %get3A_261 = vector.shape_cast %get3A_260 : vector<1x16xf32> to vector<16xf32>
      %mul3A_262 = vector.broadcast %squeeze3A_72 : f32 to vector<16xf32>
      %mul3A_263 = arith.mulf %mul3A_262, %get3A_261 : vector<16xf32>
      %add3A_264 = arith.addf %mul3A_257, %mul3A_263 : vector<16xf32>
      %swap3A_265 = arith.index_cast %scan3A_60 : i32 to index
      %swap3A_266 = arith.constant 160 : index
      %swap3A_267 = tpu.vector_load %arg12[%swap3A_265, %swap3A_266] {strides = array<i32>} : memref<32x768xf32, #tpu.memory_space<vmem>>, vector<1x16xf32>,
      %swap3A_268 = vector.shape_cast %swap3A_267 : vector<1x16xf32> to vector<16xf32>
      %swap3A_269 = vector.shape_cast %add3A_264 : vector<16xf32> to vector<1x16xf32>
      tpu.vector_store %arg12[%swap3A_265, %swap3A_266], %swap3A_269 {strides = array<i32>} : memref<32x768xf32, #tpu.memory_space<vmem>>, vector<1x16xf32>,
      %get3A_270 = arith.index_cast %scan3A_60 : i32 to index
      %get3A_271 = arith.constant 176 : index
      %get3A_272 = tpu.vector_load %arg12[%get3A_270, %get3A_271] {strides = array<i32>} : memref<32x768xf32, #tpu.memory_space<vmem>>, vector<1x16xf32>,
      %get3A_273 = vector.shape_cast %get3A_272 : vector<1x16xf32> to vector<16xf32>
      %mul3A_274 = vector.broadcast %squeeze3A : f32 to vector<16xf32>
      %mul3A_275 = arith.mulf %mul3A_274, %get3A_273 : vector<16xf32>
      %get3A_276 = arith.index_cast %scan3A_60 : i32 to index
      %get3A_277 = arith.constant 176 : index
      %get3A_278 = tpu.vector_load %arg13[%get3A_276, %get3A_277] {strides = array<i32>} : memref<32x768xf32, #tpu.memory_space<vmem>>, vector<1x16xf32>,
      %get3A_279 = vector.shape_cast %get3A_278 : vector<1x16xf32> to vector<16xf32>
      %mul3A_280 = vector.broadcast %squeeze3A_72 : f32 to vector<16xf32>
      %mul3A_281 = arith.mulf %mul3A_280, %get3A_279 : vector<16xf32>
      %add3A_282 = arith.addf %mul3A_275, %mul3A_281 : vector<16xf32>
      %swap3A_283 = arith.index_cast %scan3A_60 : i32 to index
      %swap3A_284 = arith.constant 176 : index
      %swap3A_285 = tpu.vector_load %arg12[%swap3A_283, %swap3A_284] {strides = array<i32>} : memref<32x768xf32, #tpu.memory_space<vmem>>, vector<1x16xf32>,
      %swap3A_286 = vector.shape_cast %swap3A_285 : vector<1x16xf32> to vector<16xf32>
      %swap3A_287 = vector.shape_cast %add3A_282 : vector<16xf32> to vector<1x16xf32>
      tpu.vector_store %arg12[%swap3A_283, %swap3A_284], %swap3A_287 {strides = array<i32>} : memref<32x768xf32, #tpu.memory_space<vmem>>, vector<1x16xf32>,
      %get3A_288 = arith.index_cast %scan3A_60 : i32 to index
      %get3A_289 = arith.constant 192 : index
      %get3A_290 = tpu.vector_load %arg12[%get3A_288, %get3A_289] {strides = array<i32>} : memref<32x768xf32, #tpu.memory_space<vmem>>, vector<1x16xf32>,
      %get3A_291 = vector.shape_cast %get3A_290 : vector<1x16xf32> to vector<16xf32>
      %mul3A_292 = vector.broadcast %squeeze3A : f32 to vector<16xf32>
      %mul3A_293 = arith.mulf %mul3A_292, %get3A_291 : vector<16xf32>
      %get3A_294 = arith.index_cast %scan3A_60 : i32 to index
      %get3A_295 = arith.constant 192 : index
      %get3A_296 = tpu.vector_load %arg13[%get3A_294, %get3A_295] {strides = array<i32>} : memref<32x768xf32, #tpu.memory_space<vmem>>, vector<1x16xf32>,
      %get3A_297 = vector.shape_cast %get3A_296 : vector<1x16xf32> to vector<16xf32>
      %mul3A_298 = vector.broadcast %squeeze3A_72 : f32 to vector<16xf32>
      %mul3A_299 = arith.mulf %mul3A_298, %get3A_297 : vector<16xf32>
      %add3A_300 = arith.addf %mul3A_293, %mul3A_299 : vector<16xf32>
      %swap3A_301 = arith.index_cast %scan3A_60 : i32 to index
      %swap3A_302 = arith.constant 192 : index
      %swap3A_303 = tpu.vector_load %arg12[%swap3A_301, %swap3A_302] {strides = array<i32>} : memref<32x768xf32, #tpu.memory_space<vmem>>, vector<1x16xf32>,
      %swap3A_304 = vector.shape_cast %swap3A_303 : vector<1x16xf32> to vector<16xf32>
      %swap3A_305 = vector.shape_cast %add3A_300 : vector<16xf32> to vector<1x16xf32>
      tpu.vector_store %arg12[%swap3A_301, %swap3A_302], %swap3A_305 {strides = array<i32>} : memref<32x768xf32, #tpu.memory_space<vmem>>, vector<1x16xf32>,
      %get3A_306 = arith.index_cast %scan3A_60 : i32 to index
      %get3A_307 = arith.constant 208 : index
      %get3A_308 = tpu.vector_load %arg12[%get3A_306, %get3A_307] {strides = array<i32>} : memref<32x768xf32, #tpu.memory_space<vmem>>, vector<1x16xf32>,
      %get3A_309 = vector.shape_cast %get3A_308 : vector<1x16xf32> to vector<16xf32>
      %mul3A_310 = vector.broadcast %squeeze3A : f32 to vector<16xf32>
      %mul3A_311 = arith.mulf %mul3A_310, %get3A_309 : vector<16xf32>
      %get3A_312 = arith.index_cast %scan3A_60 : i32 to index
      %get3A_313 = arith.constant 208 : index
      %get3A_314 = tpu.vector_load %arg13[%get3A_312, %get3A_313] {strides = array<i32>} : memref<32x768xf32, #tpu.memory_space<vmem>>, vector<1x16xf32>,
      %get3A_315 = vector.shape_cast %get3A_314 : vector<1x16xf32> to vector<16xf32>
      %mul3A_316 = vector.broadcast %squeeze3A_72 : f32 to vector<16xf32>
      %mul3A_317 = arith.mulf %mul3A_316, %get3A_315 : vector<16xf32>
      %add3A_318 = arith.addf %mul3A_311, %mul3A_317 : vector<16xf32>
      %swap3A_319 = arith.index_cast %scan3A_60 : i32 to index
      %swap3A_320 = arith.constant 208 : index
      %swap3A_321 = tpu.vector_load %arg12[%swap3A_319, %swap3A_320] {strides = array<i32>} : memref<32x768xf32, #tpu.memory_space<vmem>>, vector<1x16xf32>,
      %swap3A_322 = vector.shape_cast %swap3A_321 : vector<1x16xf32> to vector<16xf32>
      %swap3A_323 = vector.shape_cast %add3A_318 : vector<16xf32> to vector<1x16xf32>
      tpu.vector_store %arg12[%swap3A_319, %swap3A_320], %swap3A_323 {strides = array<i32>} : memref<32x768xf32, #tpu.memory_space<vmem>>, vector<1x16xf32>,
      %get3A_324 = arith.index_cast %scan3A_60 : i32 to index
      %get3A_325 = arith.constant 224 : index
      %get3A_326 = tpu.vector_load %arg12[%get3A_324, %get3A_325] {strides = array<i32>} : memref<32x768xf32, #tpu.memory_space<vmem>>, vector<1x16xf32>,
      %get3A_327 = vector.shape_cast %get3A_326 : vector<1x16xf32> to vector<16xf32>
      %mul3A_328 = vector.broadcast %squeeze3A : f32 to vector<16xf32>
      %mul3A_329 = arith.mulf %mul3A_328, %get3A_327 : vector<16xf32>
      %get3A_330 = arith.index_cast %scan3A_60 : i32 to index
      %get3A_331 = arith.constant 224 : index
      %get3A_332 = tpu.vector_load %arg13[%get3A_330, %get3A_331] {strides = array<i32>} : memref<32x768xf32, #tpu.memory_space<vmem>>, vector<1x16xf32>,
      %get3A_333 = vector.shape_cast %get3A_332 : vector<1x16xf32> to vector<16xf32>
      %mul3A_334 = vector.broadcast %squeeze3A_72 : f32 to vector<16xf32>
      %mul3A_335 = arith.mulf %mul3A_334, %get3A_333 : vector<16xf32>
      %add3A_336 = arith.addf %mul3A_329, %mul3A_335 : vector<16xf32>
      %swap3A_337 = arith.index_cast %scan3A_60 : i32 to index
      %swap3A_338 = arith.constant 224 : index
      %swap3A_339 = tpu.vector_load %arg12[%swap3A_337, %swap3A_338] {strides = array<i32>} : memref<32x768xf32, #tpu.memory_space<vmem>>, vector<1x16xf32>,
      %swap3A_340 = vector.shape_cast %swap3A_339 : vector<1x16xf32> to vector<16xf32>
      %swap3A_341 = vector.shape_cast %add3A_336 : vector<16xf32> to vector<1x16xf32>
      tpu.vector_store %arg12[%swap3A_337, %swap3A_338], %swap3A_341 {strides = array<i32>} : memref<32x768xf32, #tpu.memory_space<vmem>>, vector<1x16xf32>,
      %get3A_342 = arith.index_cast %scan3A_60 : i32 to index
      %get3A_343 = arith.constant 240 : index
      %get3A_344 = tpu.vector_load %arg12[%get3A_342, %get3A_343] {strides = array<i32>} : memref<32x768xf32, #tpu.memory_space<vmem>>, vector<1x16xf32>,
      %get3A_345 = vector.shape_cast %get3A_344 : vector<1x16xf32> to vector<16xf32>
      %mul3A_346 = vector.broadcast %squeeze3A : f32 to vector<16xf32>
      %mul3A_347 = arith.mulf %mul3A_346, %get3A_345 : vector<16xf32>
      %get3A_348 = arith.index_cast %scan3A_60 : i32 to index
      %get3A_349 = arith.constant 240 : index
      %get3A_350 = tpu.vector_load %arg13[%get3A_348, %get3A_349] {strides = array<i32>} : memref<32x768xf32, #tpu.memory_space<vmem>>, vector<1x16xf32>,
      %get3A_351 = vector.shape_cast %get3A_350 : vector<1x16xf32> to vector<16xf32>
      %mul3A_352 = vector.broadcast %squeeze3A_72 : f32 to vector<16xf32>
      %mul3A_353 = arith.mulf %mul3A_352, %get3A_351 : vector<16xf32>
      %add3A_354 = arith.addf %mul3A_347, %mul3A_353 : vector<16xf32>
      %swap3A_355 = arith.index_cast %scan3A_60 : i32 to index
      %swap3A_356 = arith.constant 240 : index
      %swap3A_357 = tpu.vector_load %arg12[%swap3A_355, %swap3A_356] {strides = array<i32>} : memref<32x768xf32, #tpu.memory_space<vmem>>, vector<1x16xf32>,
      %swap3A_358 = vector.shape_cast %swap3A_357 : vector<1x16xf32> to vector<16xf32>
      %swap3A_359 = vector.shape_cast %add3A_354 : vector<16xf32> to vector<1x16xf32>
      tpu.vector_store %arg12[%swap3A_355, %swap3A_356], %swap3A_359 {strides = array<i32>} : memref<32x768xf32, #tpu.memory_space<vmem>>, vector<1x16xf32>,
      %get3A_360 = arith.index_cast %scan3A_60 : i32 to index
      %get3A_361 = arith.constant 256 : index
      %get3A_362 = tpu.vector_load %arg12[%get3A_360, %get3A_361] {strides = array<i32>} : memref<32x768xf32, #tpu.memory_space<vmem>>, vector<1x16xf32>,
      %get3A_363 = vector.shape_cast %get3A_362 : vector<1x16xf32> to vector<16xf32>
      %mul3A_364 = vector.broadcast %squeeze3A : f32 to vector<16xf32>
      %mul3A_365 = arith.mulf %mul3A_364, %get3A_363 : vector<16xf32>
      %get3A_366 = arith.index_cast %scan3A_60 : i32 to index
      %get3A_367 = arith.constant 256 : index
      %get3A_368 = tpu.vector_load %arg13[%get3A_366, %get3A_367] {strides = array<i32>} : memref<32x768xf32, #tpu.memory_space<vmem>>, vector<1x16xf32>,
      %get3A_369 = vector.shape_cast %get3A_368 : vector<1x16xf32> to vector<16xf32>
      %mul3A_370 = vector.broadcast %squeeze3A_72 : f32 to vector<16xf32>
      %mul3A_371 = arith.mulf %mul3A_370, %get3A_369 : vector<16xf32>
      %add3A_372 = arith.addf %mul3A_365, %mul3A_371 : vector<16xf32>
      %swap3A_373 = arith.index_cast %scan3A_60 : i32 to index
      %swap3A_374 = arith.constant 256 : index
      %swap3A_375 = tpu.vector_load %arg12[%swap3A_373, %swap3A_374] {strides = array<i32>} : memref<32x768xf32, #tpu.memory_space<vmem>>, vector<1x16xf32>,
      %swap3A_376 = vector.shape_cast %swap3A_375 : vector<1x16xf32> to vector<16xf32>
      %swap3A_377 = vector.shape_cast %add3A_372 : vector<16xf32> to vector<1x16xf32>
      tpu.vector_store %arg12[%swap3A_373, %swap3A_374], %swap3A_377 {strides = array<i32>} : memref<32x768xf32, #tpu.memory_space<vmem>>, vector<1x16xf32>,
      %get3A_378 = arith.index_cast %scan3A_60 : i32 to index
      %get3A_379 = arith.constant 272 : index
      %get3A_380 = tpu.vector_load %arg12[%get3A_378, %get3A_379] {strides = array<i32>} : memref<32x768xf32, #tpu.memory_space<vmem>>, vector<1x16xf32>,
      %get3A_381 = vector.shape_cast %get3A_380 : vector<1x16xf32> to vector<16xf32>
      %mul3A_382 = vector.broadcast %squeeze3A : f32 to vector<16xf32>
      %mul3A_383 = arith.mulf %mul3A_382, %get3A_381 : vector<16xf32>
      %get3A_384 = arith.index_cast %scan3A_60 : i32 to index
      %get3A_385 = arith.constant 272 : index
      %get3A_386 = tpu.vector_load %arg13[%get3A_384, %get3A_385] {strides = array<i32>} : memref<32x768xf32, #tpu.memory_space<vmem>>, vector<1x16xf32>,
      %get3A_387 = vector.shape_cast %get3A_386 : vector<1x16xf32> to vector<16xf32>
      %mul3A_388 = vector.broadcast %squeeze3A_72 : f32 to vector<16xf32>
      %mul3A_389 = arith.mulf %mul3A_388, %get3A_387 : vector<16xf32>
      %add3A_390 = arith.addf %mul3A_383, %mul3A_389 : vector<16xf32>
      %swap3A_391 = arith.index_cast %scan3A_60 : i32 to index
      %swap3A_392 = arith.constant 272 : index
      %swap3A_393 = tpu.vector_load %arg12[%swap3A_391, %swap3A_392] {strides = array<i32>} : memref<32x768xf32, #tpu.memory_space<vmem>>, vector<1x16xf32>,
      %swap3A_394 = vector.shape_cast %swap3A_393 : vector<1x16xf32> to vector<16xf32>
      %swap3A_395 = vector.shape_cast %add3A_390 : vector<16xf32> to vector<1x16xf32>
      tpu.vector_store %arg12[%swap3A_391, %swap3A_392], %swap3A_395 {strides = array<i32>} : memref<32x768xf32, #tpu.memory_space<vmem>>, vector<1x16xf32>,
      %get3A_396 = arith.index_cast %scan3A_60 : i32 to index
      %get3A_397 = arith.constant 288 : index
      %get3A_398 = tpu.vector_load %arg12[%get3A_396, %get3A_397] {strides = array<i32>} : memref<32x768xf32, #tpu.memory_space<vmem>>, vector<1x16xf32>,
      %get3A_399 = vector.shape_cast %get3A_398 : vector<1x16xf32> to vector<16xf32>
      %mul3A_400 = vector.broadcast %squeeze3A : f32 to vector<16xf32>
      %mul3A_401 = arith.mulf %mul3A_400, %get3A_399 : vector<16xf32>
      %get3A_402 = arith.index_cast %scan3A_60 : i32 to index
      %get3A_403 = arith.constant 288 : index
      %get3A_404 = tpu.vector_load %arg13[%get3A_402, %get3A_403] {strides = array<i32>} : memref<32x768xf32, #tpu.memory_space<vmem>>, vector<1x16xf32>,
      %get3A_405 = vector.shape_cast %get3A_404 : vector<1x16xf32> to vector<16xf32>
      %mul3A_406 = vector.broadcast %squeeze3A_72 : f32 to vector<16xf32>
      %mul3A_407 = arith.mulf %mul3A_406, %get3A_405 : vector<16xf32>
      %add3A_408 = arith.addf %mul3A_401, %mul3A_407 : vector<16xf32>
      %swap3A_409 = arith.index_cast %scan3A_60 : i32 to index
      %swap3A_410 = arith.constant 288 : index
      %swap3A_411 = tpu.vector_load %arg12[%swap3A_409, %swap3A_410] {strides = array<i32>} : memref<32x768xf32, #tpu.memory_space<vmem>>, vector<1x16xf32>,
      %swap3A_412 = vector.shape_cast %swap3A_411 : vector<1x16xf32> to vector<16xf32>
      %swap3A_413 = vector.shape_cast %add3A_408 : vector<16xf32> to vector<1x16xf32>
      tpu.vector_store %arg12[%swap3A_409, %swap3A_410], %swap3A_413 {strides = array<i32>} : memref<32x768xf32, #tpu.memory_space<vmem>>, vector<1x16xf32>,
      %get3A_414 = arith.index_cast %scan3A_60 : i32 to index
      %get3A_415 = arith.constant 304 : index
      %get3A_416 = tpu.vector_load %arg12[%get3A_414, %get3A_415] {strides = array<i32>} : memref<32x768xf32, #tpu.memory_space<vmem>>, vector<1x16xf32>,
      %get3A_417 = vector.shape_cast %get3A_416 : vector<1x16xf32> to vector<16xf32>
      %mul3A_418 = vector.broadcast %squeeze3A : f32 to vector<16xf32>
      %mul3A_419 = arith.mulf %mul3A_418, %get3A_417 : vector<16xf32>
      %get3A_420 = arith.index_cast %scan3A_60 : i32 to index
      %get3A_421 = arith.constant 304 : index
      %get3A_422 = tpu.vector_load %arg13[%get3A_420, %get3A_421] {strides = array<i32>} : memref<32x768xf32, #tpu.memory_space<vmem>>, vector<1x16xf32>,
      %get3A_423 = vector.shape_cast %get3A_422 : vector<1x16xf32> to vector<16xf32>
      %mul3A_424 = vector.broadcast %squeeze3A_72 : f32 to vector<16xf32>
      %mul3A_425 = arith.mulf %mul3A_424, %get3A_423 : vector<16xf32>
      %add3A_426 = arith.addf %mul3A_419, %mul3A_425 : vector<16xf32>
      %swap3A_427 = arith.index_cast %scan3A_60 : i32 to index
      %swap3A_428 = arith.constant 304 : index
      %swap3A_429 = tpu.vector_load %arg12[%swap3A_427, %swap3A_428] {strides = array<i32>} : memref<32x768xf32, #tpu.memory_space<vmem>>, vector<1x16xf32>,
      %swap3A_430 = vector.shape_cast %swap3A_429 : vector<1x16xf32> to vector<16xf32>
      %swap3A_431 = vector.shape_cast %add3A_426 : vector<16xf32> to vector<1x16xf32>
      tpu.vector_store %arg12[%swap3A_427, %swap3A_428], %swap3A_431 {strides = array<i32>} : memref<32x768xf32, #tpu.memory_space<vmem>>, vector<1x16xf32>,
      %get3A_432 = arith.index_cast %scan3A_60 : i32 to index
      %get3A_433 = arith.constant 320 : index
      %get3A_434 = tpu.vector_load %arg12[%get3A_432, %get3A_433] {strides = array<i32>} : memref<32x768xf32, #tpu.memory_space<vmem>>, vector<1x16xf32>,
      %get3A_435 = vector.shape_cast %get3A_434 : vector<1x16xf32> to vector<16xf32>
      %mul3A_436 = vector.broadcast %squeeze3A : f32 to vector<16xf32>
      %mul3A_437 = arith.mulf %mul3A_436, %get3A_435 : vector<16xf32>
      %get3A_438 = arith.index_cast %scan3A_60 : i32 to index
      %get3A_439 = arith.constant 320 : index
      %get3A_440 = tpu.vector_load %arg13[%get3A_438, %get3A_439] {strides = array<i32>} : memref<32x768xf32, #tpu.memory_space<vmem>>, vector<1x16xf32>,
      %get3A_441 = vector.shape_cast %get3A_440 : vector<1x16xf32> to vector<16xf32>
      %mul3A_442 = vector.broadcast %squeeze3A_72 : f32 to vector<16xf32>
      %mul3A_443 = arith.mulf %mul3A_442, %get3A_441 : vector<16xf32>
      %add3A_444 = arith.addf %mul3A_437, %mul3A_443 : vector<16xf32>
      %swap3A_445 = arith.index_cast %scan3A_60 : i32 to index
      %swap3A_446 = arith.constant 320 : index
      %swap3A_447 = tpu.vector_load %arg12[%swap3A_445, %swap3A_446] {strides = array<i32>} : memref<32x768xf32, #tpu.memory_space<vmem>>, vector<1x16xf32>,
      %swap3A_448 = vector.shape_cast %swap3A_447 : vector<1x16xf32> to vector<16xf32>
      %swap3A_449 = vector.shape_cast %add3A_444 : vector<16xf32> to vector<1x16xf32>
      tpu.vector_store %arg12[%swap3A_445, %swap3A_446], %swap3A_449 {strides = array<i32>} : memref<32x768xf32, #tpu.memory_space<vmem>>, vector<1x16xf32>,
      %get3A_450 = arith.index_cast %scan3A_60 : i32 to index
      %get3A_451 = arith.constant 336 : index
      %get3A_452 = tpu.vector_load %arg12[%get3A_450, %get3A_451] {strides = array<i32>} : memref<32x768xf32, #tpu.memory_space<vmem>>, vector<1x16xf32>,
      %get3A_453 = vector.shape_cast %get3A_452 : vector<1x16xf32> to vector<16xf32>
      %mul3A_454 = vector.broadcast %squeeze3A : f32 to vector<16xf32>
      %mul3A_455 = arith.mulf %mul3A_454, %get3A_453 : vector<16xf32>
      %get3A_456 = arith.index_cast %scan3A_60 : i32 to index
      %get3A_457 = arith.constant 336 : index
      %get3A_458 = tpu.vector_load %arg13[%get3A_456, %get3A_457] {strides = array<i32>} : memref<32x768xf32, #tpu.memory_space<vmem>>, vector<1x16xf32>,
      %get3A_459 = vector.shape_cast %get3A_458 : vector<1x16xf32> to vector<16xf32>
      %mul3A_460 = vector.broadcast %squeeze3A_72 : f32 to vector<16xf32>
      %mul3A_461 = arith.mulf %mul3A_460, %get3A_459 : vector<16xf32>
      %add3A_462 = arith.addf %mul3A_455, %mul3A_461 : vector<16xf32>
      %swap3A_463 = arith.index_cast %scan3A_60 : i32 to index
      %swap3A_464 = arith.constant 336 : index
      %swap3A_465 = tpu.vector_load %arg12[%swap3A_463, %swap3A_464] {strides = array<i32>} : memref<32x768xf32, #tpu.memory_space<vmem>>, vector<1x16xf32>,
      %swap3A_466 = vector.shape_cast %swap3A_465 : vector<1x16xf32> to vector<16xf32>
      %swap3A_467 = vector.shape_cast %add3A_462 : vector<16xf32> to vector<1x16xf32>
      tpu.vector_store %arg12[%swap3A_463, %swap3A_464], %swap3A_467 {strides = array<i32>} : memref<32x768xf32, #tpu.memory_space<vmem>>, vector<1x16xf32>,
      %get3A_468 = arith.index_cast %scan3A_60 : i32 to index
      %get3A_469 = arith.constant 352 : index
      %get3A_470 = tpu.vector_load %arg12[%get3A_468, %get3A_469] {strides = array<i32>} : memref<32x768xf32, #tpu.memory_space<vmem>>, vector<1x16xf32>,
      %get3A_471 = vector.shape_cast %get3A_470 : vector<1x16xf32> to vector<16xf32>
      %mul3A_472 = vector.broadcast %squeeze3A : f32 to vector<16xf32>
      %mul3A_473 = arith.mulf %mul3A_472, %get3A_471 : vector<16xf32>
      %get3A_474 = arith.index_cast %scan3A_60 : i32 to index
      %get3A_475 = arith.constant 352 : index
      %get3A_476 = tpu.vector_load %arg13[%get3A_474, %get3A_475] {strides = array<i32>} : memref<32x768xf32, #tpu.memory_space<vmem>>, vector<1x16xf32>,
      %get3A_477 = vector.shape_cast %get3A_476 : vector<1x16xf32> to vector<16xf32>
      %mul3A_478 = vector.broadcast %squeeze3A_72 : f32 to vector<16xf32>
      %mul3A_479 = arith.mulf %mul3A_478, %get3A_477 : vector<16xf32>
      %add3A_480 = arith.addf %mul3A_473, %mul3A_479 : vector<16xf32>
      %swap3A_481 = arith.index_cast %scan3A_60 : i32 to index
      %swap3A_482 = arith.constant 352 : index
      %swap3A_483 = tpu.vector_load %arg12[%swap3A_481, %swap3A_482] {strides = array<i32>} : memref<32x768xf32, #tpu.memory_space<vmem>>, vector<1x16xf32>,
      %swap3A_484 = vector.shape_cast %swap3A_483 : vector<1x16xf32> to vector<16xf32>
      %swap3A_485 = vector.shape_cast %add3A_480 : vector<16xf32> to vector<1x16xf32>
      tpu.vector_store %arg12[%swap3A_481, %swap3A_482], %swap3A_485 {strides = array<i32>} : memref<32x768xf32, #tpu.memory_space<vmem>>, vector<1x16xf32>,
      %get3A_486 = arith.index_cast %scan3A_60 : i32 to index
      %get3A_487 = arith.constant 368 : index
      %get3A_488 = tpu.vector_load %arg12[%get3A_486, %get3A_487] {strides = array<i32>} : memref<32x768xf32, #tpu.memory_space<vmem>>, vector<1x16xf32>,
      %get3A_489 = vector.shape_cast %get3A_488 : vector<1x16xf32> to vector<16xf32>
      %mul3A_490 = vector.broadcast %squeeze3A : f32 to vector<16xf32>
      %mul3A_491 = arith.mulf %mul3A_490, %get3A_489 : vector<16xf32>
      %get3A_492 = arith.index_cast %scan3A_60 : i32 to index
      %get3A_493 = arith.constant 368 : index
      %get3A_494 = tpu.vector_load %arg13[%get3A_492, %get3A_493] {strides = array<i32>} : memref<32x768xf32, #tpu.memory_space<vmem>>, vector<1x16xf32>,
      %get3A_495 = vector.shape_cast %get3A_494 : vector<1x16xf32> to vector<16xf32>
      %mul3A_496 = vector.broadcast %squeeze3A_72 : f32 to vector<16xf32>
      %mul3A_497 = arith.mulf %mul3A_496, %get3A_495 : vector<16xf32>
      %add3A_498 = arith.addf %mul3A_491, %mul3A_497 : vector<16xf32>
      %swap3A_499 = arith.index_cast %scan3A_60 : i32 to index
      %swap3A_500 = arith.constant 368 : index
      %swap3A_501 = tpu.vector_load %arg12[%swap3A_499, %swap3A_500] {strides = array<i32>} : memref<32x768xf32, #tpu.memory_space<vmem>>, vector<1x16xf32>,
      %swap3A_502 = vector.shape_cast %swap3A_501 : vector<1x16xf32> to vector<16xf32>
      %swap3A_503 = vector.shape_cast %add3A_498 : vector<16xf32> to vector<1x16xf32>
      tpu.vector_store %arg12[%swap3A_499, %swap3A_500], %swap3A_503 {strides = array<i32>} : memref<32x768xf32, #tpu.memory_space<vmem>>, vector<1x16xf32>,
      %get3A_504 = arith.index_cast %scan3A_60 : i32 to index
      %get3A_505 = arith.constant 384 : index
      %get3A_506 = tpu.vector_load %arg12[%get3A_504, %get3A_505] {strides = array<i32>} : memref<32x768xf32, #tpu.memory_space<vmem>>, vector<1x16xf32>,
      %get3A_507 = vector.shape_cast %get3A_506 : vector<1x16xf32> to vector<16xf32>
      %mul3A_508 = vector.broadcast %squeeze3A : f32 to vector<16xf32>
      %mul3A_509 = arith.mulf %mul3A_508, %get3A_507 : vector<16xf32>
      %get3A_510 = arith.index_cast %scan3A_60 : i32 to index
      %get3A_511 = arith.constant 384 : index
      %get3A_512 = tpu.vector_load %arg13[%get3A_510, %get3A_511] {strides = array<i32>} : memref<32x768xf32, #tpu.memory_space<vmem>>, vector<1x16xf32>,
      %get3A_513 = vector.shape_cast %get3A_512 : vector<1x16xf32> to vector<16xf32>
      %mul3A_514 = vector.broadcast %squeeze3A_72 : f32 to vector<16xf32>
      %mul3A_515 = arith.mulf %mul3A_514, %get3A_513 : vector<16xf32>
      %add3A_516 = arith.addf %mul3A_509, %mul3A_515 : vector<16xf32>
      %swap3A_517 = arith.index_cast %scan3A_60 : i32 to index
      %swap3A_518 = arith.constant 384 : index
      %swap3A_519 = tpu.vector_load %arg12[%swap3A_517, %swap3A_518] {strides = array<i32>} : memref<32x768xf32, #tpu.memory_space<vmem>>, vector<1x16xf32>,
      %swap3A_520 = vector.shape_cast %swap3A_519 : vector<1x16xf32> to vector<16xf32>
      %swap3A_521 = vector.shape_cast %add3A_516 : vector<16xf32> to vector<1x16xf32>
      tpu.vector_store %arg12[%swap3A_517, %swap3A_518], %swap3A_521 {strides = array<i32>} : memref<32x768xf32, #tpu.memory_space<vmem>>, vector<1x16xf32>,
      %get3A_522 = arith.index_cast %scan3A_60 : i32 to index
      %get3A_523 = arith.constant 400 : index
      %get3A_524 = tpu.vector_load %arg12[%get3A_522, %get3A_523] {strides = array<i32>} : memref<32x768xf32, #tpu.memory_space<vmem>>, vector<1x16xf32>,
      %get3A_525 = vector.shape_cast %get3A_524 : vector<1x16xf32> to vector<16xf32>
      %mul3A_526 = vector.broadcast %squeeze3A : f32 to vector<16xf32>
      %mul3A_527 = arith.mulf %mul3A_526, %get3A_525 : vector<16xf32>
      %get3A_528 = arith.index_cast %scan3A_60 : i32 to index
      %get3A_529 = arith.constant 400 : index
      %get3A_530 = tpu.vector_load %arg13[%get3A_528, %get3A_529] {strides = array<i32>} : memref<32x768xf32, #tpu.memory_space<vmem>>, vector<1x16xf32>,
      %get3A_531 = vector.shape_cast %get3A_530 : vector<1x16xf32> to vector<16xf32>
      %mul3A_532 = vector.broadcast %squeeze3A_72 : f32 to vector<16xf32>
      %mul3A_533 = arith.mulf %mul3A_532, %get3A_531 : vector<16xf32>
      %add3A_534 = arith.addf %mul3A_527, %mul3A_533 : vector<16xf32>
      %swap3A_535 = arith.index_cast %scan3A_60 : i32 to index
      %swap3A_536 = arith.constant 400 : index
      %swap3A_537 = tpu.vector_load %arg12[%swap3A_535, %swap3A_536] {strides = array<i32>} : memref<32x768xf32, #tpu.memory_space<vmem>>, vector<1x16xf32>,
      %swap3A_538 = vector.shape_cast %swap3A_537 : vector<1x16xf32> to vector<16xf32>
      %swap3A_539 = vector.shape_cast %add3A_534 : vector<16xf32> to vector<1x16xf32>
      tpu.vector_store %arg12[%swap3A_535, %swap3A_536], %swap3A_539 {strides = array<i32>} : memref<32x768xf32, #tpu.memory_space<vmem>>, vector<1x16xf32>,
      %get3A_540 = arith.index_cast %scan3A_60 : i32 to index
      %get3A_541 = arith.constant 416 : index
      %get3A_542 = tpu.vector_load %arg12[%get3A_540, %get3A_541] {strides = array<i32>} : memref<32x768xf32, #tpu.memory_space<vmem>>, vector<1x16xf32>,
      %get3A_543 = vector.shape_cast %get3A_542 : vector<1x16xf32> to vector<16xf32>
      %mul3A_544 = vector.broadcast %squeeze3A : f32 to vector<16xf32>
      %mul3A_545 = arith.mulf %mul3A_544, %get3A_543 : vector<16xf32>
      %get3A_546 = arith.index_cast %scan3A_60 : i32 to index
      %get3A_547 = arith.constant 416 : index
      %get3A_548 = tpu.vector_load %arg13[%get3A_546, %get3A_547] {strides = array<i32>} : memref<32x768xf32, #tpu.memory_space<vmem>>, vector<1x16xf32>,
      %get3A_549 = vector.shape_cast %get3A_548 : vector<1x16xf32> to vector<16xf32>
      %mul3A_550 = vector.broadcast %squeeze3A_72 : f32 to vector<16xf32>
      %mul3A_551 = arith.mulf %mul3A_550, %get3A_549 : vector<16xf32>
      %add3A_552 = arith.addf %mul3A_545, %mul3A_551 : vector<16xf32>
      %swap3A_553 = arith.index_cast %scan3A_60 : i32 to index
      %swap3A_554 = arith.constant 416 : index
      %swap3A_555 = tpu.vector_load %arg12[%swap3A_553, %swap3A_554] {strides = array<i32>} : memref<32x768xf32, #tpu.memory_space<vmem>>, vector<1x16xf32>,
      %swap3A_556 = vector.shape_cast %swap3A_555 : vector<1x16xf32> to vector<16xf32>
      %swap3A_557 = vector.shape_cast %add3A_552 : vector<16xf32> to vector<1x16xf32>
      tpu.vector_store %arg12[%swap3A_553, %swap3A_554], %swap3A_557 {strides = array<i32>} : memref<32x768xf32, #tpu.memory_space<vmem>>, vector<1x16xf32>,
      %get3A_558 = arith.index_cast %scan3A_60 : i32 to index
      %get3A_559 = arith.constant 432 : index
      %get3A_560 = tpu.vector_load %arg12[%get3A_558, %get3A_559] {strides = array<i32>} : memref<32x768xf32, #tpu.memory_space<vmem>>, vector<1x16xf32>,
      %get3A_561 = vector.shape_cast %get3A_560 : vector<1x16xf32> to vector<16xf32>
      %mul3A_562 = vector.broadcast %squeeze3A : f32 to vector<16xf32>
      %mul3A_563 = arith.mulf %mul3A_562, %get3A_561 : vector<16xf32>
      %get3A_564 = arith.index_cast %scan3A_60 : i32 to index
      %get3A_565 = arith.constant 432 : index
      %get3A_566 = tpu.vector_load %arg13[%get3A_564, %get3A_565] {strides = array<i32>} : memref<32x768xf32, #tpu.memory_space<vmem>>, vector<1x16xf32>,
      %get3A_567 = vector.shape_cast %get3A_566 : vector<1x16xf32> to vector<16xf32>
      %mul3A_568 = vector.broadcast %squeeze3A_72 : f32 to vector<16xf32>
      %mul3A_569 = arith.mulf %mul3A_568, %get3A_567 : vector<16xf32>
      %add3A_570 = arith.addf %mul3A_563, %mul3A_569 : vector<16xf32>
      %swap3A_571 = arith.index_cast %scan3A_60 : i32 to index
      %swap3A_572 = arith.constant 432 : index
      %swap3A_573 = tpu.vector_load %arg12[%swap3A_571, %swap3A_572] {strides = array<i32>} : memref<32x768xf32, #tpu.memory_space<vmem>>, vector<1x16xf32>,
      %swap3A_574 = vector.shape_cast %swap3A_573 : vector<1x16xf32> to vector<16xf32>
      %swap3A_575 = vector.shape_cast %add3A_570 : vector<16xf32> to vector<1x16xf32>
      tpu.vector_store %arg12[%swap3A_571, %swap3A_572], %swap3A_575 {strides = array<i32>} : memref<32x768xf32, #tpu.memory_space<vmem>>, vector<1x16xf32>,
      %get3A_576 = arith.index_cast %scan3A_60 : i32 to index
      %get3A_577 = arith.constant 448 : index
      %get3A_578 = tpu.vector_load %arg12[%get3A_576, %get3A_577] {strides = array<i32>} : memref<32x768xf32, #tpu.memory_space<vmem>>, vector<1x16xf32>,
      %get3A_579 = vector.shape_cast %get3A_578 : vector<1x16xf32> to vector<16xf32>
      %mul3A_580 = vector.broadcast %squeeze3A : f32 to vector<16xf32>
      %mul3A_581 = arith.mulf %mul3A_580, %get3A_579 : vector<16xf32>
      %get3A_582 = arith.index_cast %scan3A_60 : i32 to index
      %get3A_583 = arith.constant 448 : index
      %get3A_584 = tpu.vector_load %arg13[%get3A_582, %get3A_583] {strides = array<i32>} : memref<32x768xf32, #tpu.memory_space<vmem>>, vector<1x16xf32>,
      %get3A_585 = vector.shape_cast %get3A_584 : vector<1x16xf32> to vector<16xf32>
      %mul3A_586 = vector.broadcast %squeeze3A_72 : f32 to vector<16xf32>
      %mul3A_587 = arith.mulf %mul3A_586, %get3A_585 : vector<16xf32>
      %add3A_588 = arith.addf %mul3A_581, %mul3A_587 : vector<16xf32>
      %swap3A_589 = arith.index_cast %scan3A_60 : i32 to index
      %swap3A_590 = arith.constant 448 : index
      %swap3A_591 = tpu.vector_load %arg12[%swap3A_589, %swap3A_590] {strides = array<i32>} : memref<32x768xf32, #tpu.memory_space<vmem>>, vector<1x16xf32>,
      %swap3A_592 = vector.shape_cast %swap3A_591 : vector<1x16xf32> to vector<16xf32>
      %swap3A_593 = vector.shape_cast %add3A_588 : vector<16xf32> to vector<1x16xf32>
      tpu.vector_store %arg12[%swap3A_589, %swap3A_590], %swap3A_593 {strides = array<i32>} : memref<32x768xf32, #tpu.memory_space<vmem>>, vector<1x16xf32>,
      %get3A_594 = arith.index_cast %scan3A_60 : i32 to index
      %get3A_595 = arith.constant 464 : index
      %get3A_596 = tpu.vector_load %arg12[%get3A_594, %get3A_595] {strides = array<i32>} : memref<32x768xf32, #tpu.memory_space<vmem>>, vector<1x16xf32>,
      %get3A_597 = vector.shape_cast %get3A_596 : vector<1x16xf32> to vector<16xf32>
      %mul3A_598 = vector.broadcast %squeeze3A : f32 to vector<16xf32>
      %mul3A_599 = arith.mulf %mul3A_598, %get3A_597 : vector<16xf32>
      %get3A_600 = arith.index_cast %scan3A_60 : i32 to index
      %get3A_601 = arith.constant 464 : index
      %get3A_602 = tpu.vector_load %arg13[%get3A_600, %get3A_601] {strides = array<i32>} : memref<32x768xf32, #tpu.memory_space<vmem>>, vector<1x16xf32>,
      %get3A_603 = vector.shape_cast %get3A_602 : vector<1x16xf32> to vector<16xf32>
      %mul3A_604 = vector.broadcast %squeeze3A_72 : f32 to vector<16xf32>
      %mul3A_605 = arith.mulf %mul3A_604, %get3A_603 : vector<16xf32>
      %add3A_606 = arith.addf %mul3A_599, %mul3A_605 : vector<16xf32>
      %swap3A_607 = arith.index_cast %scan3A_60 : i32 to index
      %swap3A_608 = arith.constant 464 : index
      %swap3A_609 = tpu.vector_load %arg12[%swap3A_607, %swap3A_608] {strides = array<i32>} : memref<32x768xf32, #tpu.memory_space<vmem>>, vector<1x16xf32>,
      %swap3A_610 = vector.shape_cast %swap3A_609 : vector<1x16xf32> to vector<16xf32>
      %swap3A_611 = vector.shape_cast %add3A_606 : vector<16xf32> to vector<1x16xf32>
      tpu.vector_store %arg12[%swap3A_607, %swap3A_608], %swap3A_611 {strides = array<i32>} : memref<32x768xf32, #tpu.memory_space<vmem>>, vector<1x16xf32>,
      %get3A_612 = arith.index_cast %scan3A_60 : i32 to index
      %get3A_613 = arith.constant 480 : index
      %get3A_614 = tpu.vector_load %arg12[%get3A_612, %get3A_613] {strides = array<i32>} : memref<32x768xf32, #tpu.memory_space<vmem>>, vector<1x16xf32>,
      %get3A_615 = vector.shape_cast %get3A_614 : vector<1x16xf32> to vector<16xf32>
      %mul3A_616 = vector.broadcast %squeeze3A : f32 to vector<16xf32>
      %mul3A_617 = arith.mulf %mul3A_616, %get3A_615 : vector<16xf32>
      %get3A_618 = arith.index_cast %scan3A_60 : i32 to index
      %get3A_619 = arith.constant 480 : index
      %get3A_620 = tpu.vector_load %arg13[%get3A_618, %get3A_619] {strides = array<i32>} : memref<32x768xf32, #tpu.memory_space<vmem>>, vector<1x16xf32>,
      %get3A_621 = vector.shape_cast %get3A_620 : vector<1x16xf32> to vector<16xf32>
      %mul3A_622 = vector.broadcast %squeeze3A_72 : f32 to vector<16xf32>
      %mul3A_623 = arith.mulf %mul3A_622, %get3A_621 : vector<16xf32>
      %add3A_624 = arith.addf %mul3A_617, %mul3A_623 : vector<16xf32>
      %swap3A_625 = arith.index_cast %scan3A_60 : i32 to index
      %swap3A_626 = arith.constant 480 : index
      %swap3A_627 = tpu.vector_load %arg12[%swap3A_625, %swap3A_626] {strides = array<i32>} : memref<32x768xf32, #tpu.memory_space<vmem>>, vector<1x16xf32>,
      %swap3A_628 = vector.shape_cast %swap3A_627 : vector<1x16xf32> to vector<16xf32>
      %swap3A_629 = vector.shape_cast %add3A_624 : vector<16xf32> to vector<1x16xf32>
      tpu.vector_store %arg12[%swap3A_625, %swap3A_626], %swap3A_629 {strides = array<i32>} : memref<32x768xf32, #tpu.memory_space<vmem>>, vector<1x16xf32>,
      %get3A_630 = arith.index_cast %scan3A_60 : i32 to index
      %get3A_631 = arith.constant 496 : index
      %get3A_632 = tpu.vector_load %arg12[%get3A_630, %get3A_631] {strides = array<i32>} : memref<32x768xf32, #tpu.memory_space<vmem>>, vector<1x16xf32>,
      %get3A_633 = vector.shape_cast %get3A_632 : vector<1x16xf32> to vector<16xf32>
      %mul3A_634 = vector.broadcast %squeeze3A : f32 to vector<16xf32>
      %mul3A_635 = arith.mulf %mul3A_634, %get3A_633 : vector<16xf32>
      %get3A_636 = arith.index_cast %scan3A_60 : i32 to index
      %get3A_637 = arith.constant 496 : index
      %get3A_638 = tpu.vector_load %arg13[%get3A_636, %get3A_637] {strides = array<i32>} : memref<32x768xf32, #tpu.memory_space<vmem>>, vector<1x16xf32>,
      %get3A_639 = vector.shape_cast %get3A_638 : vector<1x16xf32> to vector<16xf32>
      %mul3A_640 = vector.broadcast %squeeze3A_72 : f32 to vector<16xf32>
      %mul3A_641 = arith.mulf %mul3A_640, %get3A_639 : vector<16xf32>
      %add3A_642 = arith.addf %mul3A_635, %mul3A_641 : vector<16xf32>
      %swap3A_643 = arith.index_cast %scan3A_60 : i32 to index
      %swap3A_644 = arith.constant 496 : index
      %swap3A_645 = tpu.vector_load %arg12[%swap3A_643, %swap3A_644] {strides = array<i32>} : memref<32x768xf32, #tpu.memory_space<vmem>>, vector<1x16xf32>,
      %swap3A_646 = vector.shape_cast %swap3A_645 : vector<1x16xf32> to vector<16xf32>
      %swap3A_647 = vector.shape_cast %add3A_642 : vector<16xf32> to vector<1x16xf32>
      tpu.vector_store %arg12[%swap3A_643, %swap3A_644], %swap3A_647 {strides = array<i32>} : memref<32x768xf32, #tpu.memory_space<vmem>>, vector<1x16xf32>,
      %get3A_648 = arith.index_cast %scan3A_60 : i32 to index
      %get3A_649 = arith.constant 512 : index
      %get3A_650 = tpu.vector_load %arg12[%get3A_648, %get3A_649] {strides = array<i32>} : memref<32x768xf32, #tpu.memory_space<vmem>>, vector<1x16xf32>,
      %get3A_651 = vector.shape_cast %get3A_650 : vector<1x16xf32> to vector<16xf32>
      %mul3A_652 = vector.broadcast %squeeze3A : f32 to vector<16xf32>
      %mul3A_653 = arith.mulf %mul3A_652, %get3A_651 : vector<16xf32>
      %get3A_654 = arith.index_cast %scan3A_60 : i32 to index
      %get3A_655 = arith.constant 512 : index
      %get3A_656 = tpu.vector_load %arg13[%get3A_654, %get3A_655] {strides = array<i32>} : memref<32x768xf32, #tpu.memory_space<vmem>>, vector<1x16xf32>,
      %get3A_657 = vector.shape_cast %get3A_656 : vector<1x16xf32> to vector<16xf32>
      %mul3A_658 = vector.broadcast %squeeze3A_72 : f32 to vector<16xf32>
      %mul3A_659 = arith.mulf %mul3A_658, %get3A_657 : vector<16xf32>
      %add3A_660 = arith.addf %mul3A_653, %mul3A_659 : vector<16xf32>
      %swap3A_661 = arith.index_cast %scan3A_60 : i32 to index
      %swap3A_662 = arith.constant 512 : index
      %swap3A_663 = tpu.vector_load %arg12[%swap3A_661, %swap3A_662] {strides = array<i32>} : memref<32x768xf32, #tpu.memory_space<vmem>>, vector<1x16xf32>,
      %swap3A_664 = vector.shape_cast %swap3A_663 : vector<1x16xf32> to vector<16xf32>
      %swap3A_665 = vector.shape_cast %add3A_660 : vector<16xf32> to vector<1x16xf32>
      tpu.vector_store %arg12[%swap3A_661, %swap3A_662], %swap3A_665 {strides = array<i32>} : memref<32x768xf32, #tpu.memory_space<vmem>>, vector<1x16xf32>,
      %get3A_666 = arith.index_cast %scan3A_60 : i32 to index
      %get3A_667 = arith.constant 528 : index
      %get3A_668 = tpu.vector_load %arg12[%get3A_666, %get3A_667] {strides = array<i32>} : memref<32x768xf32, #tpu.memory_space<vmem>>, vector<1x16xf32>,
      %get3A_669 = vector.shape_cast %get3A_668 : vector<1x16xf32> to vector<16xf32>
      %mul3A_670 = vector.broadcast %squeeze3A : f32 to vector<16xf32>
      %mul3A_671 = arith.mulf %mul3A_670, %get3A_669 : vector<16xf32>
      %get3A_672 = arith.index_cast %scan3A_60 : i32 to index
      %get3A_673 = arith.constant 528 : index
      %get3A_674 = tpu.vector_load %arg13[%get3A_672, %get3A_673] {strides = array<i32>} : memref<32x768xf32, #tpu.memory_space<vmem>>, vector<1x16xf32>,
      %get3A_675 = vector.shape_cast %get3A_674 : vector<1x16xf32> to vector<16xf32>
      %mul3A_676 = vector.broadcast %squeeze3A_72 : f32 to vector<16xf32>
      %mul3A_677 = arith.mulf %mul3A_676, %get3A_675 : vector<16xf32>
      %add3A_678 = arith.addf %mul3A_671, %mul3A_677 : vector<16xf32>
      %swap3A_679 = arith.index_cast %scan3A_60 : i32 to index
      %swap3A_680 = arith.constant 528 : index
      %swap3A_681 = tpu.vector_load %arg12[%swap3A_679, %swap3A_680] {strides = array<i32>} : memref<32x768xf32, #tpu.memory_space<vmem>>, vector<1x16xf32>,
      %swap3A_682 = vector.shape_cast %swap3A_681 : vector<1x16xf32> to vector<16xf32>
      %swap3A_683 = vector.shape_cast %add3A_678 : vector<16xf32> to vector<1x16xf32>
      tpu.vector_store %arg12[%swap3A_679, %swap3A_680], %swap3A_683 {strides = array<i32>} : memref<32x768xf32, #tpu.memory_space<vmem>>, vector<1x16xf32>,
      %get3A_684 = arith.index_cast %scan3A_60 : i32 to index
      %get3A_685 = arith.constant 544 : index
      %get3A_686 = tpu.vector_load %arg12[%get3A_684, %get3A_685] {strides = array<i32>} : memref<32x768xf32, #tpu.memory_space<vmem>>, vector<1x16xf32>,
      %get3A_687 = vector.shape_cast %get3A_686 : vector<1x16xf32> to vector<16xf32>
      %mul3A_688 = vector.broadcast %squeeze3A : f32 to vector<16xf32>
      %mul3A_689 = arith.mulf %mul3A_688, %get3A_687 : vector<16xf32>
      %get3A_690 = arith.index_cast %scan3A_60 : i32 to index
      %get3A_691 = arith.constant 544 : index
      %get3A_692 = tpu.vector_load %arg13[%get3A_690, %get3A_691] {strides = array<i32>} : memref<32x768xf32, #tpu.memory_space<vmem>>, vector<1x16xf32>,
      %get3A_693 = vector.shape_cast %get3A_692 : vector<1x16xf32> to vector<16xf32>
      %mul3A_694 = vector.broadcast %squeeze3A_72 : f32 to vector<16xf32>
      %mul3A_695 = arith.mulf %mul3A_694, %get3A_693 : vector<16xf32>
      %add3A_696 = arith.addf %mul3A_689, %mul3A_695 : vector<16xf32>
      %swap3A_697 = arith.index_cast %scan3A_60 : i32 to index
      %swap3A_698 = arith.constant 544 : index
      %swap3A_699 = tpu.vector_load %arg12[%swap3A_697, %swap3A_698] {strides = array<i32>} : memref<32x768xf32, #tpu.memory_space<vmem>>, vector<1x16xf32>,
      %swap3A_700 = vector.shape_cast %swap3A_699 : vector<1x16xf32> to vector<16xf32>
      %swap3A_701 = vector.shape_cast %add3A_696 : vector<16xf32> to vector<1x16xf32>
      tpu.vector_store %arg12[%swap3A_697, %swap3A_698], %swap3A_701 {strides = array<i32>} : memref<32x768xf32, #tpu.memory_space<vmem>>, vector<1x16xf32>,
      %get3A_702 = arith.index_cast %scan3A_60 : i32 to index
      %get3A_703 = arith.constant 560 : index
      %get3A_704 = tpu.vector_load %arg12[%get3A_702, %get3A_703] {strides = array<i32>} : memref<32x768xf32, #tpu.memory_space<vmem>>, vector<1x16xf32>,
      %get3A_705 = vector.shape_cast %get3A_704 : vector<1x16xf32> to vector<16xf32>
      %mul3A_706 = vector.broadcast %squeeze3A : f32 to vector<16xf32>
      %mul3A_707 = arith.mulf %mul3A_706, %get3A_705 : vector<16xf32>
      %get3A_708 = arith.index_cast %scan3A_60 : i32 to index
      %get3A_709 = arith.constant 560 : index
      %get3A_710 = tpu.vector_load %arg13[%get3A_708, %get3A_709] {strides = array<i32>} : memref<32x768xf32, #tpu.memory_space<vmem>>, vector<1x16xf32>,
      %get3A_711 = vector.shape_cast %get3A_710 : vector<1x16xf32> to vector<16xf32>
      %mul3A_712 = vector.broadcast %squeeze3A_72 : f32 to vector<16xf32>
      %mul3A_713 = arith.mulf %mul3A_712, %get3A_711 : vector<16xf32>
      %add3A_714 = arith.addf %mul3A_707, %mul3A_713 : vector<16xf32>
      %swap3A_715 = arith.index_cast %scan3A_60 : i32 to index
      %swap3A_716 = arith.constant 560 : index
      %swap3A_717 = tpu.vector_load %arg12[%swap3A_715, %swap3A_716] {strides = array<i32>} : memref<32x768xf32, #tpu.memory_space<vmem>>, vector<1x16xf32>,
      %swap3A_718 = vector.shape_cast %swap3A_717 : vector<1x16xf32> to vector<16xf32>
      %swap3A_719 = vector.shape_cast %add3A_714 : vector<16xf32> to vector<1x16xf32>
      tpu.vector_store %arg12[%swap3A_715, %swap3A_716], %swap3A_719 {strides = array<i32>} : memref<32x768xf32, #tpu.memory_space<vmem>>, vector<1x16xf32>,
      %get3A_720 = arith.index_cast %scan3A_60 : i32 to index
      %get3A_721 = arith.constant 576 : index
      %get3A_722 = tpu.vector_load %arg12[%get3A_720, %get3A_721] {strides = array<i32>} : memref<32x768xf32, #tpu.memory_space<vmem>>, vector<1x16xf32>,
      %get3A_723 = vector.shape_cast %get3A_722 : vector<1x16xf32> to vector<16xf32>
      %mul3A_724 = vector.broadcast %squeeze3A : f32 to vector<16xf32>
      %mul3A_725 = arith.mulf %mul3A_724, %get3A_723 : vector<16xf32>
      %get3A_726 = arith.index_cast %scan3A_60 : i32 to index
      %get3A_727 = arith.constant 576 : index
      %get3A_728 = tpu.vector_load %arg13[%get3A_726, %get3A_727] {strides = array<i32>} : memref<32x768xf32, #tpu.memory_space<vmem>>, vector<1x16xf32>,
      %get3A_729 = vector.shape_cast %get3A_728 : vector<1x16xf32> to vector<16xf32>
      %mul3A_730 = vector.broadcast %squeeze3A_72 : f32 to vector<16xf32>
      %mul3A_731 = arith.mulf %mul3A_730, %get3A_729 : vector<16xf32>
      %add3A_732 = arith.addf %mul3A_725, %mul3A_731 : vector<16xf32>
      %swap3A_733 = arith.index_cast %scan3A_60 : i32 to index
      %swap3A_734 = arith.constant 576 : index
      %swap3A_735 = tpu.vector_load %arg12[%swap3A_733, %swap3A_734] {strides = array<i32>} : memref<32x768xf32, #tpu.memory_space<vmem>>, vector<1x16xf32>,
      %swap3A_736 = vector.shape_cast %swap3A_735 : vector<1x16xf32> to vector<16xf32>
      %swap3A_737 = vector.shape_cast %add3A_732 : vector<16xf32> to vector<1x16xf32>
      tpu.vector_store %arg12[%swap3A_733, %swap3A_734], %swap3A_737 {strides = array<i32>} : memref<32x768xf32, #tpu.memory_space<vmem>>, vector<1x16xf32>,
      %get3A_738 = arith.index_cast %scan3A_60 : i32 to index
      %get3A_739 = arith.constant 592 : index
      %get3A_740 = tpu.vector_load %arg12[%get3A_738, %get3A_739] {strides = array<i32>} : memref<32x768xf32, #tpu.memory_space<vmem>>, vector<1x16xf32>,
      %get3A_741 = vector.shape_cast %get3A_740 : vector<1x16xf32> to vector<16xf32>
      %mul3A_742 = vector.broadcast %squeeze3A : f32 to vector<16xf32>
      %mul3A_743 = arith.mulf %mul3A_742, %get3A_741 : vector<16xf32>
      %get3A_744 = arith.index_cast %scan3A_60 : i32 to index
      %get3A_745 = arith.constant 592 : index
      %get3A_746 = tpu.vector_load %arg13[%get3A_744, %get3A_745] {strides = array<i32>} : memref<32x768xf32, #tpu.memory_space<vmem>>, vector<1x16xf32>,
      %get3A_747 = vector.shape_cast %get3A_746 : vector<1x16xf32> to vector<16xf32>
      %mul3A_748 = vector.broadcast %squeeze3A_72 : f32 to vector<16xf32>
      %mul3A_749 = arith.mulf %mul3A_748, %get3A_747 : vector<16xf32>
      %add3A_750 = arith.addf %mul3A_743, %mul3A_749 : vector<16xf32>
      %swap3A_751 = arith.index_cast %scan3A_60 : i32 to index
      %swap3A_752 = arith.constant 592 : index
      %swap3A_753 = tpu.vector_load %arg12[%swap3A_751, %swap3A_752] {strides = array<i32>} : memref<32x768xf32, #tpu.memory_space<vmem>>, vector<1x16xf32>,
      %swap3A_754 = vector.shape_cast %swap3A_753 : vector<1x16xf32> to vector<16xf32>
      %swap3A_755 = vector.shape_cast %add3A_750 : vector<16xf32> to vector<1x16xf32>
      tpu.vector_store %arg12[%swap3A_751, %swap3A_752], %swap3A_755 {strides = array<i32>} : memref<32x768xf32, #tpu.memory_space<vmem>>, vector<1x16xf32>,
      %get3A_756 = arith.index_cast %scan3A_60 : i32 to index
      %get3A_757 = arith.constant 608 : index
      %get3A_758 = tpu.vector_load %arg12[%get3A_756, %get3A_757] {strides = array<i32>} : memref<32x768xf32, #tpu.memory_space<vmem>>, vector<1x16xf32>,
      %get3A_759 = vector.shape_cast %get3A_758 : vector<1x16xf32> to vector<16xf32>
      %mul3A_760 = vector.broadcast %squeeze3A : f32 to vector<16xf32>
      %mul3A_761 = arith.mulf %mul3A_760, %get3A_759 : vector<16xf32>
      %get3A_762 = arith.index_cast %scan3A_60 : i32 to index
      %get3A_763 = arith.constant 608 : index
      %get3A_764 = tpu.vector_load %arg13[%get3A_762, %get3A_763] {strides = array<i32>} : memref<32x768xf32, #tpu.memory_space<vmem>>, vector<1x16xf32>,
      %get3A_765 = vector.shape_cast %get3A_764 : vector<1x16xf32> to vector<16xf32>
      %mul3A_766 = vector.broadcast %squeeze3A_72 : f32 to vector<16xf32>
      %mul3A_767 = arith.mulf %mul3A_766, %get3A_765 : vector<16xf32>
      %add3A_768 = arith.addf %mul3A_761, %mul3A_767 : vector<16xf32>
      %swap3A_769 = arith.index_cast %scan3A_60 : i32 to index
      %swap3A_770 = arith.constant 608 : index
      %swap3A_771 = tpu.vector_load %arg12[%swap3A_769, %swap3A_770] {strides = array<i32>} : memref<32x768xf32, #tpu.memory_space<vmem>>, vector<1x16xf32>,
      %swap3A_772 = vector.shape_cast %swap3A_771 : vector<1x16xf32> to vector<16xf32>
      %swap3A_773 = vector.shape_cast %add3A_768 : vector<16xf32> to vector<1x16xf32>
      tpu.vector_store %arg12[%swap3A_769, %swap3A_770], %swap3A_773 {strides = array<i32>} : memref<32x768xf32, #tpu.memory_space<vmem>>, vector<1x16xf32>,
      %get3A_774 = arith.index_cast %scan3A_60 : i32 to index
      %get3A_775 = arith.constant 624 : index
      %get3A_776 = tpu.vector_load %arg12[%get3A_774, %get3A_775] {strides = array<i32>} : memref<32x768xf32, #tpu.memory_space<vmem>>, vector<1x16xf32>,
      %get3A_777 = vector.shape_cast %get3A_776 : vector<1x16xf32> to vector<16xf32>
      %mul3A_778 = vector.broadcast %squeeze3A : f32 to vector<16xf32>
      %mul3A_779 = arith.mulf %mul3A_778, %get3A_777 : vector<16xf32>
      %get3A_780 = arith.index_cast %scan3A_60 : i32 to index
      %get3A_781 = arith.constant 624 : index
      %get3A_782 = tpu.vector_load %arg13[%get3A_780, %get3A_781] {strides = array<i32>} : memref<32x768xf32, #tpu.memory_space<vmem>>, vector<1x16xf32>,
      %get3A_783 = vector.shape_cast %get3A_782 : vector<1x16xf32> to vector<16xf32>
      %mul3A_784 = vector.broadcast %squeeze3A_72 : f32 to vector<16xf32>
      %mul3A_785 = arith.mulf %mul3A_784, %get3A_783 : vector<16xf32>
      %add3A_786 = arith.addf %mul3A_779, %mul3A_785 : vector<16xf32>
      %swap3A_787 = arith.index_cast %scan3A_60 : i32 to index
      %swap3A_788 = arith.constant 624 : index
      %swap3A_789 = tpu.vector_load %arg12[%swap3A_787, %swap3A_788] {strides = array<i32>} : memref<32x768xf32, #tpu.memory_space<vmem>>, vector<1x16xf32>,
      %swap3A_790 = vector.shape_cast %swap3A_789 : vector<1x16xf32> to vector<16xf32>
      %swap3A_791 = vector.shape_cast %add3A_786 : vector<16xf32> to vector<1x16xf32>
      tpu.vector_store %arg12[%swap3A_787, %swap3A_788], %swap3A_791 {strides = array<i32>} : memref<32x768xf32, #tpu.memory_space<vmem>>, vector<1x16xf32>,
      %get3A_792 = arith.index_cast %scan3A_60 : i32 to index
      %get3A_793 = arith.constant 640 : index
      %get3A_794 = tpu.vector_load %arg12[%get3A_792, %get3A_793] {strides = array<i32>} : memref<32x768xf32, #tpu.memory_space<vmem>>, vector<1x16xf32>,
      %get3A_795 = vector.shape_cast %get3A_794 : vector<1x16xf32> to vector<16xf32>
      %mul3A_796 = vector.broadcast %squeeze3A : f32 to vector<16xf32>
      %mul3A_797 = arith.mulf %mul3A_796, %get3A_795 : vector<16xf32>
      %get3A_798 = arith.index_cast %scan3A_60 : i32 to index
      %get3A_799 = arith.constant 640 : index
      %get3A_800 = tpu.vector_load %arg13[%get3A_798, %get3A_799] {strides = array<i32>} : memref<32x768xf32, #tpu.memory_space<vmem>>, vector<1x16xf32>,
      %get3A_801 = vector.shape_cast %get3A_800 : vector<1x16xf32> to vector<16xf32>
      %mul3A_802 = vector.broadcast %squeeze3A_72 : f32 to vector<16xf32>
      %mul3A_803 = arith.mulf %mul3A_802, %get3A_801 : vector<16xf32>
      %add3A_804 = arith.addf %mul3A_797, %mul3A_803 : vector<16xf32>
      %swap3A_805 = arith.index_cast %scan3A_60 : i32 to index
      %swap3A_806 = arith.constant 640 : index
      %swap3A_807 = tpu.vector_load %arg12[%swap3A_805, %swap3A_806] {strides = array<i32>} : memref<32x768xf32, #tpu.memory_space<vmem>>, vector<1x16xf32>,
      %swap3A_808 = vector.shape_cast %swap3A_807 : vector<1x16xf32> to vector<16xf32>
      %swap3A_809 = vector.shape_cast %add3A_804 : vector<16xf32> to vector<1x16xf32>
      tpu.vector_store %arg12[%swap3A_805, %swap3A_806], %swap3A_809 {strides = array<i32>} : memref<32x768xf32, #tpu.memory_space<vmem>>, vector<1x16xf32>,
      %get3A_810 = arith.index_cast %scan3A_60 : i32 to index
      %get3A_811 = arith.constant 656 : index
      %get3A_812 = tpu.vector_load %arg12[%get3A_810, %get3A_811] {strides = array<i32>} : memref<32x768xf32, #tpu.memory_space<vmem>>, vector<1x16xf32>,
      %get3A_813 = vector.shape_cast %get3A_812 : vector<1x16xf32> to vector<16xf32>
      %mul3A_814 = vector.broadcast %squeeze3A : f32 to vector<16xf32>
      %mul3A_815 = arith.mulf %mul3A_814, %get3A_813 : vector<16xf32>
      %get3A_816 = arith.index_cast %scan3A_60 : i32 to index
      %get3A_817 = arith.constant 656 : index
      %get3A_818 = tpu.vector_load %arg13[%get3A_816, %get3A_817] {strides = array<i32>} : memref<32x768xf32, #tpu.memory_space<vmem>>, vector<1x16xf32>,
      %get3A_819 = vector.shape_cast %get3A_818 : vector<1x16xf32> to vector<16xf32>
      %mul3A_820 = vector.broadcast %squeeze3A_72 : f32 to vector<16xf32>
      %mul3A_821 = arith.mulf %mul3A_820, %get3A_819 : vector<16xf32>
      %add3A_822 = arith.addf %mul3A_815, %mul3A_821 : vector<16xf32>
      %swap3A_823 = arith.index_cast %scan3A_60 : i32 to index
      %swap3A_824 = arith.constant 656 : index
      %swap3A_825 = tpu.vector_load %arg12[%swap3A_823, %swap3A_824] {strides = array<i32>} : memref<32x768xf32, #tpu.memory_space<vmem>>, vector<1x16xf32>,
      %swap3A_826 = vector.shape_cast %swap3A_825 : vector<1x16xf32> to vector<16xf32>
      %swap3A_827 = vector.shape_cast %add3A_822 : vector<16xf32> to vector<1x16xf32>
      tpu.vector_store %arg12[%swap3A_823, %swap3A_824], %swap3A_827 {strides = array<i32>} : memref<32x768xf32, #tpu.memory_space<vmem>>, vector<1x16xf32>,
      %get3A_828 = arith.index_cast %scan3A_60 : i32 to index
      %get3A_829 = arith.constant 672 : index
      %get3A_830 = tpu.vector_load %arg12[%get3A_828, %get3A_829] {strides = array<i32>} : memref<32x768xf32, #tpu.memory_space<vmem>>, vector<1x16xf32>,
      %get3A_831 = vector.shape_cast %get3A_830 : vector<1x16xf32> to vector<16xf32>
      %mul3A_832 = vector.broadcast %squeeze3A : f32 to vector<16xf32>
      %mul3A_833 = arith.mulf %mul3A_832, %get3A_831 : vector<16xf32>
      %get3A_834 = arith.index_cast %scan3A_60 : i32 to index
      %get3A_835 = arith.constant 672 : index
      %get3A_836 = tpu.vector_load %arg13[%get3A_834, %get3A_835] {strides = array<i32>} : memref<32x768xf32, #tpu.memory_space<vmem>>, vector<1x16xf32>,
      %get3A_837 = vector.shape_cast %get3A_836 : vector<1x16xf32> to vector<16xf32>
      %mul3A_838 = vector.broadcast %squeeze3A_72 : f32 to vector<16xf32>
      %mul3A_839 = arith.mulf %mul3A_838, %get3A_837 : vector<16xf32>
      %add3A_840 = arith.addf %mul3A_833, %mul3A_839 : vector<16xf32>
      %swap3A_841 = arith.index_cast %scan3A_60 : i32 to index
      %swap3A_842 = arith.constant 672 : index
      %swap3A_843 = tpu.vector_load %arg12[%swap3A_841, %swap3A_842] {strides = array<i32>} : memref<32x768xf32, #tpu.memory_space<vmem>>, vector<1x16xf32>,
      %swap3A_844 = vector.shape_cast %swap3A_843 : vector<1x16xf32> to vector<16xf32>
      %swap3A_845 = vector.shape_cast %add3A_840 : vector<16xf32> to vector<1x16xf32>
      tpu.vector_store %arg12[%swap3A_841, %swap3A_842], %swap3A_845 {strides = array<i32>} : memref<32x768xf32, #tpu.memory_space<vmem>>, vector<1x16xf32>,
      %get3A_846 = arith.index_cast %scan3A_60 : i32 to index
      %get3A_847 = arith.constant 688 : index
      %get3A_848 = tpu.vector_load %arg12[%get3A_846, %get3A_847] {strides = array<i32>} : memref<32x768xf32, #tpu.memory_space<vmem>>, vector<1x16xf32>,
      %get3A_849 = vector.shape_cast %get3A_848 : vector<1x16xf32> to vector<16xf32>
      %mul3A_850 = vector.broadcast %squeeze3A : f32 to vector<16xf32>
      %mul3A_851 = arith.mulf %mul3A_850, %get3A_849 : vector<16xf32>
      %get3A_852 = arith.index_cast %scan3A_60 : i32 to index
      %get3A_853 = arith.constant 688 : index
      %get3A_854 = tpu.vector_load %arg13[%get3A_852, %get3A_853] {strides = array<i32>} : memref<32x768xf32, #tpu.memory_space<vmem>>, vector<1x16xf32>,
      %get3A_855 = vector.shape_cast %get3A_854 : vector<1x16xf32> to vector<16xf32>
      %mul3A_856 = vector.broadcast %squeeze3A_72 : f32 to vector<16xf32>
      %mul3A_857 = arith.mulf %mul3A_856, %get3A_855 : vector<16xf32>
      %add3A_858 = arith.addf %mul3A_851, %mul3A_857 : vector<16xf32>
      %swap3A_859 = arith.index_cast %scan3A_60 : i32 to index
      %swap3A_860 = arith.constant 688 : index
      %swap3A_861 = tpu.vector_load %arg12[%swap3A_859, %swap3A_860] {strides = array<i32>} : memref<32x768xf32, #tpu.memory_space<vmem>>, vector<1x16xf32>,
      %swap3A_862 = vector.shape_cast %swap3A_861 : vector<1x16xf32> to vector<16xf32>
      %swap3A_863 = vector.shape_cast %add3A_858 : vector<16xf32> to vector<1x16xf32>
      tpu.vector_store %arg12[%swap3A_859, %swap3A_860], %swap3A_863 {strides = array<i32>} : memref<32x768xf32, #tpu.memory_space<vmem>>, vector<1x16xf32>,
      %get3A_864 = arith.index_cast %scan3A_60 : i32 to index
      %get3A_865 = arith.constant 704 : index
      %get3A_866 = tpu.vector_load %arg12[%get3A_864, %get3A_865] {strides = array<i32>} : memref<32x768xf32, #tpu.memory_space<vmem>>, vector<1x16xf32>,
      %get3A_867 = vector.shape_cast %get3A_866 : vector<1x16xf32> to vector<16xf32>
      %mul3A_868 = vector.broadcast %squeeze3A : f32 to vector<16xf32>
      %mul3A_869 = arith.mulf %mul3A_868, %get3A_867 : vector<16xf32>
      %get3A_870 = arith.index_cast %scan3A_60 : i32 to index
      %get3A_871 = arith.constant 704 : index
      %get3A_872 = tpu.vector_load %arg13[%get3A_870, %get3A_871] {strides = array<i32>} : memref<32x768xf32, #tpu.memory_space<vmem>>, vector<1x16xf32>,
      %get3A_873 = vector.shape_cast %get3A_872 : vector<1x16xf32> to vector<16xf32>
      %mul3A_874 = vector.broadcast %squeeze3A_72 : f32 to vector<16xf32>
      %mul3A_875 = arith.mulf %mul3A_874, %get3A_873 : vector<16xf32>
      %add3A_876 = arith.addf %mul3A_869, %mul3A_875 : vector<16xf32>
      %swap3A_877 = arith.index_cast %scan3A_60 : i32 to index
      %swap3A_878 = arith.constant 704 : index
      %swap3A_879 = tpu.vector_load %arg12[%swap3A_877, %swap3A_878] {strides = array<i32>} : memref<32x768xf32, #tpu.memory_space<vmem>>, vector<1x16xf32>,
      %swap3A_880 = vector.shape_cast %swap3A_879 : vector<1x16xf32> to vector<16xf32>
      %swap3A_881 = vector.shape_cast %add3A_876 : vector<16xf32> to vector<1x16xf32>
      tpu.vector_store %arg12[%swap3A_877, %swap3A_878], %swap3A_881 {strides = array<i32>} : memref<32x768xf32, #tpu.memory_space<vmem>>, vector<1x16xf32>,
      %get3A_882 = arith.index_cast %scan3A_60 : i32 to index
      %get3A_883 = arith.constant 720 : index
      %get3A_884 = tpu.vector_load %arg12[%get3A_882, %get3A_883] {strides = array<i32>} : memref<32x768xf32, #tpu.memory_space<vmem>>, vector<1x16xf32>,
      %get3A_885 = vector.shape_cast %get3A_884 : vector<1x16xf32> to vector<16xf32>
      %mul3A_886 = vector.broadcast %squeeze3A : f32 to vector<16xf32>
      %mul3A_887 = arith.mulf %mul3A_886, %get3A_885 : vector<16xf32>
      %get3A_888 = arith.index_cast %scan3A_60 : i32 to index
      %get3A_889 = arith.constant 720 : index
      %get3A_890 = tpu.vector_load %arg13[%get3A_888, %get3A_889] {strides = array<i32>} : memref<32x768xf32, #tpu.memory_space<vmem>>, vector<1x16xf32>,
      %get3A_891 = vector.shape_cast %get3A_890 : vector<1x16xf32> to vector<16xf32>
      %mul3A_892 = vector.broadcast %squeeze3A_72 : f32 to vector<16xf32>
      %mul3A_893 = arith.mulf %mul3A_892, %get3A_891 : vector<16xf32>
      %add3A_894 = arith.addf %mul3A_887, %mul3A_893 : vector<16xf32>
      %swap3A_895 = arith.index_cast %scan3A_60 : i32 to index
      %swap3A_896 = arith.constant 720 : index
      %swap3A_897 = tpu.vector_load %arg12[%swap3A_895, %swap3A_896] {strides = array<i32>} : memref<32x768xf32, #tpu.memory_space<vmem>>, vector<1x16xf32>,
      %swap3A_898 = vector.shape_cast %swap3A_897 : vector<1x16xf32> to vector<16xf32>
      %swap3A_899 = vector.shape_cast %add3A_894 : vector<16xf32> to vector<1x16xf32>
      tpu.vector_store %arg12[%swap3A_895, %swap3A_896], %swap3A_899 {strides = array<i32>} : memref<32x768xf32, #tpu.memory_space<vmem>>, vector<1x16xf32>,
      %get3A_900 = arith.index_cast %scan3A_60 : i32 to index
      %get3A_901 = arith.constant 736 : index
      %get3A_902 = tpu.vector_load %arg12[%get3A_900, %get3A_901] {strides = array<i32>} : memref<32x768xf32, #tpu.memory_space<vmem>>, vector<1x16xf32>,
      %get3A_903 = vector.shape_cast %get3A_902 : vector<1x16xf32> to vector<16xf32>
      %mul3A_904 = vector.broadcast %squeeze3A : f32 to vector<16xf32>
      %mul3A_905 = arith.mulf %mul3A_904, %get3A_903 : vector<16xf32>
      %get3A_906 = arith.index_cast %scan3A_60 : i32 to index
      %get3A_907 = arith.constant 736 : index
      %get3A_908 = tpu.vector_load %arg13[%get3A_906, %get3A_907] {strides = array<i32>} : memref<32x768xf32, #tpu.memory_space<vmem>>, vector<1x16xf32>,
      %get3A_909 = vector.shape_cast %get3A_908 : vector<1x16xf32> to vector<16xf32>
      %mul3A_910 = vector.broadcast %squeeze3A_72 : f32 to vector<16xf32>
      %mul3A_911 = arith.mulf %mul3A_910, %get3A_909 : vector<16xf32>
      %add3A_912 = arith.addf %mul3A_905, %mul3A_911 : vector<16xf32>
      %swap3A_913 = arith.index_cast %scan3A_60 : i32 to index
      %swap3A_914 = arith.constant 736 : index
      %swap3A_915 = tpu.vector_load %arg12[%swap3A_913, %swap3A_914] {strides = array<i32>} : memref<32x768xf32, #tpu.memory_space<vmem>>, vector<1x16xf32>,
      %swap3A_916 = vector.shape_cast %swap3A_915 : vector<1x16xf32> to vector<16xf32>
      %swap3A_917 = vector.shape_cast %add3A_912 : vector<16xf32> to vector<1x16xf32>
      tpu.vector_store %arg12[%swap3A_913, %swap3A_914], %swap3A_917 {strides = array<i32>} : memref<32x768xf32, #tpu.memory_space<vmem>>, vector<1x16xf32>,
      %get3A_918 = arith.index_cast %scan3A_60 : i32 to index
      %get3A_919 = arith.constant 752 : index
      %get3A_920 = tpu.vector_load %arg12[%get3A_918, %get3A_919] {strides = array<i32>} : memref<32x768xf32, #tpu.memory_space<vmem>>, vector<1x16xf32>,
      %get3A_921 = vector.shape_cast %get3A_920 : vector<1x16xf32> to vector<16xf32>
      %mul3A_922 = vector.broadcast %squeeze3A : f32 to vector<16xf32>
      %mul3A_923 = arith.mulf %mul3A_922, %get3A_921 : vector<16xf32>
      %get3A_924 = arith.index_cast %scan3A_60 : i32 to index
      %get3A_925 = arith.constant 752 : index
      %get3A_926 = tpu.vector_load %arg13[%get3A_924, %get3A_925] {strides = array<i32>} : memref<32x768xf32, #tpu.memory_space<vmem>>, vector<1x16xf32>,
      %get3A_927 = vector.shape_cast %get3A_926 : vector<1x16xf32> to vector<16xf32>
      %mul3A_928 = vector.broadcast %squeeze3A_72 : f32 to vector<16xf32>
      %mul3A_929 = arith.mulf %mul3A_928, %get3A_927 : vector<16xf32>
      %add3A_930 = arith.addf %mul3A_923, %mul3A_929 : vector<16xf32>
      %swap3A_931 = arith.index_cast %scan3A_60 : i32 to index
      %swap3A_932 = arith.constant 752 : index
      %swap3A_933 = tpu.vector_load %arg12[%swap3A_931, %swap3A_932] {strides = array<i32>} : memref<32x768xf32, #tpu.memory_space<vmem>>, vector<1x16xf32>,
      %swap3A_934 = vector.shape_cast %swap3A_933 : vector<1x16xf32> to vector<16xf32>
      %swap3A_935 = vector.shape_cast %add3A_930 : vector<16xf32> to vector<1x16xf32>
      tpu.vector_store %arg12[%swap3A_931, %swap3A_932], %swap3A_935 {strides = array<i32>} : memref<32x768xf32, #tpu.memory_space<vmem>>, vector<1x16xf32>,
      %scan3A_936 = arith.constant 0 : i32
      scf.yield %scan3A_936 : i32
    }
    %scan3A_36 = arith.constant 32 : i32
    %add3A_37 = arith.constant 0 : i32
    %add3A_38 = arith.addi %multiple_of3A, %add3A_37 : i32
    %multiple_of3A_39 = tpu.assume_multiple %add3A_38, 32 : i32
    "tpu.region"() ({
      %run_scoped3A = tpu.sem_alloc : memref<!tpu.dma_semaphore, #tpu.memory_space<semaphore_mem>>
      %dma_start3A_60 = arith.constant 0 : i32
      %dma_start3A_61 = tpu.memref_slice %arg7[%multiple_of3A_39, %dma_start3A_60] : memref<2048x768xf32, #tpu.memory_space<hbm>> -> memref<32x768xf32, #tpu.memory_space<hbm>>
      %dma_start3A_62 = arith.constant 0 : i32
      %dma_start3A_63 = tpu.memref_slice %arg7[%multiple_of3A_39, %dma_start3A_62] : memref<2048x768xf32, #tpu.memory_space<hbm>> -> memref<32x768xf32, #tpu.memory_space<hbm>>
      tpu.enqueue_dma source(%arg12 : memref<32x768xf32, #tpu.memory_space<vmem>>) target(%dma_start3A_63 : memref<32x768xf32, #tpu.memory_space<hbm>>) target_semaphore(%run_scoped3A : memref<!tpu.dma_semaphore, #tpu.memory_space<semaphore_mem>>)
      %dma_wait3A_64 = arith.constant 0 : i32
      %dma_wait3A_65 = tpu.memref_slice %arg7[%multiple_of3A_39, %dma_wait3A_64] : memref<2048x768xf32, #tpu.memory_space<hbm>> -> memref<32x768xf32, #tpu.memory_space<hbm>>
      %dma_wait3A_66 = arith.constant 0 : i32
      %dma_wait3A_67 = tpu.memref_slice %arg7[%multiple_of3A_39, %dma_wait3A_66] : memref<2048x768xf32, #tpu.memory_space<hbm>> -> memref<32x768xf32, #tpu.memory_space<hbm>>
      tpu.wait_dma2 semaphore(%run_scoped3A : memref<!tpu.dma_semaphore, #tpu.memory_space<semaphore_mem>>) src(%arg12 : memref<32x768xf32, #tpu.memory_space<vmem>>) dst(%dma_wait3A_67 : memref<32x768xf32, #tpu.memory_space<hbm>>)
      tpu.yield
    }) : () -> ()
    %dma_wait3A_40 = arith.constant 32 : i32
    %dma_wait3A_41 = tpu.memref_slice %arg8[%dma_wait3A_40] : memref<64xi32, #tpu.memory_space<vmem>> -> memref<32xi32, #tpu.memory_space<vmem>>
    %dma_wait3A_42 = arith.constant 0 : i32
    %dma_wait3A_43 = arith.constant 0 : i32
    %dma_wait3A_44 = tpu.memref_slice %arg2[%dma_wait3A_42, %dma_wait3A_43] : memref<12288x768xf32, #tpu.memory_space<hbm>> -> memref<12288x768xf32, #tpu.memory_space<hbm>>
    tpu.wait_indirect_dma semaphore(%arg17 : memref<!tpu.dma_semaphore, #tpu.memory_space<semaphore_mem>>) src(%dma_wait3A_44 : memref<12288x768xf32, #tpu.memory_space<hbm>>) dst(%arg14 : memref<32x768xf32, #tpu.memory_space<vmem>>)
    %dma_wait3A_45 = arith.constant 32 : i32
    %dma_wait3A_46 = tpu.memref_slice %arg9[%dma_wait3A_45] : memref<64xi32, #tpu.memory_space<vmem>> -> memref<32xi32, #tpu.memory_space<vmem>>
    %dma_wait3A_47 = arith.constant 0 : i32
    %dma_wait3A_48 = arith.constant 0 : i32
    %dma_wait3A_49 = tpu.memref_slice %arg2[%dma_wait3A_47, %dma_wait3A_48] : memref<12288x768xf32, #tpu.memory_space<hbm>> -> memref<12288x768xf32, #tpu.memory_space<hbm>>
    tpu.wait_indirect_dma semaphore(%arg17 : memref<!tpu.dma_semaphore, #tpu.memory_space<semaphore_mem>>) src(%dma_wait3A_49 : memref<12288x768xf32, #tpu.memory_space<hbm>>) dst(%arg15 : memref<32x768xf32, #tpu.memory_space<vmem>>)
    %scan3A_50 = arith.constant 0 : i32
    %scan3A_51 = arith.constant 0 : i32
    %scan3A_52 = arith.constant 32 : i32
    %scan3A_53 = arith.addi %scan3A_51, %scan3A_52 : i32
    %scan3A_54 = arith.constant 1 : i32
    %scan3A_55 = scf.for %scan3A_60 = %scan3A_51 to %scan3A_53 step %scan3A_54 iter_args(%scan3A_61 = %scan3A_50) -> (i32)  : i32 {
      %add3A_62 = arith.constant 32 : i32
      %add3A_63 = arith.addi %add3A_62, %scan3A_60 : i32
      %get3A = arith.index_cast %add3A_63 : i32 to index
      %get3A_64 = tpu.vector_load %arg10[%get3A] {strides = array<i32>} : memref<80xf32, #tpu.memory_space<vmem>>, vector<16xf32>,
      %get3A_65 = vector.shape_cast %get3A_64 : vector<16xf32> to vector<16xf32>
      %slice3A = vector.extract_strided_slice %get3A_65 {offsets = [0], sizes = [1], strides = [1]} : vector<16xf32> to vector<1xf32>
      %squeeze3A = vector.extract %slice3A[0] : f32 from vector<1xf32>
      %add3A_66 = arith.constant 32 : i32
      %add3A_67 = arith.addi %add3A_66, %scan3A_60 : i32
      %get3A_68 = arith.index_cast %add3A_67 : i32 to index
      %get3A_69 = tpu.vector_load %arg11[%get3A_68] {strides = array<i32>} : memref<80xf32, #tpu.memory_space<vmem>>, vector<16xf32>,
      %get3A_70 = vector.shape_cast %get3A_69 : vector<16xf32> to vector<16xf32>
      %slice3A_71 = vector.extract_strided_slice %get3A_70 {offsets = [0], sizes = [1], strides = [1]} : vector<16xf32> to vector<1xf32>
      %squeeze3A_72 = vector.extract %slice3A_71[0] : f32 from vector<1xf32>
      %get3A_73 = arith.index_cast %scan3A_60 : i32 to index
      %get3A_74 = arith.constant 0 : index
      %get3A_75 = tpu.vector_load %arg14[%get3A_73, %get3A_74] {strides = array<i32>} : memref<32x768xf32, #tpu.memory_space<vmem>>, vector<1x16xf32>,
      %get3A_76 = vector.shape_cast %get3A_75 : vector<1x16xf32> to vector<16xf32>
      %mul3A_77 = vector.broadcast %squeeze3A : f32 to vector<16xf32>
      %mul3A_78 = arith.mulf %mul3A_77, %get3A_76 : vector<16xf32>
      %get3A_79 = arith.index_cast %scan3A_60 : i32 to index
      %get3A_80 = arith.constant 0 : index
      %get3A_81 = tpu.vector_load %arg15[%get3A_79, %get3A_80] {strides = array<i32>} : memref<32x768xf32, #tpu.memory_space<vmem>>, vector<1x16xf32>,
      %get3A_82 = vector.shape_cast %get3A_81 : vector<1x16xf32> to vector<16xf32>
      %mul3A_83 = vector.broadcast %squeeze3A_72 : f32 to vector<16xf32>
      %mul3A_84 = arith.mulf %mul3A_83, %get3A_82 : vector<16xf32>
      %add3A_85 = arith.addf %mul3A_78, %mul3A_84 : vector<16xf32>
      %swap3A = arith.index_cast %scan3A_60 : i32 to index
      %swap3A_86 = arith.constant 0 : index
      %swap3A_87 = tpu.vector_load %arg14[%swap3A, %swap3A_86] {strides = array<i32>} : memref<32x768xf32, #tpu.memory_space<vmem>>, vector<1x16xf32>,
      %swap3A_88 = vector.shape_cast %swap3A_87 : vector<1x16xf32> to vector<16xf32>
      %swap3A_89 = vector.shape_cast %add3A_85 : vector<16xf32> to vector<1x16xf32>
      tpu.vector_store %arg14[%swap3A, %swap3A_86], %swap3A_89 {strides = array<i32>} : memref<32x768xf32, #tpu.memory_space<vmem>>, vector<1x16xf32>,
      %get3A_90 = arith.index_cast %scan3A_60 : i32 to index
      %get3A_91 = arith.constant 16 : index
      %get3A_92 = tpu.vector_load %arg14[%get3A_90, %get3A_91] {strides = array<i32>} : memref<32x768xf32, #tpu.memory_space<vmem>>, vector<1x16xf32>,
      %get3A_93 = vector.shape_cast %get3A_92 : vector<1x16xf32> to vector<16xf32>
      %mul3A_94 = vector.broadcast %squeeze3A : f32 to vector<16xf32>
      %mul3A_95 = arith.mulf %mul3A_94, %get3A_93 : vector<16xf32>
      %get3A_96 = arith.index_cast %scan3A_60 : i32 to index
      %get3A_97 = arith.constant 16 : index
      %get3A_98 = tpu.vector_load %arg15[%get3A_96, %get3A_97] {strides = array<i32>} : memref<32x768xf32, #tpu.memory_space<vmem>>, vector<1x16xf32>,
      %get3A_99 = vector.shape_cast %get3A_98 : vector<1x16xf32> to vector<16xf32>
      %mul3A_100 = vector.broadcast %squeeze3A_72 : f32 to vector<16xf32>
      %mul3A_101 = arith.mulf %mul3A_100, %get3A_99 : vector<16xf32>
      %add3A_102 = arith.addf %mul3A_95, %mul3A_101 : vector<16xf32>
      %swap3A_103 = arith.index_cast %scan3A_60 : i32 to index
      %swap3A_104 = arith.constant 16 : index
      %swap3A_105 = tpu.vector_load %arg14[%swap3A_103, %swap3A_104] {strides = array<i32>} : memref<32x768xf32, #tpu.memory_space<vmem>>, vector<1x16xf32>,
      %swap3A_106 = vector.shape_cast %swap3A_105 : vector<1x16xf32> to vector<16xf32>
      %swap3A_107 = vector.shape_cast %add3A_102 : vector<16xf32> to vector<1x16xf32>
      tpu.vector_store %arg14[%swap3A_103, %swap3A_104], %swap3A_107 {strides = array<i32>} : memref<32x768xf32, #tpu.memory_space<vmem>>, vector<1x16xf32>,
      %get3A_108 = arith.index_cast %scan3A_60 : i32 to index
      %get3A_109 = arith.constant 32 : index
      %get3A_110 = tpu.vector_load %arg14[%get3A_108, %get3A_109] {strides = array<i32>} : memref<32x768xf32, #tpu.memory_space<vmem>>, vector<1x16xf32>,
      %get3A_111 = vector.shape_cast %get3A_110 : vector<1x16xf32> to vector<16xf32>
      %mul3A_112 = vector.broadcast %squeeze3A : f32 to vector<16xf32>
      %mul3A_113 = arith.mulf %mul3A_112, %get3A_111 : vector<16xf32>
      %get3A_114 = arith.index_cast %scan3A_60 : i32 to index
      %get3A_115 = arith.constant 32 : index
      %get3A_116 = tpu.vector_load %arg15[%get3A_114, %get3A_115] {strides = array<i32>} : memref<32x768xf32, #tpu.memory_space<vmem>>, vector<1x16xf32>,
      %get3A_117 = vector.shape_cast %get3A_116 : vector<1x16xf32> to vector<16xf32>
      %mul3A_118 = vector.broadcast %squeeze3A_72 : f32 to vector<16xf32>
      %mul3A_119 = arith.mulf %mul3A_118, %get3A_117 : vector<16xf32>
      %add3A_120 = arith.addf %mul3A_113, %mul3A_119 : vector<16xf32>
      %swap3A_121 = arith.index_cast %scan3A_60 : i32 to index
      %swap3A_122 = arith.constant 32 : index
      %swap3A_123 = tpu.vector_load %arg14[%swap3A_121, %swap3A_122] {strides = array<i32>} : memref<32x768xf32, #tpu.memory_space<vmem>>, vector<1x16xf32>,
      %swap3A_124 = vector.shape_cast %swap3A_123 : vector<1x16xf32> to vector<16xf32>
      %swap3A_125 = vector.shape_cast %add3A_120 : vector<16xf32> to vector<1x16xf32>
      tpu.vector_store %arg14[%swap3A_121, %swap3A_122], %swap3A_125 {strides = array<i32>} : memref<32x768xf32, #tpu.memory_space<vmem>>, vector<1x16xf32>,
      %get3A_126 = arith.index_cast %scan3A_60 : i32 to index
      %get3A_127 = arith.constant 48 : index
      %get3A_128 = tpu.vector_load %arg14[%get3A_126, %get3A_127] {strides = array<i32>} : memref<32x768xf32, #tpu.memory_space<vmem>>, vector<1x16xf32>,
      %get3A_129 = vector.shape_cast %get3A_128 : vector<1x16xf32> to vector<16xf32>
      %mul3A_130 = vector.broadcast %squeeze3A : f32 to vector<16xf32>
      %mul3A_131 = arith.mulf %mul3A_130, %get3A_129 : vector<16xf32>
      %get3A_132 = arith.index_cast %scan3A_60 : i32 to index
      %get3A_133 = arith.constant 48 : index
      %get3A_134 = tpu.vector_load %arg15[%get3A_132, %get3A_133] {strides = array<i32>} : memref<32x768xf32, #tpu.memory_space<vmem>>, vector<1x16xf32>,
      %get3A_135 = vector.shape_cast %get3A_134 : vector<1x16xf32> to vector<16xf32>
      %mul3A_136 = vector.broadcast %squeeze3A_72 : f32 to vector<16xf32>
      %mul3A_137 = arith.mulf %mul3A_136, %get3A_135 : vector<16xf32>
      %add3A_138 = arith.addf %mul3A_131, %mul3A_137 : vector<16xf32>
      %swap3A_139 = arith.index_cast %scan3A_60 : i32 to index
      %swap3A_140 = arith.constant 48 : index
      %swap3A_141 = tpu.vector_load %arg14[%swap3A_139, %swap3A_140] {strides = array<i32>} : memref<32x768xf32, #tpu.memory_space<vmem>>, vector<1x16xf32>,
      %swap3A_142 = vector.shape_cast %swap3A_141 : vector<1x16xf32> to vector<16xf32>
      %swap3A_143 = vector.shape_cast %add3A_138 : vector<16xf32> to vector<1x16xf32>
      tpu.vector_store %arg14[%swap3A_139, %swap3A_140], %swap3A_143 {strides = array<i32>} : memref<32x768xf32, #tpu.memory_space<vmem>>, vector<1x16xf32>,
      %get3A_144 = arith.index_cast %scan3A_60 : i32 to index
      %get3A_145 = arith.constant 64 : index
      %get3A_146 = tpu.vector_load %arg14[%get3A_144, %get3A_145] {strides = array<i32>} : memref<32x768xf32, #tpu.memory_space<vmem>>, vector<1x16xf32>,
      %get3A_147 = vector.shape_cast %get3A_146 : vector<1x16xf32> to vector<16xf32>
      %mul3A_148 = vector.broadcast %squeeze3A : f32 to vector<16xf32>
      %mul3A_149 = arith.mulf %mul3A_148, %get3A_147 : vector<16xf32>
      %get3A_150 = arith.index_cast %scan3A_60 : i32 to index
      %get3A_151 = arith.constant 64 : index
      %get3A_152 = tpu.vector_load %arg15[%get3A_150, %get3A_151] {strides = array<i32>} : memref<32x768xf32, #tpu.memory_space<vmem>>, vector<1x16xf32>,
      %get3A_153 = vector.shape_cast %get3A_152 : vector<1x16xf32> to vector<16xf32>
      %mul3A_154 = vector.broadcast %squeeze3A_72 : f32 to vector<16xf32>
      %mul3A_155 = arith.mulf %mul3A_154, %get3A_153 : vector<16xf32>
      %add3A_156 = arith.addf %mul3A_149, %mul3A_155 : vector<16xf32>
      %swap3A_157 = arith.index_cast %scan3A_60 : i32 to index
      %swap3A_158 = arith.constant 64 : index
      %swap3A_159 = tpu.vector_load %arg14[%swap3A_157, %swap3A_158] {strides = array<i32>} : memref<32x768xf32, #tpu.memory_space<vmem>>, vector<1x16xf32>,
      %swap3A_160 = vector.shape_cast %swap3A_159 : vector<1x16xf32> to vector<16xf32>
      %swap3A_161 = vector.shape_cast %add3A_156 : vector<16xf32> to vector<1x16xf32>
      tpu.vector_store %arg14[%swap3A_157, %swap3A_158], %swap3A_161 {strides = array<i32>} : memref<32x768xf32, #tpu.memory_space<vmem>>, vector<1x16xf32>,
      %get3A_162 = arith.index_cast %scan3A_60 : i32 to index
      %get3A_163 = arith.constant 80 : index
      %get3A_164 = tpu.vector_load %arg14[%get3A_162, %get3A_163] {strides = array<i32>} : memref<32x768xf32, #tpu.memory_space<vmem>>, vector<1x16xf32>,
      %get3A_165 = vector.shape_cast %get3A_164 : vector<1x16xf32> to vector<16xf32>
      %mul3A_166 = vector.broadcast %squeeze3A : f32 to vector<16xf32>
      %mul3A_167 = arith.mulf %mul3A_166, %get3A_165 : vector<16xf32>
      %get3A_168 = arith.index_cast %scan3A_60 : i32 to index
      %get3A_169 = arith.constant 80 : index
      %get3A_170 = tpu.vector_load %arg15[%get3A_168, %get3A_169] {strides = array<i32>} : memref<32x768xf32, #tpu.memory_space<vmem>>, vector<1x16xf32>,
      %get3A_171 = vector.shape_cast %get3A_170 : vector<1x16xf32> to vector<16xf32>
      %mul3A_172 = vector.broadcast %squeeze3A_72 : f32 to vector<16xf32>
      %mul3A_173 = arith.mulf %mul3A_172, %get3A_171 : vector<16xf32>
      %add3A_174 = arith.addf %mul3A_167, %mul3A_173 : vector<16xf32>
      %swap3A_175 = arith.index_cast %scan3A_60 : i32 to index
      %swap3A_176 = arith.constant 80 : index
      %swap3A_177 = tpu.vector_load %arg14[%swap3A_175, %swap3A_176] {strides = array<i32>} : memref<32x768xf32, #tpu.memory_space<vmem>>, vector<1x16xf32>,
      %swap3A_178 = vector.shape_cast %swap3A_177 : vector<1x16xf32> to vector<16xf32>
      %swap3A_179 = vector.shape_cast %add3A_174 : vector<16xf32> to vector<1x16xf32>
      tpu.vector_store %arg14[%swap3A_175, %swap3A_176], %swap3A_179 {strides = array<i32>} : memref<32x768xf32, #tpu.memory_space<vmem>>, vector<1x16xf32>,
      %get3A_180 = arith.index_cast %scan3A_60 : i32 to index
      %get3A_181 = arith.constant 96 : index
      %get3A_182 = tpu.vector_load %arg14[%get3A_180, %get3A_181] {strides = array<i32>} : memref<32x768xf32, #tpu.memory_space<vmem>>, vector<1x16xf32>,
      %get3A_183 = vector.shape_cast %get3A_182 : vector<1x16xf32> to vector<16xf32>
      %mul3A_184 = vector.broadcast %squeeze3A : f32 to vector<16xf32>
      %mul3A_185 = arith.mulf %mul3A_184, %get3A_183 : vector<16xf32>
      %get3A_186 = arith.index_cast %scan3A_60 : i32 to index
      %get3A_187 = arith.constant 96 : index
      %get3A_188 = tpu.vector_load %arg15[%get3A_186, %get3A_187] {strides = array<i32>} : memref<32x768xf32, #tpu.memory_space<vmem>>, vector<1x16xf32>,
      %get3A_189 = vector.shape_cast %get3A_188 : vector<1x16xf32> to vector<16xf32>
      %mul3A_190 = vector.broadcast %squeeze3A_72 : f32 to vector<16xf32>
      %mul3A_191 = arith.mulf %mul3A_190, %get3A_189 : vector<16xf32>
      %add3A_192 = arith.addf %mul3A_185, %mul3A_191 : vector<16xf32>
      %swap3A_193 = arith.index_cast %scan3A_60 : i32 to index
      %swap3A_194 = arith.constant 96 : index
      %swap3A_195 = tpu.vector_load %arg14[%swap3A_193, %swap3A_194] {strides = array<i32>} : memref<32x768xf32, #tpu.memory_space<vmem>>, vector<1x16xf32>,
      %swap3A_196 = vector.shape_cast %swap3A_195 : vector<1x16xf32> to vector<16xf32>
      %swap3A_197 = vector.shape_cast %add3A_192 : vector<16xf32> to vector<1x16xf32>
      tpu.vector_store %arg14[%swap3A_193, %swap3A_194], %swap3A_197 {strides = array<i32>} : memref<32x768xf32, #tpu.memory_space<vmem>>, vector<1x16xf32>,
      %get3A_198 = arith.index_cast %scan3A_60 : i32 to index
      %get3A_199 = arith.constant 112 : index
      %get3A_200 = tpu.vector_load %arg14[%get3A_198, %get3A_199] {strides = array<i32>} : memref<32x768xf32, #tpu.memory_space<vmem>>, vector<1x16xf32>,
      %get3A_201 = vector.shape_cast %get3A_200 : vector<1x16xf32> to vector<16xf32>
      %mul3A_202 = vector.broadcast %squeeze3A : f32 to vector<16xf32>
      %mul3A_203 = arith.mulf %mul3A_202, %get3A_201 : vector<16xf32>
      %get3A_204 = arith.index_cast %scan3A_60 : i32 to index
      %get3A_205 = arith.constant 112 : index
      %get3A_206 = tpu.vector_load %arg15[%get3A_204, %get3A_205] {strides = array<i32>} : memref<32x768xf32, #tpu.memory_space<vmem>>, vector<1x16xf32>,
      %get3A_207 = vector.shape_cast %get3A_206 : vector<1x16xf32> to vector<16xf32>
      %mul3A_208 = vector.broadcast %squeeze3A_72 : f32 to vector<16xf32>
      %mul3A_209 = arith.mulf %mul3A_208, %get3A_207 : vector<16xf32>
      %add3A_210 = arith.addf %mul3A_203, %mul3A_209 : vector<16xf32>
      %swap3A_211 = arith.index_cast %scan3A_60 : i32 to index
      %swap3A_212 = arith.constant 112 : index
      %swap3A_213 = tpu.vector_load %arg14[%swap3A_211, %swap3A_212] {strides = array<i32>} : memref<32x768xf32, #tpu.memory_space<vmem>>, vector<1x16xf32>,
      %swap3A_214 = vector.shape_cast %swap3A_213 : vector<1x16xf32> to vector<16xf32>
      %swap3A_215 = vector.shape_cast %add3A_210 : vector<16xf32> to vector<1x16xf32>
      tpu.vector_store %arg14[%swap3A_211, %swap3A_212], %swap3A_215 {strides = array<i32>} : memref<32x768xf32, #tpu.memory_space<vmem>>, vector<1x16xf32>,
      %get3A_216 = arith.index_cast %scan3A_60 : i32 to index
      %get3A_217 = arith.constant 128 : index
      %get3A_218 = tpu.vector_load %arg14[%get3A_216, %get3A_217] {strides = array<i32>} : memref<32x768xf32, #tpu.memory_space<vmem>>, vector<1x16xf32>,
      %get3A_219 = vector.shape_cast %get3A_218 : vector<1x16xf32> to vector<16xf32>
      %mul3A_220 = vector.broadcast %squeeze3A : f32 to vector<16xf32>
      %mul3A_221 = arith.mulf %mul3A_220, %get3A_219 : vector<16xf32>
      %get3A_222 = arith.index_cast %scan3A_60 : i32 to index
      %get3A_223 = arith.constant 128 : index
      %get3A_224 = tpu.vector_load %arg15[%get3A_222, %get3A_223] {strides = array<i32>} : memref<32x768xf32, #tpu.memory_space<vmem>>, vector<1x16xf32>,
      %get3A_225 = vector.shape_cast %get3A_224 : vector<1x16xf32> to vector<16xf32>
      %mul3A_226 = vector.broadcast %squeeze3A_72 : f32 to vector<16xf32>
      %mul3A_227 = arith.mulf %mul3A_226, %get3A_225 : vector<16xf32>
      %add3A_228 = arith.addf %mul3A_221, %mul3A_227 : vector<16xf32>
      %swap3A_229 = arith.index_cast %scan3A_60 : i32 to index
      %swap3A_230 = arith.constant 128 : index
      %swap3A_231 = tpu.vector_load %arg14[%swap3A_229, %swap3A_230] {strides = array<i32>} : memref<32x768xf32, #tpu.memory_space<vmem>>, vector<1x16xf32>,
      %swap3A_232 = vector.shape_cast %swap3A_231 : vector<1x16xf32> to vector<16xf32>
      %swap3A_233 = vector.shape_cast %add3A_228 : vector<16xf32> to vector<1x16xf32>
      tpu.vector_store %arg14[%swap3A_229, %swap3A_230], %swap3A_233 {strides = array<i32>} : memref<32x768xf32, #tpu.memory_space<vmem>>, vector<1x16xf32>,
      %get3A_234 = arith.index_cast %scan3A_60 : i32 to index
      %get3A_235 = arith.constant 144 : index
      %get3A_236 = tpu.vector_load %arg14[%get3A_234, %get3A_235] {strides = array<i32>} : memref<32x768xf32, #tpu.memory_space<vmem>>, vector<1x16xf32>,
      %get3A_237 = vector.shape_cast %get3A_236 : vector<1x16xf32> to vector<16xf32>
      %mul3A_238 = vector.broadcast %squeeze3A : f32 to vector<16xf32>
      %mul3A_239 = arith.mulf %mul3A_238, %get3A_237 : vector<16xf32>
      %get3A_240 = arith.index_cast %scan3A_60 : i32 to index
      %get3A_241 = arith.constant 144 : index
      %get3A_242 = tpu.vector_load %arg15[%get3A_240, %get3A_241] {strides = array<i32>} : memref<32x768xf32, #tpu.memory_space<vmem>>, vector<1x16xf32>,
      %get3A_243 = vector.shape_cast %get3A_242 : vector<1x16xf32> to vector<16xf32>
      %mul3A_244 = vector.broadcast %squeeze3A_72 : f32 to vector<16xf32>
      %mul3A_245 = arith.mulf %mul3A_244, %get3A_243 : vector<16xf32>
      %add3A_246 = arith.addf %mul3A_239, %mul3A_245 : vector<16xf32>
      %swap3A_247 = arith.index_cast %scan3A_60 : i32 to index
      %swap3A_248 = arith.constant 144 : index
      %swap3A_249 = tpu.vector_load %arg14[%swap3A_247, %swap3A_248] {strides = array<i32>} : memref<32x768xf32, #tpu.memory_space<vmem>>, vector<1x16xf32>,
      %swap3A_250 = vector.shape_cast %swap3A_249 : vector<1x16xf32> to vector<16xf32>
      %swap3A_251 = vector.shape_cast %add3A_246 : vector<16xf32> to vector<1x16xf32>
      tpu.vector_store %arg14[%swap3A_247, %swap3A_248], %swap3A_251 {strides = array<i32>} : memref<32x768xf32, #tpu.memory_space<vmem>>, vector<1x16xf32>,
      %get3A_252 = arith.index_cast %scan3A_60 : i32 to index
      %get3A_253 = arith.constant 160 : index
      %get3A_254 = tpu.vector_load %arg14[%get3A_252, %get3A_253] {strides = array<i32>} : memref<32x768xf32, #tpu.memory_space<vmem>>, vector<1x16xf32>,
      %get3A_255 = vector.shape_cast %get3A_254 : vector<1x16xf32> to vector<16xf32>
      %mul3A_256 = vector.broadcast %squeeze3A : f32 to vector<16xf32>
      %mul3A_257 = arith.mulf %mul3A_256, %get3A_255 : vector<16xf32>
      %get3A_258 = arith.index_cast %scan3A_60 : i32 to index
      %get3A_259 = arith.constant 160 : index
      %get3A_260 = tpu.vector_load %arg15[%get3A_258, %get3A_259] {strides = array<i32>} : memref<32x768xf32, #tpu.memory_space<vmem>>, vector<1x16xf32>,
      %get3A_261 = vector.shape_cast %get3A_260 : vector<1x16xf32> to vector<16xf32>
      %mul3A_262 = vector.broadcast %squeeze3A_72 : f32 to vector<16xf32>
      %mul3A_263 = arith.mulf %mul3A_262, %get3A_261 : vector<16xf32>
      %add3A_264 = arith.addf %mul3A_257, %mul3A_263 : vector<16xf32>
      %swap3A_265 = arith.index_cast %scan3A_60 : i32 to index
      %swap3A_266 = arith.constant 160 : index
      %swap3A_267 = tpu.vector_load %arg14[%swap3A_265, %swap3A_266] {strides = array<i32>} : memref<32x768xf32, #tpu.memory_space<vmem>>, vector<1x16xf32>,
      %swap3A_268 = vector.shape_cast %swap3A_267 : vector<1x16xf32> to vector<16xf32>
      %swap3A_269 = vector.shape_cast %add3A_264 : vector<16xf32> to vector<1x16xf32>
      tpu.vector_store %arg14[%swap3A_265, %swap3A_266], %swap3A_269 {strides = array<i32>} : memref<32x768xf32, #tpu.memory_space<vmem>>, vector<1x16xf32>,
      %get3A_270 = arith.index_cast %scan3A_60 : i32 to index
      %get3A_271 = arith.constant 176 : index
      %get3A_272 = tpu.vector_load %arg14[%get3A_270, %get3A_271] {strides = array<i32>} : memref<32x768xf32, #tpu.memory_space<vmem>>, vector<1x16xf32>,
      %get3A_273 = vector.shape_cast %get3A_272 : vector<1x16xf32> to vector<16xf32>
      %mul3A_274 = vector.broadcast %squeeze3A : f32 to vector<16xf32>
      %mul3A_275 = arith.mulf %mul3A_274, %get3A_273 : vector<16xf32>
      %get3A_276 = arith.index_cast %scan3A_60 : i32 to index
      %get3A_277 = arith.constant 176 : index
      %get3A_278 = tpu.vector_load %arg15[%get3A_276, %get3A_277] {strides = array<i32>} : memref<32x768xf32, #tpu.memory_space<vmem>>, vector<1x16xf32>,
      %get3A_279 = vector.shape_cast %get3A_278 : vector<1x16xf32> to vector<16xf32>
      %mul3A_280 = vector.broadcast %squeeze3A_72 : f32 to vector<16xf32>
      %mul3A_281 = arith.mulf %mul3A_280, %get3A_279 : vector<16xf32>
      %add3A_282 = arith.addf %mul3A_275, %mul3A_281 : vector<16xf32>
      %swap3A_283 = arith.index_cast %scan3A_60 : i32 to index
      %swap3A_284 = arith.constant 176 : index
      %swap3A_285 = tpu.vector_load %arg14[%swap3A_283, %swap3A_284] {strides = array<i32>} : memref<32x768xf32, #tpu.memory_space<vmem>>, vector<1x16xf32>,
      %swap3A_286 = vector.shape_cast %swap3A_285 : vector<1x16xf32> to vector<16xf32>
      %swap3A_287 = vector.shape_cast %add3A_282 : vector<16xf32> to vector<1x16xf32>
      tpu.vector_store %arg14[%swap3A_283, %swap3A_284], %swap3A_287 {strides = array<i32>} : memref<32x768xf32, #tpu.memory_space<vmem>>, vector<1x16xf32>,
      %get3A_288 = arith.index_cast %scan3A_60 : i32 to index
      %get3A_289 = arith.constant 192 : index
      %get3A_290 = tpu.vector_load %arg14[%get3A_288, %get3A_289] {strides = array<i32>} : memref<32x768xf32, #tpu.memory_space<vmem>>, vector<1x16xf32>,
      %get3A_291 = vector.shape_cast %get3A_290 : vector<1x16xf32> to vector<16xf32>
      %mul3A_292 = vector.broadcast %squeeze3A : f32 to vector<16xf32>
      %mul3A_293 = arith.mulf %mul3A_292, %get3A_291 : vector<16xf32>
      %get3A_294 = arith.index_cast %scan3A_60 : i32 to index
      %get3A_295 = arith.constant 192 : index
      %get3A_296 = tpu.vector_load %arg15[%get3A_294, %get3A_295] {strides = array<i32>} : memref<32x768xf32, #tpu.memory_space<vmem>>, vector<1x16xf32>,
      %get3A_297 = vector.shape_cast %get3A_296 : vector<1x16xf32> to vector<16xf32>
      %mul3A_298 = vector.broadcast %squeeze3A_72 : f32 to vector<16xf32>
      %mul3A_299 = arith.mulf %mul3A_298, %get3A_297 : vector<16xf32>
      %add3A_300 = arith.addf %mul3A_293, %mul3A_299 : vector<16xf32>
      %swap3A_301 = arith.index_cast %scan3A_60 : i32 to index
      %swap3A_302 = arith.constant 192 : index
      %swap3A_303 = tpu.vector_load %arg14[%swap3A_301, %swap3A_302] {strides = array<i32>} : memref<32x768xf32, #tpu.memory_space<vmem>>, vector<1x16xf32>,
      %swap3A_304 = vector.shape_cast %swap3A_303 : vector<1x16xf32> to vector<16xf32>
      %swap3A_305 = vector.shape_cast %add3A_300 : vector<16xf32> to vector<1x16xf32>
      tpu.vector_store %arg14[%swap3A_301, %swap3A_302], %swap3A_305 {strides = array<i32>} : memref<32x768xf32, #tpu.memory_space<vmem>>, vector<1x16xf32>,
      %get3A_306 = arith.index_cast %scan3A_60 : i32 to index
      %get3A_307 = arith.constant 208 : index
      %get3A_308 = tpu.vector_load %arg14[%get3A_306, %get3A_307] {strides = array<i32>} : memref<32x768xf32, #tpu.memory_space<vmem>>, vector<1x16xf32>,
      %get3A_309 = vector.shape_cast %get3A_308 : vector<1x16xf32> to vector<16xf32>
      %mul3A_310 = vector.broadcast %squeeze3A : f32 to vector<16xf32>
      %mul3A_311 = arith.mulf %mul3A_310, %get3A_309 : vector<16xf32>
      %get3A_312 = arith.index_cast %scan3A_60 : i32 to index
      %get3A_313 = arith.constant 208 : index
      %get3A_314 = tpu.vector_load %arg15[%get3A_312, %get3A_313] {strides = array<i32>} : memref<32x768xf32, #tpu.memory_space<vmem>>, vector<1x16xf32>,
      %get3A_315 = vector.shape_cast %get3A_314 : vector<1x16xf32> to vector<16xf32>
      %mul3A_316 = vector.broadcast %squeeze3A_72 : f32 to vector<16xf32>
      %mul3A_317 = arith.mulf %mul3A_316, %get3A_315 : vector<16xf32>
      %add3A_318 = arith.addf %mul3A_311, %mul3A_317 : vector<16xf32>
      %swap3A_319 = arith.index_cast %scan3A_60 : i32 to index
      %swap3A_320 = arith.constant 208 : index
      %swap3A_321 = tpu.vector_load %arg14[%swap3A_319, %swap3A_320] {strides = array<i32>} : memref<32x768xf32, #tpu.memory_space<vmem>>, vector<1x16xf32>,
      %swap3A_322 = vector.shape_cast %swap3A_321 : vector<1x16xf32> to vector<16xf32>
      %swap3A_323 = vector.shape_cast %add3A_318 : vector<16xf32> to vector<1x16xf32>
      tpu.vector_store %arg14[%swap3A_319, %swap3A_320], %swap3A_323 {strides = array<i32>} : memref<32x768xf32, #tpu.memory_space<vmem>>, vector<1x16xf32>,
      %get3A_324 = arith.index_cast %scan3A_60 : i32 to index
      %get3A_325 = arith.constant 224 : index
      %get3A_326 = tpu.vector_load %arg14[%get3A_324, %get3A_325] {strides = array<i32>} : memref<32x768xf32, #tpu.memory_space<vmem>>, vector<1x16xf32>,
      %get3A_327 = vector.shape_cast %get3A_326 : vector<1x16xf32> to vector<16xf32>
      %mul3A_328 = vector.broadcast %squeeze3A : f32 to vector<16xf32>
      %mul3A_329 = arith.mulf %mul3A_328, %get3A_327 : vector<16xf32>
      %get3A_330 = arith.index_cast %scan3A_60 : i32 to index
      %get3A_331 = arith.constant 224 : index
      %get3A_332 = tpu.vector_load %arg15[%get3A_330, %get3A_331] {strides = array<i32>} : memref<32x768xf32, #tpu.memory_space<vmem>>, vector<1x16xf32>,
      %get3A_333 = vector.shape_cast %get3A_332 : vector<1x16xf32> to vector<16xf32>
      %mul3A_334 = vector.broadcast %squeeze3A_72 : f32 to vector<16xf32>
      %mul3A_335 = arith.mulf %mul3A_334, %get3A_333 : vector<16xf32>
      %add3A_336 = arith.addf %mul3A_329, %mul3A_335 : vector<16xf32>
      %swap3A_337 = arith.index_cast %scan3A_60 : i32 to index
      %swap3A_338 = arith.constant 224 : index
      %swap3A_339 = tpu.vector_load %arg14[%swap3A_337, %swap3A_338] {strides = array<i32>} : memref<32x768xf32, #tpu.memory_space<vmem>>, vector<1x16xf32>,
      %swap3A_340 = vector.shape_cast %swap3A_339 : vector<1x16xf32> to vector<16xf32>
      %swap3A_341 = vector.shape_cast %add3A_336 : vector<16xf32> to vector<1x16xf32>
      tpu.vector_store %arg14[%swap3A_337, %swap3A_338], %swap3A_341 {strides = array<i32>} : memref<32x768xf32, #tpu.memory_space<vmem>>, vector<1x16xf32>,
      %get3A_342 = arith.index_cast %scan3A_60 : i32 to index
      %get3A_343 = arith.constant 240 : index
      %get3A_344 = tpu.vector_load %arg14[%get3A_342, %get3A_343] {strides = array<i32>} : memref<32x768xf32, #tpu.memory_space<vmem>>, vector<1x16xf32>,
      %get3A_345 = vector.shape_cast %get3A_344 : vector<1x16xf32> to vector<16xf32>
      %mul3A_346 = vector.broadcast %squeeze3A : f32 to vector<16xf32>
      %mul3A_347 = arith.mulf %mul3A_346, %get3A_345 : vector<16xf32>
      %get3A_348 = arith.index_cast %scan3A_60 : i32 to index
      %get3A_349 = arith.constant 240 : index
      %get3A_350 = tpu.vector_load %arg15[%get3A_348, %get3A_349] {strides = array<i32>} : memref<32x768xf32, #tpu.memory_space<vmem>>, vector<1x16xf32>,
      %get3A_351 = vector.shape_cast %get3A_350 : vector<1x16xf32> to vector<16xf32>
      %mul3A_352 = vector.broadcast %squeeze3A_72 : f32 to vector<16xf32>
      %mul3A_353 = arith.mulf %mul3A_352, %get3A_351 : vector<16xf32>
      %add3A_354 = arith.addf %mul3A_347, %mul3A_353 : vector<16xf32>
      %swap3A_355 = arith.index_cast %scan3A_60 : i32 to index
      %swap3A_356 = arith.constant 240 : index
      %swap3A_357 = tpu.vector_load %arg14[%swap3A_355, %swap3A_356] {strides = array<i32>} : memref<32x768xf32, #tpu.memory_space<vmem>>, vector<1x16xf32>,
      %swap3A_358 = vector.shape_cast %swap3A_357 : vector<1x16xf32> to vector<16xf32>
      %swap3A_359 = vector.shape_cast %add3A_354 : vector<16xf32> to vector<1x16xf32>
      tpu.vector_store %arg14[%swap3A_355, %swap3A_356], %swap3A_359 {strides = array<i32>} : memref<32x768xf32, #tpu.memory_space<vmem>>, vector<1x16xf32>,
      %get3A_360 = arith.index_cast %scan3A_60 : i32 to index
      %get3A_361 = arith.constant 256 : index
      %get3A_362 = tpu.vector_load %arg14[%get3A_360, %get3A_361] {strides = array<i32>} : memref<32x768xf32, #tpu.memory_space<vmem>>, vector<1x16xf32>,
      %get3A_363 = vector.shape_cast %get3A_362 : vector<1x16xf32> to vector<16xf32>
      %mul3A_364 = vector.broadcast %squeeze3A : f32 to vector<16xf32>
      %mul3A_365 = arith.mulf %mul3A_364, %get3A_363 : vector<16xf32>
      %get3A_366 = arith.index_cast %scan3A_60 : i32 to index
      %get3A_367 = arith.constant 256 : index
      %get3A_368 = tpu.vector_load %arg15[%get3A_366, %get3A_367] {strides = array<i32>} : memref<32x768xf32, #tpu.memory_space<vmem>>, vector<1x16xf32>,
      %get3A_369 = vector.shape_cast %get3A_368 : vector<1x16xf32> to vector<16xf32>
      %mul3A_370 = vector.broadcast %squeeze3A_72 : f32 to vector<16xf32>
      %mul3A_371 = arith.mulf %mul3A_370, %get3A_369 : vector<16xf32>
      %add3A_372 = arith.addf %mul3A_365, %mul3A_371 : vector<16xf32>
      %swap3A_373 = arith.index_cast %scan3A_60 : i32 to index
      %swap3A_374 = arith.constant 256 : index
      %swap3A_375 = tpu.vector_load %arg14[%swap3A_373, %swap3A_374] {strides = array<i32>} : memref<32x768xf32, #tpu.memory_space<vmem>>, vector<1x16xf32>,
      %swap3A_376 = vector.shape_cast %swap3A_375 : vector<1x16xf32> to vector<16xf32>
      %swap3A_377 = vector.shape_cast %add3A_372 : vector<16xf32> to vector<1x16xf32>
      tpu.vector_store %arg14[%swap3A_373, %swap3A_374], %swap3A_377 {strides = array<i32>} : memref<32x768xf32, #tpu.memory_space<vmem>>, vector<1x16xf32>,
      %get3A_378 = arith.index_cast %scan3A_60 : i32 to index
      %get3A_379 = arith.constant 272 : index
      %get3A_380 = tpu.vector_load %arg14[%get3A_378, %get3A_379] {strides = array<i32>} : memref<32x768xf32, #tpu.memory_space<vmem>>, vector<1x16xf32>,
      %get3A_381 = vector.shape_cast %get3A_380 : vector<1x16xf32> to vector<16xf32>
      %mul3A_382 = vector.broadcast %squeeze3A : f32 to vector<16xf32>
      %mul3A_383 = arith.mulf %mul3A_382, %get3A_381 : vector<16xf32>
      %get3A_384 = arith.index_cast %scan3A_60 : i32 to index
      %get3A_385 = arith.constant 272 : index
      %get3A_386 = tpu.vector_load %arg15[%get3A_384, %get3A_385] {strides = array<i32>} : memref<32x768xf32, #tpu.memory_space<vmem>>, vector<1x16xf32>,
      %get3A_387 = vector.shape_cast %get3A_386 : vector<1x16xf32> to vector<16xf32>
      %mul3A_388 = vector.broadcast %squeeze3A_72 : f32 to vector<16xf32>
      %mul3A_389 = arith.mulf %mul3A_388, %get3A_387 : vector<16xf32>
      %add3A_390 = arith.addf %mul3A_383, %mul3A_389 : vector<16xf32>
      %swap3A_391 = arith.index_cast %scan3A_60 : i32 to index
      %swap3A_392 = arith.constant 272 : index
      %swap3A_393 = tpu.vector_load %arg14[%swap3A_391, %swap3A_392] {strides = array<i32>} : memref<32x768xf32, #tpu.memory_space<vmem>>, vector<1x16xf32>,
      %swap3A_394 = vector.shape_cast %swap3A_393 : vector<1x16xf32> to vector<16xf32>
      %swap3A_395 = vector.shape_cast %add3A_390 : vector<16xf32> to vector<1x16xf32>
      tpu.vector_store %arg14[%swap3A_391, %swap3A_392], %swap3A_395 {strides = array<i32>} : memref<32x768xf32, #tpu.memory_space<vmem>>, vector<1x16xf32>,
      %get3A_396 = arith.index_cast %scan3A_60 : i32 to index
      %get3A_397 = arith.constant 288 : index
      %get3A_398 = tpu.vector_load %arg14[%get3A_396, %get3A_397] {strides = array<i32>} : memref<32x768xf32, #tpu.memory_space<vmem>>, vector<1x16xf32>,
      %get3A_399 = vector.shape_cast %get3A_398 : vector<1x16xf32> to vector<16xf32>
      %mul3A_400 = vector.broadcast %squeeze3A : f32 to vector<16xf32>
      %mul3A_401 = arith.mulf %mul3A_400, %get3A_399 : vector<16xf32>
      %get3A_402 = arith.index_cast %scan3A_60 : i32 to index
      %get3A_403 = arith.constant 288 : index
      %get3A_404 = tpu.vector_load %arg15[%get3A_402, %get3A_403] {strides = array<i32>} : memref<32x768xf32, #tpu.memory_space<vmem>>, vector<1x16xf32>,
      %get3A_405 = vector.shape_cast %get3A_404 : vector<1x16xf32> to vector<16xf32>
      %mul3A_406 = vector.broadcast %squeeze3A_72 : f32 to vector<16xf32>
      %mul3A_407 = arith.mulf %mul3A_406, %get3A_405 : vector<16xf32>
      %add3A_408 = arith.addf %mul3A_401, %mul3A_407 : vector<16xf32>
      %swap3A_409 = arith.index_cast %scan3A_60 : i32 to index
      %swap3A_410 = arith.constant 288 : index
      %swap3A_411 = tpu.vector_load %arg14[%swap3A_409, %swap3A_410] {strides = array<i32>} : memref<32x768xf32, #tpu.memory_space<vmem>>, vector<1x16xf32>,
      %swap3A_412 = vector.shape_cast %swap3A_411 : vector<1x16xf32> to vector<16xf32>
      %swap3A_413 = vector.shape_cast %add3A_408 : vector<16xf32> to vector<1x16xf32>
      tpu.vector_store %arg14[%swap3A_409, %swap3A_410], %swap3A_413 {strides = array<i32>} : memref<32x768xf32, #tpu.memory_space<vmem>>, vector<1x16xf32>,
      %get3A_414 = arith.index_cast %scan3A_60 : i32 to index
      %get3A_415 = arith.constant 304 : index
      %get3A_416 = tpu.vector_load %arg14[%get3A_414, %get3A_415] {strides = array<i32>} : memref<32x768xf32, #tpu.memory_space<vmem>>, vector<1x16xf32>,
      %get3A_417 = vector.shape_cast %get3A_416 : vector<1x16xf32> to vector<16xf32>
      %mul3A_418 = vector.broadcast %squeeze3A : f32 to vector<16xf32>
      %mul3A_419 = arith.mulf %mul3A_418, %get3A_417 : vector<16xf32>
      %get3A_420 = arith.index_cast %scan3A_60 : i32 to index
      %get3A_421 = arith.constant 304 : index
      %get3A_422 = tpu.vector_load %arg15[%get3A_420, %get3A_421] {strides = array<i32>} : memref<32x768xf32, #tpu.memory_space<vmem>>, vector<1x16xf32>,
      %get3A_423 = vector.shape_cast %get3A_422 : vector<1x16xf32> to vector<16xf32>
      %mul3A_424 = vector.broadcast %squeeze3A_72 : f32 to vector<16xf32>
      %mul3A_425 = arith.mulf %mul3A_424, %get3A_423 : vector<16xf32>
      %add3A_426 = arith.addf %mul3A_419, %mul3A_425 : vector<16xf32>
      %swap3A_427 = arith.index_cast %scan3A_60 : i32 to index
      %swap3A_428 = arith.constant 304 : index
      %swap3A_429 = tpu.vector_load %arg14[%swap3A_427, %swap3A_428] {strides = array<i32>} : memref<32x768xf32, #tpu.memory_space<vmem>>, vector<1x16xf32>,
      %swap3A_430 = vector.shape_cast %swap3A_429 : vector<1x16xf32> to vector<16xf32>
      %swap3A_431 = vector.shape_cast %add3A_426 : vector<16xf32> to vector<1x16xf32>
      tpu.vector_store %arg14[%swap3A_427, %swap3A_428], %swap3A_431 {strides = array<i32>} : memref<32x768xf32, #tpu.memory_space<vmem>>, vector<1x16xf32>,
      %get3A_432 = arith.index_cast %scan3A_60 : i32 to index
      %get3A_433 = arith.constant 320 : index
      %get3A_434 = tpu.vector_load %arg14[%get3A_432, %get3A_433] {strides = array<i32>} : memref<32x768xf32, #tpu.memory_space<vmem>>, vector<1x16xf32>,
      %get3A_435 = vector.shape_cast %get3A_434 : vector<1x16xf32> to vector<16xf32>
      %mul3A_436 = vector.broadcast %squeeze3A : f32 to vector<16xf32>
      %mul3A_437 = arith.mulf %mul3A_436, %get3A_435 : vector<16xf32>
      %get3A_438 = arith.index_cast %scan3A_60 : i32 to index
      %get3A_439 = arith.constant 320 : index
      %get3A_440 = tpu.vector_load %arg15[%get3A_438, %get3A_439] {strides = array<i32>} : memref<32x768xf32, #tpu.memory_space<vmem>>, vector<1x16xf32>,
      %get3A_441 = vector.shape_cast %get3A_440 : vector<1x16xf32> to vector<16xf32>
      %mul3A_442 = vector.broadcast %squeeze3A_72 : f32 to vector<16xf32>
      %mul3A_443 = arith.mulf %mul3A_442, %get3A_441 : vector<16xf32>
      %add3A_444 = arith.addf %mul3A_437, %mul3A_443 : vector<16xf32>
      %swap3A_445 = arith.index_cast %scan3A_60 : i32 to index
      %swap3A_446 = arith.constant 320 : index
      %swap3A_447 = tpu.vector_load %arg14[%swap3A_445, %swap3A_446] {strides = array<i32>} : memref<32x768xf32, #tpu.memory_space<vmem>>, vector<1x16xf32>,
      %swap3A_448 = vector.shape_cast %swap3A_447 : vector<1x16xf32> to vector<16xf32>
      %swap3A_449 = vector.shape_cast %add3A_444 : vector<16xf32> to vector<1x16xf32>
      tpu.vector_store %arg14[%swap3A_445, %swap3A_446], %swap3A_449 {strides = array<i32>} : memref<32x768xf32, #tpu.memory_space<vmem>>, vector<1x16xf32>,
      %get3A_450 = arith.index_cast %scan3A_60 : i32 to index
      %get3A_451 = arith.constant 336 : index
      %get3A_452 = tpu.vector_load %arg14[%get3A_450, %get3A_451] {strides = array<i32>} : memref<32x768xf32, #tpu.memory_space<vmem>>, vector<1x16xf32>,
      %get3A_453 = vector.shape_cast %get3A_452 : vector<1x16xf32> to vector<16xf32>
      %mul3A_454 = vector.broadcast %squeeze3A : f32 to vector<16xf32>
      %mul3A_455 = arith.mulf %mul3A_454, %get3A_453 : vector<16xf32>
      %get3A_456 = arith.index_cast %scan3A_60 : i32 to index
      %get3A_457 = arith.constant 336 : index
      %get3A_458 = tpu.vector_load %arg15[%get3A_456, %get3A_457] {strides = array<i32>} : memref<32x768xf32, #tpu.memory_space<vmem>>, vector<1x16xf32>,
      %get3A_459 = vector.shape_cast %get3A_458 : vector<1x16xf32> to vector<16xf32>
      %mul3A_460 = vector.broadcast %squeeze3A_72 : f32 to vector<16xf32>
      %mul3A_461 = arith.mulf %mul3A_460, %get3A_459 : vector<16xf32>
      %add3A_462 = arith.addf %mul3A_455, %mul3A_461 : vector<16xf32>
      %swap3A_463 = arith.index_cast %scan3A_60 : i32 to index
      %swap3A_464 = arith.constant 336 : index
      %swap3A_465 = tpu.vector_load %arg14[%swap3A_463, %swap3A_464] {strides = array<i32>} : memref<32x768xf32, #tpu.memory_space<vmem>>, vector<1x16xf32>,
      %swap3A_466 = vector.shape_cast %swap3A_465 : vector<1x16xf32> to vector<16xf32>
      %swap3A_467 = vector.shape_cast %add3A_462 : vector<16xf32> to vector<1x16xf32>
      tpu.vector_store %arg14[%swap3A_463, %swap3A_464], %swap3A_467 {strides = array<i32>} : memref<32x768xf32, #tpu.memory_space<vmem>>, vector<1x16xf32>,
      %get3A_468 = arith.index_cast %scan3A_60 : i32 to index
      %get3A_469 = arith.constant 352 : index
      %get3A_470 = tpu.vector_load %arg14[%get3A_468, %get3A_469] {strides = array<i32>} : memref<32x768xf32, #tpu.memory_space<vmem>>, vector<1x16xf32>,
      %get3A_471 = vector.shape_cast %get3A_470 : vector<1x16xf32> to vector<16xf32>
      %mul3A_472 = vector.broadcast %squeeze3A : f32 to vector<16xf32>
      %mul3A_473 = arith.mulf %mul3A_472, %get3A_471 : vector<16xf32>
      %get3A_474 = arith.index_cast %scan3A_60 : i32 to index
      %get3A_475 = arith.constant 352 : index
      %get3A_476 = tpu.vector_load %arg15[%get3A_474, %get3A_475] {strides = array<i32>} : memref<32x768xf32, #tpu.memory_space<vmem>>, vector<1x16xf32>,
      %get3A_477 = vector.shape_cast %get3A_476 : vector<1x16xf32> to vector<16xf32>
      %mul3A_478 = vector.broadcast %squeeze3A_72 : f32 to vector<16xf32>
      %mul3A_479 = arith.mulf %mul3A_478, %get3A_477 : vector<16xf32>
      %add3A_480 = arith.addf %mul3A_473, %mul3A_479 : vector<16xf32>
      %swap3A_481 = arith.index_cast %scan3A_60 : i32 to index
      %swap3A_482 = arith.constant 352 : index
      %swap3A_483 = tpu.vector_load %arg14[%swap3A_481, %swap3A_482] {strides = array<i32>} : memref<32x768xf32, #tpu.memory_space<vmem>>, vector<1x16xf32>,
      %swap3A_484 = vector.shape_cast %swap3A_483 : vector<1x16xf32> to vector<16xf32>
      %swap3A_485 = vector.shape_cast %add3A_480 : vector<16xf32> to vector<1x16xf32>
      tpu.vector_store %arg14[%swap3A_481, %swap3A_482], %swap3A_485 {strides = array<i32>} : memref<32x768xf32, #tpu.memory_space<vmem>>, vector<1x16xf32>,
      %get3A_486 = arith.index_cast %scan3A_60 : i32 to index
      %get3A_487 = arith.constant 368 : index
      %get3A_488 = tpu.vector_load %arg14[%get3A_486, %get3A_487] {strides = array<i32>} : memref<32x768xf32, #tpu.memory_space<vmem>>, vector<1x16xf32>,
      %get3A_489 = vector.shape_cast %get3A_488 : vector<1x16xf32> to vector<16xf32>
      %mul3A_490 = vector.broadcast %squeeze3A : f32 to vector<16xf32>
      %mul3A_491 = arith.mulf %mul3A_490, %get3A_489 : vector<16xf32>
      %get3A_492 = arith.index_cast %scan3A_60 : i32 to index
      %get3A_493 = arith.constant 368 : index
      %get3A_494 = tpu.vector_load %arg15[%get3A_492, %get3A_493] {strides = array<i32>} : memref<32x768xf32, #tpu.memory_space<vmem>>, vector<1x16xf32>,
      %get3A_495 = vector.shape_cast %get3A_494 : vector<1x16xf32> to vector<16xf32>
      %mul3A_496 = vector.broadcast %squeeze3A_72 : f32 to vector<16xf32>
      %mul3A_497 = arith.mulf %mul3A_496, %get3A_495 : vector<16xf32>
      %add3A_498 = arith.addf %mul3A_491, %mul3A_497 : vector<16xf32>
      %swap3A_499 = arith.index_cast %scan3A_60 : i32 to index
      %swap3A_500 = arith.constant 368 : index
      %swap3A_501 = tpu.vector_load %arg14[%swap3A_499, %swap3A_500] {strides = array<i32>} : memref<32x768xf32, #tpu.memory_space<vmem>>, vector<1x16xf32>,
      %swap3A_502 = vector.shape_cast %swap3A_501 : vector<1x16xf32> to vector<16xf32>
      %swap3A_503 = vector.shape_cast %add3A_498 : vector<16xf32> to vector<1x16xf32>
      tpu.vector_store %arg14[%swap3A_499, %swap3A_500], %swap3A_503 {strides = array<i32>} : memref<32x768xf32, #tpu.memory_space<vmem>>, vector<1x16xf32>,
      %get3A_504 = arith.index_cast %scan3A_60 : i32 to index
      %get3A_505 = arith.constant 384 : index
      %get3A_506 = tpu.vector_load %arg14[%get3A_504, %get3A_505] {strides = array<i32>} : memref<32x768xf32, #tpu.memory_space<vmem>>, vector<1x16xf32>,
      %get3A_507 = vector.shape_cast %get3A_506 : vector<1x16xf32> to vector<16xf32>
      %mul3A_508 = vector.broadcast %squeeze3A : f32 to vector<16xf32>
      %mul3A_509 = arith.mulf %mul3A_508, %get3A_507 : vector<16xf32>
      %get3A_510 = arith.index_cast %scan3A_60 : i32 to index
      %get3A_511 = arith.constant 384 : index
      %get3A_512 = tpu.vector_load %arg15[%get3A_510, %get3A_511] {strides = array<i32>} : memref<32x768xf32, #tpu.memory_space<vmem>>, vector<1x16xf32>,
      %get3A_513 = vector.shape_cast %get3A_512 : vector<1x16xf32> to vector<16xf32>
      %mul3A_514 = vector.broadcast %squeeze3A_72 : f32 to vector<16xf32>
      %mul3A_515 = arith.mulf %mul3A_514, %get3A_513 : vector<16xf32>
      %add3A_516 = arith.addf %mul3A_509, %mul3A_515 : vector<16xf32>
      %swap3A_517 = arith.index_cast %scan3A_60 : i32 to index
      %swap3A_518 = arith.constant 384 : index
      %swap3A_519 = tpu.vector_load %arg14[%swap3A_517, %swap3A_518] {strides = array<i32>} : memref<32x768xf32, #tpu.memory_space<vmem>>, vector<1x16xf32>,
      %swap3A_520 = vector.shape_cast %swap3A_519 : vector<1x16xf32> to vector<16xf32>
      %swap3A_521 = vector.shape_cast %add3A_516 : vector<16xf32> to vector<1x16xf32>
      tpu.vector_store %arg14[%swap3A_517, %swap3A_518], %swap3A_521 {strides = array<i32>} : memref<32x768xf32, #tpu.memory_space<vmem>>, vector<1x16xf32>,
      %get3A_522 = arith.index_cast %scan3A_60 : i32 to index
      %get3A_523 = arith.constant 400 : index
      %get3A_524 = tpu.vector_load %arg14[%get3A_522, %get3A_523] {strides = array<i32>} : memref<32x768xf32, #tpu.memory_space<vmem>>, vector<1x16xf32>,
      %get3A_525 = vector.shape_cast %get3A_524 : vector<1x16xf32> to vector<16xf32>
      %mul3A_526 = vector.broadcast %squeeze3A : f32 to vector<16xf32>
      %mul3A_527 = arith.mulf %mul3A_526, %get3A_525 : vector<16xf32>
      %get3A_528 = arith.index_cast %scan3A_60 : i32 to index
      %get3A_529 = arith.constant 400 : index
      %get3A_530 = tpu.vector_load %arg15[%get3A_528, %get3A_529] {strides = array<i32>} : memref<32x768xf32, #tpu.memory_space<vmem>>, vector<1x16xf32>,
      %get3A_531 = vector.shape_cast %get3A_530 : vector<1x16xf32> to vector<16xf32>
      %mul3A_532 = vector.broadcast %squeeze3A_72 : f32 to vector<16xf32>
      %mul3A_533 = arith.mulf %mul3A_532, %get3A_531 : vector<16xf32>
      %add3A_534 = arith.addf %mul3A_527, %mul3A_533 : vector<16xf32>
      %swap3A_535 = arith.index_cast %scan3A_60 : i32 to index
      %swap3A_536 = arith.constant 400 : index
      %swap3A_537 = tpu.vector_load %arg14[%swap3A_535, %swap3A_536] {strides = array<i32>} : memref<32x768xf32, #tpu.memory_space<vmem>>, vector<1x16xf32>,
      %swap3A_538 = vector.shape_cast %swap3A_537 : vector<1x16xf32> to vector<16xf32>
      %swap3A_539 = vector.shape_cast %add3A_534 : vector<16xf32> to vector<1x16xf32>
      tpu.vector_store %arg14[%swap3A_535, %swap3A_536], %swap3A_539 {strides = array<i32>} : memref<32x768xf32, #tpu.memory_space<vmem>>, vector<1x16xf32>,
      %get3A_540 = arith.index_cast %scan3A_60 : i32 to index
      %get3A_541 = arith.constant 416 : index
      %get3A_542 = tpu.vector_load %arg14[%get3A_540, %get3A_541] {strides = array<i32>} : memref<32x768xf32, #tpu.memory_space<vmem>>, vector<1x16xf32>,
      %get3A_543 = vector.shape_cast %get3A_542 : vector<1x16xf32> to vector<16xf32>
      %mul3A_544 = vector.broadcast %squeeze3A : f32 to vector<16xf32>
      %mul3A_545 = arith.mulf %mul3A_544, %get3A_543 : vector<16xf32>
      %get3A_546 = arith.index_cast %scan3A_60 : i32 to index
      %get3A_547 = arith.constant 416 : index
      %get3A_548 = tpu.vector_load %arg15[%get3A_546, %get3A_547] {strides = array<i32>} : memref<32x768xf32, #tpu.memory_space<vmem>>, vector<1x16xf32>,
      %get3A_549 = vector.shape_cast %get3A_548 : vector<1x16xf32> to vector<16xf32>
      %mul3A_550 = vector.broadcast %squeeze3A_72 : f32 to vector<16xf32>
      %mul3A_551 = arith.mulf %mul3A_550, %get3A_549 : vector<16xf32>
      %add3A_552 = arith.addf %mul3A_545, %mul3A_551 : vector<16xf32>
      %swap3A_553 = arith.index_cast %scan3A_60 : i32 to index
      %swap3A_554 = arith.constant 416 : index
      %swap3A_555 = tpu.vector_load %arg14[%swap3A_553, %swap3A_554] {strides = array<i32>} : memref<32x768xf32, #tpu.memory_space<vmem>>, vector<1x16xf32>,
      %swap3A_556 = vector.shape_cast %swap3A_555 : vector<1x16xf32> to vector<16xf32>
      %swap3A_557 = vector.shape_cast %add3A_552 : vector<16xf32> to vector<1x16xf32>
      tpu.vector_store %arg14[%swap3A_553, %swap3A_554], %swap3A_557 {strides = array<i32>} : memref<32x768xf32, #tpu.memory_space<vmem>>, vector<1x16xf32>,
      %get3A_558 = arith.index_cast %scan3A_60 : i32 to index
      %get3A_559 = arith.constant 432 : index
      %get3A_560 = tpu.vector_load %arg14[%get3A_558, %get3A_559] {strides = array<i32>} : memref<32x768xf32, #tpu.memory_space<vmem>>, vector<1x16xf32>,
      %get3A_561 = vector.shape_cast %get3A_560 : vector<1x16xf32> to vector<16xf32>
      %mul3A_562 = vector.broadcast %squeeze3A : f32 to vector<16xf32>
      %mul3A_563 = arith.mulf %mul3A_562, %get3A_561 : vector<16xf32>
      %get3A_564 = arith.index_cast %scan3A_60 : i32 to index
      %get3A_565 = arith.constant 432 : index
      %get3A_566 = tpu.vector_load %arg15[%get3A_564, %get3A_565] {strides = array<i32>} : memref<32x768xf32, #tpu.memory_space<vmem>>, vector<1x16xf32>,
      %get3A_567 = vector.shape_cast %get3A_566 : vector<1x16xf32> to vector<16xf32>
      %mul3A_568 = vector.broadcast %squeeze3A_72 : f32 to vector<16xf32>
      %mul3A_569 = arith.mulf %mul3A_568, %get3A_567 : vector<16xf32>
      %add3A_570 = arith.addf %mul3A_563, %mul3A_569 : vector<16xf32>
      %swap3A_571 = arith.index_cast %scan3A_60 : i32 to index
      %swap3A_572 = arith.constant 432 : index
      %swap3A_573 = tpu.vector_load %arg14[%swap3A_571, %swap3A_572] {strides = array<i32>} : memref<32x768xf32, #tpu.memory_space<vmem>>, vector<1x16xf32>,
      %swap3A_574 = vector.shape_cast %swap3A_573 : vector<1x16xf32> to vector<16xf32>
      %swap3A_575 = vector.shape_cast %add3A_570 : vector<16xf32> to vector<1x16xf32>
      tpu.vector_store %arg14[%swap3A_571, %swap3A_572], %swap3A_575 {strides = array<i32>} : memref<32x768xf32, #tpu.memory_space<vmem>>, vector<1x16xf32>,
      %get3A_576 = arith.index_cast %scan3A_60 : i32 to index
      %get3A_577 = arith.constant 448 : index
      %get3A_578 = tpu.vector_load %arg14[%get3A_576, %get3A_577] {strides = array<i32>} : memref<32x768xf32, #tpu.memory_space<vmem>>, vector<1x16xf32>,
      %get3A_579 = vector.shape_cast %get3A_578 : vector<1x16xf32> to vector<16xf32>
      %mul3A_580 = vector.broadcast %squeeze3A : f32 to vector<16xf32>
      %mul3A_581 = arith.mulf %mul3A_580, %get3A_579 : vector<16xf32>
      %get3A_582 = arith.index_cast %scan3A_60 : i32 to index
      %get3A_583 = arith.constant 448 : index
      %get3A_584 = tpu.vector_load %arg15[%get3A_582, %get3A_583] {strides = array<i32>} : memref<32x768xf32, #tpu.memory_space<vmem>>, vector<1x16xf32>,
      %get3A_585 = vector.shape_cast %get3A_584 : vector<1x16xf32> to vector<16xf32>
      %mul3A_586 = vector.broadcast %squeeze3A_72 : f32 to vector<16xf32>
      %mul3A_587 = arith.mulf %mul3A_586, %get3A_585 : vector<16xf32>
      %add3A_588 = arith.addf %mul3A_581, %mul3A_587 : vector<16xf32>
      %swap3A_589 = arith.index_cast %scan3A_60 : i32 to index
      %swap3A_590 = arith.constant 448 : index
      %swap3A_591 = tpu.vector_load %arg14[%swap3A_589, %swap3A_590] {strides = array<i32>} : memref<32x768xf32, #tpu.memory_space<vmem>>, vector<1x16xf32>,
      %swap3A_592 = vector.shape_cast %swap3A_591 : vector<1x16xf32> to vector<16xf32>
      %swap3A_593 = vector.shape_cast %add3A_588 : vector<16xf32> to vector<1x16xf32>
      tpu.vector_store %arg14[%swap3A_589, %swap3A_590], %swap3A_593 {strides = array<i32>} : memref<32x768xf32, #tpu.memory_space<vmem>>, vector<1x16xf32>,
      %get3A_594 = arith.index_cast %scan3A_60 : i32 to index
      %get3A_595 = arith.constant 464 : index
      %get3A_596 = tpu.vector_load %arg14[%get3A_594, %get3A_595] {strides = array<i32>} : memref<32x768xf32, #tpu.memory_space<vmem>>, vector<1x16xf32>,
      %get3A_597 = vector.shape_cast %get3A_596 : vector<1x16xf32> to vector<16xf32>
      %mul3A_598 = vector.broadcast %squeeze3A : f32 to vector<16xf32>
      %mul3A_599 = arith.mulf %mul3A_598, %get3A_597 : vector<16xf32>
      %get3A_600 = arith.index_cast %scan3A_60 : i32 to index
      %get3A_601 = arith.constant 464 : index
      %get3A_602 = tpu.vector_load %arg15[%get3A_600, %get3A_601] {strides = array<i32>} : memref<32x768xf32, #tpu.memory_space<vmem>>, vector<1x16xf32>,
      %get3A_603 = vector.shape_cast %get3A_602 : vector<1x16xf32> to vector<16xf32>
      %mul3A_604 = vector.broadcast %squeeze3A_72 : f32 to vector<16xf32>
      %mul3A_605 = arith.mulf %mul3A_604, %get3A_603 : vector<16xf32>
      %add3A_606 = arith.addf %mul3A_599, %mul3A_605 : vector<16xf32>
      %swap3A_607 = arith.index_cast %scan3A_60 : i32 to index
      %swap3A_608 = arith.constant 464 : index
      %swap3A_609 = tpu.vector_load %arg14[%swap3A_607, %swap3A_608] {strides = array<i32>} : memref<32x768xf32, #tpu.memory_space<vmem>>, vector<1x16xf32>,
      %swap3A_610 = vector.shape_cast %swap3A_609 : vector<1x16xf32> to vector<16xf32>
      %swap3A_611 = vector.shape_cast %add3A_606 : vector<16xf32> to vector<1x16xf32>
      tpu.vector_store %arg14[%swap3A_607, %swap3A_608], %swap3A_611 {strides = array<i32>} : memref<32x768xf32, #tpu.memory_space<vmem>>, vector<1x16xf32>,
      %get3A_612 = arith.index_cast %scan3A_60 : i32 to index
      %get3A_613 = arith.constant 480 : index
      %get3A_614 = tpu.vector_load %arg14[%get3A_612, %get3A_613] {strides = array<i32>} : memref<32x768xf32, #tpu.memory_space<vmem>>, vector<1x16xf32>,
      %get3A_615 = vector.shape_cast %get3A_614 : vector<1x16xf32> to vector<16xf32>
      %mul3A_616 = vector.broadcast %squeeze3A : f32 to vector<16xf32>
      %mul3A_617 = arith.mulf %mul3A_616, %get3A_615 : vector<16xf32>
      %get3A_618 = arith.index_cast %scan3A_60 : i32 to index
      %get3A_619 = arith.constant 480 : index
      %get3A_620 = tpu.vector_load %arg15[%get3A_618, %get3A_619] {strides = array<i32>} : memref<32x768xf32, #tpu.memory_space<vmem>>, vector<1x16xf32>,
      %get3A_621 = vector.shape_cast %get3A_620 : vector<1x16xf32> to vector<16xf32>
      %mul3A_622 = vector.broadcast %squeeze3A_72 : f32 to vector<16xf32>
      %mul3A_623 = arith.mulf %mul3A_622, %get3A_621 : vector<16xf32>
      %add3A_624 = arith.addf %mul3A_617, %mul3A_623 : vector<16xf32>
      %swap3A_625 = arith.index_cast %scan3A_60 : i32 to index
      %swap3A_626 = arith.constant 480 : index
      %swap3A_627 = tpu.vector_load %arg14[%swap3A_625, %swap3A_626] {strides = array<i32>} : memref<32x768xf32, #tpu.memory_space<vmem>>, vector<1x16xf32>,
      %swap3A_628 = vector.shape_cast %swap3A_627 : vector<1x16xf32> to vector<16xf32>
      %swap3A_629 = vector.shape_cast %add3A_624 : vector<16xf32> to vector<1x16xf32>
      tpu.vector_store %arg14[%swap3A_625, %swap3A_626], %swap3A_629 {strides = array<i32>} : memref<32x768xf32, #tpu.memory_space<vmem>>, vector<1x16xf32>,
      %get3A_630 = arith.index_cast %scan3A_60 : i32 to index
      %get3A_631 = arith.constant 496 : index
      %get3A_632 = tpu.vector_load %arg14[%get3A_630, %get3A_631] {strides = array<i32>} : memref<32x768xf32, #tpu.memory_space<vmem>>, vector<1x16xf32>,
      %get3A_633 = vector.shape_cast %get3A_632 : vector<1x16xf32> to vector<16xf32>
      %mul3A_634 = vector.broadcast %squeeze3A : f32 to vector<16xf32>
      %mul3A_635 = arith.mulf %mul3A_634, %get3A_633 : vector<16xf32>
      %get3A_636 = arith.index_cast %scan3A_60 : i32 to index
      %get3A_637 = arith.constant 496 : index
      %get3A_638 = tpu.vector_load %arg15[%get3A_636, %get3A_637] {strides = array<i32>} : memref<32x768xf32, #tpu.memory_space<vmem>>, vector<1x16xf32>,
      %get3A_639 = vector.shape_cast %get3A_638 : vector<1x16xf32> to vector<16xf32>
      %mul3A_640 = vector.broadcast %squeeze3A_72 : f32 to vector<16xf32>
      %mul3A_641 = arith.mulf %mul3A_640, %get3A_639 : vector<16xf32>
      %add3A_642 = arith.addf %mul3A_635, %mul3A_641 : vector<16xf32>
      %swap3A_643 = arith.index_cast %scan3A_60 : i32 to index
      %swap3A_644 = arith.constant 496 : index
      %swap3A_645 = tpu.vector_load %arg14[%swap3A_643, %swap3A_644] {strides = array<i32>} : memref<32x768xf32, #tpu.memory_space<vmem>>, vector<1x16xf32>,
      %swap3A_646 = vector.shape_cast %swap3A_645 : vector<1x16xf32> to vector<16xf32>
      %swap3A_647 = vector.shape_cast %add3A_642 : vector<16xf32> to vector<1x16xf32>
      tpu.vector_store %arg14[%swap3A_643, %swap3A_644], %swap3A_647 {strides = array<i32>} : memref<32x768xf32, #tpu.memory_space<vmem>>, vector<1x16xf32>,
      %get3A_648 = arith.index_cast %scan3A_60 : i32 to index
      %get3A_649 = arith.constant 512 : index
      %get3A_650 = tpu.vector_load %arg14[%get3A_648, %get3A_649] {strides = array<i32>} : memref<32x768xf32, #tpu.memory_space<vmem>>, vector<1x16xf32>,
      %get3A_651 = vector.shape_cast %get3A_650 : vector<1x16xf32> to vector<16xf32>
      %mul3A_652 = vector.broadcast %squeeze3A : f32 to vector<16xf32>
      %mul3A_653 = arith.mulf %mul3A_652, %get3A_651 : vector<16xf32>
      %get3A_654 = arith.index_cast %scan3A_60 : i32 to index
      %get3A_655 = arith.constant 512 : index
      %get3A_656 = tpu.vector_load %arg15[%get3A_654, %get3A_655] {strides = array<i32>} : memref<32x768xf32, #tpu.memory_space<vmem>>, vector<1x16xf32>,
      %get3A_657 = vector.shape_cast %get3A_656 : vector<1x16xf32> to vector<16xf32>
      %mul3A_658 = vector.broadcast %squeeze3A_72 : f32 to vector<16xf32>
      %mul3A_659 = arith.mulf %mul3A_658, %get3A_657 : vector<16xf32>
      %add3A_660 = arith.addf %mul3A_653, %mul3A_659 : vector<16xf32>
      %swap3A_661 = arith.index_cast %scan3A_60 : i32 to index
      %swap3A_662 = arith.constant 512 : index
      %swap3A_663 = tpu.vector_load %arg14[%swap3A_661, %swap3A_662] {strides = array<i32>} : memref<32x768xf32, #tpu.memory_space<vmem>>, vector<1x16xf32>,
      %swap3A_664 = vector.shape_cast %swap3A_663 : vector<1x16xf32> to vector<16xf32>
      %swap3A_665 = vector.shape_cast %add3A_660 : vector<16xf32> to vector<1x16xf32>
      tpu.vector_store %arg14[%swap3A_661, %swap3A_662], %swap3A_665 {strides = array<i32>} : memref<32x768xf32, #tpu.memory_space<vmem>>, vector<1x16xf32>,
      %get3A_666 = arith.index_cast %scan3A_60 : i32 to index
      %get3A_667 = arith.constant 528 : index
      %get3A_668 = tpu.vector_load %arg14[%get3A_666, %get3A_667] {strides = array<i32>} : memref<32x768xf32, #tpu.memory_space<vmem>>, vector<1x16xf32>,
      %get3A_669 = vector.shape_cast %get3A_668 : vector<1x16xf32> to vector<16xf32>
      %mul3A_670 = vector.broadcast %squeeze3A : f32 to vector<16xf32>
      %mul3A_671 = arith.mulf %mul3A_670, %get3A_669 : vector<16xf32>
      %get3A_672 = arith.index_cast %scan3A_60 : i32 to index
      %get3A_673 = arith.constant 528 : index
      %get3A_674 = tpu.vector_load %arg15[%get3A_672, %get3A_673] {strides = array<i32>} : memref<32x768xf32, #tpu.memory_space<vmem>>, vector<1x16xf32>,
      %get3A_675 = vector.shape_cast %get3A_674 : vector<1x16xf32> to vector<16xf32>
      %mul3A_676 = vector.broadcast %squeeze3A_72 : f32 to vector<16xf32>
      %mul3A_677 = arith.mulf %mul3A_676, %get3A_675 : vector<16xf32>
      %add3A_678 = arith.addf %mul3A_671, %mul3A_677 : vector<16xf32>
      %swap3A_679 = arith.index_cast %scan3A_60 : i32 to index
      %swap3A_680 = arith.constant 528 : index
      %swap3A_681 = tpu.vector_load %arg14[%swap3A_679, %swap3A_680] {strides = array<i32>} : memref<32x768xf32, #tpu.memory_space<vmem>>, vector<1x16xf32>,
      %swap3A_682 = vector.shape_cast %swap3A_681 : vector<1x16xf32> to vector<16xf32>
      %swap3A_683 = vector.shape_cast %add3A_678 : vector<16xf32> to vector<1x16xf32>
      tpu.vector_store %arg14[%swap3A_679, %swap3A_680], %swap3A_683 {strides = array<i32>} : memref<32x768xf32, #tpu.memory_space<vmem>>, vector<1x16xf32>,
      %get3A_684 = arith.index_cast %scan3A_60 : i32 to index
      %get3A_685 = arith.constant 544 : index
      %get3A_686 = tpu.vector_load %arg14[%get3A_684, %get3A_685] {strides = array<i32>} : memref<32x768xf32, #tpu.memory_space<vmem>>, vector<1x16xf32>,
      %get3A_687 = vector.shape_cast %get3A_686 : vector<1x16xf32> to vector<16xf32>
      %mul3A_688 = vector.broadcast %squeeze3A : f32 to vector<16xf32>
      %mul3A_689 = arith.mulf %mul3A_688, %get3A_687 : vector<16xf32>
      %get3A_690 = arith.index_cast %scan3A_60 : i32 to index
      %get3A_691 = arith.constant 544 : index
      %get3A_692 = tpu.vector_load %arg15[%get3A_690, %get3A_691] {strides = array<i32>} : memref<32x768xf32, #tpu.memory_space<vmem>>, vector<1x16xf32>,
      %get3A_693 = vector.shape_cast %get3A_692 : vector<1x16xf32> to vector<16xf32>
      %mul3A_694 = vector.broadcast %squeeze3A_72 : f32 to vector<16xf32>
      %mul3A_695 = arith.mulf %mul3A_694, %get3A_693 : vector<16xf32>
      %add3A_696 = arith.addf %mul3A_689, %mul3A_695 : vector<16xf32>
      %swap3A_697 = arith.index_cast %scan3A_60 : i32 to index
      %swap3A_698 = arith.constant 544 : index
      %swap3A_699 = tpu.vector_load %arg14[%swap3A_697, %swap3A_698] {strides = array<i32>} : memref<32x768xf32, #tpu.memory_space<vmem>>, vector<1x16xf32>,
      %swap3A_700 = vector.shape_cast %swap3A_699 : vector<1x16xf32> to vector<16xf32>
      %swap3A_701 = vector.shape_cast %add3A_696 : vector<16xf32> to vector<1x16xf32>
      tpu.vector_store %arg14[%swap3A_697, %swap3A_698], %swap3A_701 {strides = array<i32>} : memref<32x768xf32, #tpu.memory_space<vmem>>, vector<1x16xf32>,
      %get3A_702 = arith.index_cast %scan3A_60 : i32 to index
      %get3A_703 = arith.constant 560 : index
      %get3A_704 = tpu.vector_load %arg14[%get3A_702, %get3A_703] {strides = array<i32>} : memref<32x768xf32, #tpu.memory_space<vmem>>, vector<1x16xf32>,
      %get3A_705 = vector.shape_cast %get3A_704 : vector<1x16xf32> to vector<16xf32>
      %mul3A_706 = vector.broadcast %squeeze3A : f32 to vector<16xf32>
      %mul3A_707 = arith.mulf %mul3A_706, %get3A_705 : vector<16xf32>
      %get3A_708 = arith.index_cast %scan3A_60 : i32 to index
      %get3A_709 = arith.constant 560 : index
      %get3A_710 = tpu.vector_load %arg15[%get3A_708, %get3A_709] {strides = array<i32>} : memref<32x768xf32, #tpu.memory_space<vmem>>, vector<1x16xf32>,
      %get3A_711 = vector.shape_cast %get3A_710 : vector<1x16xf32> to vector<16xf32>
      %mul3A_712 = vector.broadcast %squeeze3A_72 : f32 to vector<16xf32>
      %mul3A_713 = arith.mulf %mul3A_712, %get3A_711 : vector<16xf32>
      %add3A_714 = arith.addf %mul3A_707, %mul3A_713 : vector<16xf32>
      %swap3A_715 = arith.index_cast %scan3A_60 : i32 to index
      %swap3A_716 = arith.constant 560 : index
      %swap3A_717 = tpu.vector_load %arg14[%swap3A_715, %swap3A_716] {strides = array<i32>} : memref<32x768xf32, #tpu.memory_space<vmem>>, vector<1x16xf32>,
      %swap3A_718 = vector.shape_cast %swap3A_717 : vector<1x16xf32> to vector<16xf32>
      %swap3A_719 = vector.shape_cast %add3A_714 : vector<16xf32> to vector<1x16xf32>
      tpu.vector_store %arg14[%swap3A_715, %swap3A_716], %swap3A_719 {strides = array<i32>} : memref<32x768xf32, #tpu.memory_space<vmem>>, vector<1x16xf32>,
      %get3A_720 = arith.index_cast %scan3A_60 : i32 to index
      %get3A_721 = arith.constant 576 : index
      %get3A_722 = tpu.vector_load %arg14[%get3A_720, %get3A_721] {strides = array<i32>} : memref<32x768xf32, #tpu.memory_space<vmem>>, vector<1x16xf32>,
      %get3A_723 = vector.shape_cast %get3A_722 : vector<1x16xf32> to vector<16xf32>
      %mul3A_724 = vector.broadcast %squeeze3A : f32 to vector<16xf32>
      %mul3A_725 = arith.mulf %mul3A_724, %get3A_723 : vector<16xf32>
      %get3A_726 = arith.index_cast %scan3A_60 : i32 to index
      %get3A_727 = arith.constant 576 : index
      %get3A_728 = tpu.vector_load %arg15[%get3A_726, %get3A_727] {strides = array<i32>} : memref<32x768xf32, #tpu.memory_space<vmem>>, vector<1x16xf32>,
      %get3A_729 = vector.shape_cast %get3A_728 : vector<1x16xf32> to vector<16xf32>
      %mul3A_730 = vector.broadcast %squeeze3A_72 : f32 to vector<16xf32>
      %mul3A_731 = arith.mulf %mul3A_730, %get3A_729 : vector<16xf32>
      %add3A_732 = arith.addf %mul3A_725, %mul3A_731 : vector<16xf32>
      %swap3A_733 = arith.index_cast %scan3A_60 : i32 to index
      %swap3A_734 = arith.constant 576 : index
      %swap3A_735 = tpu.vector_load %arg14[%swap3A_733, %swap3A_734] {strides = array<i32>} : memref<32x768xf32, #tpu.memory_space<vmem>>, vector<1x16xf32>,
      %swap3A_736 = vector.shape_cast %swap3A_735 : vector<1x16xf32> to vector<16xf32>
      %swap3A_737 = vector.shape_cast %add3A_732 : vector<16xf32> to vector<1x16xf32>
      tpu.vector_store %arg14[%swap3A_733, %swap3A_734], %swap3A_737 {strides = array<i32>} : memref<32x768xf32, #tpu.memory_space<vmem>>, vector<1x16xf32>,
      %get3A_738 = arith.index_cast %scan3A_60 : i32 to index
      %get3A_739 = arith.constant 592 : index
      %get3A_740 = tpu.vector_load %arg14[%get3A_738, %get3A_739] {strides = array<i32>} : memref<32x768xf32, #tpu.memory_space<vmem>>, vector<1x16xf32>,
      %get3A_741 = vector.shape_cast %get3A_740 : vector<1x16xf32> to vector<16xf32>
      %mul3A_742 = vector.broadcast %squeeze3A : f32 to vector<16xf32>
      %mul3A_743 = arith.mulf %mul3A_742, %get3A_741 : vector<16xf32>
      %get3A_744 = arith.index_cast %scan3A_60 : i32 to index
      %get3A_745 = arith.constant 592 : index
      %get3A_746 = tpu.vector_load %arg15[%get3A_744, %get3A_745] {strides = array<i32>} : memref<32x768xf32, #tpu.memory_space<vmem>>, vector<1x16xf32>,
      %get3A_747 = vector.shape_cast %get3A_746 : vector<1x16xf32> to vector<16xf32>
      %mul3A_748 = vector.broadcast %squeeze3A_72 : f32 to vector<16xf32>
      %mul3A_749 = arith.mulf %mul3A_748, %get3A_747 : vector<16xf32>
      %add3A_750 = arith.addf %mul3A_743, %mul3A_749 : vector<16xf32>
      %swap3A_751 = arith.index_cast %scan3A_60 : i32 to index
      %swap3A_752 = arith.constant 592 : index
      %swap3A_753 = tpu.vector_load %arg14[%swap3A_751, %swap3A_752] {strides = array<i32>} : memref<32x768xf32, #tpu.memory_space<vmem>>, vector<1x16xf32>,
      %swap3A_754 = vector.shape_cast %swap3A_753 : vector<1x16xf32> to vector<16xf32>
      %swap3A_755 = vector.shape_cast %add3A_750 : vector<16xf32> to vector<1x16xf32>
      tpu.vector_store %arg14[%swap3A_751, %swap3A_752], %swap3A_755 {strides = array<i32>} : memref<32x768xf32, #tpu.memory_space<vmem>>, vector<1x16xf32>,
      %get3A_756 = arith.index_cast %scan3A_60 : i32 to index
      %get3A_757 = arith.constant 608 : index
      %get3A_758 = tpu.vector_load %arg14[%get3A_756, %get3A_757] {strides = array<i32>} : memref<32x768xf32, #tpu.memory_space<vmem>>, vector<1x16xf32>,
      %get3A_759 = vector.shape_cast %get3A_758 : vector<1x16xf32> to vector<16xf32>
      %mul3A_760 = vector.broadcast %squeeze3A : f32 to vector<16xf32>
      %mul3A_761 = arith.mulf %mul3A_760, %get3A_759 : vector<16xf32>
      %get3A_762 = arith.index_cast %scan3A_60 : i32 to index
      %get3A_763 = arith.constant 608 : index
      %get3A_764 = tpu.vector_load %arg15[%get3A_762, %get3A_763] {strides = array<i32>} : memref<32x768xf32, #tpu.memory_space<vmem>>, vector<1x16xf32>,
      %get3A_765 = vector.shape_cast %get3A_764 : vector<1x16xf32> to vector<16xf32>
      %mul3A_766 = vector.broadcast %squeeze3A_72 : f32 to vector<16xf32>
      %mul3A_767 = arith.mulf %mul3A_766, %get3A_765 : vector<16xf32>
      %add3A_768 = arith.addf %mul3A_761, %mul3A_767 : vector<16xf32>
      %swap3A_769 = arith.index_cast %scan3A_60 : i32 to index
      %swap3A_770 = arith.constant 608 : index
      %swap3A_771 = tpu.vector_load %arg14[%swap3A_769, %swap3A_770] {strides = array<i32>} : memref<32x768xf32, #tpu.memory_space<vmem>>, vector<1x16xf32>,
      %swap3A_772 = vector.shape_cast %swap3A_771 : vector<1x16xf32> to vector<16xf32>
      %swap3A_773 = vector.shape_cast %add3A_768 : vector<16xf32> to vector<1x16xf32>
      tpu.vector_store %arg14[%swap3A_769, %swap3A_770], %swap3A_773 {strides = array<i32>} : memref<32x768xf32, #tpu.memory_space<vmem>>, vector<1x16xf32>,
      %get3A_774 = arith.index_cast %scan3A_60 : i32 to index
      %get3A_775 = arith.constant 624 : index
      %get3A_776 = tpu.vector_load %arg14[%get3A_774, %get3A_775] {strides = array<i32>} : memref<32x768xf32, #tpu.memory_space<vmem>>, vector<1x16xf32>,
      %get3A_777 = vector.shape_cast %get3A_776 : vector<1x16xf32> to vector<16xf32>
      %mul3A_778 = vector.broadcast %squeeze3A : f32 to vector<16xf32>
      %mul3A_779 = arith.mulf %mul3A_778, %get3A_777 : vector<16xf32>
      %get3A_780 = arith.index_cast %scan3A_60 : i32 to index
      %get3A_781 = arith.constant 624 : index
      %get3A_782 = tpu.vector_load %arg15[%get3A_780, %get3A_781] {strides = array<i32>} : memref<32x768xf32, #tpu.memory_space<vmem>>, vector<1x16xf32>,
      %get3A_783 = vector.shape_cast %get3A_782 : vector<1x16xf32> to vector<16xf32>
      %mul3A_784 = vector.broadcast %squeeze3A_72 : f32 to vector<16xf32>
      %mul3A_785 = arith.mulf %mul3A_784, %get3A_783 : vector<16xf32>
      %add3A_786 = arith.addf %mul3A_779, %mul3A_785 : vector<16xf32>
      %swap3A_787 = arith.index_cast %scan3A_60 : i32 to index
      %swap3A_788 = arith.constant 624 : index
      %swap3A_789 = tpu.vector_load %arg14[%swap3A_787, %swap3A_788] {strides = array<i32>} : memref<32x768xf32, #tpu.memory_space<vmem>>, vector<1x16xf32>,
      %swap3A_790 = vector.shape_cast %swap3A_789 : vector<1x16xf32> to vector<16xf32>
      %swap3A_791 = vector.shape_cast %add3A_786 : vector<16xf32> to vector<1x16xf32>
      tpu.vector_store %arg14[%swap3A_787, %swap3A_788], %swap3A_791 {strides = array<i32>} : memref<32x768xf32, #tpu.memory_space<vmem>>, vector<1x16xf32>,
      %get3A_792 = arith.index_cast %scan3A_60 : i32 to index
      %get3A_793 = arith.constant 640 : index
      %get3A_794 = tpu.vector_load %arg14[%get3A_792, %get3A_793] {strides = array<i32>} : memref<32x768xf32, #tpu.memory_space<vmem>>, vector<1x16xf32>,
      %get3A_795 = vector.shape_cast %get3A_794 : vector<1x16xf32> to vector<16xf32>
      %mul3A_796 = vector.broadcast %squeeze3A : f32 to vector<16xf32>
      %mul3A_797 = arith.mulf %mul3A_796, %get3A_795 : vector<16xf32>
      %get3A_798 = arith.index_cast %scan3A_60 : i32 to index
      %get3A_799 = arith.constant 640 : index
      %get3A_800 = tpu.vector_load %arg15[%get3A_798, %get3A_799] {strides = array<i32>} : memref<32x768xf32, #tpu.memory_space<vmem>>, vector<1x16xf32>,
      %get3A_801 = vector.shape_cast %get3A_800 : vector<1x16xf32> to vector<16xf32>
      %mul3A_802 = vector.broadcast %squeeze3A_72 : f32 to vector<16xf32>
      %mul3A_803 = arith.mulf %mul3A_802, %get3A_801 : vector<16xf32>
      %add3A_804 = arith.addf %mul3A_797, %mul3A_803 : vector<16xf32>
      %swap3A_805 = arith.index_cast %scan3A_60 : i32 to index
      %swap3A_806 = arith.constant 640 : index
      %swap3A_807 = tpu.vector_load %arg14[%swap3A_805, %swap3A_806] {strides = array<i32>} : memref<32x768xf32, #tpu.memory_space<vmem>>, vector<1x16xf32>,
      %swap3A_808 = vector.shape_cast %swap3A_807 : vector<1x16xf32> to vector<16xf32>
      %swap3A_809 = vector.shape_cast %add3A_804 : vector<16xf32> to vector<1x16xf32>
      tpu.vector_store %arg14[%swap3A_805, %swap3A_806], %swap3A_809 {strides = array<i32>} : memref<32x768xf32, #tpu.memory_space<vmem>>, vector<1x16xf32>,
      %get3A_810 = arith.index_cast %scan3A_60 : i32 to index
      %get3A_811 = arith.constant 656 : index
      %get3A_812 = tpu.vector_load %arg14[%get3A_810, %get3A_811] {strides = array<i32>} : memref<32x768xf32, #tpu.memory_space<vmem>>, vector<1x16xf32>,
      %get3A_813 = vector.shape_cast %get3A_812 : vector<1x16xf32> to vector<16xf32>
      %mul3A_814 = vector.broadcast %squeeze3A : f32 to vector<16xf32>
      %mul3A_815 = arith.mulf %mul3A_814, %get3A_813 : vector<16xf32>
      %get3A_816 = arith.index_cast %scan3A_60 : i32 to index
      %get3A_817 = arith.constant 656 : index
      %get3A_818 = tpu.vector_load %arg15[%get3A_816, %get3A_817] {strides = array<i32>} : memref<32x768xf32, #tpu.memory_space<vmem>>, vector<1x16xf32>,
      %get3A_819 = vector.shape_cast %get3A_818 : vector<1x16xf32> to vector<16xf32>
      %mul3A_820 = vector.broadcast %squeeze3A_72 : f32 to vector<16xf32>
      %mul3A_821 = arith.mulf %mul3A_820, %get3A_819 : vector<16xf32>
      %add3A_822 = arith.addf %mul3A_815, %mul3A_821 : vector<16xf32>
      %swap3A_823 = arith.index_cast %scan3A_60 : i32 to index
      %swap3A_824 = arith.constant 656 : index
      %swap3A_825 = tpu.vector_load %arg14[%swap3A_823, %swap3A_824] {strides = array<i32>} : memref<32x768xf32, #tpu.memory_space<vmem>>, vector<1x16xf32>,
      %swap3A_826 = vector.shape_cast %swap3A_825 : vector<1x16xf32> to vector<16xf32>
      %swap3A_827 = vector.shape_cast %add3A_822 : vector<16xf32> to vector<1x16xf32>
      tpu.vector_store %arg14[%swap3A_823, %swap3A_824], %swap3A_827 {strides = array<i32>} : memref<32x768xf32, #tpu.memory_space<vmem>>, vector<1x16xf32>,
      %get3A_828 = arith.index_cast %scan3A_60 : i32 to index
      %get3A_829 = arith.constant 672 : index
      %get3A_830 = tpu.vector_load %arg14[%get3A_828, %get3A_829] {strides = array<i32>} : memref<32x768xf32, #tpu.memory_space<vmem>>, vector<1x16xf32>,
      %get3A_831 = vector.shape_cast %get3A_830 : vector<1x16xf32> to vector<16xf32>
      %mul3A_832 = vector.broadcast %squeeze3A : f32 to vector<16xf32>
      %mul3A_833 = arith.mulf %mul3A_832, %get3A_831 : vector<16xf32>
      %get3A_834 = arith.index_cast %scan3A_60 : i32 to index
      %get3A_835 = arith.constant 672 : index
      %get3A_836 = tpu.vector_load %arg15[%get3A_834, %get3A_835] {strides = array<i32>} : memref<32x768xf32, #tpu.memory_space<vmem>>, vector<1x16xf32>,
      %get3A_837 = vector.shape_cast %get3A_836 : vector<1x16xf32> to vector<16xf32>
      %mul3A_838 = vector.broadcast %squeeze3A_72 : f32 to vector<16xf32>
      %mul3A_839 = arith.mulf %mul3A_838, %get3A_837 : vector<16xf32>
      %add3A_840 = arith.addf %mul3A_833, %mul3A_839 : vector<16xf32>
      %swap3A_841 = arith.index_cast %scan3A_60 : i32 to index
      %swap3A_842 = arith.constant 672 : index
      %swap3A_843 = tpu.vector_load %arg14[%swap3A_841, %swap3A_842] {strides = array<i32>} : memref<32x768xf32, #tpu.memory_space<vmem>>, vector<1x16xf32>,
      %swap3A_844 = vector.shape_cast %swap3A_843 : vector<1x16xf32> to vector<16xf32>
      %swap3A_845 = vector.shape_cast %add3A_840 : vector<16xf32> to vector<1x16xf32>
      tpu.vector_store %arg14[%swap3A_841, %swap3A_842], %swap3A_845 {strides = array<i32>} : memref<32x768xf32, #tpu.memory_space<vmem>>, vector<1x16xf32>,
      %get3A_846 = arith.index_cast %scan3A_60 : i32 to index
      %get3A_847 = arith.constant 688 : index
      %get3A_848 = tpu.vector_load %arg14[%get3A_846, %get3A_847] {strides = array<i32>} : memref<32x768xf32, #tpu.memory_space<vmem>>, vector<1x16xf32>,
      %get3A_849 = vector.shape_cast %get3A_848 : vector<1x16xf32> to vector<16xf32>
      %mul3A_850 = vector.broadcast %squeeze3A : f32 to vector<16xf32>
      %mul3A_851 = arith.mulf %mul3A_850, %get3A_849 : vector<16xf32>
      %get3A_852 = arith.index_cast %scan3A_60 : i32 to index
      %get3A_853 = arith.constant 688 : index
      %get3A_854 = tpu.vector_load %arg15[%get3A_852, %get3A_853] {strides = array<i32>} : memref<32x768xf32, #tpu.memory_space<vmem>>, vector<1x16xf32>,
      %get3A_855 = vector.shape_cast %get3A_854 : vector<1x16xf32> to vector<16xf32>
      %mul3A_856 = vector.broadcast %squeeze3A_72 : f32 to vector<16xf32>
      %mul3A_857 = arith.mulf %mul3A_856, %get3A_855 : vector<16xf32>
      %add3A_858 = arith.addf %mul3A_851, %mul3A_857 : vector<16xf32>
      %swap3A_859 = arith.index_cast %scan3A_60 : i32 to index
      %swap3A_860 = arith.constant 688 : index
      %swap3A_861 = tpu.vector_load %arg14[%swap3A_859, %swap3A_860] {strides = array<i32>} : memref<32x768xf32, #tpu.memory_space<vmem>>, vector<1x16xf32>,
      %swap3A_862 = vector.shape_cast %swap3A_861 : vector<1x16xf32> to vector<16xf32>
      %swap3A_863 = vector.shape_cast %add3A_858 : vector<16xf32> to vector<1x16xf32>
      tpu.vector_store %arg14[%swap3A_859, %swap3A_860], %swap3A_863 {strides = array<i32>} : memref<32x768xf32, #tpu.memory_space<vmem>>, vector<1x16xf32>,
      %get3A_864 = arith.index_cast %scan3A_60 : i32 to index
      %get3A_865 = arith.constant 704 : index
      %get3A_866 = tpu.vector_load %arg14[%get3A_864, %get3A_865] {strides = array<i32>} : memref<32x768xf32, #tpu.memory_space<vmem>>, vector<1x16xf32>,
      %get3A_867 = vector.shape_cast %get3A_866 : vector<1x16xf32> to vector<16xf32>
      %mul3A_868 = vector.broadcast %squeeze3A : f32 to vector<16xf32>
      %mul3A_869 = arith.mulf %mul3A_868, %get3A_867 : vector<16xf32>
      %get3A_870 = arith.index_cast %scan3A_60 : i32 to index
      %get3A_871 = arith.constant 704 : index
      %get3A_872 = tpu.vector_load %arg15[%get3A_870, %get3A_871] {strides = array<i32>} : memref<32x768xf32, #tpu.memory_space<vmem>>, vector<1x16xf32>,
      %get3A_873 = vector.shape_cast %get3A_872 : vector<1x16xf32> to vector<16xf32>
      %mul3A_874 = vector.broadcast %squeeze3A_72 : f32 to vector<16xf32>
      %mul3A_875 = arith.mulf %mul3A_874, %get3A_873 : vector<16xf32>
      %add3A_876 = arith.addf %mul3A_869, %mul3A_875 : vector<16xf32>
      %swap3A_877 = arith.index_cast %scan3A_60 : i32 to index
      %swap3A_878 = arith.constant 704 : index
      %swap3A_879 = tpu.vector_load %arg14[%swap3A_877, %swap3A_878] {strides = array<i32>} : memref<32x768xf32, #tpu.memory_space<vmem>>, vector<1x16xf32>,
      %swap3A_880 = vector.shape_cast %swap3A_879 : vector<1x16xf32> to vector<16xf32>
      %swap3A_881 = vector.shape_cast %add3A_876 : vector<16xf32> to vector<1x16xf32>
      tpu.vector_store %arg14[%swap3A_877, %swap3A_878], %swap3A_881 {strides = array<i32>} : memref<32x768xf32, #tpu.memory_space<vmem>>, vector<1x16xf32>,
      %get3A_882 = arith.index_cast %scan3A_60 : i32 to index
      %get3A_883 = arith.constant 720 : index
      %get3A_884 = tpu.vector_load %arg14[%get3A_882, %get3A_883] {strides = array<i32>} : memref<32x768xf32, #tpu.memory_space<vmem>>, vector<1x16xf32>,
      %get3A_885 = vector.shape_cast %get3A_884 : vector<1x16xf32> to vector<16xf32>
      %mul3A_886 = vector.broadcast %squeeze3A : f32 to vector<16xf32>
      %mul3A_887 = arith.mulf %mul3A_886, %get3A_885 : vector<16xf32>
      %get3A_888 = arith.index_cast %scan3A_60 : i32 to index
      %get3A_889 = arith.constant 720 : index
      %get3A_890 = tpu.vector_load %arg15[%get3A_888, %get3A_889] {strides = array<i32>} : memref<32x768xf32, #tpu.memory_space<vmem>>, vector<1x16xf32>,
      %get3A_891 = vector.shape_cast %get3A_890 : vector<1x16xf32> to vector<16xf32>
      %mul3A_892 = vector.broadcast %squeeze3A_72 : f32 to vector<16xf32>
      %mul3A_893 = arith.mulf %mul3A_892, %get3A_891 : vector<16xf32>
      %add3A_894 = arith.addf %mul3A_887, %mul3A_893 : vector<16xf32>
      %swap3A_895 = arith.index_cast %scan3A_60 : i32 to index
      %swap3A_896 = arith.constant 720 : index
      %swap3A_897 = tpu.vector_load %arg14[%swap3A_895, %swap3A_896] {strides = array<i32>} : memref<32x768xf32, #tpu.memory_space<vmem>>, vector<1x16xf32>,
      %swap3A_898 = vector.shape_cast %swap3A_897 : vector<1x16xf32> to vector<16xf32>
      %swap3A_899 = vector.shape_cast %add3A_894 : vector<16xf32> to vector<1x16xf32>
      tpu.vector_store %arg14[%swap3A_895, %swap3A_896], %swap3A_899 {strides = array<i32>} : memref<32x768xf32, #tpu.memory_space<vmem>>, vector<1x16xf32>,
      %get3A_900 = arith.index_cast %scan3A_60 : i32 to index
      %get3A_901 = arith.constant 736 : index
      %get3A_902 = tpu.vector_load %arg14[%get3A_900, %get3A_901] {strides = array<i32>} : memref<32x768xf32, #tpu.memory_space<vmem>>, vector<1x16xf32>,
      %get3A_903 = vector.shape_cast %get3A_902 : vector<1x16xf32> to vector<16xf32>
      %mul3A_904 = vector.broadcast %squeeze3A : f32 to vector<16xf32>
      %mul3A_905 = arith.mulf %mul3A_904, %get3A_903 : vector<16xf32>
      %get3A_906 = arith.index_cast %scan3A_60 : i32 to index
      %get3A_907 = arith.constant 736 : index
      %get3A_908 = tpu.vector_load %arg15[%get3A_906, %get3A_907] {strides = array<i32>} : memref<32x768xf32, #tpu.memory_space<vmem>>, vector<1x16xf32>,
      %get3A_909 = vector.shape_cast %get3A_908 : vector<1x16xf32> to vector<16xf32>
      %mul3A_910 = vector.broadcast %squeeze3A_72 : f32 to vector<16xf32>
      %mul3A_911 = arith.mulf %mul3A_910, %get3A_909 : vector<16xf32>
      %add3A_912 = arith.addf %mul3A_905, %mul3A_911 : vector<16xf32>
      %swap3A_913 = arith.index_cast %scan3A_60 : i32 to index
      %swap3A_914 = arith.constant 736 : index
      %swap3A_915 = tpu.vector_load %arg14[%swap3A_913, %swap3A_914] {strides = array<i32>} : memref<32x768xf32, #tpu.memory_space<vmem>>, vector<1x16xf32>,
      %swap3A_916 = vector.shape_cast %swap3A_915 : vector<1x16xf32> to vector<16xf32>
      %swap3A_917 = vector.shape_cast %add3A_912 : vector<16xf32> to vector<1x16xf32>
      tpu.vector_store %arg14[%swap3A_913, %swap3A_914], %swap3A_917 {strides = array<i32>} : memref<32x768xf32, #tpu.memory_space<vmem>>, vector<1x16xf32>,
      %get3A_918 = arith.index_cast %scan3A_60 : i32 to index
      %get3A_919 = arith.constant 752 : index
      %get3A_920 = tpu.vector_load %arg14[%get3A_918, %get3A_919] {strides = array<i32>} : memref<32x768xf32, #tpu.memory_space<vmem>>, vector<1x16xf32>,
      %get3A_921 = vector.shape_cast %get3A_920 : vector<1x16xf32> to vector<16xf32>
      %mul3A_922 = vector.broadcast %squeeze3A : f32 to vector<16xf32>
      %mul3A_923 = arith.mulf %mul3A_922, %get3A_921 : vector<16xf32>
      %get3A_924 = arith.index_cast %scan3A_60 : i32 to index
      %get3A_925 = arith.constant 752 : index
      %get3A_926 = tpu.vector_load %arg15[%get3A_924, %get3A_925] {strides = array<i32>} : memref<32x768xf32, #tpu.memory_space<vmem>>, vector<1x16xf32>,
      %get3A_927 = vector.shape_cast %get3A_926 : vector<1x16xf32> to vector<16xf32>
      %mul3A_928 = vector.broadcast %squeeze3A_72 : f32 to vector<16xf32>
      %mul3A_929 = arith.mulf %mul3A_928, %get3A_927 : vector<16xf32>
      %add3A_930 = arith.addf %mul3A_923, %mul3A_929 : vector<16xf32>
      %swap3A_931 = arith.index_cast %scan3A_60 : i32 to index
      %swap3A_932 = arith.constant 752 : index
      %swap3A_933 = tpu.vector_load %arg14[%swap3A_931, %swap3A_932] {strides = array<i32>} : memref<32x768xf32, #tpu.memory_space<vmem>>, vector<1x16xf32>,
      %swap3A_934 = vector.shape_cast %swap3A_933 : vector<1x16xf32> to vector<16xf32>
      %swap3A_935 = vector.shape_cast %add3A_930 : vector<16xf32> to vector<1x16xf32>
      tpu.vector_store %arg14[%swap3A_931, %swap3A_932], %swap3A_935 {strides = array<i32>} : memref<32x768xf32, #tpu.memory_space<vmem>>, vector<1x16xf32>,
      %scan3A_936 = arith.constant 0 : i32
      scf.yield %scan3A_936 : i32
    }
    %scan3A_56 = arith.constant 32 : i32
    %add3A_57 = arith.constant 32 : i32
    %add3A_58 = arith.addi %multiple_of3A, %add3A_57 : i32
    %multiple_of3A_59 = tpu.assume_multiple %add3A_58, 32 : i32
    "tpu.region"() ({
      %run_scoped3A = tpu.sem_alloc : memref<!tpu.dma_semaphore, #tpu.memory_space<semaphore_mem>>
      %dma_start3A_60 = arith.constant 0 : i32
      %dma_start3A_61 = tpu.memref_slice %arg7[%multiple_of3A_59, %dma_start3A_60] : memref<2048x768xf32, #tpu.memory_space<hbm>> -> memref<32x768xf32, #tpu.memory_space<hbm>>
      %dma_start3A_62 = arith.constant 0 : i32
      %dma_start3A_63 = tpu.memref_slice %arg7[%multiple_of3A_59, %dma_start3A_62] : memref<2048x768xf32, #tpu.memory_space<hbm>> -> memref<32x768xf32, #tpu.memory_space<hbm>>
      tpu.enqueue_dma source(%arg14 : memref<32x768xf32, #tpu.memory_space<vmem>>) target(%dma_start3A_63 : memref<32x768xf32, #tpu.memory_space<hbm>>) target_semaphore(%run_scoped3A : memref<!tpu.dma_semaphore, #tpu.memory_space<semaphore_mem>>)
      %dma_wait3A_64 = arith.constant 0 : i32
      %dma_wait3A_65 = tpu.memref_slice %arg7[%multiple_of3A_59, %dma_wait3A_64] : memref<2048x768xf32, #tpu.memory_space<hbm>> -> memref<32x768xf32, #tpu.memory_space<hbm>>
      %dma_wait3A_66 = arith.constant 0 : i32
      %dma_wait3A_67 = tpu.memref_slice %arg7[%multiple_of3A_59, %dma_wait3A_66] : memref<2048x768xf32, #tpu.memory_space<hbm>> -> memref<32x768xf32, #tpu.memory_space<hbm>>
      tpu.wait_dma2 semaphore(%run_scoped3A : memref<!tpu.dma_semaphore, #tpu.memory_space<semaphore_mem>>) src(%arg14 : memref<32x768xf32, #tpu.memory_space<vmem>>) dst(%dma_wait3A_67 : memref<32x768xf32, #tpu.memory_space<hbm>>)
      tpu.yield
    }) : () -> ()
    return
  }
}

module attributes {stable_mosaic.version = 14 : i64} {
  func.func @_gating_body(%arg0: memref<2048x768xf32, #tpu.memory_space<vmem>>, %arg1: memref<64x768xf32, #tpu.memory_space<vmem>>, %arg2: memref<1x64xf32, #tpu.memory_space<vmem>>, %arg3: memref<2048x2xf32, #tpu.memory_space<vmem>>, %arg4: memref<2048x2xi32, #tpu.memory_space<vmem>>, %arg5: memref<1x96xi32, #tpu.memory_space<vmem>>, %arg6: memref<1x1xi32, #tpu.memory_space<vmem>>, %arg7: memref<1x96xi32, #tpu.memory_space<vmem>>, %arg8: memref<1x96xi32, #tpu.memory_space<vmem>>, %arg9: memref<1x68xi32, #tpu.memory_space<vmem>>, %arg10: memref<1x1xi32, #tpu.memory_space<vmem>>) attributes {dimension_semantics = [], scalar_prefetch = 0 : i64, scratch_operands = 0 : i64, tpu.core_type = #tpu.core_type<tc>} {
    %get3A = arith.constant 0 : index
    %get3A_0 = arith.constant 0 : index
    %get3A_1 = vector.load %arg0[%get3A, %get3A_0] : memref<2048x768xf32, #tpu.memory_space<vmem>>, vector<2048x768xf32>
    %get3A_2 = arith.constant 0 : index
    %get3A_3 = arith.constant 0 : index
    %get3A_4 = vector.load %arg1[%get3A_2, %get3A_3] : memref<64x768xf32, #tpu.memory_space<vmem>>, vector<64x768xf32>
    %dot_general3A = arith.constant dense<0.000000e+00> : vector<2048x64xf32>
    %dot_general3A_5 = tpu.matmul %get3A_1, %get3A_4, %dot_general3A {dimension_numbers = #tpu.dot_dimension_numbers<[1], [1], [0], [0], [0, 0, 1, 0], [], []>, transpose_lhs_hint = false} : vector<2048x768xf32>, vector<64x768xf32>, vector<2048x64xf32> -> vector<2048x64xf32>
    %get3A_6 = arith.constant 0 : index
    %get3A_7 = arith.constant 0 : index
    %get3A_8 = vector.load %arg2[%get3A_6, %get3A_7] : memref<1x64xf32, #tpu.memory_space<vmem>>, vector<1x64xf32>
    %add3A = vector.broadcast %get3A_8 : vector<1x64xf32> to vector<2048x64xf32>
    %add3A_9 = arith.addf %dot_general3A_5, %add3A : vector<2048x64xf32>
    %iota3A = tpu.iota {dimensions = array<i32: 1>} : vector<2048x64xi32>
    %reduce_max3A = arith.constant dense<0xFF800000> : vector<2048xf32>
    %reduce_max3A_10 = vector.multi_reduction <maximumf>, %add3A_9, %reduce_max3A [1] : vector<2048x64xf32> to vector<2048xf32>
    %broadcast_in_dim3A = vector.shape_cast %reduce_max3A_10 : vector<2048xf32> to vector<2048x1xf32>
    %eq3A = vector.broadcast %broadcast_in_dim3A : vector<2048x1xf32> to vector<2048x64xf32>
    %eq3A_11 = arith.cmpf oeq, %add3A_9, %eq3A : vector<2048x64xf32>
    %jit3A = arith.constant 64 : i32
    %broadcast_in_dim3A_12 = vector.broadcast %jit3A : i32 to vector<2048x64xi32>
    %select_n3A = arith.select %eq3A_11, %iota3A, %broadcast_in_dim3A_12 : vector<2048x64xi1>, vector<2048x64xi32>
    %reduce_min3A = arith.constant dense<2147483647> : vector<2048xi32>
    %reduce_min3A_13 = vector.multi_reduction <minsi>, %select_n3A, %reduce_min3A [1] : vector<2048x64xi32> to vector<2048xi32>
    %broadcast_in_dim3A_14 = vector.shape_cast %reduce_min3A_13 : vector<2048xi32> to vector<2048x1xi32>
    %eq3A_15 = vector.broadcast %broadcast_in_dim3A_14 : vector<2048x1xi32> to vector<2048x64xi32>
    %eq3A_16 = arith.cmpi eq, %iota3A, %eq3A_15 : vector<2048x64xi32>
    %jit3A_17 = arith.constant 0xFF800000 : f32
    %broadcast_in_dim3A_18 = vector.broadcast %jit3A_17 : f32 to vector<2048x64xf32>
    %select_n3A_19 = arith.select %eq3A_16, %broadcast_in_dim3A_18, %add3A_9 : vector<2048x64xi1>, vector<2048x64xf32>
    %reduce_max3A_20 = arith.constant dense<0xFF800000> : vector<2048xf32>
    %reduce_max3A_21 = vector.multi_reduction <maximumf>, %select_n3A_19, %reduce_max3A_20 [1] : vector<2048x64xf32> to vector<2048xf32>
    %broadcast_in_dim3A_22 = vector.shape_cast %reduce_max3A_21 : vector<2048xf32> to vector<2048x1xf32>
    %eq3A_23 = vector.broadcast %broadcast_in_dim3A_22 : vector<2048x1xf32> to vector<2048x64xf32>
    %eq3A_24 = arith.cmpf oeq, %select_n3A_19, %eq3A_23 : vector<2048x64xf32>
    %jit3A_25 = arith.constant 64 : i32
    %broadcast_in_dim3A_26 = vector.broadcast %jit3A_25 : i32 to vector<2048x64xi32>
    %select_n3A_27 = arith.select %eq3A_24, %iota3A, %broadcast_in_dim3A_26 : vector<2048x64xi1>, vector<2048x64xi32>
    %reduce_min3A_28 = arith.constant dense<2147483647> : vector<2048xi32>
    %reduce_min3A_29 = vector.multi_reduction <minsi>, %select_n3A_27, %reduce_min3A_28 [1] : vector<2048x64xi32> to vector<2048xi32>
    %squeeze3A = vector.shape_cast %broadcast_in_dim3A_22 : vector<2048x1xf32> to vector<2048xf32>
    %squeeze3A_30 = vector.shape_cast %broadcast_in_dim3A : vector<2048x1xf32> to vector<2048xf32>
    %sub3A = arith.subf %squeeze3A, %squeeze3A_30 : vector<2048xf32>
    %logistic3A = arith.negf %sub3A : vector<2048xf32>
    %logistic3A_31 = math.exp %logistic3A : vector<2048xf32>
    %logistic3A_32 = arith.constant 1.000000e+00 : f32
    %logistic3A_33 = vector.broadcast %logistic3A_32 : f32 to vector<2048xf32>
    %logistic3A_34 = arith.addf %logistic3A_33, %logistic3A_31 : vector<2048xf32>
    %logistic3A_35 = arith.divf %logistic3A_33, %logistic3A_34 : vector<2048xf32>
    %sub3A_36 = arith.constant 1.000000e+00 : f32
    %sub3A_37 = vector.broadcast %sub3A_36 : f32 to vector<2048xf32>
    %sub3A_38 = arith.subf %sub3A_37, %logistic3A_35 : vector<2048xf32>
    %stack3A = vector.shape_cast %sub3A_38 : vector<2048xf32> to vector<2048x1xf32>
    %stack3A_39 = vector.shape_cast %logistic3A_35 : vector<2048xf32> to vector<2048x1xf32>
    %stack3A_40 = tpu.concatenate %stack3A, %stack3A_39 in 1 : vector<2048x1xf32>, vector<2048x1xf32> -> vector<2048x2xf32>
    %swap3A = arith.constant 0 : index
    %swap3A_41 = arith.constant 0 : index
    %swap3A_42 = vector.load %arg3[%swap3A, %swap3A_41] : memref<2048x2xf32, #tpu.memory_space<vmem>>, vector<2048x2xf32>
    tpu.vector_store %arg3[%swap3A, %swap3A_41], %stack3A_40 {strides = array<i32>} : memref<2048x2xf32, #tpu.memory_space<vmem>>, vector<2048x2xf32>,
    %broadcast_in_dim3A_43 = vector.shape_cast %reduce_min3A_13 : vector<2048xi32> to vector<2048x1xi32>
    %eq3A_44 = vector.broadcast %broadcast_in_dim3A_43 : vector<2048x1xi32> to vector<2048x64xi32>
    %eq3A_45 = arith.cmpi eq, %iota3A, %eq3A_44 : vector<2048x64xi32>
    %convert_element_type3A = arith.extui %eq3A_45 : vector<2048x64xi1> to vector<2048x64xi32>
    %convert_element_type3A_46 = arith.sitofp %convert_element_type3A : vector<2048x64xi32> to vector<2048x64xf32>
    %broadcast_in_dim3A_47 = vector.shape_cast %reduce_min3A_29 : vector<2048xi32> to vector<2048x1xi32>
    %eq3A_48 = vector.broadcast %broadcast_in_dim3A_47 : vector<2048x1xi32> to vector<2048x64xi32>
    %eq3A_49 = arith.cmpi eq, %iota3A, %eq3A_48 : vector<2048x64xi32>
    %convert_element_type3A_50 = arith.extui %eq3A_49 : vector<2048x64xi1> to vector<2048x64xi32>
    %convert_element_type3A_51 = arith.sitofp %convert_element_type3A_50 : vector<2048x64xi32> to vector<2048x64xf32>
    %add3A_52 = arith.addf %convert_element_type3A_46, %convert_element_type3A_51 : vector<2048x64xf32>
    %reduce_sum3A = arith.constant dense<0.000000e+00> : vector<64xf32>
    %reduce_sum3A_53 = vector.multi_reduction <add>, %add3A_52, %reduce_sum3A [0] : vector<2048x64xf32> to vector<64xf32>
    %broadcast_in_dim3A_54 = vector.shape_cast %reduce_sum3A_53 : vector<64xf32> to vector<1x64xf32>
    %div3A = arith.constant 1.280000e+02 : f32
    %div3A_55 = vector.broadcast %div3A : f32 to vector<1x64xf32>
    %div3A_56 = arith.divf %broadcast_in_dim3A_54, %div3A_55 : vector<1x64xf32>
    %sub3A_57 = arith.constant 3.906250e-03 : f32
    %sub3A_58 = vector.broadcast %sub3A_57 : f32 to vector<1x64xf32>
    %sub3A_59 = arith.subf %div3A_56, %sub3A_58 : vector<1x64xf32>
    %floor3A = math.floor %sub3A_59 : vector<1x64xf32>
    %mul3A = arith.constant 1.280000e+02 : f32
    %mul3A_60 = vector.broadcast %mul3A : f32 to vector<1x64xf32>
    %mul3A_61 = arith.mulf %floor3A, %mul3A_60 : vector<1x64xf32>
    %add3A_62 = arith.constant 1.280000e+02 : f32
    %add3A_63 = vector.broadcast %add3A_62 : f32 to vector<1x64xf32>
    %add3A_64 = arith.addf %mul3A_61, %add3A_63 : vector<1x64xf32>
    %iota3A_65 = tpu.iota {dimensions = array<i32: 0>} : vector<64x64xi32>
    %iota3A_66 = tpu.iota {dimensions = array<i32: 1>} : vector<64x64xi32>
    %le3A = arith.cmpi sle, %iota3A_65, %iota3A_66 : vector<64x64xi32>
    %convert_element_type3A_67 = arith.extui %le3A : vector<64x64xi1> to vector<64x64xi32>
    %convert_element_type3A_68 = arith.sitofp %convert_element_type3A_67 : vector<64x64xi32> to vector<64x64xf32>
    %dot_general3A_69 = arith.constant dense<0.000000e+00> : vector<1x64xf32>
    %dot_general3A_70 = tpu.matmul %add3A_64, %convert_element_type3A_68, %dot_general3A_69 {dimension_numbers = #tpu.dot_dimension_numbers<[1], [0], [0], [1], [0, 0, 1, 1], [], []>, transpose_lhs_hint = false} : vector<1x64xf32>, vector<64x64xf32>, vector<1x64xf32> -> vector<1x64xf32>
    %sub3A_71 = arith.subf %dot_general3A_70, %add3A_64 : vector<1x64xf32>
    %iota3A_72 = tpu.iota {dimensions = array<i32: 0>} : vector<2048x2048xi32>
    %iota3A_73 = tpu.iota {dimensions = array<i32: 1>} : vector<2048x2048xi32>
    %lt3A = arith.cmpi slt, %iota3A_73, %iota3A_72 : vector<2048x2048xi32>
    %convert_element_type3A_74 = arith.extui %lt3A : vector<2048x2048xi1> to vector<2048x2048xi32>
    %convert_element_type3A_75 = arith.sitofp %convert_element_type3A_74 : vector<2048x2048xi32> to vector<2048x2048xf32>
    %dot_general3A_76 = arith.constant dense<0.000000e+00> : vector<2048x64xf32>
    %dot_general3A_77 = tpu.matmul %convert_element_type3A_75, %add3A_52, %dot_general3A_76 {dimension_numbers = #tpu.dot_dimension_numbers<[1], [0], [0], [1], [0, 0, 1, 1], [], []>, transpose_lhs_hint = false} : vector<2048x2048xf32>, vector<2048x64xf32>, vector<2048x64xf32> -> vector<2048x64xf32>
    %add3A_78 = vector.broadcast %sub3A_71 : vector<1x64xf32> to vector<2048x64xf32>
    %add3A_79 = arith.addf %dot_general3A_77, %add3A_78 : vector<2048x64xf32>
    %mul3A_80 = arith.mulf %add3A_79, %convert_element_type3A_46 : vector<2048x64xf32>
    %reduce_sum3A_81 = arith.constant dense<0.000000e+00> : vector<2048xf32>
    %reduce_sum3A_82 = vector.multi_reduction <add>, %mul3A_80, %reduce_sum3A_81 [1] : vector<2048x64xf32> to vector<2048xf32>
    %add3A_83 = vector.broadcast %sub3A_71 : vector<1x64xf32> to vector<2048x64xf32>
    %add3A_84 = arith.addf %dot_general3A_77, %add3A_83 : vector<2048x64xf32>
    %mul3A_85 = arith.mulf %add3A_84, %convert_element_type3A_51 : vector<2048x64xf32>
    %reduce_sum3A_86 = arith.constant dense<0.000000e+00> : vector<2048xf32>
    %reduce_sum3A_87 = vector.multi_reduction <add>, %mul3A_85, %reduce_sum3A_86 [1] : vector<2048x64xf32> to vector<2048xf32>
    %stack3A_88 = vector.shape_cast %reduce_sum3A_82 : vector<2048xf32> to vector<2048x1xf32>
    %stack3A_89 = vector.shape_cast %reduce_sum3A_87 : vector<2048xf32> to vector<2048x1xf32>
    %stack3A_90 = tpu.concatenate %stack3A_88, %stack3A_89 in 1 : vector<2048x1xf32>, vector<2048x1xf32> -> vector<2048x2xf32>
    %convert_element_type3A_91 = arith.fptosi %stack3A_90 : vector<2048x2xf32> to vector<2048x2xi32>
    %swap3A_92 = arith.constant 0 : index
    %swap3A_93 = arith.constant 0 : index
    %swap3A_94 = vector.load %arg4[%swap3A_92, %swap3A_93] : memref<2048x2xi32, #tpu.memory_space<vmem>>, vector<2048x2xi32>
    tpu.vector_store %arg4[%swap3A_92, %swap3A_93], %convert_element_type3A_91 {strides = array<i32>} : memref<2048x2xi32, #tpu.memory_space<vmem>>, vector<2048x2xi32>,
    %reduce_sum3A_95 = arith.constant dense<0.000000e+00> : vector<1xf32>
    %reduce_sum3A_96 = vector.multi_reduction <add>, %add3A_64, %reduce_sum3A_95 [1] : vector<1x64xf32> to vector<1xf32>
    %broadcast_in_dim3A_97 = vector.shape_cast %reduce_sum3A_96 : vector<1xf32> to vector<1x1xf32>
    %div3A_98 = arith.constant 1.280000e+02 : f32
    %div3A_99 = vector.broadcast %div3A_98 : f32 to vector<1x1xf32>
    %div3A_100 = arith.divf %broadcast_in_dim3A_97, %div3A_99 : vector<1x1xf32>
    %convert_element_type3A_101 = arith.fptosi %div3A_100 : vector<1x1xf32> to vector<1x1xi32>
    %swap3A_102 = arith.constant 0 : index
    %swap3A_103 = arith.constant 0 : index
    %swap3A_104 = vector.load %arg6[%swap3A_102, %swap3A_103] : memref<1x1xi32, #tpu.memory_space<vmem>>, vector<1x1xi32>
    tpu.vector_store %arg6[%swap3A_102, %swap3A_103], %convert_element_type3A_101 {strides = array<i32>} : memref<1x1xi32, #tpu.memory_space<vmem>>, vector<1x1xi32>,
    %iota3A_105 = tpu.iota {dimensions = array<i32: 1>} : vector<64x96xi32>
    %reshape3A = vector.shape_cast %dot_general3A_70 : vector<1x64xf32> to vector<64x1xf32>
    %convert_element_type3A_106 = arith.sitofp %iota3A_105 : vector<64x96xi32> to vector<64x96xf32>
    %mul3A_107 = arith.constant 1.280000e+02 : f32
    %mul3A_108 = vector.broadcast %mul3A_107 : f32 to vector<64x96xf32>
    %mul3A_109 = arith.mulf %convert_element_type3A_106, %mul3A_108 : vector<64x96xf32>
    %le3A_110 = vector.broadcast %reshape3A : vector<64x1xf32> to vector<64x96xf32>
    %le3A_111 = arith.cmpf ole, %le3A_110, %mul3A_109 : vector<64x96xf32>
    %convert_element_type3A_112 = arith.extui %le3A_111 : vector<64x96xi1> to vector<64x96xi32>
    %convert_element_type3A_113 = arith.sitofp %convert_element_type3A_112 : vector<64x96xi32> to vector<64x96xf32>
    %reduce_sum3A_114 = arith.constant dense<0.000000e+00> : vector<96xf32>
    %reduce_sum3A_115 = vector.multi_reduction <add>, %convert_element_type3A_113, %reduce_sum3A_114 [0] : vector<64x96xf32> to vector<96xf32>
    %broadcast_in_dim3A_116 = vector.shape_cast %reduce_sum3A_115 : vector<96xf32> to vector<1x96xf32>
    %iota3A_117 = tpu.iota {dimensions = array<i32: 1>} : vector<1x96xi32>
    %convert_element_type3A_118 = arith.fptosi %div3A_100 : vector<1x1xf32> to vector<1x1xi32>
    %sub3A_119 = arith.constant 1 : i32
    %sub3A_120 = vector.broadcast %sub3A_119 : i32 to vector<1x1xi32>
    %sub3A_121 = arith.subi %convert_element_type3A_118, %sub3A_120 : vector<1x1xi32>
    %eq3A_122 = vector.broadcast %sub3A_121 : vector<1x1xi32> to vector<1x96xi32>
    %eq3A_123 = arith.cmpi eq, %iota3A_117, %eq3A_122 : vector<1x96xi32>
    %jit3A_124 = arith.constant 0.000000e+00 : f32
    %broadcast_in_dim3A_125 = vector.broadcast %jit3A_124 : f32 to vector<1x96xf32>
    %select_n3A_126 = arith.select %eq3A_123, %broadcast_in_dim3A_116, %broadcast_in_dim3A_125 : vector<1x96xi1>, vector<1x96xf32>
    %reduce_sum3A_127 = arith.constant dense<0.000000e+00> : vector<1xf32>
    %reduce_sum3A_128 = vector.multi_reduction <add>, %select_n3A_126, %reduce_sum3A_127 [1] : vector<1x96xf32> to vector<1xf32>
    %broadcast_in_dim3A_129 = vector.shape_cast %reduce_sum3A_128 : vector<1xf32> to vector<1x1xf32>
    %min3A = vector.broadcast %broadcast_in_dim3A_129 : vector<1x1xf32> to vector<1x96xf32>
    %min3A_130 = arith.minimumf %broadcast_in_dim3A_116, %min3A : vector<1x96xf32>
    %convert_element_type3A_131 = arith.fptosi %min3A_130 : vector<1x96xf32> to vector<1x96xi32>
    %swap3A_132 = arith.constant 0 : index
    %swap3A_133 = arith.constant 0 : index
    %swap3A_134 = vector.load %arg5[%swap3A_132, %swap3A_133] : memref<1x96xi32, #tpu.memory_space<vmem>>, vector<1x96xi32>
    tpu.vector_store %arg5[%swap3A_132, %swap3A_133], %convert_element_type3A_131 {strides = array<i32>} : memref<1x96xi32, #tpu.memory_space<vmem>>, vector<1x96xi32>,
    %ge3A = arith.constant 5.000000e-01 : f32
    %ge3A_135 = vector.broadcast %ge3A : f32 to vector<1x64xf32>
    %ge3A_136 = arith.cmpf oge, %broadcast_in_dim3A_54, %ge3A_135 : vector<1x64xf32>
    %convert_element_type3A_137 = arith.extui %ge3A_136 : vector<1x64xi1> to vector<1x64xi32>
    %convert_element_type3A_138 = arith.sitofp %convert_element_type3A_137 : vector<1x64xi32> to vector<1x64xf32>
    %convert_element_type3A_139 = arith.sitofp %iota3A_105 : vector<64x96xi32> to vector<64x96xf32>
    %mul3A_140 = arith.constant 1.280000e+02 : f32
    %mul3A_141 = vector.broadcast %mul3A_140 : f32 to vector<64x96xf32>
    %mul3A_142 = arith.mulf %convert_element_type3A_139, %mul3A_141 : vector<64x96xf32>
    %sub3A_143 = arith.subf %dot_general3A_70, %add3A_64 : vector<1x64xf32>
    %reshape3A_144 = vector.shape_cast %sub3A_143 : vector<1x64xf32> to vector<64x1xf32>
    %reshape3A_145 = vector.shape_cast %convert_element_type3A_138 : vector<1x64xf32> to vector<64x1xf32>
    %eq3A_146 = vector.broadcast %reshape3A_144 : vector<64x1xf32> to vector<64x96xf32>
    %eq3A_147 = arith.cmpf oeq, %eq3A_146, %mul3A_142 : vector<64x96xf32>
    %convert_element_type3A_148 = arith.extui %eq3A_147 : vector<64x96xi1> to vector<64x96xi32>
    %convert_element_type3A_149 = arith.sitofp %convert_element_type3A_148 : vector<64x96xi32> to vector<64x96xf32>
    %mul3A_150 = vector.broadcast %reshape3A_145 : vector<64x1xf32> to vector<64x96xf32>
    %mul3A_151 = arith.mulf %mul3A_150, %convert_element_type3A_149 : vector<64x96xf32>
    %reduce_sum3A_152 = arith.constant dense<0.000000e+00> : vector<96xf32>
    %reduce_sum3A_153 = vector.multi_reduction <add>, %mul3A_151, %reduce_sum3A_152 [0] : vector<64x96xf32> to vector<96xf32>
    %broadcast_in_dim3A_154 = vector.shape_cast %reduce_sum3A_153 : vector<96xf32> to vector<1x96xf32>
    %convert_element_type3A_155 = arith.fptosi %broadcast_in_dim3A_154 : vector<1x96xf32> to vector<1x96xi32>
    %swap3A_156 = arith.constant 0 : index
    %swap3A_157 = arith.constant 0 : index
    %swap3A_158 = vector.load %arg7[%swap3A_156, %swap3A_157] : memref<1x96xi32, #tpu.memory_space<vmem>>, vector<1x96xi32>
    tpu.vector_store %arg7[%swap3A_156, %swap3A_157], %convert_element_type3A_155 {strides = array<i32>} : memref<1x96xi32, #tpu.memory_space<vmem>>, vector<1x96xi32>,
    %reshape3A_159 = vector.shape_cast %convert_element_type3A_138 : vector<1x64xf32> to vector<64x1xf32>
    %mul3A_160 = vector.broadcast %reshape3A_159 : vector<64x1xf32> to vector<64x96xf32>
    %mul3A_161 = arith.mulf %mul3A_160, %convert_element_type3A_113 : vector<64x96xf32>
    %reduce_sum3A_162 = arith.constant dense<0.000000e+00> : vector<96xf32>
    %reduce_sum3A_163 = vector.multi_reduction <add>, %mul3A_161, %reduce_sum3A_162 [0] : vector<64x96xf32> to vector<96xf32>
    %broadcast_in_dim3A_164 = vector.shape_cast %reduce_sum3A_163 : vector<96xf32> to vector<1x96xf32>
    %convert_element_type3A_165 = arith.fptosi %broadcast_in_dim3A_164 : vector<1x96xf32> to vector<1x96xi32>
    %swap3A_166 = arith.constant 0 : index
    %swap3A_167 = arith.constant 0 : index
    %swap3A_168 = vector.load %arg8[%swap3A_166, %swap3A_167] : memref<1x96xi32, #tpu.memory_space<vmem>>, vector<1x96xi32>
    tpu.vector_store %arg8[%swap3A_166, %swap3A_167], %convert_element_type3A_165 {strides = array<i32>} : memref<1x96xi32, #tpu.memory_space<vmem>>, vector<1x96xi32>,
    %lt3A_169 = arith.cmpi slt, %iota3A_65, %iota3A_66 : vector<64x64xi32>
    %convert_element_type3A_170 = arith.extui %lt3A_169 : vector<64x64xi1> to vector<64x64xi32>
    %convert_element_type3A_171 = arith.sitofp %convert_element_type3A_170 : vector<64x64xi32> to vector<64x64xf32>
    %dot_general3A_172 = arith.constant dense<0.000000e+00> : vector<1x64xf32>
    %dot_general3A_173 = tpu.matmul %convert_element_type3A_138, %convert_element_type3A_171, %dot_general3A_172 {dimension_numbers = #tpu.dot_dimension_numbers<[1], [0], [0], [1], [0, 0, 1, 1], [], []>, transpose_lhs_hint = false} : vector<1x64xf32>, vector<64x64xf32>, vector<1x64xf32> -> vector<1x64xf32>
    %iota3A_174 = tpu.iota {dimensions = array<i32: 1>} : vector<64x68xi32>
    %convert_element_type3A_175 = arith.sitofp %iota3A_174 : vector<64x68xi32> to vector<64x68xf32>
    %reshape3A_176 = vector.shape_cast %dot_general3A_173 : vector<1x64xf32> to vector<64x1xf32>
    %eq3A_177 = vector.broadcast %reshape3A_176 : vector<64x1xf32> to vector<64x68xf32>
    %eq3A_178 = arith.cmpf oeq, %eq3A_177, %convert_element_type3A_175 : vector<64x68xf32>
    %reshape3A_179 = vector.shape_cast %convert_element_type3A_138 : vector<1x64xf32> to vector<64x1xf32>
    %convert_element_type3A_180 = arith.extui %eq3A_178 : vector<64x68xi1> to vector<64x68xi32>
    %convert_element_type3A_181 = arith.sitofp %convert_element_type3A_180 : vector<64x68xi32> to vector<64x68xf32>
    %mul3A_182 = vector.broadcast %reshape3A_179 : vector<64x1xf32> to vector<64x68xf32>
    %mul3A_183 = arith.mulf %convert_element_type3A_181, %mul3A_182 : vector<64x68xf32>
    %iota3A_184 = tpu.iota {dimensions = array<i32: 0>} : vector<64x68xi32>
    %convert_element_type3A_185 = arith.sitofp %iota3A_184 : vector<64x68xi32> to vector<64x68xf32>
    %mul3A_186 = arith.mulf %mul3A_183, %convert_element_type3A_185 : vector<64x68xf32>
    %reduce_sum3A_187 = arith.constant dense<0.000000e+00> : vector<68xf32>
    %reduce_sum3A_188 = vector.multi_reduction <add>, %mul3A_186, %reduce_sum3A_187 [0] : vector<64x68xf32> to vector<68xf32>
    %broadcast_in_dim3A_189 = vector.shape_cast %reduce_sum3A_188 : vector<68xf32> to vector<1x68xf32>
    %convert_element_type3A_190 = arith.fptosi %broadcast_in_dim3A_189 : vector<1x68xf32> to vector<1x68xi32>
    %swap3A_191 = arith.constant 0 : index
    %swap3A_192 = arith.constant 0 : index
    %swap3A_193 = vector.load %arg9[%swap3A_191, %swap3A_192] : memref<1x68xi32, #tpu.memory_space<vmem>>, vector<1x68xi32>
    tpu.vector_store %arg9[%swap3A_191, %swap3A_192], %convert_element_type3A_190 {strides = array<i32>} : memref<1x68xi32, #tpu.memory_space<vmem>>, vector<1x68xi32>,
    %reduce_sum3A_194 = arith.constant dense<0.000000e+00> : vector<1xf32>
    %reduce_sum3A_195 = vector.multi_reduction <add>, %convert_element_type3A_138, %reduce_sum3A_194 [1] : vector<1x64xf32> to vector<1xf32>
    %broadcast_in_dim3A_196 = vector.shape_cast %reduce_sum3A_195 : vector<1xf32> to vector<1x1xf32>
    %convert_element_type3A_197 = arith.fptosi %broadcast_in_dim3A_196 : vector<1x1xf32> to vector<1x1xi32>
    %swap3A_198 = arith.constant 0 : index
    %swap3A_199 = arith.constant 0 : index
    %swap3A_200 = vector.load %arg10[%swap3A_198, %swap3A_199] : memref<1x1xi32, #tpu.memory_space<vmem>>, vector<1x1xi32>
    tpu.vector_store %arg10[%swap3A_198, %swap3A_199], %convert_element_type3A_197 {strides = array<i32>} : memref<1x1xi32, #tpu.memory_space<vmem>>, vector<1x1xi32>,
    return
  }
}

module attributes {stable_mosaic.version = 14 : i64} {
  func.func @_ffn_body(%arg0: i32, %arg1: memref<96xi32, #tpu.memory_space<smem>>, %arg2: memref<1xi32, #tpu.memory_space<smem>>, %arg3: memref<96xi32, #tpu.memory_space<smem>>, %arg4: memref<96xi32, #tpu.memory_space<smem>>, %arg5: memref<68xi32, #tpu.memory_space<smem>>, %arg6: memref<1xi32, #tpu.memory_space<smem>>, %arg7: memref<128x768xf32, #tpu.memory_space<vmem>>, %arg8: memref<64x512x768xf32, #tpu.memory_space<any>>, %arg9: memref<1x1x512xf32, #tpu.memory_space<vmem>>, %arg10: memref<64x768x512xf32, #tpu.memory_space<any>>, %arg11: memref<1x1x768xf32, #tpu.memory_space<vmem>>, %arg12: memref<64x512x768xf32, #tpu.memory_space<any>>, %arg13: memref<1x1x512xf32, #tpu.memory_space<vmem>>, %arg14: memref<128x768xf32, #tpu.memory_space<vmem>>, %arg15: memref<4x512x768xf32, #tpu.memory_space<vmem>>, %arg16: memref<4x768x512xf32, #tpu.memory_space<vmem>>, %arg17: memref<4x512x768xf32, #tpu.memory_space<vmem>>, %arg18: memref<4x512x768xbf16, #tpu.memory_space<vmem>>, %arg19: memref<4x768x512xbf16, #tpu.memory_space<vmem>>, %arg20: memref<4x512x768xbf16, #tpu.memory_space<vmem>>, %arg21: memref<4x!tpu.dma_semaphore, #tpu.memory_space<semaphore_mem>>) attributes {dimension_semantics = [#tpu.dimension_semantics<arbitrary>], iteration_bounds = array<i64: 96>, scalar_prefetch = 6 : i64, scratch_operands = 7 : i64, tpu.core_type = #tpu.core_type<tc>, window_params = [{transform_indices = @transform_0, window_bounds = array<i64: 128, 768>}, {}, {transform_indices = @transform_2, window_bounds = array<i64: 1, 1, 512>}, {}, {transform_indices = @transform_4, window_bounds = array<i64: 1, 1, 768>}, {}, {transform_indices = @transform_6, window_bounds = array<i64: 1, 1, 512>}, {transform_indices = @transform_7, window_bounds = array<i64: 128, 768>}]} {
    %get3A = arith.constant 0 : index
    %get3A_0 = memref.load %arg6[%get3A] : memref<1xi32, #tpu.memory_space<smem>>
    %eq3A = arith.constant 0 : i32
    %eq3A_1 = arith.cmpi eq, %arg0, %eq3A : i32
    %gt3A = arith.constant 0 : i32
    %gt3A_2 = arith.cmpi sgt, %get3A_0, %gt3A : i32
    %and3A = arith.andi %eq3A_1, %gt3A_2 : i1
    %convert_element_type3A = arith.extui %and3A : i1 to i32
    %cond3A = arith.constant 0 : i32
    %cond3A_3 = arith.cmpi ne, %convert_element_type3A, %cond3A : i32
    scf.if %cond3A_3 {
      %get3A_45 = arith.constant 0 : index
      %get3A_46 = memref.load %arg5[%get3A_45] : memref<68xi32, #tpu.memory_space<smem>>
      %dma_start3A = arith.constant 0 : i32
      %dma_start3A_47 = arith.constant 0 : i32
      %dma_start3A_48 = tpu.memref_slice %arg21[%dma_start3A_47] : memref<4x!tpu.dma_semaphore, #tpu.memory_space<semaphore_mem>> -> memref<1x!tpu.dma_semaphore, #tpu.memory_space<semaphore_mem>>
      %dma_start3A_49 = tpu.memref_squeeze %dma_start3A_48 : memref<1x!tpu.dma_semaphore, #tpu.memory_space<semaphore_mem>> -> memref<!tpu.dma_semaphore, #tpu.memory_space<semaphore_mem>>
      %dma_start3A_50 = arith.constant 0 : i32
      %dma_start3A_51 = arith.constant 0 : i32
      %dma_start3A_52 = tpu.memref_slice %arg15[%dma_start3A, %dma_start3A_50, %dma_start3A_51] : memref<4x512x768xf32, #tpu.memory_space<vmem>> -> memref<1x512x768xf32, #tpu.memory_space<vmem>>
      %dma_start3A_53 = tpu.memref_squeeze %dma_start3A_52 : memref<1x512x768xf32, #tpu.memory_space<vmem>> -> memref<512x768xf32, #tpu.memory_space<vmem>>
      %dma_start3A_54 = arith.constant 0 : i32
      %dma_start3A_55 = arith.constant 0 : i32
      %dma_start3A_56 = tpu.memref_slice %arg8[%get3A_46, %dma_start3A_54, %dma_start3A_55] : memref<64x512x768xf32, #tpu.memory_space<any>> -> memref<1x512x768xf32, #tpu.memory_space<any>>
      %dma_start3A_57 = tpu.memref_squeeze %dma_start3A_56 : memref<1x512x768xf32, #tpu.memory_space<any>> -> memref<512x768xf32, #tpu.memory_space<any>>
      tpu.enqueue_dma source(%dma_start3A_57 : memref<512x768xf32, #tpu.memory_space<any>>) target(%dma_start3A_53 : memref<512x768xf32, #tpu.memory_space<vmem>>) target_semaphore(%dma_start3A_49 : memref<!tpu.dma_semaphore, #tpu.memory_space<semaphore_mem>>)
      %dma_start3A_58 = arith.constant 0 : i32
      %dma_start3A_59 = arith.constant 0 : i32
      %dma_start3A_60 = tpu.memref_slice %arg21[%dma_start3A_59] : memref<4x!tpu.dma_semaphore, #tpu.memory_space<semaphore_mem>> -> memref<1x!tpu.dma_semaphore, #tpu.memory_space<semaphore_mem>>
      %dma_start3A_61 = tpu.memref_squeeze %dma_start3A_60 : memref<1x!tpu.dma_semaphore, #tpu.memory_space<semaphore_mem>> -> memref<!tpu.dma_semaphore, #tpu.memory_space<semaphore_mem>>
      %dma_start3A_62 = arith.constant 0 : i32
      %dma_start3A_63 = arith.constant 0 : i32
      %dma_start3A_64 = tpu.memref_slice %arg16[%dma_start3A_58, %dma_start3A_62, %dma_start3A_63] : memref<4x768x512xf32, #tpu.memory_space<vmem>> -> memref<1x768x512xf32, #tpu.memory_space<vmem>>
      %dma_start3A_65 = tpu.memref_squeeze %dma_start3A_64 : memref<1x768x512xf32, #tpu.memory_space<vmem>> -> memref<768x512xf32, #tpu.memory_space<vmem>>
      %dma_start3A_66 = arith.constant 0 : i32
      %dma_start3A_67 = arith.constant 0 : i32
      %dma_start3A_68 = tpu.memref_slice %arg10[%get3A_46, %dma_start3A_66, %dma_start3A_67] : memref<64x768x512xf32, #tpu.memory_space<any>> -> memref<1x768x512xf32, #tpu.memory_space<any>>
      %dma_start3A_69 = tpu.memref_squeeze %dma_start3A_68 : memref<1x768x512xf32, #tpu.memory_space<any>> -> memref<768x512xf32, #tpu.memory_space<any>>
      tpu.enqueue_dma source(%dma_start3A_69 : memref<768x512xf32, #tpu.memory_space<any>>) target(%dma_start3A_65 : memref<768x512xf32, #tpu.memory_space<vmem>>) target_semaphore(%dma_start3A_61 : memref<!tpu.dma_semaphore, #tpu.memory_space<semaphore_mem>>)
      %dma_start3A_70 = arith.constant 0 : i32
      %dma_start3A_71 = arith.constant 0 : i32
      %dma_start3A_72 = tpu.memref_slice %arg21[%dma_start3A_71] : memref<4x!tpu.dma_semaphore, #tpu.memory_space<semaphore_mem>> -> memref<1x!tpu.dma_semaphore, #tpu.memory_space<semaphore_mem>>
      %dma_start3A_73 = tpu.memref_squeeze %dma_start3A_72 : memref<1x!tpu.dma_semaphore, #tpu.memory_space<semaphore_mem>> -> memref<!tpu.dma_semaphore, #tpu.memory_space<semaphore_mem>>
      %dma_start3A_74 = arith.constant 0 : i32
      %dma_start3A_75 = arith.constant 0 : i32
      %dma_start3A_76 = tpu.memref_slice %arg17[%dma_start3A_70, %dma_start3A_74, %dma_start3A_75] : memref<4x512x768xf32, #tpu.memory_space<vmem>> -> memref<1x512x768xf32, #tpu.memory_space<vmem>>
      %dma_start3A_77 = tpu.memref_squeeze %dma_start3A_76 : memref<1x512x768xf32, #tpu.memory_space<vmem>> -> memref<512x768xf32, #tpu.memory_space<vmem>>
      %dma_start3A_78 = arith.constant 0 : i32
      %dma_start3A_79 = arith.constant 0 : i32
      %dma_start3A_80 = tpu.memref_slice %arg12[%get3A_46, %dma_start3A_78, %dma_start3A_79] : memref<64x512x768xf32, #tpu.memory_space<any>> -> memref<1x512x768xf32, #tpu.memory_space<any>>
      %dma_start3A_81 = tpu.memref_squeeze %dma_start3A_80 : memref<1x512x768xf32, #tpu.memory_space<any>> -> memref<512x768xf32, #tpu.memory_space<any>>
      tpu.enqueue_dma source(%dma_start3A_81 : memref<512x768xf32, #tpu.memory_space<any>>) target(%dma_start3A_77 : memref<512x768xf32, #tpu.memory_space<vmem>>) target_semaphore(%dma_start3A_73 : memref<!tpu.dma_semaphore, #tpu.memory_space<semaphore_mem>>)
    } else {
    }
    %eq3A_4 = arith.constant 0 : i32
    %eq3A_5 = arith.cmpi eq, %arg0, %eq3A_4 : i32
    %gt3A_6 = arith.constant 1 : i32
    %gt3A_7 = arith.cmpi sgt, %get3A_0, %gt3A_6 : i32
    %and3A_8 = arith.andi %eq3A_5, %gt3A_7 : i1
    %convert_element_type3A_9 = arith.extui %and3A_8 : i1 to i32
    %cond3A_10 = arith.constant 0 : i32
    %cond3A_11 = arith.cmpi ne, %convert_element_type3A_9, %cond3A_10 : i32
    scf.if %cond3A_11 {
      %get3A_45 = arith.constant 1 : index
      %get3A_46 = memref.load %arg5[%get3A_45] : memref<68xi32, #tpu.memory_space<smem>>
      %dma_start3A = arith.constant 1 : i32
      %dma_start3A_47 = arith.constant 1 : i32
      %dma_start3A_48 = tpu.memref_slice %arg21[%dma_start3A_47] : memref<4x!tpu.dma_semaphore, #tpu.memory_space<semaphore_mem>> -> memref<1x!tpu.dma_semaphore, #tpu.memory_space<semaphore_mem>>
      %dma_start3A_49 = tpu.memref_squeeze %dma_start3A_48 : memref<1x!tpu.dma_semaphore, #tpu.memory_space<semaphore_mem>> -> memref<!tpu.dma_semaphore, #tpu.memory_space<semaphore_mem>>
      %dma_start3A_50 = arith.constant 0 : i32
      %dma_start3A_51 = arith.constant 0 : i32
      %dma_start3A_52 = tpu.memref_slice %arg15[%dma_start3A, %dma_start3A_50, %dma_start3A_51] : memref<4x512x768xf32, #tpu.memory_space<vmem>> -> memref<1x512x768xf32, #tpu.memory_space<vmem>>
      %dma_start3A_53 = tpu.memref_squeeze %dma_start3A_52 : memref<1x512x768xf32, #tpu.memory_space<vmem>> -> memref<512x768xf32, #tpu.memory_space<vmem>>
      %dma_start3A_54 = arith.constant 0 : i32
      %dma_start3A_55 = arith.constant 0 : i32
      %dma_start3A_56 = tpu.memref_slice %arg8[%get3A_46, %dma_start3A_54, %dma_start3A_55] : memref<64x512x768xf32, #tpu.memory_space<any>> -> memref<1x512x768xf32, #tpu.memory_space<any>>
      %dma_start3A_57 = tpu.memref_squeeze %dma_start3A_56 : memref<1x512x768xf32, #tpu.memory_space<any>> -> memref<512x768xf32, #tpu.memory_space<any>>
      tpu.enqueue_dma source(%dma_start3A_57 : memref<512x768xf32, #tpu.memory_space<any>>) target(%dma_start3A_53 : memref<512x768xf32, #tpu.memory_space<vmem>>) target_semaphore(%dma_start3A_49 : memref<!tpu.dma_semaphore, #tpu.memory_space<semaphore_mem>>)
      %dma_start3A_58 = arith.constant 1 : i32
      %dma_start3A_59 = arith.constant 1 : i32
      %dma_start3A_60 = tpu.memref_slice %arg21[%dma_start3A_59] : memref<4x!tpu.dma_semaphore, #tpu.memory_space<semaphore_mem>> -> memref<1x!tpu.dma_semaphore, #tpu.memory_space<semaphore_mem>>
      %dma_start3A_61 = tpu.memref_squeeze %dma_start3A_60 : memref<1x!tpu.dma_semaphore, #tpu.memory_space<semaphore_mem>> -> memref<!tpu.dma_semaphore, #tpu.memory_space<semaphore_mem>>
      %dma_start3A_62 = arith.constant 0 : i32
      %dma_start3A_63 = arith.constant 0 : i32
      %dma_start3A_64 = tpu.memref_slice %arg16[%dma_start3A_58, %dma_start3A_62, %dma_start3A_63] : memref<4x768x512xf32, #tpu.memory_space<vmem>> -> memref<1x768x512xf32, #tpu.memory_space<vmem>>
      %dma_start3A_65 = tpu.memref_squeeze %dma_start3A_64 : memref<1x768x512xf32, #tpu.memory_space<vmem>> -> memref<768x512xf32, #tpu.memory_space<vmem>>
      %dma_start3A_66 = arith.constant 0 : i32
      %dma_start3A_67 = arith.constant 0 : i32
      %dma_start3A_68 = tpu.memref_slice %arg10[%get3A_46, %dma_start3A_66, %dma_start3A_67] : memref<64x768x512xf32, #tpu.memory_space<any>> -> memref<1x768x512xf32, #tpu.memory_space<any>>
      %dma_start3A_69 = tpu.memref_squeeze %dma_start3A_68 : memref<1x768x512xf32, #tpu.memory_space<any>> -> memref<768x512xf32, #tpu.memory_space<any>>
      tpu.enqueue_dma source(%dma_start3A_69 : memref<768x512xf32, #tpu.memory_space<any>>) target(%dma_start3A_65 : memref<768x512xf32, #tpu.memory_space<vmem>>) target_semaphore(%dma_start3A_61 : memref<!tpu.dma_semaphore, #tpu.memory_space<semaphore_mem>>)
      %dma_start3A_70 = arith.constant 1 : i32
      %dma_start3A_71 = arith.constant 1 : i32
      %dma_start3A_72 = tpu.memref_slice %arg21[%dma_start3A_71] : memref<4x!tpu.dma_semaphore, #tpu.memory_space<semaphore_mem>> -> memref<1x!tpu.dma_semaphore, #tpu.memory_space<semaphore_mem>>
      %dma_start3A_73 = tpu.memref_squeeze %dma_start3A_72 : memref<1x!tpu.dma_semaphore, #tpu.memory_space<semaphore_mem>> -> memref<!tpu.dma_semaphore, #tpu.memory_space<semaphore_mem>>
      %dma_start3A_74 = arith.constant 0 : i32
      %dma_start3A_75 = arith.constant 0 : i32
      %dma_start3A_76 = tpu.memref_slice %arg17[%dma_start3A_70, %dma_start3A_74, %dma_start3A_75] : memref<4x512x768xf32, #tpu.memory_space<vmem>> -> memref<1x512x768xf32, #tpu.memory_space<vmem>>
      %dma_start3A_77 = tpu.memref_squeeze %dma_start3A_76 : memref<1x512x768xf32, #tpu.memory_space<vmem>> -> memref<512x768xf32, #tpu.memory_space<vmem>>
      %dma_start3A_78 = arith.constant 0 : i32
      %dma_start3A_79 = arith.constant 0 : i32
      %dma_start3A_80 = tpu.memref_slice %arg12[%get3A_46, %dma_start3A_78, %dma_start3A_79] : memref<64x512x768xf32, #tpu.memory_space<any>> -> memref<1x512x768xf32, #tpu.memory_space<any>>
      %dma_start3A_81 = tpu.memref_squeeze %dma_start3A_80 : memref<1x512x768xf32, #tpu.memory_space<any>> -> memref<512x768xf32, #tpu.memory_space<any>>
      tpu.enqueue_dma source(%dma_start3A_81 : memref<512x768xf32, #tpu.memory_space<any>>) target(%dma_start3A_77 : memref<512x768xf32, #tpu.memory_space<vmem>>) target_semaphore(%dma_start3A_73 : memref<!tpu.dma_semaphore, #tpu.memory_space<semaphore_mem>>)
    } else {
    }
    %eq3A_12 = arith.constant 0 : i32
    %eq3A_13 = arith.cmpi eq, %arg0, %eq3A_12 : i32
    %gt3A_14 = arith.constant 2 : i32
    %gt3A_15 = arith.cmpi sgt, %get3A_0, %gt3A_14 : i32
    %and3A_16 = arith.andi %eq3A_13, %gt3A_15 : i1
    %convert_element_type3A_17 = arith.extui %and3A_16 : i1 to i32
    %cond3A_18 = arith.constant 0 : i32
    %cond3A_19 = arith.cmpi ne, %convert_element_type3A_17, %cond3A_18 : i32
    scf.if %cond3A_19 {
      %get3A_45 = arith.constant 2 : index
      %get3A_46 = memref.load %arg5[%get3A_45] : memref<68xi32, #tpu.memory_space<smem>>
      %dma_start3A = arith.constant 2 : i32
      %dma_start3A_47 = arith.constant 2 : i32
      %dma_start3A_48 = tpu.memref_slice %arg21[%dma_start3A_47] : memref<4x!tpu.dma_semaphore, #tpu.memory_space<semaphore_mem>> -> memref<1x!tpu.dma_semaphore, #tpu.memory_space<semaphore_mem>>
      %dma_start3A_49 = tpu.memref_squeeze %dma_start3A_48 : memref<1x!tpu.dma_semaphore, #tpu.memory_space<semaphore_mem>> -> memref<!tpu.dma_semaphore, #tpu.memory_space<semaphore_mem>>
      %dma_start3A_50 = arith.constant 0 : i32
      %dma_start3A_51 = arith.constant 0 : i32
      %dma_start3A_52 = tpu.memref_slice %arg15[%dma_start3A, %dma_start3A_50, %dma_start3A_51] : memref<4x512x768xf32, #tpu.memory_space<vmem>> -> memref<1x512x768xf32, #tpu.memory_space<vmem>>
      %dma_start3A_53 = tpu.memref_squeeze %dma_start3A_52 : memref<1x512x768xf32, #tpu.memory_space<vmem>> -> memref<512x768xf32, #tpu.memory_space<vmem>>
      %dma_start3A_54 = arith.constant 0 : i32
      %dma_start3A_55 = arith.constant 0 : i32
      %dma_start3A_56 = tpu.memref_slice %arg8[%get3A_46, %dma_start3A_54, %dma_start3A_55] : memref<64x512x768xf32, #tpu.memory_space<any>> -> memref<1x512x768xf32, #tpu.memory_space<any>>
      %dma_start3A_57 = tpu.memref_squeeze %dma_start3A_56 : memref<1x512x768xf32, #tpu.memory_space<any>> -> memref<512x768xf32, #tpu.memory_space<any>>
      tpu.enqueue_dma source(%dma_start3A_57 : memref<512x768xf32, #tpu.memory_space<any>>) target(%dma_start3A_53 : memref<512x768xf32, #tpu.memory_space<vmem>>) target_semaphore(%dma_start3A_49 : memref<!tpu.dma_semaphore, #tpu.memory_space<semaphore_mem>>)
      %dma_start3A_58 = arith.constant 2 : i32
      %dma_start3A_59 = arith.constant 2 : i32
      %dma_start3A_60 = tpu.memref_slice %arg21[%dma_start3A_59] : memref<4x!tpu.dma_semaphore, #tpu.memory_space<semaphore_mem>> -> memref<1x!tpu.dma_semaphore, #tpu.memory_space<semaphore_mem>>
      %dma_start3A_61 = tpu.memref_squeeze %dma_start3A_60 : memref<1x!tpu.dma_semaphore, #tpu.memory_space<semaphore_mem>> -> memref<!tpu.dma_semaphore, #tpu.memory_space<semaphore_mem>>
      %dma_start3A_62 = arith.constant 0 : i32
      %dma_start3A_63 = arith.constant 0 : i32
      %dma_start3A_64 = tpu.memref_slice %arg16[%dma_start3A_58, %dma_start3A_62, %dma_start3A_63] : memref<4x768x512xf32, #tpu.memory_space<vmem>> -> memref<1x768x512xf32, #tpu.memory_space<vmem>>
      %dma_start3A_65 = tpu.memref_squeeze %dma_start3A_64 : memref<1x768x512xf32, #tpu.memory_space<vmem>> -> memref<768x512xf32, #tpu.memory_space<vmem>>
      %dma_start3A_66 = arith.constant 0 : i32
      %dma_start3A_67 = arith.constant 0 : i32
      %dma_start3A_68 = tpu.memref_slice %arg10[%get3A_46, %dma_start3A_66, %dma_start3A_67] : memref<64x768x512xf32, #tpu.memory_space<any>> -> memref<1x768x512xf32, #tpu.memory_space<any>>
      %dma_start3A_69 = tpu.memref_squeeze %dma_start3A_68 : memref<1x768x512xf32, #tpu.memory_space<any>> -> memref<768x512xf32, #tpu.memory_space<any>>
      tpu.enqueue_dma source(%dma_start3A_69 : memref<768x512xf32, #tpu.memory_space<any>>) target(%dma_start3A_65 : memref<768x512xf32, #tpu.memory_space<vmem>>) target_semaphore(%dma_start3A_61 : memref<!tpu.dma_semaphore, #tpu.memory_space<semaphore_mem>>)
      %dma_start3A_70 = arith.constant 2 : i32
      %dma_start3A_71 = arith.constant 2 : i32
      %dma_start3A_72 = tpu.memref_slice %arg21[%dma_start3A_71] : memref<4x!tpu.dma_semaphore, #tpu.memory_space<semaphore_mem>> -> memref<1x!tpu.dma_semaphore, #tpu.memory_space<semaphore_mem>>
      %dma_start3A_73 = tpu.memref_squeeze %dma_start3A_72 : memref<1x!tpu.dma_semaphore, #tpu.memory_space<semaphore_mem>> -> memref<!tpu.dma_semaphore, #tpu.memory_space<semaphore_mem>>
      %dma_start3A_74 = arith.constant 0 : i32
      %dma_start3A_75 = arith.constant 0 : i32
      %dma_start3A_76 = tpu.memref_slice %arg17[%dma_start3A_70, %dma_start3A_74, %dma_start3A_75] : memref<4x512x768xf32, #tpu.memory_space<vmem>> -> memref<1x512x768xf32, #tpu.memory_space<vmem>>
      %dma_start3A_77 = tpu.memref_squeeze %dma_start3A_76 : memref<1x512x768xf32, #tpu.memory_space<vmem>> -> memref<512x768xf32, #tpu.memory_space<vmem>>
      %dma_start3A_78 = arith.constant 0 : i32
      %dma_start3A_79 = arith.constant 0 : i32
      %dma_start3A_80 = tpu.memref_slice %arg12[%get3A_46, %dma_start3A_78, %dma_start3A_79] : memref<64x512x768xf32, #tpu.memory_space<any>> -> memref<1x512x768xf32, #tpu.memory_space<any>>
      %dma_start3A_81 = tpu.memref_squeeze %dma_start3A_80 : memref<1x512x768xf32, #tpu.memory_space<any>> -> memref<512x768xf32, #tpu.memory_space<any>>
      tpu.enqueue_dma source(%dma_start3A_81 : memref<512x768xf32, #tpu.memory_space<any>>) target(%dma_start3A_77 : memref<512x768xf32, #tpu.memory_space<vmem>>) target_semaphore(%dma_start3A_73 : memref<!tpu.dma_semaphore, #tpu.memory_space<semaphore_mem>>)
    } else {
    }
    %get3A_20 = arith.index_cast %arg0 : i32 to index
    %get3A_21 = memref.load %arg4[%get3A_20] : memref<96xi32, #tpu.memory_space<smem>>
    %get3A_22 = arith.constant 0 : index
    %get3A_23 = memref.load %arg2[%get3A_22] : memref<1xi32, #tpu.memory_space<smem>>
    %lt3A = arith.cmpi slt, %arg0, %get3A_23 : i32
    %get3A_24 = arith.index_cast %arg0 : i32 to index
    %get3A_25 = memref.load %arg3[%get3A_24] : memref<96xi32, #tpu.memory_space<smem>>
    %eq3A_26 = arith.constant 1 : i32
    %eq3A_27 = arith.cmpi eq, %get3A_25, %eq3A_26 : i32
    %and3A_28 = arith.andi %lt3A, %eq3A_27 : i1
    %add3A = arith.constant 4 : i32
    %add3A_29 = arith.addi %get3A_21, %add3A : i32
    %sub3A = arith.constant 1 : i32
    %sub3A_30 = arith.subi %add3A_29, %sub3A : i32
    %lt3A_31 = arith.cmpi slt, %sub3A_30, %get3A_0 : i32
    %and3A_32 = arith.andi %and3A_28, %lt3A_31 : i1
    %convert_element_type3A_33 = arith.extui %and3A_32 : i1 to i32
    %cond3A_34 = arith.constant 0 : i32
    %cond3A_35 = arith.cmpi ne, %convert_element_type3A_33, %cond3A_34 : i32
    scf.if %cond3A_35 {
      %add3A_45 = arith.constant 4 : i32
      %add3A_46 = arith.addi %get3A_21, %add3A_45 : i32
      %sub3A_47 = arith.constant 1 : i32
      %sub3A_48 = arith.subi %add3A_46, %sub3A_47 : i32
      %add3A_49 = arith.constant 4 : i32
      %add3A_50 = arith.addi %get3A_21, %add3A_49 : i32
      %sub3A_51 = arith.constant 1 : i32
      %sub3A_52 = arith.subi %add3A_50, %sub3A_51 : i32
      %rem3A = arith.constant 4 : i32
      %rem3A_53 = arith.remsi %sub3A_52, %rem3A : i32
      %get3A_54 = arith.index_cast %sub3A_48 : i32 to index
      %get3A_55 = memref.load %arg5[%get3A_54] : memref<68xi32, #tpu.memory_space<smem>>
      %dma_start3A = tpu.memref_slice %arg21[%rem3A_53] : memref<4x!tpu.dma_semaphore, #tpu.memory_space<semaphore_mem>> -> memref<1x!tpu.dma_semaphore, #tpu.memory_space<semaphore_mem>>
      %dma_start3A_56 = tpu.memref_squeeze %dma_start3A : memref<1x!tpu.dma_semaphore, #tpu.memory_space<semaphore_mem>> -> memref<!tpu.dma_semaphore, #tpu.memory_space<semaphore_mem>>
      %dma_start3A_57 = arith.constant 0 : i32
      %dma_start3A_58 = arith.constant 0 : i32
      %dma_start3A_59 = tpu.memref_slice %arg15[%rem3A_53, %dma_start3A_57, %dma_start3A_58] : memref<4x512x768xf32, #tpu.memory_space<vmem>> -> memref<1x512x768xf32, #tpu.memory_space<vmem>>
      %dma_start3A_60 = tpu.memref_squeeze %dma_start3A_59 : memref<1x512x768xf32, #tpu.memory_space<vmem>> -> memref<512x768xf32, #tpu.memory_space<vmem>>
      %dma_start3A_61 = arith.constant 0 : i32
      %dma_start3A_62 = arith.constant 0 : i32
      %dma_start3A_63 = tpu.memref_slice %arg8[%get3A_55, %dma_start3A_61, %dma_start3A_62] : memref<64x512x768xf32, #tpu.memory_space<any>> -> memref<1x512x768xf32, #tpu.memory_space<any>>
      %dma_start3A_64 = tpu.memref_squeeze %dma_start3A_63 : memref<1x512x768xf32, #tpu.memory_space<any>> -> memref<512x768xf32, #tpu.memory_space<any>>
      tpu.enqueue_dma source(%dma_start3A_64 : memref<512x768xf32, #tpu.memory_space<any>>) target(%dma_start3A_60 : memref<512x768xf32, #tpu.memory_space<vmem>>) target_semaphore(%dma_start3A_56 : memref<!tpu.dma_semaphore, #tpu.memory_space<semaphore_mem>>)
      %dma_start3A_65 = tpu.memref_slice %arg21[%rem3A_53] : memref<4x!tpu.dma_semaphore, #tpu.memory_space<semaphore_mem>> -> memref<1x!tpu.dma_semaphore, #tpu.memory_space<semaphore_mem>>
      %dma_start3A_66 = tpu.memref_squeeze %dma_start3A_65 : memref<1x!tpu.dma_semaphore, #tpu.memory_space<semaphore_mem>> -> memref<!tpu.dma_semaphore, #tpu.memory_space<semaphore_mem>>
      %dma_start3A_67 = arith.constant 0 : i32
      %dma_start3A_68 = arith.constant 0 : i32
      %dma_start3A_69 = tpu.memref_slice %arg16[%rem3A_53, %dma_start3A_67, %dma_start3A_68] : memref<4x768x512xf32, #tpu.memory_space<vmem>> -> memref<1x768x512xf32, #tpu.memory_space<vmem>>
      %dma_start3A_70 = tpu.memref_squeeze %dma_start3A_69 : memref<1x768x512xf32, #tpu.memory_space<vmem>> -> memref<768x512xf32, #tpu.memory_space<vmem>>
      %dma_start3A_71 = arith.constant 0 : i32
      %dma_start3A_72 = arith.constant 0 : i32
      %dma_start3A_73 = tpu.memref_slice %arg10[%get3A_55, %dma_start3A_71, %dma_start3A_72] : memref<64x768x512xf32, #tpu.memory_space<any>> -> memref<1x768x512xf32, #tpu.memory_space<any>>
      %dma_start3A_74 = tpu.memref_squeeze %dma_start3A_73 : memref<1x768x512xf32, #tpu.memory_space<any>> -> memref<768x512xf32, #tpu.memory_space<any>>
      tpu.enqueue_dma source(%dma_start3A_74 : memref<768x512xf32, #tpu.memory_space<any>>) target(%dma_start3A_70 : memref<768x512xf32, #tpu.memory_space<vmem>>) target_semaphore(%dma_start3A_66 : memref<!tpu.dma_semaphore, #tpu.memory_space<semaphore_mem>>)
      %dma_start3A_75 = tpu.memref_slice %arg21[%rem3A_53] : memref<4x!tpu.dma_semaphore, #tpu.memory_space<semaphore_mem>> -> memref<1x!tpu.dma_semaphore, #tpu.memory_space<semaphore_mem>>
      %dma_start3A_76 = tpu.memref_squeeze %dma_start3A_75 : memref<1x!tpu.dma_semaphore, #tpu.memory_space<semaphore_mem>> -> memref<!tpu.dma_semaphore, #tpu.memory_space<semaphore_mem>>
      %dma_start3A_77 = arith.constant 0 : i32
      %dma_start3A_78 = arith.constant 0 : i32
      %dma_start3A_79 = tpu.memref_slice %arg17[%rem3A_53, %dma_start3A_77, %dma_start3A_78] : memref<4x512x768xf32, #tpu.memory_space<vmem>> -> memref<1x512x768xf32, #tpu.memory_space<vmem>>
      %dma_start3A_80 = tpu.memref_squeeze %dma_start3A_79 : memref<1x512x768xf32, #tpu.memory_space<vmem>> -> memref<512x768xf32, #tpu.memory_space<vmem>>
      %dma_start3A_81 = arith.constant 0 : i32
      %dma_start3A_82 = arith.constant 0 : i32
      %dma_start3A_83 = tpu.memref_slice %arg12[%get3A_55, %dma_start3A_81, %dma_start3A_82] : memref<64x512x768xf32, #tpu.memory_space<any>> -> memref<1x512x768xf32, #tpu.memory_space<any>>
      %dma_start3A_84 = tpu.memref_squeeze %dma_start3A_83 : memref<1x512x768xf32, #tpu.memory_space<any>> -> memref<512x768xf32, #tpu.memory_space<any>>
      tpu.enqueue_dma source(%dma_start3A_84 : memref<512x768xf32, #tpu.memory_space<any>>) target(%dma_start3A_80 : memref<512x768xf32, #tpu.memory_space<vmem>>) target_semaphore(%dma_start3A_76 : memref<!tpu.dma_semaphore, #tpu.memory_space<semaphore_mem>>)
    } else {
    }
    %convert_element_type3A_36 = arith.extui %and3A_28 : i1 to i32
    %cond3A_37 = arith.constant 0 : i32
    %cond3A_38 = arith.cmpi ne, %convert_element_type3A_36, %cond3A_37 : i32
    scf.if %cond3A_38 {
      %rem3A = arith.constant 4 : i32
      %rem3A_45 = arith.remsi %get3A_21, %rem3A : i32
      %get3A_46 = arith.index_cast %get3A_21 : i32 to index
      %get3A_47 = memref.load %arg5[%get3A_46] : memref<68xi32, #tpu.memory_space<smem>>
      %dma_wait3A = tpu.memref_slice %arg21[%rem3A_45] : memref<4x!tpu.dma_semaphore, #tpu.memory_space<semaphore_mem>> -> memref<1x!tpu.dma_semaphore, #tpu.memory_space<semaphore_mem>>
      %dma_wait3A_48 = tpu.memref_squeeze %dma_wait3A : memref<1x!tpu.dma_semaphore, #tpu.memory_space<semaphore_mem>> -> memref<!tpu.dma_semaphore, #tpu.memory_space<semaphore_mem>>
      %dma_wait3A_49 = arith.constant 0 : i32
      %dma_wait3A_50 = arith.constant 0 : i32
      %dma_wait3A_51 = tpu.memref_slice %arg15[%rem3A_45, %dma_wait3A_49, %dma_wait3A_50] : memref<4x512x768xf32, #tpu.memory_space<vmem>> -> memref<1x512x768xf32, #tpu.memory_space<vmem>>
      %dma_wait3A_52 = tpu.memref_squeeze %dma_wait3A_51 : memref<1x512x768xf32, #tpu.memory_space<vmem>> -> memref<512x768xf32, #tpu.memory_space<vmem>>
      %dma_wait3A_53 = arith.constant 0 : i32
      %dma_wait3A_54 = arith.constant 0 : i32
      %dma_wait3A_55 = tpu.memref_slice %arg8[%get3A_47, %dma_wait3A_53, %dma_wait3A_54] : memref<64x512x768xf32, #tpu.memory_space<any>> -> memref<1x512x768xf32, #tpu.memory_space<any>>
      %dma_wait3A_56 = tpu.memref_squeeze %dma_wait3A_55 : memref<1x512x768xf32, #tpu.memory_space<any>> -> memref<512x768xf32, #tpu.memory_space<any>>
      tpu.wait_dma2 semaphore(%dma_wait3A_48 : memref<!tpu.dma_semaphore, #tpu.memory_space<semaphore_mem>>) src(%dma_wait3A_56 : memref<512x768xf32, #tpu.memory_space<any>>) dst(%dma_wait3A_52 : memref<512x768xf32, #tpu.memory_space<vmem>>)
      %dma_wait3A_57 = tpu.memref_slice %arg21[%rem3A_45] : memref<4x!tpu.dma_semaphore, #tpu.memory_space<semaphore_mem>> -> memref<1x!tpu.dma_semaphore, #tpu.memory_space<semaphore_mem>>
      %dma_wait3A_58 = tpu.memref_squeeze %dma_wait3A_57 : memref<1x!tpu.dma_semaphore, #tpu.memory_space<semaphore_mem>> -> memref<!tpu.dma_semaphore, #tpu.memory_space<semaphore_mem>>
      %dma_wait3A_59 = arith.constant 0 : i32
      %dma_wait3A_60 = arith.constant 0 : i32
      %dma_wait3A_61 = tpu.memref_slice %arg16[%rem3A_45, %dma_wait3A_59, %dma_wait3A_60] : memref<4x768x512xf32, #tpu.memory_space<vmem>> -> memref<1x768x512xf32, #tpu.memory_space<vmem>>
      %dma_wait3A_62 = tpu.memref_squeeze %dma_wait3A_61 : memref<1x768x512xf32, #tpu.memory_space<vmem>> -> memref<768x512xf32, #tpu.memory_space<vmem>>
      %dma_wait3A_63 = arith.constant 0 : i32
      %dma_wait3A_64 = arith.constant 0 : i32
      %dma_wait3A_65 = tpu.memref_slice %arg10[%get3A_47, %dma_wait3A_63, %dma_wait3A_64] : memref<64x768x512xf32, #tpu.memory_space<any>> -> memref<1x768x512xf32, #tpu.memory_space<any>>
      %dma_wait3A_66 = tpu.memref_squeeze %dma_wait3A_65 : memref<1x768x512xf32, #tpu.memory_space<any>> -> memref<768x512xf32, #tpu.memory_space<any>>
      tpu.wait_dma2 semaphore(%dma_wait3A_58 : memref<!tpu.dma_semaphore, #tpu.memory_space<semaphore_mem>>) src(%dma_wait3A_66 : memref<768x512xf32, #tpu.memory_space<any>>) dst(%dma_wait3A_62 : memref<768x512xf32, #tpu.memory_space<vmem>>)
      %dma_wait3A_67 = tpu.memref_slice %arg21[%rem3A_45] : memref<4x!tpu.dma_semaphore, #tpu.memory_space<semaphore_mem>> -> memref<1x!tpu.dma_semaphore, #tpu.memory_space<semaphore_mem>>
      %dma_wait3A_68 = tpu.memref_squeeze %dma_wait3A_67 : memref<1x!tpu.dma_semaphore, #tpu.memory_space<semaphore_mem>> -> memref<!tpu.dma_semaphore, #tpu.memory_space<semaphore_mem>>
      %dma_wait3A_69 = arith.constant 0 : i32
      %dma_wait3A_70 = arith.constant 0 : i32
      %dma_wait3A_71 = tpu.memref_slice %arg17[%rem3A_45, %dma_wait3A_69, %dma_wait3A_70] : memref<4x512x768xf32, #tpu.memory_space<vmem>> -> memref<1x512x768xf32, #tpu.memory_space<vmem>>
      %dma_wait3A_72 = tpu.memref_squeeze %dma_wait3A_71 : memref<1x512x768xf32, #tpu.memory_space<vmem>> -> memref<512x768xf32, #tpu.memory_space<vmem>>
      %dma_wait3A_73 = arith.constant 0 : i32
      %dma_wait3A_74 = arith.constant 0 : i32
      %dma_wait3A_75 = tpu.memref_slice %arg12[%get3A_47, %dma_wait3A_73, %dma_wait3A_74] : memref<64x512x768xf32, #tpu.memory_space<any>> -> memref<1x512x768xf32, #tpu.memory_space<any>>
      %dma_wait3A_76 = tpu.memref_squeeze %dma_wait3A_75 : memref<1x512x768xf32, #tpu.memory_space<any>> -> memref<512x768xf32, #tpu.memory_space<any>>
      tpu.wait_dma2 semaphore(%dma_wait3A_68 : memref<!tpu.dma_semaphore, #tpu.memory_space<semaphore_mem>>) src(%dma_wait3A_76 : memref<512x768xf32, #tpu.memory_space<any>>) dst(%dma_wait3A_72 : memref<512x768xf32, #tpu.memory_space<vmem>>)
      %get3A_77 = arith.index_cast %rem3A_45 : i32 to index
      %get3A_78 = arith.constant 0 : index
      %get3A_79 = arith.constant 0 : index
      %get3A_80 = vector.load %arg15[%get3A_77, %get3A_78, %get3A_79] : memref<4x512x768xf32, #tpu.memory_space<vmem>>, vector<1x512x768xf32>
      %get3A_81 = vector.shape_cast %get3A_80 : vector<1x512x768xf32> to vector<512x768xf32>
      %convert_element_type3A_82 = arith.truncf %get3A_81 : vector<512x768xf32> to vector<512x768xbf16>
      %swap3A = arith.index_cast %rem3A_45 : i32 to index
      %swap3A_83 = arith.constant 0 : index
      %swap3A_84 = arith.constant 0 : index
      %swap3A_85 = vector.load %arg18[%swap3A, %swap3A_83, %swap3A_84] : memref<4x512x768xbf16, #tpu.memory_space<vmem>>, vector<1x512x768xbf16>
      %swap3A_86 = vector.shape_cast %swap3A_85 : vector<1x512x768xbf16> to vector<512x768xbf16>
      %swap3A_87 = vector.shape_cast %convert_element_type3A_82 : vector<512x768xbf16> to vector<1x512x768xbf16>
      tpu.vector_store %arg18[%swap3A, %swap3A_83, %swap3A_84], %swap3A_87 {strides = array<i32>} : memref<4x512x768xbf16, #tpu.memory_space<vmem>>, vector<1x512x768xbf16>,
      %get3A_88 = arith.index_cast %rem3A_45 : i32 to index
      %get3A_89 = arith.constant 0 : index
      %get3A_90 = arith.constant 0 : index
      %get3A_91 = vector.load %arg16[%get3A_88, %get3A_89, %get3A_90] : memref<4x768x512xf32, #tpu.memory_space<vmem>>, vector<1x768x512xf32>
      %get3A_92 = vector.shape_cast %get3A_91 : vector<1x768x512xf32> to vector<768x512xf32>
      %convert_element_type3A_93 = arith.truncf %get3A_92 : vector<768x512xf32> to vector<768x512xbf16>
      %swap3A_94 = arith.index_cast %rem3A_45 : i32 to index
      %swap3A_95 = arith.constant 0 : index
      %swap3A_96 = arith.constant 0 : index
      %swap3A_97 = vector.load %arg19[%swap3A_94, %swap3A_95, %swap3A_96] : memref<4x768x512xbf16, #tpu.memory_space<vmem>>, vector<1x768x512xbf16>
      %swap3A_98 = vector.shape_cast %swap3A_97 : vector<1x768x512xbf16> to vector<768x512xbf16>
      %swap3A_99 = vector.shape_cast %convert_element_type3A_93 : vector<768x512xbf16> to vector<1x768x512xbf16>
      tpu.vector_store %arg19[%swap3A_94, %swap3A_95, %swap3A_96], %swap3A_99 {strides = array<i32>} : memref<4x768x512xbf16, #tpu.memory_space<vmem>>, vector<1x768x512xbf16>,
      %get3A_100 = arith.index_cast %rem3A_45 : i32 to index
      %get3A_101 = arith.constant 0 : index
      %get3A_102 = arith.constant 0 : index
      %get3A_103 = vector.load %arg17[%get3A_100, %get3A_101, %get3A_102] : memref<4x512x768xf32, #tpu.memory_space<vmem>>, vector<1x512x768xf32>
      %get3A_104 = vector.shape_cast %get3A_103 : vector<1x512x768xf32> to vector<512x768xf32>
      %convert_element_type3A_105 = arith.truncf %get3A_104 : vector<512x768xf32> to vector<512x768xbf16>
      %swap3A_106 = arith.index_cast %rem3A_45 : i32 to index
      %swap3A_107 = arith.constant 0 : index
      %swap3A_108 = arith.constant 0 : index
      %swap3A_109 = vector.load %arg20[%swap3A_106, %swap3A_107, %swap3A_108] : memref<4x512x768xbf16, #tpu.memory_space<vmem>>, vector<1x512x768xbf16>
      %swap3A_110 = vector.shape_cast %swap3A_109 : vector<1x512x768xbf16> to vector<512x768xbf16>
      %swap3A_111 = vector.shape_cast %convert_element_type3A_105 : vector<512x768xbf16> to vector<1x512x768xbf16>
      tpu.vector_store %arg20[%swap3A_106, %swap3A_107, %swap3A_108], %swap3A_111 {strides = array<i32>} : memref<4x512x768xbf16, #tpu.memory_space<vmem>>, vector<1x512x768xbf16>,
    } else {
    }
    %get3A_39 = arith.constant 0 : index
    %get3A_40 = memref.load %arg2[%get3A_39] : memref<1xi32, #tpu.memory_space<smem>>
    %lt3A_41 = arith.cmpi slt, %arg0, %get3A_40 : i32
    %convert_element_type3A_42 = arith.extui %lt3A_41 : i1 to i32
    %cond3A_43 = arith.constant 0 : i32
    %cond3A_44 = arith.cmpi ne, %convert_element_type3A_42, %cond3A_43 : i32
    scf.if %cond3A_44 {
      %rem3A = arith.constant 4 : i32
      %rem3A_45 = arith.remsi %get3A_21, %rem3A : i32
      %get3A_46 = arith.constant 0 : index
      %get3A_47 = arith.constant 0 : index
      %get3A_48 = vector.load %arg7[%get3A_46, %get3A_47] : memref<128x768xf32, #tpu.memory_space<vmem>>, vector<128x768xf32>
      %convert_element_type3A_49 = arith.truncf %get3A_48 : vector<128x768xf32> to vector<128x768xbf16>
      %get3A_50 = arith.index_cast %rem3A_45 : i32 to index
      %get3A_51 = arith.constant 0 : index
      %get3A_52 = arith.constant 0 : index
      %get3A_53 = vector.load %arg18[%get3A_50, %get3A_51, %get3A_52] : memref<4x512x768xbf16, #tpu.memory_space<vmem>>, vector<1x512x768xbf16>
      %get3A_54 = vector.shape_cast %get3A_53 : vector<1x512x768xbf16> to vector<512x768xbf16>
      %dot_general3A = arith.constant dense<0.000000e+00> : vector<128x512xf32>
      %dot_general3A_55 = tpu.matmul %convert_element_type3A_49, %get3A_54, %dot_general3A {dimension_numbers = #tpu.dot_dimension_numbers<[1], [1], [0], [0], [0, 0, 1, 0], [], []>, transpose_lhs_hint = false} : vector<128x768xbf16>, vector<512x768xbf16>, vector<128x512xf32> -> vector<128x512xf32>
      %get3A_56 = arith.constant 0 : index
      %get3A_57 = arith.constant 0 : index
      %get3A_58 = arith.constant 0 : index
      %get3A_59 = vector.load %arg9[%get3A_56, %get3A_57, %get3A_58] : memref<1x1x512xf32, #tpu.memory_space<vmem>>, vector<1x1x512xf32>
      %get3A_60 = vector.shape_cast %get3A_59 : vector<1x1x512xf32> to vector<1x512xf32>
      %add3A_61 = vector.broadcast %get3A_60 : vector<1x512xf32> to vector<128x512xf32>
      %add3A_62 = arith.addf %dot_general3A_55, %add3A_61 : vector<128x512xf32>
      %get3A_63 = arith.index_cast %rem3A_45 : i32 to index
      %get3A_64 = arith.constant 0 : index
      %get3A_65 = arith.constant 0 : index
      %get3A_66 = vector.load %arg20[%get3A_63, %get3A_64, %get3A_65] : memref<4x512x768xbf16, #tpu.memory_space<vmem>>, vector<1x512x768xbf16>
      %get3A_67 = vector.shape_cast %get3A_66 : vector<1x512x768xbf16> to vector<512x768xbf16>
      %dot_general3A_68 = arith.constant dense<0.000000e+00> : vector<128x512xf32>
      %dot_general3A_69 = tpu.matmul %convert_element_type3A_49, %get3A_67, %dot_general3A_68 {dimension_numbers = #tpu.dot_dimension_numbers<[1], [1], [0], [0], [0, 0, 1, 0], [], []>, transpose_lhs_hint = false} : vector<128x768xbf16>, vector<512x768xbf16>, vector<128x512xf32> -> vector<128x512xf32>
      %get3A_70 = arith.constant 0 : index
      %get3A_71 = arith.constant 0 : index
      %get3A_72 = arith.constant 0 : index
      %get3A_73 = vector.load %arg13[%get3A_70, %get3A_71, %get3A_72] : memref<1x1x512xf32, #tpu.memory_space<vmem>>, vector<1x1x512xf32>
      %get3A_74 = vector.shape_cast %get3A_73 : vector<1x1x512xf32> to vector<1x512xf32>
      %add3A_75 = vector.broadcast %get3A_74 : vector<1x512xf32> to vector<128x512xf32>
      %add3A_76 = arith.addf %dot_general3A_69, %add3A_75 : vector<128x512xf32>
      %logistic3A = arith.negf %add3A_62 : vector<128x512xf32>
      %logistic3A_77 = math.exp %logistic3A : vector<128x512xf32>
      %logistic3A_78 = arith.constant 1.000000e+00 : f32
      %logistic3A_79 = vector.broadcast %logistic3A_78 : f32 to vector<128x512xf32>
      %logistic3A_80 = arith.addf %logistic3A_79, %logistic3A_77 : vector<128x512xf32>
      %logistic3A_81 = arith.divf %logistic3A_79, %logistic3A_80 : vector<128x512xf32>
      %mul3A = arith.mulf %add3A_62, %logistic3A_81 : vector<128x512xf32>
      %mul3A_82 = arith.mulf %mul3A, %add3A_76 : vector<128x512xf32>
      %convert_element_type3A_83 = arith.truncf %mul3A_82 : vector<128x512xf32> to vector<128x512xbf16>
      %get3A_84 = arith.index_cast %rem3A_45 : i32 to index
      %get3A_85 = arith.constant 0 : index
      %get3A_86 = arith.constant 0 : index
      %get3A_87 = vector.load %arg19[%get3A_84, %get3A_85, %get3A_86] : memref<4x768x512xbf16, #tpu.memory_space<vmem>>, vector<1x768x512xbf16>
      %get3A_88 = vector.shape_cast %get3A_87 : vector<1x768x512xbf16> to vector<768x512xbf16>
      %dot_general3A_89 = arith.constant dense<0.000000e+00> : vector<128x768xf32>
      %dot_general3A_90 = tpu.matmul %convert_element_type3A_83, %get3A_88, %dot_general3A_89 {dimension_numbers = #tpu.dot_dimension_numbers<[1], [1], [0], [0], [0, 0, 1, 0], [], []>, transpose_lhs_hint = false} : vector<128x512xbf16>, vector<768x512xbf16>, vector<128x768xf32> -> vector<128x768xf32>
      %get3A_91 = arith.constant 0 : index
      %get3A_92 = arith.constant 0 : index
      %get3A_93 = arith.constant 0 : index
      %get3A_94 = vector.load %arg11[%get3A_91, %get3A_92, %get3A_93] : memref<1x1x768xf32, #tpu.memory_space<vmem>>, vector<1x1x768xf32>
      %get3A_95 = vector.shape_cast %get3A_94 : vector<1x1x768xf32> to vector<1x768xf32>
      %add3A_96 = vector.broadcast %get3A_95 : vector<1x768xf32> to vector<128x768xf32>
      %add3A_97 = arith.addf %dot_general3A_90, %add3A_96 : vector<128x768xf32>
      %swap3A = arith.constant 0 : index
      %swap3A_98 = arith.constant 0 : index
      %swap3A_99 = vector.load %arg14[%swap3A, %swap3A_98] : memref<128x768xf32, #tpu.memory_space<vmem>>, vector<128x768xf32>
      tpu.vector_store %arg14[%swap3A, %swap3A_98], %add3A_97 {strides = array<i32>} : memref<128x768xf32, #tpu.memory_space<vmem>>, vector<128x768xf32>,
    } else {
    }
    return
  }
  func.func @transform_0(%arg0: i32, %arg1: memref<96xi32, #tpu.memory_space<smem>>, %arg2: memref<1xi32, #tpu.memory_space<smem>>, %arg3: memref<96xi32, #tpu.memory_space<smem>>, %arg4: memref<96xi32, #tpu.memory_space<smem>>, %arg5: memref<68xi32, #tpu.memory_space<smem>>, %arg6: memref<1xi32, #tpu.memory_space<smem>>) -> (i32, i32) {
    %c0_i32 = arith.constant 0 : i32
    %c0_i32_0 = arith.constant 0 : i32
    return %arg0, %c0_i32 : i32, i32
  }
  func.func @transform_2(%arg0: i32, %arg1: memref<96xi32, #tpu.memory_space<smem>>, %arg2: memref<1xi32, #tpu.memory_space<smem>>, %arg3: memref<96xi32, #tpu.memory_space<smem>>, %arg4: memref<96xi32, #tpu.memory_space<smem>>, %arg5: memref<68xi32, #tpu.memory_space<smem>>, %arg6: memref<1xi32, #tpu.memory_space<smem>>) -> (i32, i32, i32) {
    %get3A = arith.index_cast %arg0 : i32 to index
    %get3A_0 = memref.load %arg1[%get3A] : memref<96xi32, #tpu.memory_space<smem>>
    %c0_i32 = arith.constant 0 : i32
    %c0_i32_1 = arith.constant 0 : i32
    %c0_i32_2 = arith.constant 0 : i32
    return %get3A_0, %c0_i32, %c0_i32_1 : i32, i32, i32
  }
  func.func @transform_4(%arg0: i32, %arg1: memref<96xi32, #tpu.memory_space<smem>>, %arg2: memref<1xi32, #tpu.memory_space<smem>>, %arg3: memref<96xi32, #tpu.memory_space<smem>>, %arg4: memref<96xi32, #tpu.memory_space<smem>>, %arg5: memref<68xi32, #tpu.memory_space<smem>>, %arg6: memref<1xi32, #tpu.memory_space<smem>>) -> (i32, i32, i32) {
    %get3A = arith.index_cast %arg0 : i32 to index
    %get3A_0 = memref.load %arg1[%get3A] : memref<96xi32, #tpu.memory_space<smem>>
    %c0_i32 = arith.constant 0 : i32
    %c0_i32_1 = arith.constant 0 : i32
    %c0_i32_2 = arith.constant 0 : i32
    return %get3A_0, %c0_i32, %c0_i32_1 : i32, i32, i32
  }
  func.func @transform_6(%arg0: i32, %arg1: memref<96xi32, #tpu.memory_space<smem>>, %arg2: memref<1xi32, #tpu.memory_space<smem>>, %arg3: memref<96xi32, #tpu.memory_space<smem>>, %arg4: memref<96xi32, #tpu.memory_space<smem>>, %arg5: memref<68xi32, #tpu.memory_space<smem>>, %arg6: memref<1xi32, #tpu.memory_space<smem>>) -> (i32, i32, i32) {
    %get3A = arith.index_cast %arg0 : i32 to index
    %get3A_0 = memref.load %arg1[%get3A] : memref<96xi32, #tpu.memory_space<smem>>
    %c0_i32 = arith.constant 0 : i32
    %c0_i32_1 = arith.constant 0 : i32
    %c0_i32_2 = arith.constant 0 : i32
    return %get3A_0, %c0_i32, %c0_i32_1 : i32, i32, i32
  }
  func.func @transform_7(%arg0: i32, %arg1: memref<96xi32, #tpu.memory_space<smem>>, %arg2: memref<1xi32, #tpu.memory_space<smem>>, %arg3: memref<96xi32, #tpu.memory_space<smem>>, %arg4: memref<96xi32, #tpu.memory_space<smem>>, %arg5: memref<68xi32, #tpu.memory_space<smem>>, %arg6: memref<1xi32, #tpu.memory_space<smem>>) -> (i32, i32) {
    %c0_i32 = arith.constant 0 : i32
    %c0_i32_0 = arith.constant 0 : i32
    return %arg0, %c0_i32 : i32, i32
  }
}

</mosaic_0001>

<sc_bundles>
// kernel: kernel.6.cloned.1.call-start
scs
__scs_entry_jumppad:
0x0: {  	(pc) =	sbr.rel $0x88, $3  }
0x1: {  	(tag) =	ssettag $0x0;
	lr =	simm.s32 $0x1  }
0x2: {  	[smem:$0x3F98] =	sst lr;
	_ =	strace $0xD0000000  }
0x3: {  	_ = 	snop  }
0x4: {  	_ = 	snop  }
0x5: {  	_ = 	snop  }
0x6: {  	_ = 	snop  }
0x7: {  	_ = 	snop  }
__scs_overlays_trampoline_lowered:
0x8: {  	[smem:$0x3FA7] =	sst s0  }
0x9: {  	[smem:$0x3FA8] =	sst s1  }
0xa: {  	[smem:$0x3FA9] =	sst s2  }
0xb: {  	[smem:$0x3FAA] =	sst s3  }
0xc: {  	[smem:$0x3FAB] =	sst s4  }
0xd: {  	[smem:$0x3FAC] =	sst s5  }
0xe: {  	[smem:$0x3FAD] =	sst s6  }
0xf: {  	[smem:$0x3FAE] =	sst s7  }
0x10: {  	[smem:$0x3FAF] =	sst s8  }
0x11: {  	[smem:$0x3FB0] =	sst s9;
	s0 =	simm.s32 @!p0 $0x0  }
0x12: {  	s1 =	sld [smem:$0x3F96];
	s0 =	simm.s32 @p0 $0x1  }
0x13: {  	[smem:$0x3FB1] =	sst s0;
	s0 =	simm.s32 @!p1 $0x0  }
0x14: {  	s2 =	sld [smem:$0x3F95];
	s0 =	simm.s32 @p1 $0x1  }
0x15: {  	[smem:$0x3FB2] =	sst s0;
	s0 =	simm.s32 @!p2 $0x0  }
0x16: {  	s3 =	sld [smem:$0x3FDB];
	s0 =	simm.s32 @p2 $0x1  }
0x17: {  	s4 =	simm.s32 $0x1BF5;
	[smem:$0x3FB4] =	sst s0  }
0x18: {  	s0 =	sld [smem:$0x3F97];
	_ =	swait.ge [sflag:s4], $0x0  }
0x19: {  	s7 =	sld [smem:$0x3F98]  }
0x1a: {  	s8 =	sadd.s32 $0xFFFFE003, lr  }
0x1b: {  	s9 =	sadd.s32 $0xFFFFFEF7, lr;
	s5 =	simm.s32 $0xFFFFFFFF;
	p2 =	slt.u32 s8, $0xFFFFF086  }
0x1c: {  	p1 =	slt.u32 s9, $0xF7A;
	s5 =	simm.s32 @!p2 $0x0  }
0x1d: {  	s5 =	simm.s32 @p1 $0x1;
	p0 =	seq.s32 s7, s2  }
0x1e: {  	s7 =	smul.u32 @!p0 $0xF7A, s2;
	p2 =	seq.s32 @!p0 s5, $0x0  }
0x1f: {  	s9 =	smul.u32 $0xF7A, s1;
	s8 =	simm.s32 @!p0 $0x1BF5;
	p2 =	por !p2, p0  }
0x20: {  	[sflag:s8] =	ssyncset.s32 @!p0 $0xFFFFF086;
	s6 =	sadd.s32 @!p0 s3, s7;
	s7 =	simm.s32 @!p0 $0x108  }
0x21: {  	s3 =	sadd.s32 s3, s9;
	s6 =	sadd.s32 @!p0 $0x88, s6;
	s7 =	simm.s32 @p2 $0x1082  }
0x22: {  	[simem:s7], [sflag:s8] =	dma.local @!p0 [hbm:s6], $0xF7A  }
0x23: {  	s9 =	sor.u32 $0xD0000000, s2;
	s6 =	simm.s32 $0x108;
	_ =	swait.ge @!p0 [sflag:s8], $0x0  }
0x24: {  	s3 =	sadd.s32 $0x88, s3;
	s6 =	simm.s32 @!p1 $0x1082;
	[sflag:s4] =	ssyncset.s32 $0xFFFFF086  }
0x25: {  	[simem:s6], [sflag:s4] =	dma.local [hbm:s3], $0xF7A  }
0x26: {  	[smem:$0x3F98] =	sst s1;
	(tag) =	ssettag s2;
	_ =	strace s9  }
0x27: {  	s1 =	sld [smem:$0x3FA8]  }
0x28: {  	s2 =	sld [smem:$0x3FA9]  }
0x29: {  	s4 =	sld [smem:$0x3FAB]  }
0x2a: {  	p0 =	seq.s32 s5, $0x0;
	s5 =	sld [smem:$0x3FAC]  }
0x2b: {  	s6 =	sld [smem:$0x3FAD]  }
0x2c: {  	s7 =	sld [smem:$0x3FAE]  }
0x2d: {  	s3 =	simm.s32 $0x108;
	s8 =	sld [smem:$0x3FAF]  }
0x2e: {  	s3 =	simm.s32 @!p0 $0x1082;
	s9 =	sld [smem:$0x3FB0]  }
0x2f: {  	lr =	sadd.s32 s0, s3;
	s0 =	sld [smem:$0x3FA7]  }
0x30: {  	s3 =	sld [smem:$0x3FAA]  }
0x31: {  	[smem:$0x3FB3] =	sst s10  }
0x32: {  	s10 =	sld [smem:$0x3FB1];
	_ =	sdelay $0x3  }
0x33: {  	p0 =	seq.s32 s10, $0x1;
	s10 =	sld [smem:$0x3FB3];
	_ =	sdelay $0x3  }
0x34: {  	[smem:$0x3FB3] =	sst s10  }
0x35: {  	s10 =	sld [smem:$0x3FB2];
	_ =	sdelay $0x3  }
0x36: {  	p1 =	seq.s32 s10, $0x1;
	s10 =	sld [smem:$0x3FB3];
	_ =	sdelay $0x3  }
0x37: {  	[smem:$0x3FB3] =	sst s10  }
0x38: {  	s10 =	sld [smem:$0x3FB4]  }
0x39: {  	_ = 	snop;
	(pc) =	sbr.ind lr, $3  }
0x3a: {  	_ = 	snop  }
0x3b: {  	_ = 	snop  }
0x3c: {  	p2 =	seq.s32 s10, $0x1;
	s10 =	sld [smem:$0x3FB3]  }
0x3d: {  	_ =	shalt  }
0x3e: {  	_ =	shalt  }
0x3f: {  	_ =	shalt  }
0x40: {  	_ =	shalt  }
0x41: {  	_ =	shalt  }
0x42: {  	_ =	shalt  }
0x43: {  	_ =	shalt  }
0x44: {  	_ =	shalt  }
0x45: {  	_ =	shalt  }
0x46: {  	_ =	shalt  }
0x47: {  	_ =	shalt  }
0x48: {  	_ =	shalt  }
0x49: {  	_ =	shalt  }
0x4a: {  	_ =	shalt  }
0x4b: {  	_ =	shalt  }
0x4c: {  	_ =	shalt  }
0x4d: {  	_ =	shalt  }
0x4e: {  	_ =	shalt  }
0x4f: {  	_ =	shalt  }
0x50: {  	_ =	shalt  }
0x51: {  	_ =	shalt  }
0x52: {  	_ =	shalt  }
0x53: {  	_ =	shalt  }
0x54: {  	_ =	shalt  }
0x55: {  	_ =	shalt  }
0x56: {  	_ =	shalt  }
0x57: {  	_ =	shalt  }
0x58: {  	_ =	shalt  }
0x59: {  	_ =	shalt  }
0x5a: {  	_ =	shalt  }
0x5b: {  	_ =	shalt  }
0x5c: {  	_ =	shalt  }
0x5d: {  	_ =	shalt  }
0x5e: {  	_ =	shalt  }
0x5f: {  	_ =	shalt  }
0x60: {  	_ =	shalt  }
0x61: {  	_ =	shalt  }
0x62: {  	_ =	shalt  }
0x63: {  	_ =	shalt  }
0x64: {  	_ =	shalt  }
0x65: {  	_ =	shalt  }
0x66: {  	_ =	shalt  }
0x67: {  	_ =	shalt  }
0x68: {  	_ =	shalt  }
0x69: {  	_ =	shalt  }
0x6a: {  	_ =	shalt  }
0x6b: {  	_ =	shalt  }
0x6c: {  	_ =	shalt  }
0x6d: {  	_ =	shalt  }
0x6e: {  	_ =	shalt  }
0x6f: {  	_ =	shalt  }
0x70: {  	_ =	shalt  }
0x71: {  	_ =	shalt  }
0x72: {  	_ =	shalt  }
0x73: {  	_ =	shalt  }
0x74: {  	_ =	shalt  }
0x75: {  	_ =	shalt  }
0x76: {  	_ =	shalt  }
0x77: {  	_ =	shalt  }
0x78: {  	_ =	shalt  }
0x79: {  	_ =	shalt  }
0x7a: {  	_ =	shalt  }
0x7b: {  	_ =	shalt  }
0x7c: {  	_ =	shalt  }
0x7d: {  	_ =	shalt  }
0x7e: {  	_ =	shalt  }
0x7f: {  	_ =	shalt  }
0x80: {  	_ =	shalt  }
0x81: {  	_ =	shalt  }
0x82: {  	_ =	shalt  }
0x83: {  	_ =	shalt  }
0x84: {  	_ =	shalt  }
0x85: {  	_ =	shalt  }
0x86: {  	_ =	shalt  }
0x87: {  	_ =	shalt  }
.Lfunc_end0:
.L_simem_size_0:
called_computation_lowered:
.L_overlay_start_0:
0x88: {  	s2 =	sld [smem:$0x3FD9]  }
0x89: {  	s3 =	sld [smem:$0x3FFE];
	_ =	sdelay $0x1  }
0x8a: {  	s1 =	srdreg.scid  }
0x8b: {  	s0 =	sand.u32 $0x1, s1  }
0x8c: {  	s17 =	sshll.u32 s0, $0xA;
	s2 =	sadd.s32 s3, s2  }
0x8d: {  	s2 =	sadd.s32 s2, s17  }
0x8e: {  	[smem:$0x3FBF] =	sst s2  }
0x8f: {  	_ = 	snop  }
0x90: {  	s2 =	sld [smem:$0x3FC9];
	(tm) =	ssettm $0x1  }
0x91: {  	s18 =	sld [smem:$0x3FFB];
	_ =	sdelay $0x3  }
0x92: {  	_ =	strace s18  }
0x93: {  	s3 =	sld [smem:$0x3FFC];
	_ =	sdelay $0x3  }
0x94: {  	_ =	strace s3  }
0x95: {  	s3 =	sld [smem:$0x3FFD];
	_ =	sdelay $0x3  }
0x96: {  	_ =	strace s3  }
0x97: {  	_ =	strace $0x8FFFFFFF  }
0x98: {  	s19 =	sld [smem:$0x3FDB];
	_ =	sdelay $0x1  }
0x99: {  	s4 =	simm.s32 $_scs_section_size  }
0x9a: {  	s5 =	simm.s32 $_size__tile_overlayer_lowered;
	s6 =	simm.s32 $_tile_overlayer_lowered  }
0x9b: {  	s22 =	simm.s32 $0x1BFF;
	s21 =	sshll.u32 s6, $0x1;
	s3 =	sadd.s32 s4, s19  }
0x9c: {  	s7 =	simm.s32 $0x0;
	s20 =	sshll.u32 s5, $0x1;
	s5 =	sadd.s32 s21, s3  }
0x9d: {  	[timem:s7], [sflag:s22] =	dma.local [hbm:s5], s20  }
0x9e: {  	_ =	swait.ge [sflag:s22], s20  }
0x9f: {  	s4 =	ssub.s32 $0x0, s20;
	[sflag:s22] =	ssyncset.done $0x0  }
0xa0: {  	[sflag:s22] =	ssyncadd.s32 s4;
	_ =	sdelay $0x1  }
0xa1: {  	s23 =	simm.s32 $0x1B8B  }
0xa2: {  	_ =	swait.ge [sflag:s23], $0x1  }
0xa3: {  	[sflag:s23] =	ssyncset.done $0x0  }
0xa4: {  	s25 =	simm.s32 $0x1B8E;
	s24 =	sld [smem:$0x3FFE];
	[sflag:s23] =	ssyncadd.s32 $0xFFFFFFFF  }
0xa5: {  	s26 =	simm.s32 $execute0_lowered;
	[smem:$0x3FD2] =	sst s25  }
0xa6: {  	s5 =	sshll.u32 s26, $0x1;
	_ =	strace $0x80000046;
	[dreg:$0x1] =	wrdreg $0xFFFFFFFF  }
0xa7: {  	s28 =	simm.s32 $_size_execute0_lowered;
	s3 =	sadd.s32 s3, s5;
	[dreg:$0x0] =	wrdreg $0x0  }
0xa8: {  	s5 =	sshll.u32 s28, $0x1;
	[dreg:$0x2] =	wrdreg s3  }
0xa9: {  	[dreg:$0x3] =	wrdreg s5  }
0xaa: {  	[dreg:$0x4] =	wrdreg $0xC0  }
0xab: {  	_ =	task [dreg:s7], $0x5FFFF  }
0xac: {  	[dreg:$0x1] =	wrdreg $0xFFFFFFFF  }
0xad: {  	[dreg:$0x0] =	wrdreg $0x60  }
0xae: {  	[dreg:$0x2] =	wrdreg s2  }
0xaf: {  	[dreg:$0x3] =	wrdreg s24  }
0xb0: {  	[dreg:$0x4] =	wrdreg $0x9  }
0xb1: {  	_ =	task.clear_ibuf [dreg:s7], $0x5FFFF;
	_ =	strace $0x90000046  }
0xb2: {  	s29 =	simm.s32 $0x9;
	_ =	strace $0x80000048  }
0xb3: {  	_ =	swait.ge [sflag:s29], $0x1  }
0xb4: {  	[sflag:s29] =	ssyncadd.s32 $0xFFFFFFFF  }
0xb5: {  	_ =	strace $0x90000048  }
0xb6: {  	_ =	sfence  }
0xb7: {  	s30 =	sld [smem:$0x0];
	_ =	sdelay $0x2  }
0xb8: {  	s31 =	sshll.u32 s1, $0xD;
	s1 =	sshrl.u32 s1, $0x2  }
0xb9: {  	s3 =	sand.u32 $0x4000, s31;
	s1 =	sadd.s32 s1, s30  }
0xba: {  	s0 =	sor.u32 s3, s0;
	s1 =	sshll.u32 s1, $0x11  }
0xbb: {  	s0 =	sor.u32 s1, s0  }
0xbc: {  	s0 =	sadd.s32 $0x8F2B, s0  }
0xbd: {  	[sflag:s0] =	ssyncadd.remote.s32 $0x1  }
0xbe: {  	_ =	sfence.sel $0xFFFF  }
0xbf: {  	[dreg:$0x0] =	wrdreg $0xFFFFFFFF;
	(pc) =	sbr.abs _section_cstart, $3  }
0xc0: {  	[dreg:$0x1] =	wrdreg $0xFFFFFFFF  }
0xc1: {  	_ =	task.clear_ibuf [dreg:s7], $0x2FFFF;
	_ =	strace $0x9FFFFFFF  }
0xc2: {  	(tm) =	ssettm $0x7FFFFFFF  }
0xc3: {  	_ =	shalt  }
tec
execute0_lowered:
.L_overlay_start_1:
0x0: {  	(tag) =	ssettag $0x1  }
0x1: {  	s1 =	srdreg.scid  }
0x2: {  	s4 =	rddreg [dreg:$0x0];
	s0 =	stileid.u32  }
0x3: {  	s5 =	rddreg [dreg:$0x1];
	s2 =	simm.s32 $0x0;
	s26 =	simm.s32 $0xC000  }
0x4: {  	s8 =	simm.s32 $0xC080;
	s9 =	simm.s32 $0x1000;
	s10 =	simm.s32 $0x1800  }
0x5: {  	s11 =	simm.s32 $0x2000;
	s12 =	simm.s32 $0x2800;
	s13 =	simm.s32 $0x3000  }
0x6: {  	s14 =	simm.s32 $0x3800;
	s15 =	simm.s32 $0x4000;
	s16 =	simm.s32 $0x4800  }
0x7: {  	s17 =	simm.s32 $0x5000;
	s18 =	simm.s32 $0x5800;
	s19 =	simm.s32 $0x6000  }
0x8: {  	s20 =	simm.s32 $0x6800;
	s21 =	simm.s32 $0x7000;
	s22 =	simm.s32 $0x7800  }
0x9: {  	s28 =	simm.s32 $0xA000;
	s29 =	simm.s32 $0xA800;
	s30 =	simm.s32 $0xB000  }
0xa: {  	s31 =	simm.s32 $0xB800;
	s1 =	sand.u32 $0x1, s1;
	[smem:$0x7FF] =	sst s2  }
0xb: {  	s3 =	sshll.u32 s0, $0x4;
	_ =	strace $0x80000047;
	[dreg:$0x6] =	wrdreg s26  }
0xc: {  	s6 =	sshll.u32 s1, $0x3;
	s1 =	ssub.s32 $0x2, s1;
	[dreg:$0x7] =	wrdreg s8  }
0xd: {  	s26 =	simm.s32 $0x9800;
	s3 =	sor.u32 s6, s3;
	s23 =	sshrl.u32 s1, $0x1  }
0xe: {  	s6 =	smul.u32 $0x300, s3;
	s7 =	sadd.s32 s3, s5;
	s3 =	sadd.s32 $0xA00, s5  }
0xf: {  	s1 =	ssub.s32 s1, s23;
	s23 =	simm.s32 $0x8000;
	s24 =	sadd.s32 $0x800, s7  }
0x10: {  	s25 =	sadd.s32 $0x600, s7;
	s7 =	simm.s32 $0x2;
	[dreg:$0x4] =	wrdreg s24  }
0x11: {  	v2 =	vlaneseq.u32;
	s4 =	sadd.s32 s4, s6;
	[dreg:$0x5] =	wrdreg s25;
	s6 =	smax.u32 s1, $0x1  }
0x12: {  	vm0 =	vmmov $0xffff;
	v1 =	vshrl.u32 v2, $0x3;
	s24 =	simm.s32 $0x8800;
	s25 =	simm.s32 $0x9000;
	s1 =	simm.s32 $0x1  }
0x13: {  	v0 =	vand.u32 $0x7, v2;
	v2 =	vor.u32 $0x8, v2;
	v1 =	vmul.u32 $0x8, v1;
	[dreg:$0x3] =	wrdreg s4;
	s4 =	sadd.s32 $0xB00, s5;
	s5 =	sadd.s32 $0xC00, s5  }
.LBB2_1:
0x14: {  	s0 =	rddreg [dreg:$0x3]  }
0x15: {  	[tilespmem:s2], [sflag:$0x2] =	stream.linear.gather [hbm4b:s0+s2], $0xC000, $0x38;
	[tilespmem:$0xC100] =	vst v63  }
0x16: {  	_ =	swait.ge [sflag:s7], $0xC000  }
0x17: {  	s0 =	rddreg [dreg:$0x4];
	[sflag:s7] =	ssyncset.done $0x0  }
0x18: {  	s8 =	rddreg [dreg:$0x6];
	[sflag:s7] =	ssyncadd.s32 $0xFFFF4000  }
0x19: {  	[tilespmem:s8], [sflag:$0x2] =	stream.linear.gather [hbm4b:s0+s2], $0x40, $0x38;
	[tilespmem:$0xC100] =	vst v63  }
0x1a: {  	_ =	swait.ge [sflag:s7], $0x40  }
0x1b: {  	s0 =	rddreg [dreg:$0x5];
	[sflag:s7] =	ssyncset.done $0x0  }
0x1c: {  	s8 =	rddreg [dreg:$0x7];
	[sflag:s7] =	ssyncadd.s32 $0xFFFFFFC0  }
0x1d: {  	[tilespmem:s8], [sflag:$0x2] =	stream.linear.gather [hbm4b:s0+s2], $0x40, $0x38;
	[tilespmem:$0xC100] =	vst v63  }
0x1e: {  	_ =	swait.ge [sflag:s7], $0x40  }
0x1f: {  	[sflag:s7] =	ssyncset.done $0x0  }
0x20: {  	[sflag:s7] =	ssyncadd.s32 $0xFFFFFFC0  }
0x21: {  	v3 =	vld [tilespmem:$0xC000];
	_ =	sdelay $0x4  }
0x22: {  	v4 =	vshrl.u32 v3, $0x3  }
0x23: {  	v4 =	vmul.u32 $0x30, v4  }
0x24: {  	v3 =	vand.u32 $0x7, v3  }
0x25: {  	v3 =	vor.u32 v3, v4  }
0x26: {  	v4 =	vperm.xlane v3, v0;
	_ =	sdelay $0x1  }
0x27: {  	v4 =	vadd.s32 v1, v4;
	_ =	sdelay $0x3  }
0x28: {  	v3 =	vperm.xlane v3, v2  }
0x29: {  	[hbm4b:s3+s2] =	stream.indirect_vreg.scatter [tilespmem:s2], [sflag:$0x1], $0x80, v4, vm0, $0xb8;
	[tilespmem:$0xC100] =	vst v63  }
0x2a: {  	s8 =	simm.s32 $0x800;
	v3 =	vadd.s32 v1, v3  }
0x2b: {  	[hbm4b:s4+s2] =	stream.indirect_vreg.scatter [tilespmem:s8], [sflag:$0x1], $0x80, v4, vm0, $0xb8;
	[tilespmem:$0xC100] =	vst v63  }
0x2c: {  	_ = 	snop  }
0x2d: {  	[hbm4b:s5+s2] =	stream.indirect_vreg.scatter [tilespmem:s9], [sflag:$0x1], $0x80, v4, vm0, $0xb8;
	[tilespmem:$0xC100] =	vst v63  }
0x2e: {  	_ = 	snop  }
0x2f: {  	[hbm4b:s3+s2] =	stream.indirect_vreg.scatter [tilespmem:s10], [sflag:$0x1], $0x80, v3, vm0, $0xb8;
	[tilespmem:$0xC100] =	vst v63  }
0x30: {  	_ = 	snop  }
0x31: {  	[hbm4b:s4+s2] =	stream.indirect_vreg.scatter [tilespmem:s11], [sflag:$0x1], $0x80, v3, vm0, $0xb8;
	[tilespmem:$0xC100] =	vst v63  }
0x32: {  	_ = 	snop  }
0x33: {  	[hbm4b:s5+s2] =	stream.indirect_vreg.scatter [tilespmem:s12], [sflag:$0x1], $0x80, v3, vm0, $0xb8;
	[tilespmem:$0xC100] =	vst v63  }
0x34: {  	v3 =	vld [tilespmem:$0xC010];
	_ =	sdelay $0x4  }
0x35: {  	v57 =	vshrl.u32 v3, $0x3  }
0x36: {  	v4 =	vmul.u32 $0x30, v57  }
0x37: {  	v3 =	vand.u32 $0x7, v3  }
0x38: {  	v3 =	vor.u32 v3, v4  }
0x39: {  	v4 =	vperm.xlane v3, v0;
	_ =	sdelay $0x1  }
0x3a: {  	v4 =	vadd.s32 v1, v4;
	_ =	sdelay $0x3  }
0x3b: {  	v3 =	vperm.xlane v3, v2  }
0x3c: {  	[hbm4b:s3+s2] =	stream.indirect_vreg.scatter [tilespmem:s13], [sflag:$0x1], $0x80, v4, vm0, $0xb8;
	[tilespmem:$0xC100] =	vst v63  }
0x3d: {  	v3 =	vadd.s32 v1, v3  }
0x3e: {  	[hbm4b:s4+s2] =	stream.indirect_vreg.scatter [tilespmem:s14], [sflag:$0x1], $0x80, v4, vm0, $0xb8;
	[tilespmem:$0xC100] =	vst v63  }
0x3f: {  	_ = 	snop  }
0x40: {  	[hbm4b:s5+s2] =	stream.indirect_vreg.scatter [tilespmem:s15], [sflag:$0x1], $0x80, v4, vm0, $0xb8;
	[tilespmem:$0xC100] =	vst v63  }
0x41: {  	_ = 	snop  }
0x42: {  	[hbm4b:s3+s2] =	stream.indirect_vreg.scatter [tilespmem:s16], [sflag:$0x1], $0x80, v3, vm0, $0xb8;
	[tilespmem:$0xC100] =	vst v63  }
0x43: {  	_ = 	snop  }
0x44: {  	[hbm4b:s4+s2] =	stream.indirect_vreg.scatter [tilespmem:s17], [sflag:$0x1], $0x80, v3, vm0, $0xb8;
	[tilespmem:$0xC100] =	vst v63  }
0x45: {  	_ = 	snop  }
0x46: {  	[hbm4b:s5+s2] =	stream.indirect_vreg.scatter [tilespmem:s18], [sflag:$0x1], $0x80, v3, vm0, $0xb8;
	[tilespmem:$0xC100] =	vst v63  }
0x47: {  	v3 =	vld [tilespmem:$0xC020];
	_ =	sdelay $0x4  }
0x48: {  	v58 =	vshrl.u32 v3, $0x3  }
0x49: {  	v4 =	vmul.u32 $0x30, v58  }
0x4a: {  	v3 =	vand.u32 $0x7, v3  }
0x4b: {  	v3 =	vor.u32 v3, v4  }
0x4c: {  	v4 =	vperm.xlane v3, v0;
	_ =	sdelay $0x1  }
0x4d: {  	v4 =	vadd.s32 v1, v4;
	_ =	sdelay $0x3  }
0x4e: {  	v3 =	vperm.xlane v3, v2  }
0x4f: {  	[hbm4b:s3+s2] =	stream.indirect_vreg.scatter [tilespmem:s19], [sflag:$0x1], $0x80, v4, vm0, $0xb8;
	[tilespmem:$0xC100] =	vst v63  }
0x50: {  	v3 =	vadd.s32 v1, v3  }
0x51: {  	[hbm4b:s4+s2] =	stream.indirect_vreg.scatter [tilespmem:s20], [sflag:$0x1], $0x80, v4, vm0, $0xb8;
	[tilespmem:$0xC100] =	vst v63  }
0x52: {  	_ = 	snop  }
0x53: {  	[hbm4b:s5+s2] =	stream.indirect_vreg.scatter [tilespmem:s21], [sflag:$0x1], $0x80, v4, vm0, $0xb8;
	[tilespmem:$0xC100] =	vst v63  }
0x54: {  	_ = 	snop  }
0x55: {  	[hbm4b:s3+s2] =	stream.indirect_vreg.scatter [tilespmem:s22], [sflag:$0x1], $0x80, v3, vm0, $0xb8;
	[tilespmem:$0xC100] =	vst v63  }
0x56: {  	_ = 	snop  }
0x57: {  	[hbm4b:s4+s2] =	stream.indirect_vreg.scatter [tilespmem:s23], [sflag:$0x1], $0x80, v3, vm0, $0xb8;
	[tilespmem:$0xC100] =	vst v63  }
0x58: {  	_ = 	snop  }
0x59: {  	[hbm4b:s5+s2] =	stream.indirect_vreg.scatter [tilespmem:s24], [sflag:$0x1], $0x80, v3, vm0, $0xb8;
	[tilespmem:$0xC100] =	vst v63  }
0x5a: {  	v3 =	vld [tilespmem:$0xC030];
	_ =	sdelay $0x4  }
0x5b: {  	v59 =	vshrl.u32 v3, $0x3  }
0x5c: {  	v4 =	vmul.u32 $0x30, v59  }
0x5d: {  	v3 =	vand.u32 $0x7, v3  }
0x5e: {  	v3 =	vor.u32 v3, v4  }
0x5f: {  	v4 =	vperm.xlane v3, v0;
	_ =	sdelay $0x1  }
0x60: {  	v4 =	vadd.s32 v1, v4;
	_ =	sdelay $0x3  }
0x61: {  	v3 =	vperm.xlane v3, v2  }
0x62: {  	[hbm4b:s3+s2] =	stream.indirect_vreg.scatter [tilespmem:s25], [sflag:$0x1], $0x80, v4, vm0, $0xb8;
	[tilespmem:$0xC100] =	vst v63  }
0x63: {  	v3 =	vadd.s32 v1, v3  }
0x64: {  	[hbm4b:s4+s2] =	stream.indirect_vreg.scatter [tilespmem:s26], [sflag:$0x1], $0x80, v4, vm0, $0xb8;
	[tilespmem:$0xC100] =	vst v63  }
0x65: {  	_ = 	snop  }
0x66: {  	[hbm4b:s5+s2] =	stream.indirect_vreg.scatter [tilespmem:s28], [sflag:$0x1], $0x80, v4, vm0, $0xb8;
	[tilespmem:$0xC100] =	vst v63  }
0x67: {  	_ = 	snop  }
0x68: {  	[hbm4b:s3+s2] =	stream.indirect_vreg.scatter [tilespmem:s29], [sflag:$0x1], $0x80, v3, vm0, $0xb8;
	[tilespmem:$0xC100] =	vst v63  }
0x69: {  	_ = 	snop  }
0x6a: {  	[hbm4b:s4+s2] =	stream.indirect_vreg.scatter [tilespmem:s30], [sflag:$0x1], $0x80, v3, vm0, $0xb8;
	[tilespmem:$0xC100] =	vst v63  }
0x6b: {  	_ = 	snop  }
0x6c: {  	[hbm4b:s5+s2] =	stream.indirect_vreg.scatter [tilespmem:s31], [sflag:$0x1], $0x80, v3, vm0, $0xb8;
	[tilespmem:$0xC100] =	vst v63  }
0x6d: {  	v3 =	vld [tilespmem:$0xC080];
	_ =	sdelay $0x4  }
0x6e: {  	v60 =	vshrl.u32 v3, $0x3  }
0x6f: {  	v4 =	vmul.u32 $0x30, v60  }
0x70: {  	v3 =	vand.u32 $0x7, v3  }
0x71: {  	v3 =	vor.u32 v3, v4  }
0x72: {  	v4 =	vperm.xlane v3, v0;
	_ =	sdelay $0x1  }
0x73: {  	v4 =	vadd.s32 v1, v4;
	_ =	sdelay $0x3  }
0x74: {  	v3 =	vperm.xlane v3, v2  }
0x75: {  	[hbm4b:s3+s2] =	stream.indirect_vreg.scatter [tilespmem:s2], [sflag:$0x1], $0x80, v4, vm0, $0xb8;
	[tilespmem:$0xC100] =	vst v63  }
0x76: {  	v3 =	vadd.s32 v1, v3  }
0x77: {  	[hbm4b:s4+s2] =	stream.indirect_vreg.scatter [tilespmem:s8], [sflag:$0x1], $0x80, v4, vm0, $0xb8;
	[tilespmem:$0xC100] =	vst v63  }
0x78: {  	_ = 	snop  }
0x79: {  	[hbm4b:s5+s2] =	stream.indirect_vreg.scatter [tilespmem:s9], [sflag:$0x1], $0x80, v4, vm0, $0xb8;
	[tilespmem:$0xC100] =	vst v63  }
0x7a: {  	_ = 	snop  }
0x7b: {  	[hbm4b:s3+s2] =	stream.indirect_vreg.scatter [tilespmem:s10], [sflag:$0x1], $0x80, v3, vm0, $0xb8;
	[tilespmem:$0xC100] =	vst v63  }
0x7c: {  	_ = 	snop  }
0x7d: {  	[hbm4b:s4+s2] =	stream.indirect_vreg.scatter [tilespmem:s11], [sflag:$0x1], $0x80, v3, vm0, $0xb8;
	[tilespmem:$0xC100] =	vst v63  }
0x7e: {  	_ = 	snop  }
0x7f: {  	[hbm4b:s5+s2] =	stream.indirect_vreg.scatter [tilespmem:s12], [sflag:$0x1], $0x80, v3, vm0, $0xb8;
	[tilespmem:$0xC100] =	vst v63  }
0x80: {  	v3 =	vld [tilespmem:$0xC090];
	_ =	sdelay $0x4  }
0x81: {  	v61 =	vshrl.u32 v3, $0x3  }
0x82: {  	v4 =	vmul.u32 $0x30, v61  }
0x83: {  	v3 =	vand.u32 $0x7, v3  }
0x84: {  	v3 =	vor.u32 v3, v4  }
0x85: {  	v4 =	vperm.xlane v3, v0;
	_ =	sdelay $0x1  }
0x86: {  	v4 =	vadd.s32 v1, v4;
	_ =	sdelay $0x3  }
0x87: {  	v3 =	vperm.xlane v3, v2  }
0x88: {  	[hbm4b:s3+s2] =	stream.indirect_vreg.scatter [tilespmem:s13], [sflag:$0x1], $0x80, v4, vm0, $0xb8;
	[tilespmem:$0xC100] =	vst v63  }
0x89: {  	v3 =	vadd.s32 v1, v3  }
0x8a: {  	[hbm4b:s4+s2] =	stream.indirect_vreg.scatter [tilespmem:s14], [sflag:$0x1], $0x80, v4, vm0, $0xb8;
	[tilespmem:$0xC100] =	vst v63  }
0x8b: {  	_ = 	snop  }
0x8c: {  	[hbm4b:s5+s2] =	stream.indirect_vreg.scatter [tilespmem:s15], [sflag:$0x1], $0x80, v4, vm0, $0xb8;
	[tilespmem:$0xC100] =	vst v63  }
0x8d: {  	_ = 	snop  }
0x8e: {  	[hbm4b:s3+s2] =	stream.indirect_vreg.scatter [tilespmem:s16], [sflag:$0x1], $0x80, v3, vm0, $0xb8;
	[tilespmem:$0xC100] =	vst v63  }
0x8f: {  	_ = 	snop  }
0x90: {  	[hbm4b:s4+s2] =	stream.indirect_vreg.scatter [tilespmem:s17], [sflag:$0x1], $0x80, v3, vm0, $0xb8;
	[tilespmem:$0xC100] =	vst v63  }
0x91: {  	_ = 	snop  }
0x92: {  	[hbm4b:s5+s2] =	stream.indirect_vreg.scatter [tilespmem:s18], [sflag:$0x1], $0x80, v3, vm0, $0xb8;
	[tilespmem:$0xC100] =	vst v63  }
0x93: {  	v3 =	vld [tilespmem:$0xC0A0];
	_ =	sdelay $0x4  }
0x94: {  	v62 =	vshrl.u32 v3, $0x3  }
0x95: {  	v4 =	vmul.u32 $0x30, v62  }
0x96: {  	v3 =	vand.u32 $0x7, v3  }
0x97: {  	v3 =	vor.u32 v3, v4  }
0x98: {  	v4 =	vperm.xlane v3, v0;
	_ =	sdelay $0x1  }
0x99: {  	v4 =	vadd.s32 v1, v4;
	_ =	sdelay $0x3  }
0x9a: {  	v3 =	vperm.xlane v3, v2  }
0x9b: {  	[hbm4b:s3+s2] =	stream.indirect_vreg.scatter [tilespmem:s19], [sflag:$0x1], $0x80, v4, vm0, $0xb8;
	[tilespmem:$0xC100] =	vst v63  }
0x9c: {  	v3 =	vadd.s32 v1, v3  }
0x9d: {  	[hbm4b:s4+s2] =	stream.indirect_vreg.scatter [tilespmem:s20], [sflag:$0x1], $0x80, v4, vm0, $0xb8;
	[tilespmem:$0xC100] =	vst v63  }
0x9e: {  	_ = 	snop  }
0x9f: {  	[hbm4b:s5+s2] =	stream.indirect_vreg.scatter [tilespmem:s21], [sflag:$0x1], $0x80, v4, vm0, $0xb8;
	[tilespmem:$0xC100] =	vst v63  }
0xa0: {  	_ = 	snop  }
0xa1: {  	[hbm4b:s3+s2] =	stream.indirect_vreg.scatter [tilespmem:s22], [sflag:$0x1], $0x80, v3, vm0, $0xb8;
	[tilespmem:$0xC100] =	vst v63  }
0xa2: {  	_ = 	snop  }
0xa3: {  	[hbm4b:s4+s2] =	stream.indirect_vreg.scatter [tilespmem:s23], [sflag:$0x1], $0x80, v3, vm0, $0xb8;
	[tilespmem:$0xC100] =	vst v63  }
0xa4: {  	_ = 	snop  }
0xa5: {  	[hbm4b:s5+s2] =	stream.indirect_vreg.scatter [tilespmem:s24], [sflag:$0x1], $0x80, v3, vm0, $0xb8;
	[tilespmem:$0xC100] =	vst v63  }
0xa6: {  	v3 =	vld [tilespmem:$0xC0B0];
	_ =	sdelay $0x4  }
0xa7: {  	v63 =	vshrl.u32 v3, $0x3  }
0xa8: {  	v4 =	vmul.u32 $0x30, v63  }
0xa9: {  	v3 =	vand.u32 $0x7, v3  }
0xaa: {  	v3 =	vor.u32 v3, v4  }
0xab: {  	v4 =	vperm.xlane v3, v0;
	_ =	sdelay $0x1  }
0xac: {  	v4 =	vadd.s32 v1, v4;
	_ =	sdelay $0x3  }
0xad: {  	v3 =	vperm.xlane v3, v2  }
0xae: {  	[hbm4b:s3+s2] =	stream.indirect_vreg.scatter [tilespmem:s25], [sflag:$0x1], $0x80, v4, vm0, $0xb8;
	[tilespmem:$0xC100] =	vst v63  }
0xaf: {  	v3 =	vadd.s32 v1, v3  }
0xb0: {  	[hbm4b:s4+s2] =	stream.indirect_vreg.scatter [tilespmem:s26], [sflag:$0x1], $0x80, v4, vm0, $0xb8;
	[tilespmem:$0xC100] =	vst v63  }
0xb1: {  	_ = 	snop  }
0xb2: {  	[hbm4b:s5+s2] =	stream.indirect_vreg.scatter [tilespmem:s28], [sflag:$0x1], $0x80, v4, vm0, $0xb8;
	[tilespmem:$0xC100] =	vst v63  }
0xb3: {  	_ = 	snop  }
0xb4: {  	[hbm4b:s3+s2] =	stream.indirect_vreg.scatter [tilespmem:s29], [sflag:$0x1], $0x80, v3, vm0, $0xb8;
	[tilespmem:$0xC100] =	vst v63  }
0xb5: {  	_ = 	snop  }
0xb6: {  	[hbm4b:s4+s2] =	stream.indirect_vreg.scatter [tilespmem:s30], [sflag:$0x1], $0x80, v3, vm0, $0xb8;
	[tilespmem:$0xC100] =	vst v63  }
0xb7: {  	_ = 	snop  }
0xb8: {  	[hbm4b:s5+s2] =	stream.indirect_vreg.scatter [tilespmem:s31], [sflag:$0x1], $0x80, v3, vm0, $0xb8;
	[tilespmem:$0xC100] =	vst v63  }
0xb9: {  	p0 =	sne.s32 s6, $0x1;
	_ =	swait.ge [sflag:s1], $0xC000  }
.Ltmp0:
0xba: {  	[sflag:s1] =	ssyncset.done $0x0;
	(pc) =	sbr.rel @p0 .LBB2_1-.Ltmp0, $4  }
0xbb: {  	[sflag:s1] =	ssyncadd.s32 $0xFFFF4000  }
0xbc: {  	_ =	swait.ge [sflag:s1], $0xC000  }
0xbd: {  	[sflag:s1] =	ssyncset.done $0x0  }
0xbe: {  	s6 =	sadd.s32 $0xFFFFFFFF, s6;
	[sflag:s1] =	ssyncadd.s32 $0xFFFF4000  }
0xbf: {  	_ =	sfence.sel $0x180000  }
0xc0: {  	[bflag:$0x0] =	sbarrier.arrive $0xFFFF  }
0xc1: {  	_ =	strace $0x90000047  }
0xc2: {  	s0 =	stileid.u32;
	[bflag:$0x2] =	sbarrier.arrive $0xFFFF  }
0xc3: {  	p0 =	sne.s32 s0, $0x0;
	s0 =	rddreg [dreg:$0x2]  }
0xc4: {  	s0 =	sadd.s32 @!p0 $0x100000, s0  }
0xc5: {  	[sflag:s0] =	ssyncadd.tile.s32 @!p0 $0x1;
	_ =	shalt  }
.Lfunc_end2:
_tile_overlayer_lowered:
.L_overlay_start_2:
0xc6: {  	(tag) =	ssettag $0x2  }
0xc7: {  	s0 =	rddreg [dreg:$0x0];
	s2 =	stileid.u32  }
0xc8: {  	s1 =	rddreg [dreg:$0x1];
	p0 =	sne.s32 s2, $0x0  }
0xc9: {  	s3 =	rddreg [dreg:$0x2];
	[bflag:$0x3] =	sbarrier.arrive $0xFFFF;
	s2 =	simm.s32 @!p0 $0x1C02  }
0xca: {  	[timem:s3], [sflag:s2] =	dma.local @!p0 [hbm:s0], s1  }
0xcb: {  	s0 =	simm.s32 @!p0 $0x2  }
0xcc: {  	_ =	swait.ge @!p0 [sflag:s0], s1  }
0xcd: {  	s1 =	ssub.s32 @!p0 $0x0, s1;
	[sflag:s0] =	ssyncset.done @!p0 $0x0  }
0xce: {  	[sflag:s0] =	ssyncadd.s32 @!p0 s1  }
0xcf: {  	[bflag:$0x3] =	sbarrier.arrive $0xFFFF  }
0xd0: {  	_ =	shalt  }

// kernel: kernel.9.cloned.1.call-start
scs
__scs_entry_jumppad:
0x0: {  	(pc) =	sbr.rel $0x88, $3  }
0x1: {  	(tag) =	ssettag $0x0;
	lr =	simm.s32 $0x1  }
0x2: {  	[smem:$0x3F98] =	sst lr;
	_ =	strace $0xD0000000  }
0x3: {  	_ = 	snop  }
0x4: {  	_ = 	snop  }
0x5: {  	_ = 	snop  }
0x6: {  	_ = 	snop  }
0x7: {  	_ = 	snop  }
__scs_overlays_trampoline_lowered:
0x8: {  	[smem:$0x3FA7] =	sst s0  }
0x9: {  	[smem:$0x3FA8] =	sst s1  }
0xa: {  	[smem:$0x3FA9] =	sst s2  }
0xb: {  	[smem:$0x3FAA] =	sst s3  }
0xc: {  	[smem:$0x3FAB] =	sst s4  }
0xd: {  	[smem:$0x3FAC] =	sst s5  }
0xe: {  	[smem:$0x3FAD] =	sst s6  }
0xf: {  	[smem:$0x3FAE] =	sst s7  }
0x10: {  	[smem:$0x3FAF] =	sst s8  }
0x11: {  	[smem:$0x3FB0] =	sst s9;
	s0 =	simm.s32 @!p0 $0x0  }
0x12: {  	s1 =	sld [smem:$0x3F96];
	s0 =	simm.s32 @p0 $0x1  }
0x13: {  	[smem:$0x3FB1] =	sst s0;
	s0 =	simm.s32 @!p1 $0x0  }
0x14: {  	s2 =	sld [smem:$0x3F95];
	s0 =	simm.s32 @p1 $0x1  }
0x15: {  	[smem:$0x3FB2] =	sst s0;
	s0 =	simm.s32 @!p2 $0x0  }
0x16: {  	s3 =	sld [smem:$0x3FDB];
	s0 =	simm.s32 @p2 $0x1  }
0x17: {  	s4 =	simm.s32 $0x1BF5;
	[smem:$0x3FB4] =	sst s0  }
0x18: {  	s0 =	sld [smem:$0x3F97];
	_ =	swait.ge [sflag:s4], $0x0  }
0x19: {  	s7 =	sld [smem:$0x3F98]  }
0x1a: {  	s8 =	sadd.s32 $0xFFFFE003, lr  }
0x1b: {  	s9 =	sadd.s32 $0xFFFFFEF7, lr;
	s5 =	simm.s32 $0xFFFFFFFF;
	p2 =	slt.u32 s8, $0xFFFFF086  }
0x1c: {  	p1 =	slt.u32 s9, $0xF7A;
	s5 =	simm.s32 @!p2 $0x0  }
0x1d: {  	s5 =	simm.s32 @p1 $0x1;
	p0 =	seq.s32 s7, s2  }
0x1e: {  	s7 =	smul.u32 @!p0 $0xF7A, s2;
	p2 =	seq.s32 @!p0 s5, $0x0  }
0x1f: {  	s9 =	smul.u32 $0xF7A, s1;
	s8 =	simm.s32 @!p0 $0x1BF5;
	p2 =	por !p2, p0  }
0x20: {  	[sflag:s8] =	ssyncset.s32 @!p0 $0xFFFFF086;
	s6 =	sadd.s32 @!p0 s3, s7;
	s7 =	simm.s32 @!p0 $0x108  }
0x21: {  	s3 =	sadd.s32 s3, s9;
	s6 =	sadd.s32 @!p0 $0x88, s6;
	s7 =	simm.s32 @p2 $0x1082  }
0x22: {  	[simem:s7], [sflag:s8] =	dma.local @!p0 [hbm:s6], $0xF7A  }
0x23: {  	s9 =	sor.u32 $0xD0000000, s2;
	s6 =	simm.s32 $0x108;
	_ =	swait.ge @!p0 [sflag:s8], $0x0  }
0x24: {  	s3 =	sadd.s32 $0x88, s3;
	s6 =	simm.s32 @!p1 $0x1082;
	[sflag:s4] =	ssyncset.s32 $0xFFFFF086  }
0x25: {  	[simem:s6], [sflag:s4] =	dma.local [hbm:s3], $0xF7A  }
0x26: {  	[smem:$0x3F98] =	sst s1;
	(tag) =	ssettag s2;
	_ =	strace s9  }
0x27: {  	s1 =	sld [smem:$0x3FA8]  }
0x28: {  	s2 =	sld [smem:$0x3FA9]  }
0x29: {  	s4 =	sld [smem:$0x3FAB]  }
0x2a: {  	p0 =	seq.s32 s5, $0x0;
	s5 =	sld [smem:$0x3FAC]  }
0x2b: {  	s6 =	sld [smem:$0x3FAD]  }
0x2c: {  	s7 =	sld [smem:$0x3FAE]  }
0x2d: {  	s3 =	simm.s32 $0x108;
	s8 =	sld [smem:$0x3FAF]  }
0x2e: {  	s3 =	simm.s32 @!p0 $0x1082;
	s9 =	sld [smem:$0x3FB0]  }
0x2f: {  	lr =	sadd.s32 s0, s3;
	s0 =	sld [smem:$0x3FA7]  }
0x30: {  	s3 =	sld [smem:$0x3FAA]  }
0x31: {  	[smem:$0x3FB3] =	sst s10  }
0x32: {  	s10 =	sld [smem:$0x3FB1];
	_ =	sdelay $0x3  }
0x33: {  	p0 =	seq.s32 s10, $0x1;
	s10 =	sld [smem:$0x3FB3];
	_ =	sdelay $0x3  }
0x34: {  	[smem:$0x3FB3] =	sst s10  }
0x35: {  	s10 =	sld [smem:$0x3FB2];
	_ =	sdelay $0x3  }
0x36: {  	p1 =	seq.s32 s10, $0x1;
	s10 =	sld [smem:$0x3FB3];
	_ =	sdelay $0x3  }
0x37: {  	[smem:$0x3FB3] =	sst s10  }
0x38: {  	s10 =	sld [smem:$0x3FB4]  }
0x39: {  	_ = 	snop;
	(pc) =	sbr.ind lr, $3  }
0x3a: {  	_ = 	snop  }
0x3b: {  	_ = 	snop  }
0x3c: {  	p2 =	seq.s32 s10, $0x1;
	s10 =	sld [smem:$0x3FB3]  }
0x3d: {  	_ =	shalt  }
0x3e: {  	_ =	shalt  }
0x3f: {  	_ =	shalt  }
0x40: {  	_ =	shalt  }
0x41: {  	_ =	shalt  }
0x42: {  	_ =	shalt  }
0x43: {  	_ =	shalt  }
0x44: {  	_ =	shalt  }
0x45: {  	_ =	shalt  }
0x46: {  	_ =	shalt  }
0x47: {  	_ =	shalt  }
0x48: {  	_ =	shalt  }
0x49: {  	_ =	shalt  }
0x4a: {  	_ =	shalt  }
0x4b: {  	_ =	shalt  }
0x4c: {  	_ =	shalt  }
0x4d: {  	_ =	shalt  }
0x4e: {  	_ =	shalt  }
0x4f: {  	_ =	shalt  }
0x50: {  	_ =	shalt  }
0x51: {  	_ =	shalt  }
0x52: {  	_ =	shalt  }
0x53: {  	_ =	shalt  }
0x54: {  	_ =	shalt  }
0x55: {  	_ =	shalt  }
0x56: {  	_ =	shalt  }
0x57: {  	_ =	shalt  }
0x58: {  	_ =	shalt  }
0x59: {  	_ =	shalt  }
0x5a: {  	_ =	shalt  }
0x5b: {  	_ =	shalt  }
0x5c: {  	_ =	shalt  }
0x5d: {  	_ =	shalt  }
0x5e: {  	_ =	shalt  }
0x5f: {  	_ =	shalt  }
0x60: {  	_ =	shalt  }
0x61: {  	_ =	shalt  }
0x62: {  	_ =	shalt  }
0x63: {  	_ =	shalt  }
0x64: {  	_ =	shalt  }
0x65: {  	_ =	shalt  }
0x66: {  	_ =	shalt  }
0x67: {  	_ =	shalt  }
0x68: {  	_ =	shalt  }
0x69: {  	_ =	shalt  }
0x6a: {  	_ =	shalt  }
0x6b: {  	_ =	shalt  }
0x6c: {  	_ =	shalt  }
0x6d: {  	_ =	shalt  }
0x6e: {  	_ =	shalt  }
0x6f: {  	_ =	shalt  }
0x70: {  	_ =	shalt  }
0x71: {  	_ =	shalt  }
0x72: {  	_ =	shalt  }
0x73: {  	_ =	shalt  }
0x74: {  	_ =	shalt  }
0x75: {  	_ =	shalt  }
0x76: {  	_ =	shalt  }
0x77: {  	_ =	shalt  }
0x78: {  	_ =	shalt  }
0x79: {  	_ =	shalt  }
0x7a: {  	_ =	shalt  }
0x7b: {  	_ =	shalt  }
0x7c: {  	_ =	shalt  }
0x7d: {  	_ =	shalt  }
0x7e: {  	_ =	shalt  }
0x7f: {  	_ =	shalt  }
0x80: {  	_ =	shalt  }
0x81: {  	_ =	shalt  }
0x82: {  	_ =	shalt  }
0x83: {  	_ =	shalt  }
0x84: {  	_ =	shalt  }
0x85: {  	_ =	shalt  }
0x86: {  	_ =	shalt  }
0x87: {  	_ =	shalt  }
.Lfunc_end0:
.L_simem_size_0:
called_computation.1_lowered:
.L_overlay_start_0:
0x88: {  	s2 =	sld [smem:$0x3FD9]  }
0x89: {  	s3 =	sld [smem:$0x3FFE];
	_ =	sdelay $0x1  }
0x8a: {  	s1 =	srdreg.scid  }
0x8b: {  	s0 =	sand.u32 $0x1, s1  }
0x8c: {  	s17 =	sshll.u32 s0, $0xA;
	s2 =	sadd.s32 s3, s2  }
0x8d: {  	s2 =	sadd.s32 s2, s17  }
0x8e: {  	[smem:$0x3FBF] =	sst s2  }
0x8f: {  	_ = 	snop  }
0x90: {  	s2 =	sld [smem:$0x3FD0];
	(tm) =	ssettm $0x1  }
0x91: {  	s18 =	sld [smem:$0x3FFB];
	_ =	sdelay $0x3  }
0x92: {  	_ =	strace s18  }
0x93: {  	s3 =	sld [smem:$0x3FFC];
	_ =	sdelay $0x3  }
0x94: {  	_ =	strace s3  }
0x95: {  	s3 =	sld [smem:$0x3FFD];
	_ =	sdelay $0x3  }
0x96: {  	_ =	strace s3  }
0x97: {  	_ =	strace $0x8FFFFFFF  }
0x98: {  	s19 =	sld [smem:$0x3FDB];
	_ =	sdelay $0x1  }
0x99: {  	s4 =	simm.s32 $_scs_section_size  }
0x9a: {  	s5 =	simm.s32 $_size__tile_overlayer_lowered;
	s6 =	simm.s32 $_tile_overlayer_lowered  }
0x9b: {  	s22 =	simm.s32 $0x1BFF;
	s21 =	sshll.u32 s6, $0x1;
	s3 =	sadd.s32 s4, s19  }
0x9c: {  	s7 =	simm.s32 $0x0;
	s20 =	sshll.u32 s5, $0x1;
	s5 =	sadd.s32 s21, s3  }
0x9d: {  	[timem:s7], [sflag:s22] =	dma.local [hbm:s5], s20  }
0x9e: {  	_ =	swait.ge [sflag:s22], s20  }
0x9f: {  	s4 =	ssub.s32 $0x0, s20;
	[sflag:s22] =	ssyncset.done $0x0  }
0xa0: {  	[sflag:s22] =	ssyncadd.s32 s4;
	_ =	sdelay $0x1  }
0xa1: {  	s23 =	simm.s32 $0x1B8B  }
0xa2: {  	_ =	swait.ge [sflag:s23], $0x1  }
0xa3: {  	[sflag:s23] =	ssyncset.done $0x0  }
0xa4: {  	s25 =	simm.s32 $0x1B8E;
	s24 =	sld [smem:$0x3FFE];
	[sflag:s23] =	ssyncadd.s32 $0xFFFFFFFF  }
0xa5: {  	s26 =	simm.s32 $execute0_lowered;
	[smem:$0x3FD2] =	sst s25  }
0xa6: {  	s5 =	sshll.u32 s26, $0x1;
	_ =	strace $0x80000049;
	[dreg:$0x1] =	wrdreg $0xFFFFFFFF  }
0xa7: {  	s28 =	simm.s32 $_size_execute0_lowered;
	s3 =	sadd.s32 s3, s5;
	[dreg:$0x0] =	wrdreg $0x0  }
0xa8: {  	s5 =	sshll.u32 s28, $0x1;
	[dreg:$0x2] =	wrdreg s3  }
0xa9: {  	[dreg:$0x3] =	wrdreg s5  }
0xaa: {  	[dreg:$0x4] =	wrdreg $0xC0  }
0xab: {  	_ =	task [dreg:s7], $0x5FFFF  }
0xac: {  	[dreg:$0x1] =	wrdreg $0xFFFFFFFF  }
0xad: {  	[dreg:$0x0] =	wrdreg $0x60  }
0xae: {  	[dreg:$0x2] =	wrdreg s24  }
0xaf: {  	[dreg:$0x3] =	wrdreg s2  }
0xb0: {  	[dreg:$0x4] =	wrdreg $0x9  }
0xb1: {  	_ =	task.clear_ibuf [dreg:s7], $0x5FFFF;
	_ =	strace $0x90000049  }
0xb2: {  	s29 =	simm.s32 $0x9;
	_ =	strace $0x8000004B  }
0xb3: {  	_ =	swait.ge [sflag:s29], $0x1  }
0xb4: {  	[sflag:s29] =	ssyncadd.s32 $0xFFFFFFFF  }
0xb5: {  	_ =	strace $0x9000004B  }
0xb6: {  	_ =	sfence  }
0xb7: {  	s30 =	sld [smem:$0x0];
	_ =	sdelay $0x2  }
0xb8: {  	s31 =	sshll.u32 s1, $0xD;
	s1 =	sshrl.u32 s1, $0x2  }
0xb9: {  	s3 =	sand.u32 $0x4000, s31;
	s1 =	sadd.s32 s1, s30  }
0xba: {  	s0 =	sor.u32 s3, s0;
	s1 =	sshll.u32 s1, $0x11  }
0xbb: {  	s0 =	sor.u32 s1, s0  }
0xbc: {  	s0 =	sadd.s32 $0x8F2B, s0  }
0xbd: {  	[sflag:s0] =	ssyncadd.remote.s32 $0x1  }
0xbe: {  	_ =	sfence.sel $0xFFFF  }
0xbf: {  	[dreg:$0x0] =	wrdreg $0xFFFFFFFF;
	(pc) =	sbr.abs _section_cstart, $3  }
0xc0: {  	[dreg:$0x1] =	wrdreg $0xFFFFFFFF  }
0xc1: {  	_ =	task.clear_ibuf [dreg:s7], $0x2FFFF;
	_ =	strace $0x9FFFFFFF  }
0xc2: {  	(tm) =	ssettm $0x7FFFFFFF  }
0xc3: {  	_ =	shalt  }
tec
execute0_lowered:
.L_overlay_start_1:
0x0: {  	(tag) =	ssettag $0x1  }
0x1: {  	s0 =	rddreg [dreg:$0x0]  }
0x2: {  	s1 =	rddreg [dreg:$0x1];
	s2 =	simm.s32 $0x0  }
0x3: {  	s3 =	srdreg.scid;
	s5 =	stileid.u32;
	s13 =	simm.s32 $0x3  }
0x4: {  	s15 =	simm.s32 $0x200;
	s21 =	simm.s32 $0xC200;
	s20 =	simm.s32 $0x14A00  }
0x5: {  	s22 =	simm.s32 $0x15200;
	s23 =	simm.s32 $0x15A00;
	s24 =	simm.s32 $0x16200  }
0x6: {  	s25 =	simm.s32 $0x16A00;
	s28 =	simm.s32 $0x17A00;
	s29 =	simm.s32 $0x1  }
0x7: {  	s30 =	simm.s32 $0x2;
	s31 =	simm.s32 $0x0;
	s4 =	sand.u32 $0x1, s3  }
0x8: {  	[smem:$0x7FF] =	sst s2;
	s5 =	sshll.u32 s5, $0x4;
	s6 =	sshll.u32 s4, $0x3  }
0x9: {  	s3 =	sadd.s32 $0x120E00, s0;
	s4 =	ssub.s32 $0x2, s4;
	s7 =	sor.u32 s6, s5  }
0xa: {  	_ =	strace $0x8000004A;
	s26 =	sshrl.u32 s4, $0x1;
	s9 =	smul.u32 $0x1800, s7  }
0xb: {  	s8 =	sadd.s32 s7, s0;
	s12 =	ssub.s32 s4, s26;
	s10 =	smul.u32 $0x300, s7  }
0xc: {  	s26 =	simm.s32 $0x17200;
	s4 =	sadd.s32 $0x800, s8;
	s5 =	sadd.s32 $0x600, s8  }
0xd: {  	v2 =	vlaneseq.u32;
	s6 =	sadd.s32 $0x120C00, s8;
	s7 =	sadd.s32 $0x120A00, s8;
	s9 =	sshrl.u32 s9, $0x3  }
0xe: {  	vm0 =	vmmov $0xffff;
	v1 =	vshrl.u32 v2, $0x3;
	s8 =	sadd.s32 $0x120F00, s0;
	s12 =	smax.u32 s12, $0x1;
	s11 =	sadd.s32 s1, s9  }
0xf: {  	v0 =	vand.u32 $0x7, v2;
	v2 =	vor.u32 $0x8, v2;
	v1 =	vmul.u32 $0x8, v1;
	s10 =	sadd.s32 s1, s10;
	s9 =	sadd.s32 $0x121000, s0;
	s11 =	sadd.s32 $0xC00, s11  }
.LBB2_1:
0x10: {  	[tilespmem:s2], [sflag:$0x3] =	stream.linear.gather [hbm4b:s4+s2], $0x40, $0x38;
	[tilespmem:$0x18200] =	vst v63  }
0x11: {  	_ =	swait.ge [sflag:s13], $0x40  }
0x12: {  	[sflag:s13] =	ssyncset.done $0x0  }
0x13: {  	s0 =	simm.s32 $0x80;
	[sflag:s13] =	ssyncadd.s32 $0xFFFFFFC0  }
0x14: {  	[tilespmem:s0], [sflag:$0x3] =	stream.linear.gather [hbm4b:s5+s2], $0x40, $0x38;
	[tilespmem:$0x18200] =	vst v63  }
0x15: {  	_ =	swait.ge [sflag:s13], $0x40  }
0x16: {  	[sflag:s13] =	ssyncset.done $0x0  }
0x17: {  	s0 =	simm.s32 $0x100;
	[sflag:s13] =	ssyncadd.s32 $0xFFFFFFC0  }
0x18: {  	[tilespmem:s0], [sflag:$0x3] =	stream.linear.gather [hbm4b:s6+s2], $0x40, $0x38;
	[tilespmem:$0x18200] =	vst v63  }
0x19: {  	_ =	swait.ge [sflag:s13], $0x40  }
0x1a: {  	[sflag:s13] =	ssyncset.done $0x0  }
0x1b: {  	s1 =	simm.s32 $0x180;
	[sflag:s13] =	ssyncadd.s32 $0xFFFFFFC0  }
0x1c: {  	[tilespmem:s1], [sflag:$0x3] =	stream.linear.gather [hbm4b:s7+s2], $0x40, $0x38;
	[tilespmem:$0x18200] =	vst v63  }
0x1d: {  	_ =	swait.ge [sflag:s13], $0x40  }
0x1e: {  	[sflag:s13] =	ssyncset.done $0x0  }
0x1f: {  	[sflag:s13] =	ssyncadd.s32 $0xFFFFFFC0  }
0x20: {  	v3 =	vld [tilespmem:$0x0];
	_ =	sdelay $0x4  }
0x21: {  	v4 =	vshrl.u32 v3, $0x3  }
0x22: {  	v4 =	vmul.u32 $0x30, v4  }
0x23: {  	v3 =	vand.u32 $0x7, v3  }
0x24: {  	v3 =	vor.u32 v3, v4  }
0x25: {  	v4 =	vperm.xlane v3, v0;
	_ =	sdelay $0x1  }
0x26: {  	v4 =	vadd.s32 v1, v4;
	_ =	sdelay $0x3  }
0x27: {  	v3 =	vperm.xlane v3, v2  }
0x28: {  	[tilespmem:s15], [sflag:$0x1] =	stream.indirect_vreg.gather [hbm4b:s3+s2], $0x80, v4, vm0, $0xb8;
	[tilespmem:$0x18200] =	vst v63  }
0x29: {  	s14 =	simm.s32 $0xA00;
	v3 =	vadd.s32 v1, v3  }
0x2a: {  	[tilespmem:s14], [sflag:$0x1] =	stream.indirect_vreg.gather [hbm4b:s8+s2], $0x80, v4, vm0, $0xb8;
	[tilespmem:$0x18200] =	vst v63  }
0x2b: {  	s16 =	simm.s32 $0x1200  }
0x2c: {  	[tilespmem:s16], [sflag:$0x1] =	stream.indirect_vreg.gather [hbm4b:s9+s2], $0x80, v4, vm0, $0xb8;
	[tilespmem:$0x18200] =	vst v63  }
0x2d: {  	s17 =	simm.s32 $0x1A00  }
0x2e: {  	[tilespmem:s17], [sflag:$0x1] =	stream.indirect_vreg.gather [hbm4b:s3+s2], $0x80, v3, vm0, $0xb8;
	[tilespmem:$0x18200] =	vst v63  }
0x2f: {  	s18 =	simm.s32 $0x2200  }
0x30: {  	[tilespmem:s18], [sflag:$0x1] =	stream.indirect_vreg.gather [hbm4b:s8+s2], $0x80, v3, vm0, $0xb8;
	[tilespmem:$0x18200] =	vst v63  }
0x31: {  	s19 =	simm.s32 $0x2A00  }
0x32: {  	[tilespmem:s19], [sflag:$0x1] =	stream.indirect_vreg.gather [hbm4b:s9+s2], $0x80, v3, vm0, $0xb8;
	[tilespmem:$0x18200] =	vst v63  }
0x33: {  	v3 =	vld [tilespmem:$0x10];
	_ =	sdelay $0x4  }
0x34: {  	v4 =	vshrl.u32 v3, $0x3  }
0x35: {  	v4 =	vmul.u32 $0x30, v4  }
0x36: {  	v3 =	vand.u32 $0x7, v3  }
0x37: {  	v3 =	vor.u32 v3, v4  }
0x38: {  	v4 =	vperm.xlane v3, v0;
	_ =	sdelay $0x1  }
0x39: {  	v4 =	vadd.s32 v1, v4;
	_ =	sdelay $0x3  }
0x3a: {  	s16 =	simm.s32 $0x3200;
	v3 =	vperm.xlane v3, v2  }
0x3b: {  	[tilespmem:s16], [sflag:$0x1] =	stream.indirect_vreg.gather [hbm4b:s3+s2], $0x80, v4, vm0, $0xb8;
	[tilespmem:$0x18200] =	vst v63  }
0x3c: {  	s17 =	simm.s32 $0x3A00;
	v3 =	vadd.s32 v1, v3  }
0x3d: {  	[tilespmem:s17], [sflag:$0x1] =	stream.indirect_vreg.gather [hbm4b:s8+s2], $0x80, v4, vm0, $0xb8;
	[tilespmem:$0x18200] =	vst v63  }
0x3e: {  	s18 =	simm.s32 $0x4200  }
0x3f: {  	[tilespmem:s18], [sflag:$0x1] =	stream.indirect_vreg.gather [hbm4b:s9+s2], $0x80, v4, vm0, $0xb8;
	[tilespmem:$0x18200] =	vst v63  }
0x40: {  	s19 =	simm.s32 $0x4A00  }
0x41: {  	[tilespmem:s19], [sflag:$0x1] =	stream.indirect_vreg.gather [hbm4b:s3+s2], $0x80, v3, vm0, $0xb8;
	[tilespmem:$0x18200] =	vst v63  }
0x42: {  	s16 =	simm.s32 $0x5200  }
0x43: {  	[tilespmem:s16], [sflag:$0x1] =	stream.indirect_vreg.gather [hbm4b:s8+s2], $0x80, v3, vm0, $0xb8;
	[tilespmem:$0x18200] =	vst v63  }
0x44: {  	s17 =	simm.s32 $0x5A00  }
0x45: {  	[tilespmem:s17], [sflag:$0x1] =	stream.indirect_vreg.gather [hbm4b:s9+s2], $0x80, v3, vm0, $0xb8;
	[tilespmem:$0x18200] =	vst v63  }
0x46: {  	v3 =	vld [tilespmem:$0x80];
	_ =	sdelay $0x4  }
0x47: {  	v4 =	vshrl.u32 v3, $0x3  }
0x48: {  	v4 =	vmul.u32 $0x30, v4  }
0x49: {  	v3 =	vand.u32 $0x7, v3  }
0x4a: {  	v3 =	vor.u32 v3, v4  }
0x4b: {  	v4 =	vperm.xlane v3, v0;
	_ =	sdelay $0x1  }
0x4c: {  	v4 =	vadd.s32 v1, v4;
	_ =	sdelay $0x3  }
0x4d: {  	s18 =	simm.s32 $0x6200;
	v3 =	vperm.xlane v3, v2  }
0x4e: {  	[tilespmem:s18], [sflag:$0x1] =	stream.indirect_vreg.gather [hbm4b:s3+s2], $0x80, v4, vm0, $0xb8;
	[tilespmem:$0x18200] =	vst v63  }
0x4f: {  	s19 =	simm.s32 $0x6A00;
	v3 =	vadd.s32 v1, v3  }
0x50: {  	[tilespmem:s19], [sflag:$0x1] =	stream.indirect_vreg.gather [hbm4b:s8+s2], $0x80, v4, vm0, $0xb8;
	[tilespmem:$0x18200] =	vst v63  }
0x51: {  	s16 =	simm.s32 $0x7200  }
0x52: {  	[tilespmem:s16], [sflag:$0x1] =	stream.indirect_vreg.gather [hbm4b:s9+s2], $0x80, v4, vm0, $0xb8;
	[tilespmem:$0x18200] =	vst v63  }
0x53: {  	s17 =	simm.s32 $0x7A00  }
0x54: {  	[tilespmem:s17], [sflag:$0x1] =	stream.indirect_vreg.gather [hbm4b:s3+s2], $0x80, v3, vm0, $0xb8;
	[tilespmem:$0x18200] =	vst v63  }
0x55: {  	s18 =	simm.s32 $0x8200  }
0x56: {  	[tilespmem:s18], [sflag:$0x1] =	stream.indirect_vreg.gather [hbm4b:s8+s2], $0x80, v3, vm0, $0xb8;
	[tilespmem:$0x18200] =	vst v63  }
0x57: {  	s19 =	simm.s32 $0x8A00  }
0x58: {  	[tilespmem:s19], [sflag:$0x1] =	stream.indirect_vreg.gather [hbm4b:s9+s2], $0x80, v3, vm0, $0xb8;
	[tilespmem:$0x18200] =	vst v63  }
0x59: {  	v3 =	vld [tilespmem:$0x90];
	_ =	sdelay $0x4  }
0x5a: {  	v4 =	vshrl.u32 v3, $0x3  }
0x5b: {  	v4 =	vmul.u32 $0x30, v4  }
0x5c: {  	v3 =	vand.u32 $0x7, v3  }
0x5d: {  	v3 =	vor.u32 v3, v4  }
0x5e: {  	v4 =	vperm.xlane v3, v0;
	_ =	sdelay $0x1  }
0x5f: {  	v4 =	vadd.s32 v1, v4;
	_ =	sdelay $0x3  }
0x60: {  	s16 =	simm.s32 $0x9200;
	v3 =	vperm.xlane v3, v2  }
0x61: {  	[tilespmem:s16], [sflag:$0x1] =	stream.indirect_vreg.gather [hbm4b:s3+s2], $0x80, v4, vm0, $0xb8;
	[tilespmem:$0x18200] =	vst v63  }
0x62: {  	s17 =	simm.s32 $0x9A00;
	v3 =	vadd.s32 v1, v3  }
0x63: {  	[tilespmem:s17], [sflag:$0x1] =	stream.indirect_vreg.gather [hbm4b:s8+s2], $0x80, v4, vm0, $0xb8;
	[tilespmem:$0x18200] =	vst v63  }
0x64: {  	s18 =	simm.s32 $0xA200  }
0x65: {  	[tilespmem:s18], [sflag:$0x1] =	stream.indirect_vreg.gather [hbm4b:s9+s2], $0x80, v4, vm0, $0xb8;
	[tilespmem:$0x18200] =	vst v63  }
0x66: {  	s19 =	simm.s32 $0xAA00  }
0x67: {  	[tilespmem:s19], [sflag:$0x1] =	stream.indirect_vreg.gather [hbm4b:s3+s2], $0x80, v3, vm0, $0xb8;
	[tilespmem:$0x18200] =	vst v63  }
0x68: {  	s16 =	simm.s32 $0xB200  }
0x69: {  	[tilespmem:s16], [sflag:$0x1] =	stream.indirect_vreg.gather [hbm4b:s8+s2], $0x80, v3, vm0, $0xb8;
	[tilespmem:$0x18200] =	vst v63  }
0x6a: {  	s17 =	simm.s32 $0xBA00  }
0x6b: {  	[tilespmem:s17], [sflag:$0x1] =	stream.indirect_vreg.gather [hbm4b:s9+s2], $0x80, v3, vm0, $0xb8;
	[tilespmem:$0x18200] =	vst v63  }
0x6c: {  	v3 =	vld [tilespmem:$0x20];
	_ =	sdelay $0x4  }
0x6d: {  	v4 =	vshrl.u32 v3, $0x3  }
0x6e: {  	v4 =	vmul.u32 $0x30, v4  }
0x6f: {  	v3 =	vand.u32 $0x7, v3  }
0x70: {  	v3 =	vor.u32 v3, v4  }
0x71: {  	v4 =	vperm.xlane v3, v0;
	_ =	sdelay $0x1  }
0x72: {  	v4 =	vadd.s32 v1, v4;
	_ =	sdelay $0x3  }
0x73: {  	v3 =	vperm.xlane v3, v2  }
0x74: {  	[tilespmem:s21], [sflag:$0x2] =	stream.indirect_vreg.gather [hbm4b:s3+s2], $0x80, v4, vm0, $0xb8;
	[tilespmem:$0x18200] =	vst v63  }
0x75: {  	s18 =	simm.s32 $0xCA00;
	v3 =	vadd.s32 v1, v3  }
0x76: {  	[tilespmem:s18], [sflag:$0x2] =	stream.indirect_vreg.gather [hbm4b:s8+s2], $0x80, v4, vm0, $0xb8;
	[tilespmem:$0x18200] =	vst v63  }
0x77: {  	s19 =	simm.s32 $0xD200  }
0x78: {  	[tilespmem:s19], [sflag:$0x2] =	stream.indirect_vreg.gather [hbm4b:s9+s2], $0x80, v4, vm0, $0xb8;
	[tilespmem:$0x18200] =	vst v63  }
0x79: {  	s16 =	simm.s32 $0xDA00  }
0x7a: {  	[tilespmem:s16], [sflag:$0x2] =	stream.indirect_vreg.gather [hbm4b:s3+s2], $0x80, v3, vm0, $0xb8;
	[tilespmem:$0x18200] =	vst v63  }
0x7b: {  	s17 =	simm.s32 $0xE200  }
0x7c: {  	[tilespmem:s17], [sflag:$0x2] =	stream.indirect_vreg.gather [hbm4b:s8+s2], $0x80, v3, vm0, $0xb8;
	[tilespmem:$0x18200] =	vst v63  }
0x7d: {  	s18 =	simm.s32 $0xEA00  }
0x7e: {  	[tilespmem:s18], [sflag:$0x2] =	stream.indirect_vreg.gather [hbm4b:s9+s2], $0x80, v3, vm0, $0xb8;
	[tilespmem:$0x18200] =	vst v63  }
0x7f: {  	v3 =	vld [tilespmem:$0x30];
	_ =	sdelay $0x4  }
0x80: {  	v4 =	vshrl.u32 v3, $0x3  }
0x81: {  	v4 =	vmul.u32 $0x30, v4  }
0x82: {  	v3 =	vand.u32 $0x7, v3  }
0x83: {  	v3 =	vor.u32 v3, v4  }
0x84: {  	v4 =	vperm.xlane v3, v0;
	_ =	sdelay $0x1  }
0x85: {  	v4 =	vadd.s32 v1, v4;
	_ =	sdelay $0x3  }
0x86: {  	s19 =	simm.s32 $0xF200;
	v3 =	vperm.xlane v3, v2  }
0x87: {  	[tilespmem:s19], [sflag:$0x2] =	stream.indirect_vreg.gather [hbm4b:s3+s2], $0x80, v4, vm0, $0xb8;
	[tilespmem:$0x18200] =	vst v63  }
0x88: {  	s16 =	simm.s32 $0xFA00;
	v3 =	vadd.s32 v1, v3  }
0x89: {  	[tilespmem:s16], [sflag:$0x2] =	stream.indirect_vreg.gather [hbm4b:s8+s2], $0x80, v4, vm0, $0xb8;
	[tilespmem:$0x18200] =	vst v63  }
0x8a: {  	s17 =	simm.s32 $0x10200  }
0x8b: {  	[tilespmem:s17], [sflag:$0x2] =	stream.indirect_vreg.gather [hbm4b:s9+s2], $0x80, v4, vm0, $0xb8;
	[tilespmem:$0x18200] =	vst v63  }
0x8c: {  	s18 =	simm.s32 $0x10A00  }
0x8d: {  	[tilespmem:s18], [sflag:$0x2] =	stream.indirect_vreg.gather [hbm4b:s3+s2], $0x80, v3, vm0, $0xb8;
	[tilespmem:$0x18200] =	vst v63  }
0x8e: {  	s19 =	simm.s32 $0x11200  }
0x8f: {  	[tilespmem:s19], [sflag:$0x2] =	stream.indirect_vreg.gather [hbm4b:s8+s2], $0x80, v3, vm0, $0xb8;
	[tilespmem:$0x18200] =	vst v63  }
0x90: {  	s16 =	simm.s32 $0x11A00  }
0x91: {  	[tilespmem:s16], [sflag:$0x2] =	stream.indirect_vreg.gather [hbm4b:s9+s2], $0x80, v3, vm0, $0xb8;
	[tilespmem:$0x18200] =	vst v63  }
0x92: {  	v3 =	vld [tilespmem:$0xA0];
	_ =	sdelay $0x4  }
0x93: {  	v4 =	vshrl.u32 v3, $0x3  }
0x94: {  	v4 =	vmul.u32 $0x30, v4  }
0x95: {  	v3 =	vand.u32 $0x7, v3  }
0x96: {  	v3 =	vor.u32 v3, v4  }
0x97: {  	v4 =	vperm.xlane v3, v0;
	_ =	sdelay $0x1  }
0x98: {  	v4 =	vadd.s32 v1, v4;
	_ =	sdelay $0x3  }
0x99: {  	s17 =	simm.s32 $0x12200;
	v3 =	vperm.xlane v3, v2  }
0x9a: {  	[tilespmem:s17], [sflag:$0x2] =	stream.indirect_vreg.gather [hbm4b:s3+s2], $0x80, v4, vm0, $0xb8;
	[tilespmem:$0x18200] =	vst v63  }
0x9b: {  	s18 =	simm.s32 $0x12A00;
	v3 =	vadd.s32 v1, v3  }
0x9c: {  	[tilespmem:s18], [sflag:$0x2] =	stream.indirect_vreg.gather [hbm4b:s8+s2], $0x80, v4, vm0, $0xb8;
	[tilespmem:$0x18200] =	vst v63  }
0x9d: {  	s19 =	simm.s32 $0x13200  }
0x9e: {  	[tilespmem:s19], [sflag:$0x2] =	stream.indirect_vreg.gather [hbm4b:s9+s2], $0x80, v4, vm0, $0xb8;
	[tilespmem:$0x18200] =	vst v63  }
0x9f: {  	s16 =	simm.s32 $0x13A00  }
0xa0: {  	[tilespmem:s16], [sflag:$0x2] =	stream.indirect_vreg.gather [hbm4b:s3+s2], $0x80, v3, vm0, $0xb8;
	[tilespmem:$0x18200] =	vst v63  }
0xa1: {  	s17 =	simm.s32 $0x14200  }
0xa2: {  	[tilespmem:s17], [sflag:$0x2] =	stream.indirect_vreg.gather [hbm4b:s8+s2], $0x80, v3, vm0, $0xb8;
	[tilespmem:$0x18200] =	vst v63  }
0xa3: {  	_ = 	snop  }
0xa4: {  	[tilespmem:s20], [sflag:$0x2] =	stream.indirect_vreg.gather [hbm4b:s9+s2], $0x80, v3, vm0, $0xb8;
	[tilespmem:$0x18200] =	vst v63  }
0xa5: {  	v3 =	vld [tilespmem:$0xB0];
	_ =	sdelay $0x4  }
0xa6: {  	v4 =	vshrl.u32 v3, $0x3  }
0xa7: {  	v4 =	vmul.u32 $0x30, v4  }
0xa8: {  	v3 =	vand.u32 $0x7, v3  }
0xa9: {  	v3 =	vor.u32 v3, v4  }
0xaa: {  	v4 =	vperm.xlane v3, v0;
	_ =	sdelay $0x1  }
0xab: {  	v4 =	vadd.s32 v1, v4;
	_ =	sdelay $0x3  }
0xac: {  	v3 =	vperm.xlane v3, v2  }
0xad: {  	[tilespmem:s22], [sflag:$0x2] =	stream.indirect_vreg.gather [hbm4b:s3+s2], $0x80, v4, vm0, $0xb8;
	[tilespmem:$0x18200] =	vst v63  }
0xae: {  	v3 =	vadd.s32 v1, v3  }
0xaf: {  	[tilespmem:s23], [sflag:$0x2] =	stream.indirect_vreg.gather [hbm4b:s8+s2], $0x80, v4, vm0, $0xb8;
	[tilespmem:$0x18200] =	vst v63  }
0xb0: {  	_ = 	snop  }
0xb1: {  	[tilespmem:s24], [sflag:$0x2] =	stream.indirect_vreg.gather [hbm4b:s9+s2], $0x80, v4, vm0, $0xb8;
	[tilespmem:$0x18200] =	vst v63  }
0xb2: {  	_ = 	snop  }
0xb3: {  	[tilespmem:s25], [sflag:$0x2] =	stream.indirect_vreg.gather [hbm4b:s3+s2], $0x80, v3, vm0, $0xb8;
	[tilespmem:$0x18200] =	vst v63  }
0xb4: {  	_ = 	snop  }
0xb5: {  	[tilespmem:s26], [sflag:$0x2] =	stream.indirect_vreg.gather [hbm4b:s8+s2], $0x80, v3, vm0, $0xb8;
	[tilespmem:$0x18200] =	vst v63  }
0xb6: {  	_ = 	snop  }
0xb7: {  	[tilespmem:s28], [sflag:$0x2] =	stream.indirect_vreg.gather [hbm4b:s9+s2], $0x80, v3, vm0, $0xb8;
	[tilespmem:$0x18200] =	vst v63  }
0xb8: {  	_ =	swait.ge [sflag:s29], $0x6000  }
0xb9: {  	[sflag:s29] =	ssyncset.done $0x0  }
0xba: {  	s18 =	simm.s32 $0x0;
	[sflag:s29] =	ssyncadd.s32 $0xFFFFA000  }
0xbb: {  	s14 =	smul.u32 $0x1800, s18;
	_ =	swait.ge [sflag:s29], $0x6000  }
0xbc: {  	s16 =	sand.u32 $0x380, s2;
	[sflag:s29] =	ssyncset.done $0x0  }
0xbd: {  	s17 =	sor.u32 s16, s14;
	[sflag:s29] =	ssyncadd.s32 $0xFFFFA000  }
0xbe: {  	v4 =	vld [tilespmem:s17+$0x210]  }
0xbf: {  	v3 =	vld [tilespmem:s17+$0x6210]  }
0xc0: {  	v6 =	vld [tilespmem:s17+$0x220]  }
0xc1: {  	v5 =	vld [tilespmem:s17+$0x6220]  }
0xc2: {  	v10 =	vld [tilespmem:s17+$0x230]  }
0xc3: {  	v9 =	vld [tilespmem:s17+$0x6230]  }
0xc4: {  	v12 =	vld [tilespmem:s17+$0x240]  }
0xc5: {  	v11 =	vld [tilespmem:s17+$0x6240]  }
0xc6: {  	v13 =	vld [tilespmem:s17+$0x260]  }
0xc7: {  	v14 =	vld [tilespmem:s17+$0x270]  }
0xc8: {  	v15 =	vld [tilespmem:s17+$0x600]  }
0xc9: {  	v16 =	vld [tilespmem:s17+$0x610]  }
0xca: {  	v17 =	vld [tilespmem:s17+$0x620]  }
0xcb: {  	v18 =	vld [tilespmem:s17+$0x630]  }
0xcc: {  	v19 =	vld [tilespmem:s17+$0x640]  }
0xcd: {  	v20 =	vld [tilespmem:s17+$0x650]  }
0xce: {  	v21 =	vld [tilespmem:s17+$0x660]  }
0xcf: {  	v22 =	vld [tilespmem:s17+$0x670]  }
0xd0: {  	v23 =	vld [tilespmem:s17+$0xA00]  }
0xd1: {  	v24 =	vld [tilespmem:s17+$0xA10]  }
0xd2: {  	v25 =	vld [tilespmem:s17+$0xA20]  }
0xd3: {  	v26 =	vld [tilespmem:s17+$0xA30]  }
0xd4: {  	v27 =	vld [tilespmem:s17+$0xA40]  }
0xd5: {  	v28 =	vld [tilespmem:s17+$0xA50]  }
0xd6: {  	v29 =	vld [tilespmem:s17+$0xA60]  }
0xd7: {  	v30 =	vld [tilespmem:s17+$0xA70]  }
0xd8: {  	v31 =	vld [tilespmem:s17+$0xE00]  }
0xd9: {  	v32 =	vld [tilespmem:s17+$0xE10]  }
0xda: {  	v33 =	vld [tilespmem:s17+$0xE20]  }
0xdb: {  	v34 =	vld [tilespmem:s17+$0xE30]  }
0xdc: {  	v35 =	vld [tilespmem:s17+$0xE40]  }
0xdd: {  	v36 =	vld [tilespmem:s17+$0xE50]  }
0xde: {  	v37 =	vld [tilespmem:s17+$0xE60]  }
0xdf: {  	v38 =	vld [tilespmem:s17+$0xE70]  }
0xe0: {  	v39 =	vld [tilespmem:s17+$0x1200]  }
0xe1: {  	v40 =	vld [tilespmem:s17+$0x1210]  }
0xe2: {  	v41 =	vld [tilespmem:s17+$0x1220]  }
0xe3: {  	v42 =	vld [tilespmem:s17+$0x1230]  }
0xe4: {  	v43 =	vld [tilespmem:s17+$0x1240]  }
0xe5: {  	v45 =	vld [tilespmem:s17+$0x1260]  }
0xe6: {  	v46 =	vld [tilespmem:s17+$0x1600]  }
0xe7: {  	v47 =	vld [tilespmem:s17+$0x1610]  }
0xe8: {  	v48 =	vld [tilespmem:s17+$0x7610]  }
0xe9: {  	v49 =	vld [tilespmem:s17+$0x7630]  }
0xea: {  	v50 =	vld [tilespmem:s17+$0x1620]  }
0xeb: {  	v7 =	vld.msk [tilespmem:s0+$0x0 ss:$0x0], $0xffff  }
0xec: {  	v8 =	vld.msk [tilespmem:s1+$0x0 ss:$0x0], $0xffff  }
0xed: {  	v51 =	vld [tilespmem:s17+$0x1630]  }
0xee: {  	v52 =	vld [tilespmem:s17+$0x7620]  }
0xef: {  	v53 =	vld [tilespmem:s17+$0x7600]  }
0xf0: {  	v54 =	vld [tilespmem:s17+$0x1270]  }
0xf1: {  	v55 =	vld [tilespmem:s17+$0x7270]  }
0xf2: {  	v57 =	vld [tilespmem:s17+$0x7250];
	v51 =	vmul.f32 v51, v7  }
0xf3: {  	v56 =	vld [tilespmem:s17+$0x7260];
	v49 =	vmul.f32 v49, v8;
	v50 =	vmul.f32 v50, v7  }
0xf4: {  	v44 =	vld [tilespmem:s17+$0x1250];
	v52 =	vmul.f32 v52, v8;
	v47 =	vmul.f32 v47, v7  }
0xf5: {  	v58 =	vld [tilespmem:s17+$0x7240];
	v48 =	vmul.f32 v48, v8;
	v46 =	vmul.f32 v46, v7  }
0xf6: {  	v63 =	vmul.f32 v53, v8;
	v53 =	vld [tilespmem:s17+$0x7230];
	v59 =	vmul.f32 v54, v7;
	v49 =	vadd.f32 v49, v51  }
0xf7: {  	v60 =	vmul.f32 v55, v8;
	v62 =	vmul.f32 v57, v8;
	v57 =	vld [tilespmem:s17+$0x6E60];
	v50 =	vadd.f32 v52, v50  }
0xf8: {  	v45 =	vmul.f32 v45, v7;
	v61 =	vmul.f32 v56, v8;
	v55 =	vld [tilespmem:s17+$0x6A70];
	v47 =	vadd.f32 v48, v47;
	[tilespmem:s17+$0x1630] =	vst v49  }
0xf9: {  	v44 =	vmul.f32 v44, v7;
	v43 =	vmul.f32 v43, v7;
	v56 =	vld [tilespmem:s17+$0x6A60];
	v46 =	vadd.f32 v63, v46;
	[tilespmem:s17+$0x1620] =	vst v50  }
0xfa: {  	v42 =	vmul.f32 v42, v7;
	v41 =	vmul.f32 v41, v7;
	v48 =	vld [tilespmem:s17+$0x7220];
	v52 =	vadd.f32 v60, v59;
	[tilespmem:s17+$0x1610] =	vst v47  }
0xfb: {  	v12 =	vmul.f32 v12, v7;
	v11 =	vmul.f32 v11, v8;
	v45 =	vadd.f32 v61, v45;
	v59 =	vld [tilespmem:s17+$0x6E50];
	[tilespmem:s17+$0x1600] =	vst v46  }
0xfc: {  	v40 =	vmul.f32 v40, v7;
	v63 =	vmul.f32 v58, v8;
	v44 =	vadd.f32 v62, v44;
	v60 =	vld [tilespmem:s17+$0x6E40];
	[tilespmem:s17+$0x1270] =	vst v52  }
0xfd: {  	v39 =	vmul.f32 v39, v7;
	v61 =	vld [tilespmem:s17+$0x6E30];
	v11 =	vadd.f32 v11, v12;
	[tilespmem:s17+$0x1260] =	vst v45;
	v58 =	vmul.f32 v53, v8  }
0xfe: {  	v37 =	vmul.f32 v37, v7;
	v62 =	vld [tilespmem:s17+$0x6E20];
	v43 =	vadd.f32 v63, v43;
	[tilespmem:s17+$0x1250] =	vst v44;
	v46 =	vmul.f32 v57, v8  }
0xff: {  	v38 =	vmul.f32 v38, v7;
	v49 =	vld [tilespmem:s17+$0x7210];
	[tilespmem:s17+$0x240] =	vst v11;
	v48 =	vmul.f32 v48, v8;
	v42 =	vadd.f32 v58, v42  }
0x100: {  	v36 =	vmul.f32 v36, v7;
	v50 =	vld [tilespmem:s17+$0x7200];
	[tilespmem:s17+$0x1240] =	vst v43;
	v54 =	vmul.f32 v59, v8;
	v37 =	vadd.f32 v46, v37  }
0x101: {  	v35 =	vmul.f32 v35, v7;
	v47 =	vld [tilespmem:s17+$0x6E70];
	v45 =	vmul.f32 v60, v8;
	v41 =	vadd.f32 v48, v41;
	[tilespmem:s17+$0x1230] =	vst v42  }
0x102: {  	v34 =	vmul.f32 v34, v7;
	v63 =	vld [tilespmem:s17+$0x6E10];
	v44 =	vmul.f32 v61, v8;
	v36 =	vadd.f32 v54, v36;
	[tilespmem:s17+$0xE60] =	vst v37  }
0x103: {  	v33 =	vmul.f32 v33, v7;
	v53 =	vld [tilespmem:s17+$0x6E00];
	v43 =	vmul.f32 v62, v8;
	v35 =	vadd.f32 v45, v35;
	[tilespmem:s17+$0x1220] =	vst v41  }
0x104: {  	v32 =	vmul.f32 v32, v7;
	v58 =	vld [tilespmem:s17+$0x6A40];
	v49 =	vmul.f32 v49, v8;
	v34 =	vadd.f32 v44, v34;
	[tilespmem:s17+$0xE50] =	vst v36  }
0x105: {  	v31 =	vmul.f32 v31, v7;
	v59 =	vld [tilespmem:s17+$0x6A30];
	v50 =	vmul.f32 v50, v8;
	v33 =	vadd.f32 v43, v33;
	[tilespmem:s17+$0xE40] =	vst v35  }
0x106: {  	v6 =	vmul.f32 v6, v7;
	v60 =	vld [tilespmem:s17+$0x6A20];
	v47 =	vmul.f32 v47, v8;
	v40 =	vadd.f32 v49, v40;
	[tilespmem:s17+$0xE30] =	vst v34  }
0x107: {  	v5 =	vmul.f32 v5, v8;
	v61 =	vld [tilespmem:s17+$0x6A10];
	v42 =	vmul.f32 v63, v8;
	v39 =	vadd.f32 v50, v39;
	[tilespmem:s17+$0xE20] =	vst v33  }
0x108: {  	v27 =	vmul.f32 v27, v7;
	v12 =	vld [tilespmem:s17+$0x1660];
	v38 =	vadd.f32 v47, v38;
	v41 =	vmul.f32 v53, v8;
	[tilespmem:s17+$0x1210] =	vst v40  }
0x109: {  	v5 =	vadd.f32 v5, v6;
	v6 =	vld [tilespmem:s17+$0x200];
	v32 =	vadd.f32 v42, v32;
	v37 =	vmul.f32 v58, v8;
	[tilespmem:s17+$0x1200] =	vst v39  }
0x10a: {  	v26 =	vmul.f32 v26, v7;
	v57 =	vld [tilespmem:s17+$0x6A50];
	v36 =	vmul.f32 v59, v8;
	[tilespmem:s17+$0xE70] =	vst v38;
	v31 =	vadd.f32 v41, v31  }
0x10b: {  	v25 =	vmul.f32 v25, v7;
	v62 =	vld [tilespmem:s17+$0x6A00];
	v35 =	vmul.f32 v60, v8;
	[tilespmem:s17+$0xE10] =	vst v32;
	v27 =	vadd.f32 v37, v27  }
0x10c: {  	v24 =	vmul.f32 v24, v7;
	v63 =	vld [tilespmem:s17+$0x6670];
	v34 =	vmul.f32 v61, v8;
	v26 =	vadd.f32 v36, v26;
	[tilespmem:s17+$0xE00] =	vst v31  }
0x10d: {  	v30 =	vmul.f32 v30, v7;
	v40 =	vmul.f32 v55, v8;
	v25 =	vadd.f32 v35, v25;
	v31 =	vld [tilespmem:s17+$0x6660];
	[tilespmem:s17+$0xA40] =	vst v27  }
0x10e: {  	v29 =	vmul.f32 v29, v7;
	v39 =	vmul.f32 v56, v8;
	v24 =	vadd.f32 v34, v24;
	v27 =	vld [tilespmem:s17+$0x6620];
	[tilespmem:s17+$0xA30] =	vst v26  }
0x10f: {  	v28 =	vmul.f32 v28, v7;
	v38 =	vmul.f32 v57, v8;
	v30 =	vadd.f32 v40, v30;
	v26 =	vld [tilespmem:s17+$0x6610];
	[tilespmem:s17+$0xA20] =	vst v25  }
0x110: {  	v23 =	vmul.f32 v23, v7;
	v33 =	vmul.f32 v62, v8;
	v29 =	vadd.f32 v39, v29;
	v25 =	vld [tilespmem:s17+$0x6600];
	[tilespmem:s17+$0xA10] =	vst v24  }
0x111: {  	v22 =	vmul.f32 v22, v7;
	v32 =	vmul.f32 v63, v8;
	v28 =	vadd.f32 v38, v28;
	[tilespmem:s17+$0xA70] =	vst v30;
	v30 =	vld [tilespmem:s17+$0x6650]  }
0x112: {  	v21 =	vmul.f32 v21, v7;
	v23 =	vadd.f32 v33, v23;
	[tilespmem:s17+$0xA60] =	vst v29;
	v29 =	vld [tilespmem:s17+$0x6640];
	v31 =	vmul.f32 v31, v8  }
0x113: {  	v17 =	vmul.f32 v17, v7;
	v22 =	vadd.f32 v32, v22;
	[tilespmem:s17+$0xA50] =	vst v28;
	v28 =	vld [tilespmem:s17+$0x6630];
	v27 =	vmul.f32 v27, v8  }
0x114: {  	v16 =	vmul.f32 v16, v7;
	[tilespmem:s17+$0xA00] =	vst v23;
	v23 =	vld [tilespmem:s17+$0x6260];
	v26 =	vmul.f32 v26, v8;
	v21 =	vadd.f32 v31, v21  }
0x115: {  	v15 =	vmul.f32 v15, v7;
	v24 =	vld [tilespmem:s17+$0x6270];
	[tilespmem:s17+$0x670] =	vst v22;
	v25 =	vmul.f32 v25, v8;
	v17 =	vadd.f32 v27, v17  }
0x116: {  	v20 =	vmul.f32 v20, v7;
	v22 =	vld [tilespmem:s17+$0x250];
	v30 =	vmul.f32 v30, v8;
	v16 =	vadd.f32 v26, v16;
	[tilespmem:s17+$0x660] =	vst v21  }
0x117: {  	v19 =	vmul.f32 v19, v7;
	v29 =	vmul.f32 v29, v8;
	v15 =	vadd.f32 v25, v15;
	v21 =	vld [tilespmem:s17+$0x6250];
	[tilespmem:s17+$0x620] =	vst v17  }
0x118: {  	v18 =	vmul.f32 v18, v7;
	v28 =	vmul.f32 v28, v8;
	v20 =	vadd.f32 v30, v20;
	v17 =	vld [tilespmem:s17+$0x1640];
	[tilespmem:s17+$0x610] =	vst v16  }
0x119: {  	v13 =	vmul.f32 v13, v7;
	v23 =	vmul.f32 v23, v8;
	v19 =	vadd.f32 v29, v19;
	[tilespmem:s17+$0x600] =	vst v15;
	v15 =	vld [tilespmem:s17+$0x1650]  }
0x11a: {  	v14 =	vmul.f32 v14, v7;
	v24 =	vmul.f32 v24, v8;
	v18 =	vadd.f32 v28, v18;
	[tilespmem:s17+$0x650] =	vst v20;
	v20 =	vld [tilespmem:s17+$0x7640]  }
0x11b: {  	v10 =	vmul.f32 v10, v7;
	v9 =	vmul.f32 v9, v8;
	v13 =	vadd.f32 v23, v13;
	[tilespmem:s17+$0x640] =	vst v19;
	v19 =	vld [tilespmem:s17+$0x7650]  }
0x11c: {  	v4 =	vmul.f32 v4, v7;
	v3 =	vmul.f32 v3, v8;
	v14 =	vadd.f32 v24, v14;
	[tilespmem:s17+$0x630] =	vst v18;
	v18 =	vld [tilespmem:s17+$0x7660]  }
0x11d: {  	v9 =	vadd.f32 v9, v10;
	v10 =	vmul.f32 v22, v7;
	v16 =	vld [tilespmem:s17+$0x7670];
	[tilespmem:s17+$0x260] =	vst v13;
	v13 =	vmul.f32 v21, v8  }
0x11e: {  	v3 =	vadd.f32 v3, v4;
	[tilespmem:s17+$0x270] =	vst v14;
	v14 =	vld [tilespmem:s17+$0x1670]  }
0x11f: {  	s19 =	simm.s32 $0x0;
	[tilespmem:s17+$0x230] =	vst v9;
	v9 =	vld [tilespmem:s17+$0x6200];
	v11 =	vmul.f32 v17, v7;
	v17 =	vmul.f32 v20, v8;
	v4 =	vadd.f32 v13, v10  }
0x120: {  	s14 =	smul.u32 $0x1800, s19;
	s16 =	simm.s32 $0x80;
	[tilespmem:s17+$0x220] =	vst v5;
	v5 =	vmul.f32 v15, v7;
	v10 =	vmul.f32 v19, v8  }
0x121: {  	s18 =	sand.u32 $0x380, s16;
	v11 =	vadd.f32 v17, v11;
	[tilespmem:s17+$0x250] =	vst v4;
	v4 =	vmul.f32 v12, v7;
	v12 =	vmul.f32 v18, v8  }
0x122: {  	s14 =	sor.u32 s18, s14;
	[tilespmem:s17+$0x210] =	vst v3;
	v5 =	vadd.f32 v10, v5  }
0x123: {  	v3 =	vld [tilespmem:s14+$0x210];
	v10 =	vmul.f32 v14, v7;
	[tilespmem:s17+$0x1640] =	vst v11;
	v11 =	vmul.f32 v16, v8;
	v12 =	vadd.f32 v12, v4  }
0x124: {  	v7 =	vmul.f32 v6, v7;
	v8 =	vmul.f32 v9, v8;
	v4 =	vld [tilespmem:s14+$0x6210];
	[tilespmem:s17+$0x1650] =	vst v5  }
0x125: {  	v9 =	vadd.f32 v11, v10;
	v6 =	vld [tilespmem:s14+$0x220];
	[tilespmem:s17+$0x1660] =	vst v12  }
0x126: {  	v7 =	vadd.f32 v8, v7;
	v5 =	vld [tilespmem:s14+$0x6220]  }
0x127: {  	v8 =	vld [tilespmem:s14+$0x230];
	[tilespmem:s17+$0x1670] =	vst v9  }
0x128: {  	v18 =	vld [tilespmem:s14+$0x630];
	[tilespmem:s17+$0x200] =	vst v7  }
0x129: {  	v7 =	vld [tilespmem:s14+$0x6230]  }
0x12a: {  	v10 =	vld [tilespmem:s14+$0x240]  }
0x12b: {  	v9 =	vld [tilespmem:s14+$0x6240]  }
0x12c: {  	v12 =	vld [tilespmem:s14+$0x250]  }
0x12d: {  	v11 =	vld [tilespmem:s14+$0x6250]  }
0x12e: {  	v13 =	vld [tilespmem:s14+$0x260]  }
0x12f: {  	v14 =	vld [tilespmem:s14+$0x270]  }
0x130: {  	v15 =	vld [tilespmem:s14+$0x600]  }
0x131: {  	v16 =	vld [tilespmem:s14+$0x610]  }
0x132: {  	v17 =	vld [tilespmem:s14+$0x620]  }
0x133: {  	v19 =	vld [tilespmem:s14+$0x640]  }
0x134: {  	v20 =	vld [tilespmem:s14+$0x650]  }
0x135: {  	v21 =	vld [tilespmem:s14+$0x660]  }
0x136: {  	v22 =	vld [tilespmem:s14+$0x670]  }
0x137: {  	v23 =	vld [tilespmem:s14+$0xA00]  }
0x138: {  	v24 =	vld [tilespmem:s14+$0xA10]  }
0x139: {  	v25 =	vld [tilespmem:s14+$0xA20]  }
0x13a: {  	v26 =	vld [tilespmem:s14+$0xA30]  }
0x13b: {  	v27 =	vld [tilespmem:s14+$0xA40]  }
0x13c: {  	v28 =	vld [tilespmem:s14+$0xA50]  }
0x13d: {  	v29 =	vld [tilespmem:s14+$0xA60]  }
0x13e: {  	v30 =	vld [tilespmem:s14+$0xA70]  }
0x13f: {  	v32 =	vld [tilespmem:s14+$0xE00]  }
0x140: {  	v34 =	vld [tilespmem:s14+$0xE10]  }
0x141: {  	v35 =	vld [tilespmem:s14+$0xE20]  }
0x142: {  	v36 =	vld [tilespmem:s14+$0xE30]  }
0x143: {  	v37 =	vld [tilespmem:s14+$0xE40]  }
0x144: {  	v38 =	vld [tilespmem:s14+$0xE50]  }
0x145: {  	v39 =	vld [tilespmem:s14+$0xE60]  }
0x146: {  	v40 =	vld [tilespmem:s14+$0xE70]  }
0x147: {  	v41 =	vld [tilespmem:s14+$0x1200]  }
0x148: {  	v42 =	vld [tilespmem:s14+$0x1210]  }
0x149: {  	v43 =	vld [tilespmem:s14+$0x1220]  }
0x14a: {  	v44 =	vld [tilespmem:s14+$0x1230]  }
0x14b: {  	v45 =	vld [tilespmem:s14+$0x1240]  }
0x14c: {  	v46 =	vld [tilespmem:s14+$0x1250]  }
0x14d: {  	v47 =	vld [tilespmem:s14+$0x1260]  }
0x14e: {  	v48 =	vld [tilespmem:s14+$0x1600]  }
0x14f: {  	v50 =	vld [tilespmem:s14+$0x1610]  }
0x150: {  	v49 =	vld [tilespmem:s14+$0x7610]  }
0x151: {  	s17 =	simm.s32 $0x2;
	v51 =	vld [tilespmem:s14+$0x7630]  }
.LBB2_2:
0x152: {  	p0 =	sne.s32 s17, $0x1F;
	v52 =	vld [tilespmem:s14+$0x1620];
	s0 =	sadd.s32 $0x1, s0  }
0x153: {  	s1 =	sadd.s32 $0x1, s1;
	v33 =	vld.msk [tilespmem:s0+$0x0 ss:$0x0], $0xffff  }
0x154: {  	v31 =	vld.msk [tilespmem:s1+$0x0 ss:$0x0], $0xffff  }
0x155: {  	v53 =	vld [tilespmem:s14+$0x1630]  }
0x156: {  	v54 =	vld [tilespmem:s14+$0x7620]  }
0x157: {  	v55 =	vld [tilespmem:s14+$0x7600]  }
0x158: {  	v56 =	vld [tilespmem:s14+$0x1270]  }
0x159: {  	v50 =	vmul.f32 v50, v33;
	v52 =	vmul.f32 v52, v33;
	v57 =	vld [tilespmem:s14+$0x7270]  }
0x15a: {  	v51 =	vmul.f32 v51, v31;
	v58 =	vld [tilespmem:s14+$0x7260];
	v53 =	vmul.f32 v53, v33  }
0x15b: {  	v49 =	vmul.f32 v49, v31;
	v59 =	vld [tilespmem:s14+$0x7250];
	v54 =	vmul.f32 v54, v31  }
0x15c: {  	v48 =	vmul.f32 v48, v33;
	v60 =	vld [tilespmem:s14+$0x7240];
	v55 =	vmul.f32 v55, v31;
	v51 =	vadd.f32 v51, v53  }
0x15d: {  	v49 =	vadd.f32 v49, v50;
	v53 =	vld [tilespmem:s14+$0x7230];
	v56 =	vmul.f32 v56, v33;
	v50 =	vadd.f32 v54, v52  }
0x15e: {  	v47 =	vmul.f32 v47, v33;
	v52 =	vld [tilespmem:s14+$0x7220];
	v54 =	vmul.f32 v57, v31;
	v48 =	vadd.f32 v55, v48;
	[tilespmem:s14+$0x1630] =	vst v51  }
0x15f: {  	v46 =	vmul.f32 v46, v33;
	v51 =	vld [tilespmem:s14+$0x7210];
	v55 =	vmul.f32 v58, v31;
	[tilespmem:s14+$0x1620] =	vst v50  }
0x160: {  	v45 =	vmul.f32 v45, v33;
	v50 =	vld [tilespmem:s14+$0x7200];
	v57 =	vmul.f32 v59, v31;
	v54 =	vadd.f32 v54, v56;
	[tilespmem:s14+$0x1610] =	vst v49  }
0x161: {  	v44 =	vmul.f32 v44, v33;
	v49 =	vld [tilespmem:s14+$0x6E70];
	v56 =	vmul.f32 v60, v31;
	v47 =	vadd.f32 v55, v47;
	[tilespmem:s14+$0x1600] =	vst v48  }
0x162: {  	v43 =	vmul.f32 v43, v33;
	v48 =	vld [tilespmem:s14+$0x6E60];
	v53 =	vmul.f32 v53, v31;
	v46 =	vadd.f32 v57, v46;
	[tilespmem:s14+$0x1270] =	vst v54  }
0x163: {  	v42 =	vmul.f32 v42, v33;
	v54 =	vld [tilespmem:s14+$0x6E50];
	v52 =	vmul.f32 v52, v31;
	v45 =	vadd.f32 v56, v45;
	[tilespmem:s14+$0x1260] =	vst v47  }
0x164: {  	v41 =	vmul.f32 v41, v33;
	v47 =	vld [tilespmem:s14+$0x6E40];
	v51 =	vmul.f32 v51, v31;
	v44 =	vadd.f32 v53, v44;
	[tilespmem:s14+$0x1250] =	vst v46  }
0x165: {  	v40 =	vmul.f32 v40, v33;
	v46 =	vld [tilespmem:s14+$0x6E30];
	v50 =	vmul.f32 v50, v31;
	v43 =	vadd.f32 v52, v43;
	[tilespmem:s14+$0x1240] =	vst v45  }
0x166: {  	v39 =	vmul.f32 v39, v33;
	v45 =	vld [tilespmem:s14+$0x6E20];
	v49 =	vmul.f32 v49, v31;
	v42 =	vadd.f32 v51, v42;
	[tilespmem:s14+$0x1230] =	vst v44  }
0x167: {  	v38 =	vmul.f32 v38, v33;
	v44 =	vld [tilespmem:s14+$0x6E10];
	v48 =	vmul.f32 v48, v31;
	v41 =	vadd.f32 v50, v41;
	[tilespmem:s14+$0x1220] =	vst v43  }
0x168: {  	v37 =	vmul.f32 v37, v33;
	v43 =	vld [tilespmem:s14+$0x6E00];
	v50 =	vmul.f32 v54, v31;
	v40 =	vadd.f32 v49, v40;
	[tilespmem:s14+$0x1210] =	vst v42  }
0x169: {  	v36 =	vmul.f32 v36, v33;
	v42 =	vld [tilespmem:s14+$0x6A70];
	v47 =	vmul.f32 v47, v31;
	v39 =	vadd.f32 v48, v39;
	[tilespmem:s14+$0x1200] =	vst v41  }
0x16a: {  	v35 =	vmul.f32 v35, v33;
	v41 =	vld [tilespmem:s14+$0x6A60];
	v46 =	vmul.f32 v46, v31;
	v38 =	vadd.f32 v50, v38;
	[tilespmem:s14+$0xE70] =	vst v40  }
0x16b: {  	v34 =	vmul.f32 v34, v33;
	v40 =	vld [tilespmem:s14+$0x6A50];
	v45 =	vmul.f32 v45, v31;
	v37 =	vadd.f32 v47, v37;
	[tilespmem:s14+$0xE60] =	vst v39  }
0x16c: {  	v32 =	vmul.f32 v32, v33;
	v39 =	vld [tilespmem:s14+$0x6A40];
	v44 =	vmul.f32 v44, v31;
	v36 =	vadd.f32 v46, v36;
	[tilespmem:s14+$0xE50] =	vst v38  }
0x16d: {  	v30 =	vmul.f32 v30, v33;
	v38 =	vld [tilespmem:s14+$0x6A30];
	v43 =	vmul.f32 v43, v31;
	v35 =	vadd.f32 v45, v35;
	[tilespmem:s14+$0xE40] =	vst v37  }
0x16e: {  	v29 =	vmul.f32 v29, v33;
	v37 =	vld [tilespmem:s14+$0x6A20];
	v42 =	vmul.f32 v42, v31;
	v34 =	vadd.f32 v44, v34;
	[tilespmem:s14+$0xE30] =	vst v36  }
0x16f: {  	v28 =	vmul.f32 v28, v33;
	v36 =	vld [tilespmem:s14+$0x6A10];
	v41 =	vmul.f32 v41, v31;
	v32 =	vadd.f32 v43, v32;
	[tilespmem:s14+$0xE20] =	vst v35  }
0x170: {  	v27 =	vmul.f32 v27, v33;
	v35 =	vld [tilespmem:s14+$0x6A00];
	v40 =	vmul.f32 v40, v31;
	v30 =	vadd.f32 v42, v30;
	[tilespmem:s14+$0xE10] =	vst v34  }
0x171: {  	v26 =	vmul.f32 v26, v33;
	v34 =	vld [tilespmem:s14+$0x6670];
	v39 =	vmul.f32 v39, v31;
	v29 =	vadd.f32 v41, v29;
	[tilespmem:s14+$0xE00] =	vst v32  }
0x172: {  	v25 =	vmul.f32 v25, v33;
	v32 =	vld [tilespmem:s14+$0x6660];
	v38 =	vmul.f32 v38, v31;
	v28 =	vadd.f32 v40, v28;
	[tilespmem:s14+$0xA70] =	vst v30  }
0x173: {  	v24 =	vmul.f32 v24, v33;
	v30 =	vld [tilespmem:s14+$0x6650];
	v37 =	vmul.f32 v37, v31;
	v27 =	vadd.f32 v39, v27;
	[tilespmem:s14+$0xA60] =	vst v29  }
0x174: {  	v23 =	vmul.f32 v23, v33;
	v29 =	vld [tilespmem:s14+$0x6640];
	v36 =	vmul.f32 v36, v31;
	v26 =	vadd.f32 v38, v26;
	[tilespmem:s14+$0xA50] =	vst v28  }
0x175: {  	v22 =	vmul.f32 v22, v33;
	v28 =	vld [tilespmem:s14+$0x6630];
	v35 =	vmul.f32 v35, v31;
	v25 =	vadd.f32 v37, v25;
	[tilespmem:s14+$0xA40] =	vst v27  }
0x176: {  	v21 =	vmul.f32 v21, v33;
	v27 =	vld [tilespmem:s14+$0x6620];
	v34 =	vmul.f32 v34, v31;
	v24 =	vadd.f32 v36, v24;
	[tilespmem:s14+$0xA30] =	vst v26  }
0x177: {  	v20 =	vmul.f32 v20, v33;
	v26 =	vld [tilespmem:s14+$0x6610];
	v32 =	vmul.f32 v32, v31;
	v23 =	vadd.f32 v35, v23;
	[tilespmem:s14+$0xA20] =	vst v25  }
0x178: {  	v19 =	vmul.f32 v19, v33;
	v25 =	vld [tilespmem:s14+$0x6600];
	v30 =	vmul.f32 v30, v31;
	v22 =	vadd.f32 v34, v22;
	[tilespmem:s14+$0xA10] =	vst v24  }
0x179: {  	v18 =	vmul.f32 v18, v33;
	v24 =	vld [tilespmem:s14+$0x6270];
	v29 =	vmul.f32 v29, v31;
	v21 =	vadd.f32 v32, v21;
	[tilespmem:s14+$0xA00] =	vst v23  }
0x17a: {  	v17 =	vmul.f32 v17, v33;
	v23 =	vld [tilespmem:s14+$0x6260];
	v28 =	vmul.f32 v28, v31;
	v20 =	vadd.f32 v30, v20;
	[tilespmem:s14+$0x670] =	vst v22  }
0x17b: {  	v16 =	vmul.f32 v16, v33;
	v22 =	vmul.f32 v27, v31;
	v19 =	vadd.f32 v29, v19;
	[tilespmem:s14+$0x660] =	vst v21;
	v21 =	vld [tilespmem:s14+$0x7640]  }
0x17c: {  	v15 =	vmul.f32 v15, v33;
	v26 =	vmul.f32 v26, v31;
	v18 =	vadd.f32 v28, v18;
	[tilespmem:s14+$0x650] =	vst v20;
	v20 =	vld [tilespmem:s14+$0x7650]  }
0x17d: {  	v14 =	vmul.f32 v14, v33;
	v25 =	vmul.f32 v25, v31;
	v17 =	vadd.f32 v22, v17;
	[tilespmem:s14+$0x640] =	vst v19;
	v19 =	vld [tilespmem:s14+$0x7660]  }
0x17e: {  	v13 =	vmul.f32 v13, v33;
	v22 =	vmul.f32 v24, v31;
	v16 =	vadd.f32 v26, v16;
	[tilespmem:s14+$0x630] =	vst v18;
	v18 =	vld [tilespmem:s14+$0x7670]  }
0x17f: {  	v12 =	vmul.f32 v12, v33;
	v23 =	vmul.f32 v23, v31;
	v15 =	vadd.f32 v25, v15;
	[tilespmem:s14+$0x620] =	vst v17;
	v17 =	vld [tilespmem:s14+$0x1640]  }
0x180: {  	v10 =	vmul.f32 v10, v33;
	v11 =	vmul.f32 v11, v31;
	v14 =	vadd.f32 v22, v14;
	[tilespmem:s14+$0x610] =	vst v16;
	v16 =	vld [tilespmem:s14+$0x1650]  }
0x181: {  	v8 =	vmul.f32 v8, v33;
	v9 =	vmul.f32 v9, v31;
	v13 =	vadd.f32 v23, v13;
	[tilespmem:s14+$0x600] =	vst v15;
	v15 =	vld [tilespmem:s14+$0x1660]  }
0x182: {  	v6 =	vmul.f32 v6, v33;
	v7 =	vmul.f32 v7, v31;
	v11 =	vadd.f32 v11, v12;
	[tilespmem:s14+$0x270] =	vst v14;
	v12 =	vld [tilespmem:s14+$0x1670]  }
0x183: {  	v3 =	vmul.f32 v3, v33;
	v5 =	vmul.f32 v5, v31;
	v9 =	vadd.f32 v9, v10;
	v14 =	vld [tilespmem:s14+$0x200];
	[tilespmem:s14+$0x260] =	vst v13  }
0x184: {  	v4 =	vmul.f32 v4, v31;
	v7 =	vadd.f32 v7, v8;
	v10 =	vld [tilespmem:s14+$0x6200];
	[tilespmem:s14+$0x250] =	vst v11;
	v8 =	vmul.f32 v17, v33  }
0x185: {  	s18 =	sshrl.u32 s17, $0x3;
	v5 =	vadd.f32 v5, v6;
	v6 =	vmul.f32 v21, v31;
	[tilespmem:s14+$0x240] =	vst v9;
	v9 =	vmul.f32 v16, v33  }
0x186: {  	s16 =	sadd.s32 $0x80, s16;
	s18 =	smul.u32 $0x1800, s18;
	v3 =	vadd.f32 v4, v3;
	v4 =	vmul.f32 v20, v31;
	[tilespmem:s14+$0x230] =	vst v7;
	v7 =	vmul.f32 v15, v33  }
0x187: {  	s19 =	sand.u32 $0x380, s16;
	[tilespmem:s14+$0x220] =	vst v5;
	v5 =	vadd.f32 v6, v8;
	v6 =	vmul.f32 v19, v31;
	v8 =	vmul.f32 v12, v33  }
0x188: {  	s18 =	sor.u32 s19, s18;
	v9 =	vadd.f32 v4, v9;
	v12 =	vmul.f32 v18, v31;
	v11 =	vmul.f32 v14, v33;
	[tilespmem:s14+$0x210] =	vst v3  }
0x189: {  	v3 =	vld [tilespmem:s18+$0x210];
	v10 =	vmul.f32 v10, v31;
	[tilespmem:s14+$0x1640] =	vst v5;
	v5 =	vadd.f32 v6, v7  }
0x18a: {  	v7 =	vadd.f32 v12, v8;
	v4 =	vld [tilespmem:s18+$0x6210];
	[tilespmem:s14+$0x1650] =	vst v9  }
0x18b: {  	v6 =	vld [tilespmem:s18+$0x220];
	v9 =	vadd.f32 v10, v11;
	[tilespmem:s14+$0x1660] =	vst v5  }
0x18c: {  	v5 =	vld [tilespmem:s18+$0x6220];
	[tilespmem:s14+$0x1670] =	vst v7  }
0x18d: {  	v8 =	vld [tilespmem:s18+$0x230];
	[tilespmem:s14+$0x200] =	vst v9;
	s14 =	smov.u32 s18  }
0x18e: {  	v7 =	vld [tilespmem:s14+$0x6230]  }
0x18f: {  	v10 =	vld [tilespmem:s14+$0x240]  }
0x190: {  	v9 =	vld [tilespmem:s14+$0x6240]  }
0x191: {  	v12 =	vld [tilespmem:s14+$0x250]  }
0x192: {  	v11 =	vld [tilespmem:s14+$0x6250]  }
0x193: {  	v13 =	vld [tilespmem:s14+$0x260]  }
0x194: {  	v14 =	vld [tilespmem:s14+$0x270]  }
0x195: {  	v15 =	vld [tilespmem:s14+$0x600]  }
0x196: {  	v16 =	vld [tilespmem:s14+$0x610]  }
0x197: {  	v17 =	vld [tilespmem:s14+$0x620]  }
0x198: {  	v18 =	vld [tilespmem:s14+$0x630]  }
0x199: {  	v19 =	vld [tilespmem:s14+$0x640]  }
0x19a: {  	v20 =	vld [tilespmem:s14+$0x650]  }
0x19b: {  	v21 =	vld [tilespmem:s14+$0x660]  }
0x19c: {  	v22 =	vld [tilespmem:s14+$0x670]  }
0x19d: {  	v23 =	vld [tilespmem:s14+$0xA00]  }
0x19e: {  	v24 =	vld [tilespmem:s14+$0xA10]  }
0x19f: {  	v25 =	vld [tilespmem:s14+$0xA20]  }
0x1a0: {  	v26 =	vld [tilespmem:s14+$0xA30]  }
0x1a1: {  	v27 =	vld [tilespmem:s14+$0xA40]  }
0x1a2: {  	v28 =	vld [tilespmem:s14+$0xA50]  }
0x1a3: {  	v29 =	vld [tilespmem:s14+$0xA60]  }
0x1a4: {  	v30 =	vld [tilespmem:s14+$0xA70]  }
0x1a5: {  	v32 =	vld [tilespmem:s14+$0xE00]  }
0x1a6: {  	v34 =	vld [tilespmem:s14+$0xE10]  }
0x1a7: {  	v35 =	vld [tilespmem:s14+$0xE20]  }
0x1a8: {  	v36 =	vld [tilespmem:s14+$0xE30]  }
0x1a9: {  	v37 =	vld [tilespmem:s14+$0xE40]  }
0x1aa: {  	v38 =	vld [tilespmem:s14+$0xE50]  }
0x1ab: {  	v39 =	vld [tilespmem:s14+$0xE60]  }
0x1ac: {  	v40 =	vld [tilespmem:s14+$0xE70]  }
0x1ad: {  	v41 =	vld [tilespmem:s14+$0x1200]  }
0x1ae: {  	v42 =	vld [tilespmem:s14+$0x1210]  }
0x1af: {  	v43 =	vld [tilespmem:s14+$0x1220]  }
0x1b0: {  	v44 =	vld [tilespmem:s14+$0x1230]  }
0x1b1: {  	v45 =	vld [tilespmem:s14+$0x1240]  }
0x1b2: {  	v46 =	vld [tilespmem:s14+$0x1250]  }
.Ltmp0:
0x1b3: {  	v47 =	vld [tilespmem:s14+$0x1260];
	(pc) =	sbr.rel @p0 .LBB2_2-.Ltmp0, $4  }
0x1b4: {  	v48 =	vld [tilespmem:s14+$0x1600]  }
0x1b5: {  	v50 =	vld [tilespmem:s14+$0x1610]  }
0x1b6: {  	v49 =	vld [tilespmem:s14+$0x7610]  }
0x1b7: {  	s17 =	sadd.s32 $0x1, s17;
	v51 =	vld [tilespmem:s14+$0x7630]  }
0x1b8: {  	v52 =	vld [tilespmem:s14+$0x1620]  }
0x1b9: {  	s0 =	sadd.s32 $0x1, s0;
	v53 =	vld [tilespmem:s14+$0x1630]  }
0x1ba: {  	s16 =	sadd.s32 $0x1, s1;
	v31 =	vld.msk [tilespmem:s0+$0x0 ss:$0x0], $0xffff  }
0x1bb: {  	v33 =	vld.msk [tilespmem:s16+$0x0 ss:$0x0], $0xffff  }
0x1bc: {  	v54 =	vld [tilespmem:s14+$0x7620]  }
0x1bd: {  	v55 =	vld [tilespmem:s14+$0x7600]  }
0x1be: {  	v56 =	vld [tilespmem:s14+$0x1270]  }
0x1bf: {  	v57 =	vld [tilespmem:s14+$0x7270];
	v53 =	vmul.f32 v53, v31  }
0x1c0: {  	v58 =	vld [tilespmem:s14+$0x7260];
	v51 =	vmul.f32 v51, v33;
	v52 =	vmul.f32 v52, v31  }
0x1c1: {  	v54 =	vmul.f32 v54, v33;
	v50 =	vmul.f32 v50, v31  }
0x1c2: {  	v49 =	vmul.f32 v49, v33;
	v48 =	vmul.f32 v48, v31  }
0x1c3: {  	v59 =	vld [tilespmem:s14+$0x7250];
	v62 =	vmul.f32 v55, v33;
	v63 =	vmul.f32 v56, v31  }
0x1c4: {  	v60 =	vld [tilespmem:s14+$0x7240];
	v57 =	vmul.f32 v57, v33;
	v47 =	vmul.f32 v47, v31;
	v51 =	vadd.f32 v51, v53  }
0x1c5: {  	v61 =	vld [tilespmem:s14+$0x7220];
	v58 =	vmul.f32 v58, v33;
	v46 =	vmul.f32 v46, v31;
	v52 =	vadd.f32 v54, v52  }
0x1c6: {  	v45 =	vmul.f32 v45, v31;
	v44 =	vmul.f32 v44, v31;
	v53 =	vld [tilespmem:s14+$0x7230];
	v49 =	vadd.f32 v49, v50;
	[tilespmem:s14+$0x1630] =	vst v51  }
0x1c7: {  	v43 =	vmul.f32 v43, v31;
	v42 =	vmul.f32 v42, v31;
	v50 =	vld [tilespmem:s14+$0x7200];
	v48 =	vadd.f32 v62, v48;
	[tilespmem:s14+$0x1620] =	vst v52  }
0x1c8: {  	v41 =	vmul.f32 v41, v31;
	v62 =	vmul.f32 v59, v33;
	v47 =	vadd.f32 v58, v47;
	v59 =	vld [tilespmem:s14+$0x6E20];
	[tilespmem:s14+$0x1610] =	vst v49  }
0x1c9: {  	v40 =	vmul.f32 v40, v31;
	v51 =	vld [tilespmem:s14+$0x7210];
	v52 =	vadd.f32 v57, v63;
	[tilespmem:s14+$0x1600] =	vst v48;
	v63 =	vmul.f32 v60, v33  }
0x1ca: {  	v39 =	vmul.f32 v39, v31;
	v58 =	vmul.f32 v61, v33;
	v49 =	vld [tilespmem:s14+$0x6E70];
	v46 =	vadd.f32 v62, v46;
	[tilespmem:s14+$0x1260] =	vst v47  }
0x1cb: {  	v38 =	vmul.f32 v38, v31;
	v48 =	vld [tilespmem:s14+$0x6E60];
	[tilespmem:s14+$0x1270] =	vst v52;
	v45 =	vadd.f32 v63, v45;
	v53 =	vmul.f32 v53, v33  }
0x1cc: {  	v37 =	vmul.f32 v37, v31;
	v47 =	vld [tilespmem:s14+$0x6E40];
	v43 =	vadd.f32 v58, v43;
	[tilespmem:s14+$0x1250] =	vst v46;
	v50 =	vmul.f32 v50, v33  }
0x1cd: {  	v35 =	vmul.f32 v35, v31;
	v57 =	vld [tilespmem:s14+$0x6E30];
	[tilespmem:s14+$0x1240] =	vst v45;
	v45 =	vmul.f32 v59, v33;
	v44 =	vadd.f32 v53, v44  }
0x1ce: {  	v36 =	vmul.f32 v36, v31;
	v52 =	vld [tilespmem:s14+$0x6E50];
	[tilespmem:s14+$0x1220] =	vst v43;
	v51 =	vmul.f32 v51, v33;
	v41 =	vadd.f32 v50, v41  }
0x1cf: {  	v34 =	vmul.f32 v34, v31;
	v60 =	vld [tilespmem:s14+$0x6E10];
	v49 =	vmul.f32 v49, v33;
	v35 =	vadd.f32 v45, v35;
	[tilespmem:s14+$0x1230] =	vst v44  }
0x1d0: {  	v30 =	vmul.f32 v30, v31;
	v63 =	vld [tilespmem:s14+$0x6A60];
	v48 =	vmul.f32 v48, v33;
	v42 =	vadd.f32 v51, v42;
	[tilespmem:s14+$0x1200] =	vst v41  }
0x1d1: {  	v29 =	vmul.f32 v29, v31;
	v58 =	vld [tilespmem:s14+$0x6A00];
	v47 =	vmul.f32 v47, v33;
	v40 =	vadd.f32 v49, v40;
	[tilespmem:s14+$0xE20] =	vst v35  }
0x1d2: {  	v28 =	vmul.f32 v28, v31;
	v62 =	vld [tilespmem:s14+$0x6A70];
	v46 =	vmul.f32 v57, v33;
	v39 =	vadd.f32 v48, v39;
	[tilespmem:s14+$0x1210] =	vst v42  }
0x1d3: {  	v27 =	vmul.f32 v27, v31;
	v54 =	vld [tilespmem:s14+$0x6A40];
	v52 =	vmul.f32 v52, v33;
	v37 =	vadd.f32 v47, v37;
	[tilespmem:s14+$0xE70] =	vst v40  }
0x1d4: {  	v26 =	vmul.f32 v26, v31;
	v53 =	vld [tilespmem:s14+$0x6A50];
	v36 =	vadd.f32 v46, v36;
	v44 =	vmul.f32 v60, v33;
	[tilespmem:s14+$0xE60] =	vst v39  }
0x1d5: {  	v25 =	vmul.f32 v25, v31;
	v57 =	vld [tilespmem:s14+$0x6A10];
	v41 =	vmul.f32 v63, v33;
	v38 =	vadd.f32 v52, v38;
	[tilespmem:s14+$0xE40] =	vst v37  }
0x1d6: {  	v55 =	vld [tilespmem:s14+$0x6A30];
	v23 =	vmul.f32 v23, v31;
	v35 =	vmul.f32 v58, v33;
	[tilespmem:s14+$0xE30] =	vst v36;
	v34 =	vadd.f32 v44, v34  }
0x1d7: {  	v24 =	vmul.f32 v24, v31;
	v59 =	vld [tilespmem:s14+$0x6670];
	v42 =	vmul.f32 v62, v33;
	v29 =	vadd.f32 v41, v29;
	[tilespmem:s14+$0xE50] =	vst v38  }
0x1d8: {  	v56 =	vld [tilespmem:s14+$0x6A20];
	v22 =	vmul.f32 v22, v31;
	v39 =	vmul.f32 v54, v33;
	v23 =	vadd.f32 v35, v23;
	[tilespmem:s14+$0xE10] =	vst v34  }
0x1d9: {  	v21 =	vmul.f32 v21, v31;
	v60 =	vld [tilespmem:s14+$0x6660];
	v40 =	vmul.f32 v53, v33;
	v30 =	vadd.f32 v42, v30;
	[tilespmem:s14+$0xA60] =	vst v29  }
0x1da: {  	v20 =	vmul.f32 v20, v31;
	v36 =	vmul.f32 v57, v33;
	v29 =	vld [tilespmem:s14+$0x6640];
	v27 =	vadd.f32 v39, v27;
	[tilespmem:s14+$0xA00] =	vst v23  }
0x1db: {  	v19 =	vmul.f32 v19, v31;
	v38 =	vmul.f32 v55, v33;
	v28 =	vadd.f32 v40, v28;
	[tilespmem:s14+$0xA70] =	vst v30;
	v30 =	vld [tilespmem:s14+$0x6650]  }
0x1dc: {  	v10 =	vmul.f32 v10, v31;
	v61 =	vld [tilespmem:s14+$0x6E00];
	v34 =	vmul.f32 v59, v33;
	v24 =	vadd.f32 v36, v24;
	[tilespmem:s14+$0xA40] =	vst v27  }
0x1dd: {  	v9 =	vmul.f32 v9, v33;
	v37 =	vmul.f32 v56, v33;
	v26 =	vadd.f32 v38, v26;
	[tilespmem:s14+$0xA50] =	vst v28;
	v28 =	vld [tilespmem:s14+$0x6630]  }
0x1de: {  	v12 =	vmul.f32 v12, v31;
	v11 =	vmul.f32 v11, v33;
	v27 =	vld [tilespmem:s14+$0x6620];
	v22 =	vadd.f32 v34, v22;
	[tilespmem:s14+$0xA10] =	vst v24  }
0x1df: {  	v9 =	vadd.f32 v9, v10;
	v10 =	vld [tilespmem:s14+$0x6200];
	v25 =	vadd.f32 v37, v25;
	v24 =	vmul.f32 v60, v33;
	[tilespmem:s14+$0xA30] =	vst v26  }
0x1e0: {  	v11 =	vadd.f32 v11, v12;
	v26 =	vld [tilespmem:s14+$0x6610];
	[tilespmem:s14+$0x670] =	vst v22;
	v22 =	vmul.f32 v29, v33;
	v23 =	vmul.f32 v30, v33  }
0x1e1: {  	v18 =	vmul.f32 v18, v31;
	v43 =	vmul.f32 v61, v33;
	[tilespmem:s14+$0xA20] =	vst v25;
	v25 =	vld [tilespmem:s14+$0x6600];
	v21 =	vadd.f32 v24, v21  }
0x1e2: {  	[tilespmem:s14+$0x250] =	vst v11;
	v61 =	vld [tilespmem:s14+$0x6270];
	v19 =	vadd.f32 v22, v19;
	v20 =	vadd.f32 v23, v20;
	v23 =	vmul.f32 v28, v33  }
0x1e3: {  	v17 =	vmul.f32 v17, v31;
	v24 =	vld [tilespmem:s14+$0x6260];
	[tilespmem:s14+$0x660] =	vst v21;
	v22 =	vmul.f32 v27, v33  }
0x1e4: {  	v21 =	vld [tilespmem:s14+$0x7640];
	[tilespmem:s14+$0x640] =	vst v19;
	v18 =	vadd.f32 v23, v18  }
0x1e5: {  	v16 =	vmul.f32 v16, v31;
	v19 =	vld [tilespmem:s14+$0x7660];
	v17 =	vadd.f32 v22, v17;
	[tilespmem:s14+$0x650] =	vst v20;
	v23 =	vmul.f32 v26, v33  }
0x1e6: {  	v15 =	vmul.f32 v15, v31;
	v22 =	vld [tilespmem:s14+$0x7670];
	[tilespmem:s14+$0x630] =	vst v18;
	v18 =	vmul.f32 v25, v33  }
0x1e7: {  	v14 =	vmul.f32 v14, v31;
	v20 =	vld [tilespmem:s14+$0x7650];
	[tilespmem:s14+$0x620] =	vst v17;
	v17 =	vmul.f32 v61, v33;
	v16 =	vadd.f32 v23, v16  }
0x1e8: {  	v8 =	vmul.f32 v8, v31;
	v7 =	vmul.f32 v7, v33;
	[tilespmem:s14+$0x240] =	vst v9;
	v15 =	vadd.f32 v18, v15;
	v18 =	vld [tilespmem:s14+$0x1640]  }
0x1e9: {  	v6 =	vmul.f32 v6, v31;
	v5 =	vmul.f32 v5, v33;
	v14 =	vadd.f32 v17, v14;
	[tilespmem:s14+$0x610] =	vst v16;
	v16 =	vld [tilespmem:s14+$0x1650]  }
0x1ea: {  	v3 =	vmul.f32 v3, v31;
	v4 =	vmul.f32 v4, v33;
	v7 =	vadd.f32 v7, v8;
	[tilespmem:s14+$0x600] =	vst v15;
	v15 =	vld [tilespmem:s14+$0x1660]  }
0x1eb: {  	v32 =	vmul.f32 v32, v31;
	v5 =	vadd.f32 v5, v6;
	[tilespmem:s14+$0x270] =	vst v14;
	v14 =	vld [tilespmem:s14+$0x1670]  }
0x1ec: {  	v13 =	vmul.f32 v13, v31;
	v12 =	vld [tilespmem:s14+$0x200];
	v3 =	vadd.f32 v4, v3;
	[tilespmem:s14+$0x230] =	vst v7;
	v23 =	vmul.f32 v24, v33  }
0x1ed: {  	[tilespmem:s14+$0x220] =	vst v5;
	v32 =	vadd.f32 v43, v32;
	v6 =	vmul.f32 v21, v33;
	v8 =	vmul.f32 v18, v31  }
0x1ee: {  	[tilespmem:s14+$0x210] =	vst v3;
	v13 =	vadd.f32 v23, v13;
	v4 =	vmul.f32 v20, v33;
	v9 =	vmul.f32 v16, v31  }
0x1ef: {  	[tilespmem:s14+$0xE00] =	vst v32;
	v7 =	vmul.f32 v15, v31;
	v5 =	vadd.f32 v6, v8;
	v6 =	vmul.f32 v19, v33  }
0x1f0: {  	[tilespmem:s14+$0x260] =	vst v13;
	v8 =	vmul.f32 v14, v31;
	v3 =	vadd.f32 v4, v9;
	v4 =	vmul.f32 v22, v33  }
0x1f1: {  	v10 =	vmul.f32 v10, v33;
	v9 =	vmul.f32 v12, v31;
	[tilespmem:s14+$0x1640] =	vst v5;
	v5 =	vadd.f32 v6, v7  }
0x1f2: {  	[tilespmem:s14+$0x1650] =	vst v3;
	v3 =	vadd.f32 v4, v8  }
0x1f3: {  	v4 =	vadd.f32 v10, v9;
	[tilespmem:s14+$0x1660] =	vst v5  }
0x1f4: {  	[tilespmem:s14+$0x1670] =	vst v3  }
0x1f5: {  	s17 =	simm.s32 $0x0;
	[tilespmem:s14+$0x200] =	vst v4  }
0x1f6: {  	[hbm4b:s10+s17] =	stream.linear.scatter [tilespmem:s15], [sflag:$0x3], $0x6000, $0x38;
	[tilespmem:$0x18200] =	vst v63  }
0x1f7: {  	_ =	swait.ge [sflag:s13], $0x6000  }
0x1f8: {  	[sflag:s13] =	ssyncset.done $0x0  }
0x1f9: {  	[sflag:s13] =	ssyncadd.s32 $0xFFFFA000  }
0x1fa: {  	_ =	swait.ge [sflag:s30], $0x6000  }
0x1fb: {  	[sflag:s30] =	ssyncset.done $0x0  }
0x1fc: {  	s18 =	simm.s32 $0x0;
	[sflag:s30] =	ssyncadd.s32 $0xFFFFA000  }
0x1fd: {  	s1 =	smul.u32 $0x1800, s18;
	_ =	swait.ge [sflag:s30], $0x6000  }
0x1fe: {  	s0 =	sand.u32 $0x380, s17;
	[sflag:s30] =	ssyncset.done $0x0  }
0x1ff: {  	s17 =	sor.u32 s0, s1;
	[sflag:s30] =	ssyncadd.s32 $0xFFFFA000  }
0x200: {  	v4 =	vld [tilespmem:s17+$0xC210]  }
0x201: {  	v3 =	vld [tilespmem:s17+$0x12210]  }
0x202: {  	v6 =	vld [tilespmem:s17+$0xC220]  }
0x203: {  	v5 =	vld [tilespmem:s17+$0x12220]  }
0x204: {  	v10 =	vld [tilespmem:s17+$0xC230]  }
0x205: {  	v7 =	vld [tilespmem:s17+$0x12230]  }
0x206: {  	v12 =	vld [tilespmem:s17+$0xC240]  }
0x207: {  	v11 =	vld [tilespmem:s17+$0x12240]  }
0x208: {  	v13 =	vld [tilespmem:s17+$0xC260]  }
0x209: {  	v14 =	vld [tilespmem:s17+$0xC270]  }
0x20a: {  	v15 =	vld [tilespmem:s17+$0xC600]  }
0x20b: {  	v16 =	vld [tilespmem:s17+$0xC610]  }
0x20c: {  	v17 =	vld [tilespmem:s17+$0xC620]  }
0x20d: {  	v18 =	vld [tilespmem:s17+$0xC630]  }
0x20e: {  	v19 =	vld [tilespmem:s17+$0xC640]  }
0x20f: {  	v20 =	vld [tilespmem:s17+$0xC650]  }
0x210: {  	v21 =	vld [tilespmem:s17+$0xC660]  }
0x211: {  	v22 =	vld [tilespmem:s17+$0xC670]  }
0x212: {  	v23 =	vld [tilespmem:s17+$0xCA00]  }
0x213: {  	v24 =	vld [tilespmem:s17+$0xCA10]  }
0x214: {  	v25 =	vld [tilespmem:s17+$0xCA20]  }
0x215: {  	v26 =	vld [tilespmem:s17+$0xCA30]  }
0x216: {  	v27 =	vld [tilespmem:s17+$0xCA40]  }
0x217: {  	v28 =	vld [tilespmem:s17+$0xCA50]  }
0x218: {  	v29 =	vld [tilespmem:s17+$0xCA60]  }
0x219: {  	v30 =	vld [tilespmem:s17+$0xCA70]  }
0x21a: {  	v31 =	vld [tilespmem:s17+$0xCE00]  }
0x21b: {  	v32 =	vld [tilespmem:s17+$0xCE10]  }
0x21c: {  	v33 =	vld [tilespmem:s17+$0xCE20]  }
0x21d: {  	v34 =	vld [tilespmem:s17+$0xCE30]  }
0x21e: {  	v35 =	vld [tilespmem:s17+$0xCE40]  }
0x21f: {  	v36 =	vld [tilespmem:s17+$0xCE50]  }
0x220: {  	v37 =	vld [tilespmem:s17+$0xCE60]  }
0x221: {  	v38 =	vld [tilespmem:s17+$0xCE70]  }
0x222: {  	v39 =	vld [tilespmem:s17+$0xD200]  }
0x223: {  	v40 =	vld [tilespmem:s17+$0xD210]  }
0x224: {  	v41 =	vld [tilespmem:s17+$0xD220]  }
0x225: {  	v42 =	vld [tilespmem:s17+$0xD230]  }
0x226: {  	v43 =	vld [tilespmem:s17+$0xD240]  }
0x227: {  	v44 =	vld [tilespmem:s17+$0xD250]  }
0x228: {  	v45 =	vld [tilespmem:s17+$0xD260]  }
0x229: {  	v46 =	vld [tilespmem:s17+$0xD600]  }
0x22a: {  	v47 =	vld [tilespmem:s17+$0xD610]  }
0x22b: {  	v48 =	vld [tilespmem:s17+$0x13610]  }
0x22c: {  	v49 =	vld [tilespmem:s17+$0x13630]  }
0x22d: {  	s1 =	simm.s32 $0x120;
	v50 =	vld [tilespmem:s17+$0xD620]  }
0x22e: {  	v8 =	vld.msk [tilespmem:s1+$0x0 ss:$0x0], $0xffff  }
0x22f: {  	s14 =	simm.s32 $0x1A0;
	v62 =	vld [tilespmem:s17+$0xD630]  }
0x230: {  	v9 =	vld.msk [tilespmem:s14+$0x0 ss:$0x0], $0xffff  }
0x231: {  	v52 =	vld [tilespmem:s17+$0x13620]  }
0x232: {  	v63 =	vld [tilespmem:s17+$0x13600]  }
0x233: {  	v54 =	vld [tilespmem:s17+$0xD270]  }
0x234: {  	v60 =	vld [tilespmem:s17+$0x13270];
	v51 =	vmul.f32 v62, v8  }
0x235: {  	v61 =	vld [tilespmem:s17+$0x13260];
	v49 =	vmul.f32 v49, v9;
	v50 =	vmul.f32 v50, v8  }
0x236: {  	v58 =	vld [tilespmem:s17+$0x13240];
	v52 =	vmul.f32 v52, v9;
	v47 =	vmul.f32 v47, v8  }
0x237: {  	v53 =	vld [tilespmem:s17+$0x13230];
	v48 =	vmul.f32 v48, v9;
	v46 =	vmul.f32 v46, v8  }
0x238: {  	v57 =	vld [tilespmem:s17+$0x12E60];
	v63 =	vmul.f32 v63, v9;
	v59 =	vmul.f32 v54, v8;
	v49 =	vadd.f32 v49, v51  }
0x239: {  	v55 =	vld [tilespmem:s17+$0x12A70];
	v60 =	vmul.f32 v60, v9;
	v45 =	vmul.f32 v45, v8;
	v50 =	vadd.f32 v52, v50  }
0x23a: {  	v56 =	vld [tilespmem:s17+$0x12A60];
	v61 =	vmul.f32 v61, v9;
	v44 =	vmul.f32 v44, v8;
	v47 =	vadd.f32 v48, v47;
	[tilespmem:s17+$0xD630] =	vst v49  }
0x23b: {  	v62 =	vld [tilespmem:s17+$0x13250];
	v43 =	vmul.f32 v43, v8;
	v42 =	vmul.f32 v42, v8;
	v46 =	vadd.f32 v63, v46;
	[tilespmem:s17+$0xD620] =	vst v50  }
0x23c: {  	v12 =	vmul.f32 v12, v8;
	v11 =	vmul.f32 v11, v9;
	v48 =	vld [tilespmem:s17+$0x13220];
	v52 =	vadd.f32 v60, v59;
	[tilespmem:s17+$0xD610] =	vst v47  }
0x23d: {  	v41 =	vmul.f32 v41, v8;
	v63 =	vmul.f32 v58, v9;
	v45 =	vadd.f32 v61, v45;
	v59 =	vld [tilespmem:s17+$0x12E50];
	[tilespmem:s17+$0xD600] =	vst v46  }
0x23e: {  	v40 =	vmul.f32 v40, v8;
	v58 =	vmul.f32 v53, v9;
	v60 =	vld [tilespmem:s17+$0x12E40];
	v11 =	vadd.f32 v11, v12;
	[tilespmem:s17+$0xD270] =	vst v52  }
0x23f: {  	v37 =	vmul.f32 v37, v8;
	v49 =	vld [tilespmem:s17+$0x13210];
	v43 =	vadd.f32 v63, v43;
	[tilespmem:s17+$0xD260] =	vst v45;
	v46 =	vmul.f32 v57, v9  }
0x240: {  	v39 =	vmul.f32 v39, v8;
	v50 =	vld [tilespmem:s17+$0x13200];
	v42 =	vadd.f32 v58, v42;
	[tilespmem:s17+$0xC240] =	vst v11;
	v62 =	vmul.f32 v62, v9  }
0x241: {  	v38 =	vmul.f32 v38, v8;
	v47 =	vld [tilespmem:s17+$0x12E70];
	[tilespmem:s17+$0xD240] =	vst v43;
	v37 =	vadd.f32 v46, v37;
	v48 =	vmul.f32 v48, v9  }
0x242: {  	v36 =	vmul.f32 v36, v8;
	v61 =	vld [tilespmem:s17+$0x12E30];
	[tilespmem:s17+$0xD230] =	vst v42;
	v44 =	vadd.f32 v62, v44;
	v54 =	vmul.f32 v59, v9  }
0x243: {  	v35 =	vmul.f32 v35, v8;
	v63 =	vld [tilespmem:s17+$0x12E10];
	v45 =	vmul.f32 v60, v9;
	[tilespmem:s17+$0xCE60] =	vst v37;
	v41 =	vadd.f32 v48, v41  }
0x244: {  	v34 =	vmul.f32 v34, v8;
	v58 =	vld [tilespmem:s17+$0x12A40];
	v49 =	vmul.f32 v49, v9;
	[tilespmem:s17+$0xD250] =	vst v44;
	v36 =	vadd.f32 v54, v36  }
0x245: {  	v32 =	vmul.f32 v32, v8;
	v53 =	vld [tilespmem:s17+$0x12E00];
	v50 =	vmul.f32 v50, v9;
	v35 =	vadd.f32 v45, v35;
	[tilespmem:s17+$0xD220] =	vst v41  }
0x246: {  	v31 =	vmul.f32 v31, v8;
	v62 =	vld [tilespmem:s17+$0x12E20];
	v47 =	vmul.f32 v47, v9;
	v40 =	vadd.f32 v49, v40;
	[tilespmem:s17+$0xCE50] =	vst v36  }
0x247: {  	v6 =	vmul.f32 v6, v8;
	v59 =	vld [tilespmem:s17+$0x12A30];
	v44 =	vmul.f32 v61, v9;
	v39 =	vadd.f32 v50, v39;
	[tilespmem:s17+$0xCE40] =	vst v35  }
0x248: {  	v5 =	vmul.f32 v5, v9;
	v60 =	vld [tilespmem:s17+$0x12A20];
	v42 =	vmul.f32 v63, v9;
	v38 =	vadd.f32 v47, v38;
	[tilespmem:s17+$0xD210] =	vst v40  }
0x249: {  	v27 =	vmul.f32 v27, v8;
	v12 =	vld [tilespmem:s17+$0xD660];
	v37 =	vmul.f32 v58, v9;
	v34 =	vadd.f32 v44, v34;
	[tilespmem:s17+$0xD200] =	vst v39  }
0x24a: {  	v5 =	vadd.f32 v5, v6;
	v6 =	vld [tilespmem:s17+$0xC200];
	v41 =	vmul.f32 v53, v9;
	v32 =	vadd.f32 v42, v32;
	[tilespmem:s17+$0xCE70] =	vst v38  }
0x24b: {  	v33 =	vmul.f32 v33, v8;
	v57 =	vld [tilespmem:s17+$0x12A50];
	v27 =	vadd.f32 v37, v27;
	v43 =	vmul.f32 v62, v9;
	[tilespmem:s17+$0xCE30] =	vst v34  }
0x24c: {  	v26 =	vmul.f32 v26, v8;
	v61 =	vld [tilespmem:s17+$0x12A10];
	v36 =	vmul.f32 v59, v9;
	v31 =	vadd.f32 v41, v31;
	[tilespmem:s17+$0xCE10] =	vst v32  }
0x24d: {  	v25 =	vmul.f32 v25, v8;
	v62 =	vld [tilespmem:s17+$0x12A00];
	v35 =	vmul.f32 v60, v9;
	[tilespmem:s17+$0xCA40] =	vst v27;
	v33 =	vadd.f32 v43, v33  }
0x24e: {  	v30 =	vmul.f32 v30, v8;
	v63 =	vld [tilespmem:s17+$0x12670];
	v40 =	vmul.f32 v55, v9;
	v26 =	vadd.f32 v36, v26;
	[tilespmem:s17+$0xCE00] =	vst v31  }
0x24f: {  	v29 =	vmul.f32 v29, v8;
	v39 =	vmul.f32 v56, v9;
	v27 =	vld [tilespmem:s17+$0x12620];
	v25 =	vadd.f32 v35, v25;
	[tilespmem:s17+$0xCE20] =	vst v33  }
0x250: {  	v28 =	vmul.f32 v28, v8;
	v38 =	vmul.f32 v57, v9;
	v30 =	vadd.f32 v40, v30;
	v31 =	vld [tilespmem:s17+$0x12660];
	[tilespmem:s17+$0xCA30] =	vst v26  }
0x251: {  	v24 =	vmul.f32 v24, v8;
	v34 =	vmul.f32 v61, v9;
	v29 =	vadd.f32 v39, v29;
	v26 =	vld [tilespmem:s17+$0x12610];
	[tilespmem:s17+$0xCA20] =	vst v25  }
0x252: {  	v23 =	vmul.f32 v23, v8;
	v28 =	vadd.f32 v38, v28;
	v25 =	vld [tilespmem:s17+$0x12600];
	[tilespmem:s17+$0xCA70] =	vst v30;
	v33 =	vmul.f32 v62, v9  }
0x253: {  	v22 =	vmul.f32 v22, v8;
	v32 =	vmul.f32 v63, v9;
	v24 =	vadd.f32 v34, v24;
	v30 =	vld [tilespmem:s17+$0x12650];
	[tilespmem:s17+$0xCA60] =	vst v29  }
0x254: {  	v17 =	vmul.f32 v17, v8;
	v29 =	vld [tilespmem:s17+$0x12640];
	[tilespmem:s17+$0xCA50] =	vst v28;
	v27 =	vmul.f32 v27, v9;
	v23 =	vadd.f32 v33, v23  }
0x255: {  	v21 =	vmul.f32 v21, v8;
	v22 =	vadd.f32 v32, v22;
	v28 =	vld [tilespmem:s17+$0x12630];
	[tilespmem:s17+$0xCA10] =	vst v24;
	v31 =	vmul.f32 v31, v9  }
0x256: {  	v16 =	vmul.f32 v16, v8;
	v17 =	vadd.f32 v27, v17;
	[tilespmem:s17+$0xCA00] =	vst v23;
	v23 =	vld [tilespmem:s17+$0x12260];
	v26 =	vmul.f32 v26, v9  }
0x257: {  	v15 =	vmul.f32 v15, v8;
	v24 =	vld [tilespmem:s17+$0x12270];
	[tilespmem:s17+$0xC670] =	vst v22;
	v25 =	vmul.f32 v25, v9;
	v21 =	vadd.f32 v31, v21  }
0x258: {  	v20 =	vmul.f32 v20, v8;
	v22 =	vld [tilespmem:s17+$0xC250];
	v30 =	vmul.f32 v30, v9;
	[tilespmem:s17+$0xC620] =	vst v17;
	v16 =	vadd.f32 v26, v16  }
0x259: {  	v19 =	vmul.f32 v19, v8;
	v29 =	vmul.f32 v29, v9;
	v17 =	vld [tilespmem:s17+$0xD640];
	v15 =	vadd.f32 v25, v15;
	[tilespmem:s17+$0xC660] =	vst v21  }
0x25a: {  	v18 =	vmul.f32 v18, v8;
	v28 =	vmul.f32 v28, v9;
	v20 =	vadd.f32 v30, v20;
	v21 =	vld [tilespmem:s17+$0x12250];
	[tilespmem:s17+$0xC610] =	vst v16  }
0x25b: {  	v13 =	vmul.f32 v13, v8;
	v19 =	vadd.f32 v29, v19;
	[tilespmem:s17+$0xC600] =	vst v15;
	v15 =	vld [tilespmem:s17+$0xD650];
	v23 =	vmul.f32 v23, v9  }
0x25c: {  	v14 =	vmul.f32 v14, v8;
	v24 =	vmul.f32 v24, v9;
	v18 =	vadd.f32 v28, v18;
	[tilespmem:s17+$0xC650] =	vst v20;
	v20 =	vld [tilespmem:s17+$0x13640]  }
0x25d: {  	v10 =	vmul.f32 v10, v8;
	v7 =	vmul.f32 v7, v9;
	[tilespmem:s17+$0xC640] =	vst v19;
	v19 =	vld [tilespmem:s17+$0x13650];
	v13 =	vadd.f32 v23, v13  }
0x25e: {  	v4 =	vmul.f32 v4, v8;
	v3 =	vmul.f32 v3, v9;
	v14 =	vadd.f32 v24, v14;
	[tilespmem:s17+$0xC630] =	vst v18;
	v18 =	vld [tilespmem:s17+$0x13660]  }
0x25f: {  	v7 =	vadd.f32 v7, v10;
	v10 =	vmul.f32 v22, v8;
	v16 =	vld [tilespmem:s17+$0x13670];
	[tilespmem:s17+$0xC260] =	vst v13;
	v13 =	vmul.f32 v21, v9  }
0x260: {  	v3 =	vadd.f32 v3, v4;
	[tilespmem:s17+$0xC270] =	vst v14;
	v14 =	vld [tilespmem:s17+$0xD670]  }
0x261: {  	s19 =	simm.s32 $0x0;
	[tilespmem:s17+$0xC230] =	vst v7;
	v7 =	vld [tilespmem:s17+$0x12200];
	v11 =	vmul.f32 v17, v8;
	v17 =	vmul.f32 v20, v9;
	v4 =	vadd.f32 v13, v10  }
0x262: {  	s16 =	simm.s32 $0x80;
	s0 =	smul.u32 $0x1800, s19;
	[tilespmem:s17+$0xC220] =	vst v5;
	v5 =	vmul.f32 v15, v8;
	v10 =	vmul.f32 v19, v9  }
0x263: {  	s18 =	sand.u32 $0x380, s16;
	v11 =	vadd.f32 v17, v11;
	[tilespmem:s17+$0xC250] =	vst v4;
	v4 =	vmul.f32 v12, v8;
	v12 =	vmul.f32 v18, v9  }
0x264: {  	s0 =	sor.u32 s18, s0;
	[tilespmem:s17+$0xC210] =	vst v3;
	v5 =	vadd.f32 v10, v5  }
0x265: {  	v3 =	vld [tilespmem:s0+$0xC210];
	v10 =	vmul.f32 v14, v8;
	[tilespmem:s17+$0xD640] =	vst v11;
	v11 =	vmul.f32 v16, v9;
	v12 =	vadd.f32 v12, v4  }
0x266: {  	v7 =	vmul.f32 v7, v9;
	v8 =	vmul.f32 v6, v8;
	v4 =	vld [tilespmem:s0+$0x12210];
	[tilespmem:s17+$0xD650] =	vst v5  }
0x267: {  	v9 =	vadd.f32 v11, v10;
	v6 =	vld [tilespmem:s0+$0xC220];
	[tilespmem:s17+$0xD660] =	vst v12  }
0x268: {  	v7 =	vadd.f32 v7, v8;
	v5 =	vld [tilespmem:s0+$0x12220]  }
0x269: {  	[tilespmem:s17+$0xD670] =	vst v9;
	v8 =	vld [tilespmem:s0+$0xC230]  }
0x26a: {  	[tilespmem:s17+$0xC200] =	vst v7;
	v18 =	vld [tilespmem:s0+$0xC630]  }
0x26b: {  	v7 =	vld [tilespmem:s0+$0x12230]  }
0x26c: {  	v10 =	vld [tilespmem:s0+$0xC240]  }
0x26d: {  	v9 =	vld [tilespmem:s0+$0x12240]  }
0x26e: {  	v12 =	vld [tilespmem:s0+$0xC250]  }
0x26f: {  	v11 =	vld [tilespmem:s0+$0x12250]  }
0x270: {  	v13 =	vld [tilespmem:s0+$0xC260]  }
0x271: {  	v14 =	vld [tilespmem:s0+$0xC270]  }
0x272: {  	v15 =	vld [tilespmem:s0+$0xC600]  }
0x273: {  	v16 =	vld [tilespmem:s0+$0xC610]  }
0x274: {  	v17 =	vld [tilespmem:s0+$0xC620]  }
0x275: {  	v19 =	vld [tilespmem:s0+$0xC640]  }
0x276: {  	v20 =	vld [tilespmem:s0+$0xC650]  }
0x277: {  	v21 =	vld [tilespmem:s0+$0xC660]  }
0x278: {  	v22 =	vld [tilespmem:s0+$0xC670]  }
0x279: {  	v23 =	vld [tilespmem:s0+$0xCA00]  }
0x27a: {  	v24 =	vld [tilespmem:s0+$0xCA10]  }
0x27b: {  	v25 =	vld [tilespmem:s0+$0xCA20]  }
0x27c: {  	v26 =	vld [tilespmem:s0+$0xCA30]  }
0x27d: {  	v27 =	vld [tilespmem:s0+$0xCA40]  }
0x27e: {  	v28 =	vld [tilespmem:s0+$0xCA50]  }
0x27f: {  	v29 =	vld [tilespmem:s0+$0xCA60]  }
0x280: {  	v30 =	vld [tilespmem:s0+$0xCA70]  }
0x281: {  	v32 =	vld [tilespmem:s0+$0xCE00]  }
0x282: {  	v34 =	vld [tilespmem:s0+$0xCE10]  }
0x283: {  	v35 =	vld [tilespmem:s0+$0xCE20]  }
0x284: {  	v36 =	vld [tilespmem:s0+$0xCE30]  }
0x285: {  	v37 =	vld [tilespmem:s0+$0xCE40]  }
0x286: {  	v38 =	vld [tilespmem:s0+$0xCE50]  }
0x287: {  	v39 =	vld [tilespmem:s0+$0xCE60]  }
0x288: {  	v40 =	vld [tilespmem:s0+$0xCE70]  }
0x289: {  	v41 =	vld [tilespmem:s0+$0xD200]  }
0x28a: {  	v42 =	vld [tilespmem:s0+$0xD210]  }
0x28b: {  	v43 =	vld [tilespmem:s0+$0xD220]  }
0x28c: {  	v44 =	vld [tilespmem:s0+$0xD230]  }
0x28d: {  	v45 =	vld [tilespmem:s0+$0xD240]  }
0x28e: {  	v46 =	vld [tilespmem:s0+$0xD250]  }
0x28f: {  	v47 =	vld [tilespmem:s0+$0xD260]  }
0x290: {  	v48 =	vld [tilespmem:s0+$0xD600]  }
0x291: {  	v50 =	vld [tilespmem:s0+$0xD610]  }
0x292: {  	v49 =	vld [tilespmem:s0+$0x13610]  }
0x293: {  	s17 =	simm.s32 $0x2;
	v51 =	vld [tilespmem:s0+$0x13630]  }
.LBB2_4:
0x294: {  	p0 =	sne.s32 s17, $0x1F;
	v52 =	vld [tilespmem:s0+$0xD620];
	s1 =	sadd.s32 $0x1, s1  }
0x295: {  	s14 =	sadd.s32 $0x1, s14;
	v33 =	vld.msk [tilespmem:s1+$0x0 ss:$0x0], $0xffff  }
0x296: {  	v31 =	vld.msk [tilespmem:s14+$0x0 ss:$0x0], $0xffff  }
0x297: {  	v53 =	vld [tilespmem:s0+$0xD630]  }
0x298: {  	v54 =	vld [tilespmem:s0+$0x13620]  }
0x299: {  	v55 =	vld [tilespmem:s0+$0x13600]  }
0x29a: {  	v56 =	vld [tilespmem:s0+$0xD270]  }
0x29b: {  	v50 =	vmul.f32 v50, v33;
	v52 =	vmul.f32 v52, v33;
	v57 =	vld [tilespmem:s0+$0x13270]  }
0x29c: {  	v51 =	vmul.f32 v51, v31;
	v58 =	vld [tilespmem:s0+$0x13260];
	v53 =	vmul.f32 v53, v33  }
0x29d: {  	v49 =	vmul.f32 v49, v31;
	v59 =	vld [tilespmem:s0+$0x13250];
	v54 =	vmul.f32 v54, v31  }
0x29e: {  	v48 =	vmul.f32 v48, v33;
	v60 =	vld [tilespmem:s0+$0x13240];
	v55 =	vmul.f32 v55, v31;
	v51 =	vadd.f32 v51, v53  }
0x29f: {  	v49 =	vadd.f32 v49, v50;
	v53 =	vld [tilespmem:s0+$0x13230];
	v56 =	vmul.f32 v56, v33;
	v50 =	vadd.f32 v54, v52  }
0x2a0: {  	v47 =	vmul.f32 v47, v33;
	v52 =	vld [tilespmem:s0+$0x13220];
	v54 =	vmul.f32 v57, v31;
	v48 =	vadd.f32 v55, v48;
	[tilespmem:s0+$0xD630] =	vst v51  }
0x2a1: {  	v46 =	vmul.f32 v46, v33;
	v51 =	vld [tilespmem:s0+$0x13210];
	v55 =	vmul.f32 v58, v31;
	[tilespmem:s0+$0xD620] =	vst v50  }
0x2a2: {  	v45 =	vmul.f32 v45, v33;
	v50 =	vld [tilespmem:s0+$0x13200];
	v57 =	vmul.f32 v59, v31;
	v54 =	vadd.f32 v54, v56;
	[tilespmem:s0+$0xD610] =	vst v49  }
0x2a3: {  	v44 =	vmul.f32 v44, v33;
	v49 =	vld [tilespmem:s0+$0x12E70];
	v56 =	vmul.f32 v60, v31;
	v47 =	vadd.f32 v55, v47;
	[tilespmem:s0+$0xD600] =	vst v48  }
0x2a4: {  	v43 =	vmul.f32 v43, v33;
	v48 =	vld [tilespmem:s0+$0x12E60];
	v53 =	vmul.f32 v53, v31;
	v46 =	vadd.f32 v57, v46;
	[tilespmem:s0+$0xD270] =	vst v54  }
0x2a5: {  	v42 =	vmul.f32 v42, v33;
	v54 =	vld [tilespmem:s0+$0x12E50];
	v52 =	vmul.f32 v52, v31;
	v45 =	vadd.f32 v56, v45;
	[tilespmem:s0+$0xD260] =	vst v47  }
0x2a6: {  	v41 =	vmul.f32 v41, v33;
	v47 =	vld [tilespmem:s0+$0x12E40];
	v51 =	vmul.f32 v51, v31;
	v44 =	vadd.f32 v53, v44;
	[tilespmem:s0+$0xD250] =	vst v46  }
0x2a7: {  	v40 =	vmul.f32 v40, v33;
	v46 =	vld [tilespmem:s0+$0x12E30];
	v50 =	vmul.f32 v50, v31;
	v43 =	vadd.f32 v52, v43;
	[tilespmem:s0+$0xD240] =	vst v45  }
0x2a8: {  	v39 =	vmul.f32 v39, v33;
	v45 =	vld [tilespmem:s0+$0x12E20];
	v49 =	vmul.f32 v49, v31;
	v42 =	vadd.f32 v51, v42;
	[tilespmem:s0+$0xD230] =	vst v44  }
0x2a9: {  	v38 =	vmul.f32 v38, v33;
	v44 =	vld [tilespmem:s0+$0x12E10];
	v48 =	vmul.f32 v48, v31;
	v41 =	vadd.f32 v50, v41;
	[tilespmem:s0+$0xD220] =	vst v43  }
0x2aa: {  	v37 =	vmul.f32 v37, v33;
	v43 =	vld [tilespmem:s0+$0x12E00];
	v50 =	vmul.f32 v54, v31;
	v40 =	vadd.f32 v49, v40;
	[tilespmem:s0+$0xD210] =	vst v42  }
0x2ab: {  	v36 =	vmul.f32 v36, v33;
	v42 =	vld [tilespmem:s0+$0x12A70];
	v47 =	vmul.f32 v47, v31;
	v39 =	vadd.f32 v48, v39;
	[tilespmem:s0+$0xD200] =	vst v41  }
0x2ac: {  	v35 =	vmul.f32 v35, v33;
	v41 =	vld [tilespmem:s0+$0x12A60];
	v46 =	vmul.f32 v46, v31;
	v38 =	vadd.f32 v50, v38;
	[tilespmem:s0+$0xCE70] =	vst v40  }
0x2ad: {  	v34 =	vmul.f32 v34, v33;
	v40 =	vld [tilespmem:s0+$0x12A50];
	v45 =	vmul.f32 v45, v31;
	v37 =	vadd.f32 v47, v37;
	[tilespmem:s0+$0xCE60] =	vst v39  }
0x2ae: {  	v32 =	vmul.f32 v32, v33;
	v39 =	vld [tilespmem:s0+$0x12A40];
	v44 =	vmul.f32 v44, v31;
	v36 =	vadd.f32 v46, v36;
	[tilespmem:s0+$0xCE50] =	vst v38  }
0x2af: {  	v30 =	vmul.f32 v30, v33;
	v38 =	vld [tilespmem:s0+$0x12A30];
	v43 =	vmul.f32 v43, v31;
	v35 =	vadd.f32 v45, v35;
	[tilespmem:s0+$0xCE40] =	vst v37  }
0x2b0: {  	v29 =	vmul.f32 v29, v33;
	v37 =	vld [tilespmem:s0+$0x12A20];
	v42 =	vmul.f32 v42, v31;
	v34 =	vadd.f32 v44, v34;
	[tilespmem:s0+$0xCE30] =	vst v36  }
0x2b1: {  	v28 =	vmul.f32 v28, v33;
	v36 =	vld [tilespmem:s0+$0x12A10];
	v41 =	vmul.f32 v41, v31;
	v32 =	vadd.f32 v43, v32;
	[tilespmem:s0+$0xCE20] =	vst v35  }
0x2b2: {  	v27 =	vmul.f32 v27, v33;
	v35 =	vld [tilespmem:s0+$0x12A00];
	v40 =	vmul.f32 v40, v31;
	v30 =	vadd.f32 v42, v30;
	[tilespmem:s0+$0xCE10] =	vst v34  }
0x2b3: {  	v26 =	vmul.f32 v26, v33;
	v34 =	vld [tilespmem:s0+$0x12670];
	v39 =	vmul.f32 v39, v31;
	v29 =	vadd.f32 v41, v29;
	[tilespmem:s0+$0xCE00] =	vst v32  }
0x2b4: {  	v25 =	vmul.f32 v25, v33;
	v32 =	vld [tilespmem:s0+$0x12660];
	v38 =	vmul.f32 v38, v31;
	v28 =	vadd.f32 v40, v28;
	[tilespmem:s0+$0xCA70] =	vst v30  }
0x2b5: {  	v24 =	vmul.f32 v24, v33;
	v30 =	vld [tilespmem:s0+$0x12650];
	v37 =	vmul.f32 v37, v31;
	v27 =	vadd.f32 v39, v27;
	[tilespmem:s0+$0xCA60] =	vst v29  }
0x2b6: {  	v23 =	vmul.f32 v23, v33;
	v29 =	vld [tilespmem:s0+$0x12640];
	v36 =	vmul.f32 v36, v31;
	v26 =	vadd.f32 v38, v26;
	[tilespmem:s0+$0xCA50] =	vst v28  }
0x2b7: {  	v22 =	vmul.f32 v22, v33;
	v28 =	vld [tilespmem:s0+$0x12630];
	v35 =	vmul.f32 v35, v31;
	v25 =	vadd.f32 v37, v25;
	[tilespmem:s0+$0xCA40] =	vst v27  }
0x2b8: {  	v21 =	vmul.f32 v21, v33;
	v27 =	vld [tilespmem:s0+$0x12620];
	v34 =	vmul.f32 v34, v31;
	v24 =	vadd.f32 v36, v24;
	[tilespmem:s0+$0xCA30] =	vst v26  }
0x2b9: {  	v20 =	vmul.f32 v20, v33;
	v26 =	vld [tilespmem:s0+$0x12610];
	v32 =	vmul.f32 v32, v31;
	v23 =	vadd.f32 v35, v23;
	[tilespmem:s0+$0xCA20] =	vst v25  }
0x2ba: {  	v19 =	vmul.f32 v19, v33;
	v25 =	vld [tilespmem:s0+$0x12600];
	v30 =	vmul.f32 v30, v31;
	v22 =	vadd.f32 v34, v22;
	[tilespmem:s0+$0xCA10] =	vst v24  }
0x2bb: {  	v18 =	vmul.f32 v18, v33;
	v24 =	vld [tilespmem:s0+$0x12270];
	v29 =	vmul.f32 v29, v31;
	v21 =	vadd.f32 v32, v21;
	[tilespmem:s0+$0xCA00] =	vst v23  }
0x2bc: {  	v17 =	vmul.f32 v17, v33;
	v23 =	vld [tilespmem:s0+$0x12260];
	v28 =	vmul.f32 v28, v31;
	v20 =	vadd.f32 v30, v20;
	[tilespmem:s0+$0xC670] =	vst v22  }
0x2bd: {  	v16 =	vmul.f32 v16, v33;
	v22 =	vmul.f32 v27, v31;
	v19 =	vadd.f32 v29, v19;
	[tilespmem:s0+$0xC660] =	vst v21;
	v21 =	vld [tilespmem:s0+$0x13640]  }
0x2be: {  	v15 =	vmul.f32 v15, v33;
	v26 =	vmul.f32 v26, v31;
	v18 =	vadd.f32 v28, v18;
	[tilespmem:s0+$0xC650] =	vst v20;
	v20 =	vld [tilespmem:s0+$0x13650]  }
0x2bf: {  	v14 =	vmul.f32 v14, v33;
	v25 =	vmul.f32 v25, v31;
	v17 =	vadd.f32 v22, v17;
	[tilespmem:s0+$0xC640] =	vst v19;
	v19 =	vld [tilespmem:s0+$0x13660]  }
0x2c0: {  	v13 =	vmul.f32 v13, v33;
	v22 =	vmul.f32 v24, v31;
	v16 =	vadd.f32 v26, v16;
	[tilespmem:s0+$0xC630] =	vst v18;
	v18 =	vld [tilespmem:s0+$0x13670]  }
0x2c1: {  	v12 =	vmul.f32 v12, v33;
	v23 =	vmul.f32 v23, v31;
	v15 =	vadd.f32 v25, v15;
	[tilespmem:s0+$0xC620] =	vst v17;
	v17 =	vld [tilespmem:s0+$0xD640]  }
0x2c2: {  	v10 =	vmul.f32 v10, v33;
	v11 =	vmul.f32 v11, v31;
	v14 =	vadd.f32 v22, v14;
	[tilespmem:s0+$0xC610] =	vst v16;
	v16 =	vld [tilespmem:s0+$0xD650]  }
0x2c3: {  	v8 =	vmul.f32 v8, v33;
	v9 =	vmul.f32 v9, v31;
	v13 =	vadd.f32 v23, v13;
	[tilespmem:s0+$0xC600] =	vst v15;
	v15 =	vld [tilespmem:s0+$0xD660]  }
0x2c4: {  	v6 =	vmul.f32 v6, v33;
	v7 =	vmul.f32 v7, v31;
	v11 =	vadd.f32 v11, v12;
	[tilespmem:s0+$0xC270] =	vst v14;
	v12 =	vld [tilespmem:s0+$0xD670]  }
0x2c5: {  	v3 =	vmul.f32 v3, v33;
	v5 =	vmul.f32 v5, v31;
	v9 =	vadd.f32 v9, v10;
	v14 =	vld [tilespmem:s0+$0xC200];
	[tilespmem:s0+$0xC260] =	vst v13  }
0x2c6: {  	v4 =	vmul.f32 v4, v31;
	v7 =	vadd.f32 v7, v8;
	v10 =	vld [tilespmem:s0+$0x12200];
	[tilespmem:s0+$0xC250] =	vst v11;
	v8 =	vmul.f32 v17, v33  }
0x2c7: {  	s18 =	sshrl.u32 s17, $0x3;
	v5 =	vadd.f32 v5, v6;
	v6 =	vmul.f32 v21, v31;
	[tilespmem:s0+$0xC240] =	vst v9;
	v9 =	vmul.f32 v16, v33  }
0x2c8: {  	s16 =	sadd.s32 $0x80, s16;
	s18 =	smul.u32 $0x1800, s18;
	v3 =	vadd.f32 v4, v3;
	v4 =	vmul.f32 v20, v31;
	[tilespmem:s0+$0xC230] =	vst v7;
	v7 =	vmul.f32 v15, v33  }
0x2c9: {  	s19 =	sand.u32 $0x380, s16;
	[tilespmem:s0+$0xC220] =	vst v5;
	v5 =	vadd.f32 v6, v8;
	v6 =	vmul.f32 v19, v31;
	v8 =	vmul.f32 v12, v33  }
0x2ca: {  	s18 =	sor.u32 s19, s18;
	v9 =	vadd.f32 v4, v9;
	v12 =	vmul.f32 v18, v31;
	v11 =	vmul.f32 v14, v33;
	[tilespmem:s0+$0xC210] =	vst v3  }
0x2cb: {  	v3 =	vld [tilespmem:s18+$0xC210];
	v10 =	vmul.f32 v10, v31;
	[tilespmem:s0+$0xD640] =	vst v5;
	v5 =	vadd.f32 v6, v7  }
0x2cc: {  	v7 =	vadd.f32 v12, v8;
	v4 =	vld [tilespmem:s18+$0x12210];
	[tilespmem:s0+$0xD650] =	vst v9  }
0x2cd: {  	v6 =	vld [tilespmem:s18+$0xC220];
	v9 =	vadd.f32 v10, v11;
	[tilespmem:s0+$0xD660] =	vst v5  }
0x2ce: {  	v5 =	vld [tilespmem:s18+$0x12220];
	[tilespmem:s0+$0xD670] =	vst v7  }
0x2cf: {  	v8 =	vld [tilespmem:s18+$0xC230];
	[tilespmem:s0+$0xC200] =	vst v9;
	s0 =	smov.u32 s18  }
0x2d0: {  	v7 =	vld [tilespmem:s0+$0x12230]  }
0x2d1: {  	v10 =	vld [tilespmem:s0+$0xC240]  }
0x2d2: {  	v9 =	vld [tilespmem:s0+$0x12240]  }
0x2d3: {  	v12 =	vld [tilespmem:s0+$0xC250]  }
0x2d4: {  	v11 =	vld [tilespmem:s0+$0x12250]  }
0x2d5: {  	v13 =	vld [tilespmem:s0+$0xC260]  }
0x2d6: {  	v14 =	vld [tilespmem:s0+$0xC270]  }
0x2d7: {  	v15 =	vld [tilespmem:s0+$0xC600]  }
0x2d8: {  	v16 =	vld [tilespmem:s0+$0xC610]  }
0x2d9: {  	v17 =	vld [tilespmem:s0+$0xC620]  }
0x2da: {  	v18 =	vld [tilespmem:s0+$0xC630]  }
0x2db: {  	v19 =	vld [tilespmem:s0+$0xC640]  }
0x2dc: {  	v20 =	vld [tilespmem:s0+$0xC650]  }
0x2dd: {  	v21 =	vld [tilespmem:s0+$0xC660]  }
0x2de: {  	v22 =	vld [tilespmem:s0+$0xC670]  }
0x2df: {  	v23 =	vld [tilespmem:s0+$0xCA00]  }
0x2e0: {  	v24 =	vld [tilespmem:s0+$0xCA10]  }
0x2e1: {  	v25 =	vld [tilespmem:s0+$0xCA20]  }
0x2e2: {  	v26 =	vld [tilespmem:s0+$0xCA30]  }
0x2e3: {  	v27 =	vld [tilespmem:s0+$0xCA40]  }
0x2e4: {  	v28 =	vld [tilespmem:s0+$0xCA50]  }
0x2e5: {  	v29 =	vld [tilespmem:s0+$0xCA60]  }
0x2e6: {  	v30 =	vld [tilespmem:s0+$0xCA70]  }
0x2e7: {  	v32 =	vld [tilespmem:s0+$0xCE00]  }
0x2e8: {  	v34 =	vld [tilespmem:s0+$0xCE10]  }
0x2e9: {  	v35 =	vld [tilespmem:s0+$0xCE20]  }
0x2ea: {  	v36 =	vld [tilespmem:s0+$0xCE30]  }
0x2eb: {  	v37 =	vld [tilespmem:s0+$0xCE40]  }
0x2ec: {  	v38 =	vld [tilespmem:s0+$0xCE50]  }
0x2ed: {  	v39 =	vld [tilespmem:s0+$0xCE60]  }
0x2ee: {  	v40 =	vld [tilespmem:s0+$0xCE70]  }
0x2ef: {  	v41 =	vld [tilespmem:s0+$0xD200]  }
0x2f0: {  	v42 =	vld [tilespmem:s0+$0xD210]  }
0x2f1: {  	v43 =	vld [tilespmem:s0+$0xD220]  }
0x2f2: {  	v44 =	vld [tilespmem:s0+$0xD230]  }
0x2f3: {  	v45 =	vld [tilespmem:s0+$0xD240]  }
0x2f4: {  	v46 =	vld [tilespmem:s0+$0xD250]  }
.Ltmp1:
0x2f5: {  	v47 =	vld [tilespmem:s0+$0xD260];
	(pc) =	sbr.rel @p0 .LBB2_4-.Ltmp1, $4  }
0x2f6: {  	v48 =	vld [tilespmem:s0+$0xD600]  }
0x2f7: {  	v50 =	vld [tilespmem:s0+$0xD610]  }
0x2f8: {  	v49 =	vld [tilespmem:s0+$0x13610]  }
0x2f9: {  	s17 =	sadd.s32 $0x1, s17;
	v51 =	vld [tilespmem:s0+$0x13630]  }
0x2fa: {  	v52 =	vld [tilespmem:s0+$0xD620]  }
0x2fb: {  	s1 =	sadd.s32 $0x1, s1;
	v53 =	vld [tilespmem:s0+$0xD630]  }
0x2fc: {  	s19 =	sadd.s32 $0x1, s14;
	v31 =	vld.msk [tilespmem:s1+$0x0 ss:$0x0], $0xffff  }
0x2fd: {  	v33 =	vld.msk [tilespmem:s19+$0x0 ss:$0x0], $0xffff  }
0x2fe: {  	v54 =	vld [tilespmem:s0+$0x13620];
	_ =	sdelay $0x1  }
0x2ff: {  	v55 =	vld [tilespmem:s0+$0x13600]  }
0x300: {  	v56 =	vld [tilespmem:s0+$0xD270]  }
0x301: {  	v58 =	vld [tilespmem:s0+$0x13260];
	v53 =	vmul.f32 v53, v31;
	v51 =	vmul.f32 v51, v33  }
0x302: {  	v57 =	vld [tilespmem:s0+$0x13270];
	v52 =	vmul.f32 v52, v31;
	v54 =	vmul.f32 v54, v33  }
0x303: {  	v59 =	vld [tilespmem:s0+$0x13250];
	v50 =	vmul.f32 v50, v31;
	v49 =	vmul.f32 v49, v33  }
0x304: {  	v60 =	vld [tilespmem:s0+$0x13240];
	v48 =	vmul.f32 v48, v31;
	v62 =	vmul.f32 v55, v33;
	v51 =	vadd.f32 v51, v53  }
0x305: {  	v61 =	vld [tilespmem:s0+$0x13220];
	v63 =	vmul.f32 v56, v31;
	v47 =	vmul.f32 v47, v31;
	v52 =	vadd.f32 v54, v52  }
0x306: {  	v58 =	vmul.f32 v58, v33;
	v55 =	vld [tilespmem:s0+$0x12660];
	v12 =	vmul.f32 v12, v31;
	v49 =	vadd.f32 v49, v50;
	[tilespmem:s0+$0xD630] =	vst v51  }
0x307: {  	v56 =	vld [tilespmem:s0+$0x12650];
	v11 =	vmul.f32 v11, v33;
	v10 =	vmul.f32 v10, v31;
	v48 =	vadd.f32 v62, v48;
	[tilespmem:s0+$0xD620] =	vst v52  }
0x308: {  	v9 =	vmul.f32 v9, v33;
	v8 =	vmul.f32 v8, v31;
	v53 =	vld [tilespmem:s0+$0x13230];
	v47 =	vadd.f32 v58, v47;
	[tilespmem:s0+$0xD610] =	vst v49  }
0x309: {  	v7 =	vmul.f32 v7, v33;
	v6 =	vmul.f32 v6, v31;
	v50 =	vld [tilespmem:s0+$0x13200];
	v11 =	vadd.f32 v11, v12;
	[tilespmem:s0+$0xD600] =	vst v48  }
0x30a: {  	v5 =	vmul.f32 v5, v33;
	v3 =	vmul.f32 v3, v31;
	v58 =	vld [tilespmem:s0+$0x12E20];
	v9 =	vadd.f32 v9, v10;
	[tilespmem:s0+$0xD260] =	vst v47  }
0x30b: {  	v4 =	vmul.f32 v4, v33;
	v62 =	vmul.f32 v59, v33;
	v59 =	vld [tilespmem:s0+$0x12E10];
	v7 =	vadd.f32 v7, v8;
	[tilespmem:s0+$0xC250] =	vst v11  }
0x30c: {  	v57 =	vmul.f32 v57, v33;
	v54 =	vld [tilespmem:s0+$0x12670];
	v5 =	vadd.f32 v5, v6;
	[tilespmem:s0+$0xC240] =	vst v9  }
0x30d: {  	v46 =	vmul.f32 v46, v31;
	v3 =	vadd.f32 v4, v3;
	v51 =	vld [tilespmem:s0+$0x13210];
	[tilespmem:s0+$0xC230] =	vst v7  }
0x30e: {  	v45 =	vmul.f32 v45, v31;
	v49 =	vld [tilespmem:s0+$0x12E70];
	v52 =	vadd.f32 v57, v63;
	v63 =	vmul.f32 v60, v33;
	[tilespmem:s0+$0xC220] =	vst v5  }
0x30f: {  	v43 =	vmul.f32 v43, v31;
	v48 =	vld [tilespmem:s0+$0x12E60];
	v46 =	vadd.f32 v62, v46;
	v57 =	vmul.f32 v61, v33;
	[tilespmem:s0+$0xC210] =	vst v3  }
0x310: {  	v44 =	vmul.f32 v44, v31;
	v47 =	vld [tilespmem:s0+$0x12E40];
	[tilespmem:s0+$0xD270] =	vst v52;
	v45 =	vadd.f32 v63, v45;
	v53 =	vmul.f32 v53, v33  }
0x311: {  	v41 =	vmul.f32 v41, v31;
	v60 =	vld [tilespmem:s0+$0x12E00];
	[tilespmem:s0+$0xD250] =	vst v46;
	v43 =	vadd.f32 v57, v43;
	v50 =	vmul.f32 v50, v33  }
0x312: {  	v35 =	vmul.f32 v35, v31;
	v61 =	vld [tilespmem:s0+$0x12A70];
	[tilespmem:s0+$0xD240] =	vst v45;
	v45 =	vmul.f32 v58, v33;
	v44 =	vadd.f32 v53, v44  }
0x313: {  	v42 =	vmul.f32 v42, v31;
	v52 =	vld [tilespmem:s0+$0x12E50];
	[tilespmem:s0+$0xD220] =	vst v43;
	v51 =	vmul.f32 v51, v33;
	v41 =	vadd.f32 v50, v41  }
0x314: {  	v40 =	vmul.f32 v40, v31;
	v46 =	vld [tilespmem:s0+$0x12E30];
	v49 =	vmul.f32 v49, v33;
	v35 =	vadd.f32 v45, v35;
	[tilespmem:s0+$0xD230] =	vst v44  }
0x315: {  	v39 =	vmul.f32 v39, v31;
	v62 =	vld [tilespmem:s0+$0x12A60];
	v48 =	vmul.f32 v48, v33;
	v42 =	vadd.f32 v51, v42;
	[tilespmem:s0+$0xD200] =	vst v41  }
0x316: {  	v37 =	vmul.f32 v37, v31;
	v57 =	vld [tilespmem:s0+$0x12640];
	v47 =	vmul.f32 v47, v33;
	v40 =	vadd.f32 v49, v40;
	[tilespmem:s0+$0xCE20] =	vst v35  }
0x317: {  	v32 =	vmul.f32 v32, v31;
	v58 =	vld [tilespmem:s0+$0x12630];
	v43 =	vmul.f32 v60, v33;
	v39 =	vadd.f32 v48, v39;
	[tilespmem:s0+$0xD210] =	vst v42  }
0x318: {  	v38 =	vmul.f32 v38, v31;
	v50 =	vld [tilespmem:s0+$0x12A30];
	v63 =	vmul.f32 v52, v33;
	v37 =	vadd.f32 v47, v37;
	[tilespmem:s0+$0xCE70] =	vst v40  }
0x319: {  	v36 =	vmul.f32 v36, v31;
	v53 =	vld [tilespmem:s0+$0x12A00];
	v46 =	vmul.f32 v46, v33;
	v32 =	vadd.f32 v43, v32;
	[tilespmem:s0+$0xCE60] =	vst v39  }
0x31a: {  	v34 =	vmul.f32 v34, v31;
	v60 =	vld [tilespmem:s0+$0x12610];
	v44 =	vmul.f32 v59, v33;
	v38 =	vadd.f32 v63, v38;
	[tilespmem:s0+$0xCE40] =	vst v37  }
0x31b: {  	v29 =	vmul.f32 v29, v31;
	v45 =	vld [tilespmem:s0+$0xD640];
	v41 =	vmul.f32 v62, v33;
	v36 =	vadd.f32 v46, v36;
	[tilespmem:s0+$0xCE00] =	vst v32  }
0x31c: {  	v21 =	vmul.f32 v21, v31;
	v48 =	vld [tilespmem:s0+$0x12A50];
	v62 =	vmul.f32 v55, v33;
	v34 =	vadd.f32 v44, v34;
	[tilespmem:s0+$0xCE50] =	vst v38  }
0x31d: {  	v30 =	vmul.f32 v30, v31;
	v49 =	vld [tilespmem:s0+$0x12A40];
	v42 =	vmul.f32 v61, v33;
	v29 =	vadd.f32 v41, v29;
	[tilespmem:s0+$0xCE30] =	vst v36  }
0x31e: {  	v23 =	vmul.f32 v23, v31;
	v51 =	vld [tilespmem:s0+$0x12A20];
	v21 =	vadd.f32 v62, v21;
	v35 =	vmul.f32 v53, v33;
	[tilespmem:s0+$0xCE10] =	vst v34  }
0x31f: {  	v16 =	vmul.f32 v16, v31;
	v52 =	vld [tilespmem:s0+$0x12A10];
	v41 =	vmul.f32 v60, v33;
	v30 =	vadd.f32 v42, v30;
	[tilespmem:s0+$0xCA60] =	vst v29  }
0x320: {  	v26 =	vmul.f32 v26, v31;
	v59 =	vld [tilespmem:s0+$0x12620];
	v38 =	vmul.f32 v50, v33;
	[tilespmem:s0+$0xC660] =	vst v21;
	v23 =	vadd.f32 v35, v23  }
0x321: {  	v22 =	vmul.f32 v22, v31;
	v43 =	vld [tilespmem:s0+$0x13670];
	v34 =	vmul.f32 v54, v33;
	v16 =	vadd.f32 v41, v16;
	[tilespmem:s0+$0xCA70] =	vst v30  }
0x322: {  	v28 =	vmul.f32 v28, v31;
	v61 =	vld [tilespmem:s0+$0x12600];
	v40 =	vmul.f32 v48, v33;
	v26 =	vadd.f32 v38, v26;
	[tilespmem:s0+$0xCA00] =	vst v23  }
0x323: {  	v27 =	vmul.f32 v27, v31;
	v63 =	vld [tilespmem:s0+$0x12270];
	v39 =	vmul.f32 v49, v33;
	v22 =	vadd.f32 v34, v22;
	[tilespmem:s0+$0xC610] =	vst v16  }
0x324: {  	v25 =	vmul.f32 v25, v31;
	v46 =	vld [tilespmem:s0+$0xD650];
	v37 =	vmul.f32 v51, v33;
	v28 =	vadd.f32 v40, v28;
	[tilespmem:s0+$0xCA30] =	vst v26  }
0x325: {  	v24 =	vmul.f32 v24, v31;
	v50 =	vld [tilespmem:s0+$0x12200];
	v36 =	vmul.f32 v52, v33;
	v27 =	vadd.f32 v39, v27;
	[tilespmem:s0+$0xC670] =	vst v22  }
0x326: {  	v19 =	vmul.f32 v19, v31;
	v35 =	vmul.f32 v57, v33;
	v48 =	vld [tilespmem:s0+$0xD660];
	v25 =	vadd.f32 v37, v25;
	[tilespmem:s0+$0xCA50] =	vst v28  }
0x327: {  	v20 =	vmul.f32 v20, v31;
	v51 =	vld [tilespmem:s0+$0xC200];
	v30 =	vmul.f32 v56, v33;
	v24 =	vadd.f32 v36, v24;
	[tilespmem:s0+$0xCA40] =	vst v27  }
0x328: {  	v18 =	vmul.f32 v18, v31;
	v34 =	vld [tilespmem:s0+$0x12260];
	v37 =	vmul.f32 v58, v33;
	v19 =	vadd.f32 v35, v19;
	[tilespmem:s0+$0xCA20] =	vst v25  }
0x329: {  	v17 =	vmul.f32 v17, v31;
	v38 =	vld [tilespmem:s0+$0x13650];
	v39 =	vmul.f32 v59, v33;
	v20 =	vadd.f32 v30, v20;
	[tilespmem:s0+$0xCA10] =	vst v24  }
0x32a: {  	v15 =	vmul.f32 v15, v31;
	v36 =	vld [tilespmem:s0+$0x13640];
	v42 =	vmul.f32 v61, v33;
	v18 =	vadd.f32 v37, v18;
	[tilespmem:s0+$0xC640] =	vst v19  }
0x32b: {  	v14 =	vmul.f32 v14, v31;
	v40 =	vld [tilespmem:s0+$0x13660];
	v44 =	vmul.f32 v63, v33;
	v17 =	vadd.f32 v39, v17;
	[tilespmem:s0+$0xC650] =	vst v20  }
0x32c: {  	v49 =	vld [tilespmem:s0+$0xD670];
	v15 =	vadd.f32 v42, v15;
	v10 =	vmul.f32 v50, v33;
	v61 =	vmul.f32 v51, v31;
	[tilespmem:s0+$0xC630] =	vst v18  }
0x32d: {  	v13 =	vmul.f32 v13, v31;
	v14 =	vadd.f32 v44, v14;
	[tilespmem:s0+$0xC620] =	vst v17;
	v47 =	vmul.f32 v34, v33  }
0x32e: {  	v54 =	vmul.f32 v46, v31;
	[tilespmem:s0+$0xC600] =	vst v15;
	v55 =	vmul.f32 v38, v33;
	v63 =	vadd.f32 v10, v61  }
0x32f: {  	v52 =	vmul.f32 v45, v31;
	[tilespmem:s0+$0xC270] =	vst v14;
	v53 =	vmul.f32 v36, v33;
	v13 =	vadd.f32 v47, v13  }
0x330: {  	v56 =	vmul.f32 v48, v31;
	v58 =	vmul.f32 v40, v33;
	v3 =	vadd.f32 v55, v54;
	[tilespmem:s0+$0xC200] =	vst v63  }
0x331: {  	v60 =	vmul.f32 v43, v33;
	v59 =	vmul.f32 v49, v31;
	v57 =	vadd.f32 v53, v52;
	[tilespmem:s0+$0xC260] =	vst v13  }
0x332: {  	v62 =	vadd.f32 v58, v56;
	[tilespmem:s0+$0xD650] =	vst v3  }
0x333: {  	s31 =	sadd.s32 $0x1, s31;
	v3 =	vadd.f32 v60, v59;
	[tilespmem:s0+$0xD640] =	vst v57  }
0x334: {  	p0 =	sne.s32 s31, s12;
	[tilespmem:s0+$0xD660] =	vst v62  }
.Ltmp2:
0x335: {  	[tilespmem:s0+$0xD670] =	vst v3;
	(pc) =	sbr.rel @p0 .LBB2_1-.Ltmp2, $4  }
0x336: {  	[hbm4b:s11+s2] =	stream.linear.scatter [tilespmem:s21], [sflag:$0x3], $0x6000, $0x38;
	[tilespmem:$0x18200] =	vst v63  }
0x337: {  	_ =	swait.ge [sflag:s13], $0x6000  }
0x338: {  	[sflag:s13] =	ssyncset.done $0x0  }
0x339: {  	[sflag:s13] =	ssyncadd.s32 $0xFFFFA000  }
0x33a: {  	_ =	sfence.sel $0x180000  }
0x33b: {  	[bflag:$0x0] =	sbarrier.arrive $0xFFFF  }
0x33c: {  	_ =	strace $0x9000004A  }
0x33d: {  	s0 =	stileid.u32;
	[bflag:$0x2] =	sbarrier.arrive $0xFFFF  }
0x33e: {  	p0 =	sne.s32 s0, $0x0;
	s0 =	rddreg [dreg:$0x2]  }
0x33f: {  	s0 =	sadd.s32 @!p0 $0x100000, s0  }
0x340: {  	[sflag:s0] =	ssyncadd.tile.s32 @!p0 $0x1;
	_ =	shalt  }
.Lfunc_end2:
_tile_overlayer_lowered:
.L_overlay_start_2:
0x341: {  	(tag) =	ssettag $0x2  }
0x342: {  	s0 =	rddreg [dreg:$0x0];
	s2 =	stileid.u32  }
0x343: {  	s1 =	rddreg [dreg:$0x1];
	p0 =	sne.s32 s2, $0x0  }
0x344: {  	s3 =	rddreg [dreg:$0x2];
	[bflag:$0x3] =	sbarrier.arrive $0xFFFF;
	s2 =	simm.s32 @!p0 $0x1C03  }
0x345: {  	[timem:s3], [sflag:s2] =	dma.local @!p0 [hbm:s0], s1  }
0x346: {  	s0 =	simm.s32 @!p0 $0x3  }
0x347: {  	_ =	swait.ge @!p0 [sflag:s0], s1  }
0x348: {  	s1 =	ssub.s32 @!p0 $0x0, s1;
	[sflag:s0] =	ssyncset.done @!p0 $0x0  }
0x349: {  	[sflag:s0] =	ssyncadd.s32 @!p0 s1  }
0x34a: {  	[bflag:$0x3] =	sbarrier.arrive $0xFFFF  }
0x34b: {  	_ =	shalt  }

</sc_bundles>
